<compile_context>
chip_gen: v7x
topology: tpu7x:2x2x1
jax: 0.10.2.dev20260603
libtpu: 0.0.44.dev20260713+nightly
codegen_flags: <defaults>
</compile_context>

<pallas_src>
import jax
import jax.numpy as jnp
from jax import lax
from jax.experimental import pallas as pl
from jax.experimental.pallas import tpu as pltpu
from jax.experimental.pallas import tpu_sc as plsc

NC = 2
NS = 16
NW = NC * NS
LANE = 16
CHUNK = 2048
CROWS = 16
CCOLS = CHUNK // CROWS
GRPS_PER_ROW = CCOLS // LANE


def _mesh():
    return plsc.VectorSubcoreMesh(core_axis_name="c", subcore_axis_name="s")


def _cparams():
    return pltpu.CompilerParams(needs_layout_passes=False)


def _worker_id():
    return lax.axis_index("c") * NS + lax.axis_index("s")


def _f32(shape):
    return jax.ShapeDtypeStruct(shape, jnp.float32)


def _zero_fill(ref, off, n):
    def body(i, _):
        ref[pl.ds(off + i * LANE, LANE)] = jnp.zeros((LANE,), jnp.float32)
        return 0
    lax.fori_loop(0, n // LANE, body, 0)


def _make_edge_pass(n, npad, n_edges, with_count):
    nchunk = n_edges // CHUNK
    ch_per_w = -(-nchunk // NW)
    if ch_per_w % 2:
        ch_per_w += 1
    sper = npad // NS

    def body(x_hbm, ei_hbm, *rest):
        if with_count:
            (e0_hbm, pa_hbm, pc_hbm, acc_sh, cnt_sh, x_local,
             src0, src1, dst0, dst1, e00, e01, vals0, vals1, ones,
             semi0, semi1, semv0, semv1, semo0, semo1) = rest
        else:
            (e0_hbm, pa_hbm, acc_sh, x_local,
             src0, src1, dst0, dst1, e00, e01, vals0, vals1,
             semi0, semi1, semv0, semv1) = rest
            semo0 = semo1 = ones = None
        slots = (
            dict(src=src0, dst=dst0, e0=e00, vals=vals0,
                 semi=semi0, semv=semv0, semo=semo0),
            dict(src=src1, dst=dst1, e0=e01, vals=vals1,
                 semi=semi1, semv=semv1, semo=semo1),
        )
        c = lax.axis_index("c")
        s = lax.axis_index("s")
        w = c * NS + s

        stage = cnt_sh if with_count else acc_sh

        @pl.when(s == 0)
        def _():
            pltpu.sync_copy(x_hbm.at[pl.ds(0, n)], x_local.at[pl.ds(0, n)])
            pltpu.sync_copy(x_local.at[pl.ds(0, n)], stage.at[pl.ds(0, n)])
        plsc.subcore_barrier()

        @pl.when(s != 0)
        def _():
            pltpu.sync_copy(stage.at[pl.ds(0, n)], x_local.at[pl.ds(0, n)])
        plsc.subcore_barrier()

        _zero_fill(e00, 0, CHUNK)

        def zero_shared(sh):
            base = s * sper
            for q in range(sper // CHUNK):
                pltpu.sync_copy(e00.at[pl.ds(0, CHUNK)],
                                sh.at[pl.ds(base + q * CHUNK, CHUNK)])
            rem = sper % CHUNK
            if rem:
                pltpu.sync_copy(
                    e00.at[pl.ds(0, rem)],
                    sh.at[pl.ds(base + (sper // CHUNK) * CHUNK, rem)])

        zero_shared(acc_sh)
        if with_count:
            zero_shared(cnt_sh)

            def ob(i, _):
                r = i // GRPS_PER_ROW
                col = (i % GRPS_PER_ROW) * LANE
                ones[r, pl.ds(col, LANE)] = jnp.ones((LANE,), jnp.float32)
                return 0
            lax.fori_loop(0, CHUNK // LANE, ob, 0)

        def in_pairs(chunk, sl):
            esl = pl.ds(chunk * CHUNK, CHUNK)
            return [
                (ei_hbm.at[0, chunk], sl["src"]),
                (ei_hbm.at[1, chunk], sl["dst"]),
                (e0_hbm.at[esl], sl["e0"]),
            ]

        def start_in(jj, sl):
            chunk = w + NW * jj

            @pl.when(chunk < nchunk)
            def _():
                for a, b in in_pairs(chunk, sl):
                    pltpu.async_copy(a, b, sl["semi"])

        def wait_in(jj, sl):
            chunk = w + NW * jj

            @pl.when(chunk < nchunk)
            def _():
                for a, b in in_pairs(chunk, sl):
                    pltpu.make_async_copy(a, b, sl["semi"]).wait()

        def compute(jj, sl):
            chunk = w + NW * jj

            @pl.when(chunk < nchunk)
            def _():
                def row(r, _):
                    for kk in range(GRPS_PER_ROW):
                        cs = pl.ds(kk * LANE, LANE)
                        si = sl["src"][r, cs]
                        di = sl["dst"][r, cs]
                        sv = plsc.load_gather(x_local, [si])
                        dv = plsc.load_gather(x_local, [di])
                        eo = pl.ds(r * CCOLS + kk * LANE, LANE)
                        e0 = sl["e0"][eo]
                        wgt = 1.0 / e0 if with_count else e0
                        sl["vals"][r, cs] = (dv - sv) * wgt
                    return 0
                lax.fori_loop(0, CROWS, row, 0)

        def issue_scat(jj, sl):
            chunk = w + NW * jj

            @pl.when(chunk < nchunk)
            def _():
                def rloop(r, _):
                    pltpu.async_copy(sl["vals"].at[r],
                                     acc_sh.at[sl["dst"].at[r]],
                                     sl["semv"], add=True)
                    if with_count:
                        pltpu.async_copy(ones.at[r],
                                         cnt_sh.at[sl["dst"].at[r]],
                                         sl["semo"], add=True)
                    return 0
                lax.fori_loop(0, CROWS, rloop, 0)

        def drain_scat(jj, sl):
            chunk = w + NW * jj

            @pl.when((jj >= 0) & (chunk < nchunk))
            def _():
                def rloop(r, _):
                    pltpu.make_async_copy(sl["vals"].at[r],
                                          acc_sh.at[sl["dst"].at[r]],
                                          sl["semv"]).wait()
                    if with_count:
                        pltpu.make_async_copy(ones.at[r],
                                              cnt_sh.at[sl["dst"].at[r]],
                                              sl["semo"]).wait()
                    return 0
                lax.fori_loop(0, CROWS, rloop, 0)

        start_in(0, slots[0])
        plsc.subcore_barrier()

        def pair(j2, _):
            a = 2 * j2
            wait_in(a, slots[0])
            compute(a, slots[0])
            drain_scat(a - 1, slots[1])
            start_in(a + 1, slots[1])
            issue_scat(a, slots[0])

            wait_in(a + 1, slots[1])
            compute(a + 1, slots[1])
            drain_scat(a, slots[0])
            start_in(a + 2, slots[0])
            issue_scat(a + 1, slots[1])
            return 0
        lax.fori_loop(0, ch_per_w // 2, pair, 0)
        drain_scat(ch_per_w - 1, slots[1])

        plsc.subcore_barrier()
        pltpu.sync_copy(acc_sh.at[pl.ds(s * sper, sper)],
                        x_local.at[pl.ds(0, sper)])
        pltpu.sync_copy(x_local.at[pl.ds(0, sper)],
                        pa_hbm.at[pl.ds(c * npad + s * sper, sper)])
        if with_count:
            pltpu.sync_copy(cnt_sh.at[pl.ds(s * sper, sper)],
                            x_local.at[pl.ds(0, sper)])
            pltpu.sync_copy(x_local.at[pl.ds(0, sper)],
                            pc_hbm.at[pl.ds(c * npad + s * sper, sper)])

    out_type = (_f32((NC * npad,)), _f32((NC * npad,))) if with_count \
        else _f32((NC * npad,))
    scratch = [pltpu.VMEM_SHARED((npad,), jnp.float32)]
    if with_count:
        scratch.append(pltpu.VMEM_SHARED((npad,), jnp.float32))
    scratch.append(pltpu.VMEM((n,), jnp.float32))
    scratch += [pltpu.VMEM((CROWS, CCOLS), jnp.int32) for _ in range(4)]
    scratch += [pltpu.VMEM((CHUNK,), jnp.float32) for _ in range(2)]
    scratch += [pltpu.VMEM((CROWS, CCOLS), jnp.float32) for _ in range(2)]
    if with_count:
        scratch.append(pltpu.VMEM((CROWS, CCOLS), jnp.float32))
    nsem = 6 if with_count else 4
    scratch += [pltpu.SemaphoreType.DMA for _ in range(nsem)]

    return pl.kernel(
        body, out_type=out_type, mesh=_mesh(), compiler_params=_cparams(),
        scratch_types=scratch)


def _make_w2(n_edges):
    blk = 640000
    grid = n_edges // blk

    def body(e0_ref, e1_ref, o_ref):
        a = e0_ref[...]
        b = e1_ref[...]
        o_ref[...] = (a + b) / (a * b)

    return pl.pallas_call(
        body,
        grid=(grid,),
        in_specs=[pl.BlockSpec((blk,), lambda i: (i,)),
                  pl.BlockSpec((blk,), lambda i: (i,))],
        out_specs=pl.BlockSpec((blk,), lambda i: (i,)),
        out_shape=_f32((n_edges,)),
    )


def _make_glue_t(n, npad):
    per = npad // NW
    groups = per // LANE
    tail = n - per * (NW - 1)

    def body(pa_hbm, pc_hbm, a0_hbm, t_hbm, cnt_hbm,
             b0, b1, c0, c1, ab, tb, cb):
        w = _worker_id()
        sl = pl.ds(w * per, per)
        sl1 = pl.ds(npad + w * per, per)
        pltpu.sync_copy(pa_hbm.at[sl], b0)
        pltpu.sync_copy(pa_hbm.at[sl1], b1)
        pltpu.sync_copy(pc_hbm.at[sl], c0)
        pltpu.sync_copy(pc_hbm.at[sl1], c1)

        @pl.when(w < NW - 1)
        def _():
            pltpu.sync_copy(a0_hbm.at[sl], ab)

        @pl.when(w == NW - 1)
        def _():
            pltpu.sync_copy(a0_hbm.at[pl.ds((NW - 1) * per, tail)],
                            ab.at[pl.ds(0, tail)])

        def grp(g, _):
            d = pl.ds(g * LANE, LANE)
            cc = c0[d] + c1[d]
            t = ab[d] * (b0[d] + b1[d]) / jnp.maximum(cc, 1.0)
            tb[d] = t
            cb[d] = cc
            return 0
        lax.fori_loop(0, groups, grp, 0)
        pltpu.sync_copy(tb, t_hbm.at[sl])
        pltpu.sync_copy(cb, cnt_hbm.at[sl])

    return pl.kernel(
        body,
        out_type=(_f32((npad,)), _f32((npad,))),
        mesh=_mesh(), compiler_params=_cparams(),
        scratch_types=[pltpu.VMEM((per,), jnp.float32) for _ in range(7)],
    )


def _make_final(n, npad):
    per = npad // NW
    groups = per // LANE
    tail = n - per * (NW - 1)

    def body(pb_hbm, cnt_hbm, mask_hbm, fm_hbm, o_hbm,
             b0, b1, cb, mb, fb, ob):
        w = _worker_id()
        sl = pl.ds(w * per, per)
        pltpu.sync_copy(pb_hbm.at[sl], b0)
        pltpu.sync_copy(pb_hbm.at[pl.ds(npad + w * per, per)], b1)
        pltpu.sync_copy(cnt_hbm.at[sl], cb)

        @pl.when(w < NW - 1)
        def _():
            pltpu.sync_copy(mask_hbm.at[sl], mb)
            pltpu.sync_copy(fm_hbm.at[sl], fb)

        @pl.when(w == NW - 1)
        def _():
            tsl = pl.ds((NW - 1) * per, tail)
            pltpu.sync_copy(mask_hbm.at[tsl], mb.at[pl.ds(0, tail)])
            pltpu.sync_copy(fm_hbm.at[tsl], fb.at[pl.ds(0, tail)])

        def grp(g, _):
            d = pl.ds(g * LANE, LANE)
            v = (b0[d] + b1[d]) / jnp.maximum(cb[d], 1.0)
            ob[d] = v * mb[d] - fb[d]
            return 0
        lax.fori_loop(0, groups, grp, 0)
        pltpu.sync_copy(ob, o_hbm.at[sl])

    return pl.kernel(
        body,
        out_type=_f32((npad,)),
        mesh=_mesh(), compiler_params=_cparams(),
        scratch_types=[pltpu.VMEM((per,), jnp.float32) for _ in range(6)],
    )


def _pde_loss(out_x, a_x_x, edge_index, edge_attr, mask, f):
    n = out_x.shape[0]
    n_edges = edge_index.shape[1]
    npad = -(-n // (NW * LANE)) * (NW * LANE)

    x0 = out_x[:, 0]
    a0 = a_x_x[:, 0]
    e0 = edge_attr[:, 0]
    e1 = edge_attr[:, 1]
    fm = mask * jnp.asarray(f, jnp.float32)
    ei4 = edge_index.reshape(2, n_edges // CHUNK, CROWS, CCOLS)

    w2 = _make_w2(n_edges)(e0, e1)
    pa, pc = _make_edge_pass(n, npad, n_edges, True)(x0, ei4, e0)
    t, cnt = _make_glue_t(n, npad)(pa, pc, a0)
    pb = _make_edge_pass(n, npad, n_edges, False)(t, ei4, w2)
    out = _make_final(n, npad)(pb, cnt, mask, fm)
    return out[:n]


def kernel(out_x, a_x_x, edge_index, edge_attr, mask, f):
    return _pde_loss(out_x, a_x_x, edge_index, edge_attr, mask, f)

# --- scband reference (transcript-rebuilt; emitter-appended) ---
"""Pipeline reference for scband-darcy-flow-operator-51273319580079 (READ-ONLY COPY).

The authoritative reference and input builder live on the scoring server;
editing this copy changes nothing except your own understanding.
"""

import jax, jax.numpy as jnp
import numpy as np

N_NODES = 100000
N_EDGES = 6400000


def setup_inputs(seed: int = 0) -> dict:
    key = jax.random.key(seed)
    k1, k2, k3, k4 = jax.random.split(key, 4)
    out_x = jax.random.normal(k1, (N_NODES, 4), dtype=jnp.float32)
    a_x_x = jax.random.normal(k2, (N_NODES, 4), dtype=jnp.float32)
    edge_index = jax.random.randint(k3, (2, N_EDGES), 0, N_NODES, dtype=jnp.int32)
    edge_attr = jax.random.uniform(k4, (N_EDGES, 4), dtype=jnp.float32)
    mask = jnp.ones((N_NODES,), dtype=jnp.float32)
    return {"out_x": out_x, "a_x_x": a_x_x, "edge_index": edge_index, "edge_attr": edge_attr, "mask": mask, "f": 1}


def _spatial_derivative(xcol, src, dst, ecol, n):
    # finite-difference derivative along edges, mean-aggregated onto dst nodes
    d = (xcol[dst] - xcol[src]) / ecol
    num = jax.ops.segment_sum(d, dst, num_segments=n)
    cnt = jax.ops.segment_sum(jnp.ones_like(d), dst, num_segments=n)
    return num / jnp.maximum(cnt, 1.0)


def reference(out_x, a_x_x, edge_index, edge_attr, mask, f):
    n = out_x.shape[0]
    src = edge_index[0]
    dst = edge_index[1]
    # Nabla2DOperator on `out` graph (index_derivative_node=0, x-edge idx 0, y-edge idx 1)
    dx = _spatial_derivative(out_x[:, 0], src, dst, edge_attr[:, 0], n)
    dy = _spatial_derivative(out_x[:, 0], src, dst, edge_attr[:, 1], n)
    nabla2d_out = jnp.concatenate((dx.reshape((-1, 1)), dy.reshape((-1, 1))), axis=1)
    # tmp_flow = a_x.x[:, [0]] * nabla2d_out
    tmp_flow = a_x_x[:, [0]] * nabla2d_out
    # Nabla2DProductOperator on tmp_flow graph (both derivatives read node col 0)
    tdx = _spatial_derivative(tmp_flow[:, 0], src, dst, edge_attr[:, 0], n)
    tdy = _spatial_derivative(tmp_flow[:, 0], src, dst, edge_attr[:, 1], n)
    nabla2d_tmp_flow = tdx + tdy
    pde_loss = nabla2d_tmp_flow - f
    pde_loss = pde_loss * mask
    return pde_loss

if __name__ == "__main__":
    import jax
    _d = setup_inputs()
    print(jax.jit(kernel)(*tuple(_d.values())))

</pallas_src>

<mosaic_0001>
#map = affine_map<(d0, d1) -> (0)>
#map1 = affine_map<(d0, d1) -> (0, 0, 0, 0)>
module attributes {stable_mosaic.version = 14 : i64} {
  func.func @body(%arg0: i32, %arg1: i32, %arg2: memref<100000xf32, #tpu.memory_space<hbm>>, %arg3: memref<2x3125x16x128xi32, #tpu.memory_space<hbm>>, %arg4: memref<6400000xf32, #tpu.memory_space<hbm>>, %arg5: memref<200704xf32, #tpu.memory_space<hbm>>, %arg6: memref<200704xf32, #tpu.memory_space<hbm>>, %arg7: memref<100352xf32, #tpu.memory_space<vmem_shared>>, %arg8: memref<100352xf32, #tpu.memory_space<vmem_shared>>, %arg9: memref<100000xf32, #tpu.memory_space<vmem>>, %arg10: memref<16x128xi32, #tpu.memory_space<vmem>>, %arg11: memref<16x128xi32, #tpu.memory_space<vmem>>, %arg12: memref<16x128xi32, #tpu.memory_space<vmem>>, %arg13: memref<16x128xi32, #tpu.memory_space<vmem>>, %arg14: memref<2048xf32, #tpu.memory_space<vmem>>, %arg15: memref<2048xf32, #tpu.memory_space<vmem>>, %arg16: memref<16x128xf32, #tpu.memory_space<vmem>>, %arg17: memref<16x128xf32, #tpu.memory_space<vmem>>, %arg18: memref<16x128xf32, #tpu.memory_space<vmem>>, %arg19: memref<!tpu.dma_semaphore, #tpu.memory_space<semaphore_mem>>, %arg20: memref<!tpu.dma_semaphore, #tpu.memory_space<semaphore_mem>>, %arg21: memref<!tpu.dma_semaphore, #tpu.memory_space<semaphore_mem>>, %arg22: memref<!tpu.dma_semaphore, #tpu.memory_space<semaphore_mem>>, %arg23: memref<!tpu.dma_semaphore, #tpu.memory_space<semaphore_mem>>, %arg24: memref<!tpu.dma_semaphore, #tpu.memory_space<semaphore_mem>>) attributes {dimension_semantics = [#tpu.dimension_semantics<core_parallel>, #tpu.dimension_semantics<subcore_parallel>], iteration_bounds = array<i64: 2, 16>, scalar_prefetch = 0 : i64, scratch_operands = 18 : i64, tpu.core_type = #tpu.core_type<sc_vector_subcore>, window_params = [{transform_indices = #map}, {transform_indices = #map1}, {transform_indices = #map}, {transform_indices = #map}, {transform_indices = #map}]} {
    %mul3A = arith.constant 16 : i32
    %mul3A_0 = arith.muli %arg0, %mul3A : i32
    %add3A = arith.addi %mul3A_0, %arg1 : i32
    %eq3A = arith.constant 0 : i32
    %eq3A_1 = arith.cmpi eq, %arg1, %eq3A : i32
    %convert_element_type3A = arith.extui %eq3A_1 : i1 to i32
    %cond3A = arith.constant 0 : i32
    %cond3A_2 = arith.cmpi ne, %convert_element_type3A, %cond3A : i32
    scf.if %cond3A_2 {
      "tpu.region"() ({
        %run_scoped3A = tpu.sem_alloc : memref<!tpu.dma_semaphore, #tpu.memory_space<semaphore_mem>>
        %dma_start3A = arith.constant 0 : i32
        %dma_start3A_78 = tpu.memref_slice %arg9[%dma_start3A] : memref<100000xf32, #tpu.memory_space<vmem>> -> memref<100000xf32, #tpu.memory_space<vmem>>
        %dma_start3A_79 = arith.constant 0 : i32
        %dma_start3A_80 = tpu.memref_slice %arg2[%dma_start3A_79] : memref<100000xf32, #tpu.memory_space<hbm>> -> memref<100000xf32, #tpu.memory_space<hbm>>
        %dma_start3A_81 = arith.constant 0 : i32
        %dma_start3A_82 = tpu.memref_slice %arg9[%dma_start3A_81] : memref<100000xf32, #tpu.memory_space<vmem>> -> memref<100000xf32, #tpu.memory_space<vmem>>
        %dma_start3A_83 = arith.constant 0 : i32
        %dma_start3A_84 = tpu.memref_slice %arg2[%dma_start3A_83] : memref<100000xf32, #tpu.memory_space<hbm>> -> memref<100000xf32, #tpu.memory_space<hbm>>
        tpu.enqueue_dma source(%dma_start3A_84 : memref<100000xf32, #tpu.memory_space<hbm>>) target(%dma_start3A_82 : memref<100000xf32, #tpu.memory_space<vmem>>) target_semaphore(%run_scoped3A : memref<!tpu.dma_semaphore, #tpu.memory_space<semaphore_mem>>)
        %dma_wait3A = arith.constant 0 : i32
        %dma_wait3A_85 = tpu.memref_slice %arg9[%dma_wait3A] : memref<100000xf32, #tpu.memory_space<vmem>> -> memref<100000xf32, #tpu.memory_space<vmem>>
        %dma_wait3A_86 = arith.constant 0 : i32
        %dma_wait3A_87 = tpu.memref_slice %arg2[%dma_wait3A_86] : memref<100000xf32, #tpu.memory_space<hbm>> -> memref<100000xf32, #tpu.memory_space<hbm>>
        %dma_wait3A_88 = arith.constant 0 : i32
        %dma_wait3A_89 = tpu.memref_slice %arg9[%dma_wait3A_88] : memref<100000xf32, #tpu.memory_space<vmem>> -> memref<100000xf32, #tpu.memory_space<vmem>>
        %dma_wait3A_90 = arith.constant 0 : i32
        %dma_wait3A_91 = tpu.memref_slice %arg2[%dma_wait3A_90] : memref<100000xf32, #tpu.memory_space<hbm>> -> memref<100000xf32, #tpu.memory_space<hbm>>
        tpu.wait_dma2 semaphore(%run_scoped3A : memref<!tpu.dma_semaphore, #tpu.memory_space<semaphore_mem>>) src(%dma_wait3A_91 : memref<100000xf32, #tpu.memory_space<hbm>>) dst(%dma_wait3A_89 : memref<100000xf32, #tpu.memory_space<vmem>>)
        tpu.yield
      }) : () -> ()
      "tpu.region"() ({
        %run_scoped3A = tpu.sem_alloc : memref<!tpu.dma_semaphore, #tpu.memory_space<semaphore_mem>>
        %dma_start3A = arith.constant 0 : i32
        %dma_start3A_78 = tpu.memref_slice %arg9[%dma_start3A] : memref<100000xf32, #tpu.memory_space<vmem>> -> memref<100000xf32, #tpu.memory_space<vmem>>
        %dma_start3A_79 = arith.constant 0 : i32
        %dma_start3A_80 = tpu.memref_slice %arg8[%dma_start3A_79] : memref<100352xf32, #tpu.memory_space<vmem_shared>> -> memref<100000xf32, #tpu.memory_space<vmem_shared>>
        %dma_start3A_81 = arith.constant 0 : i32
        %dma_start3A_82 = tpu.memref_slice %arg8[%dma_start3A_81] : memref<100352xf32, #tpu.memory_space<vmem_shared>> -> memref<100000xf32, #tpu.memory_space<vmem_shared>>
        %dma_start3A_83 = arith.constant 0 : i32
        %dma_start3A_84 = tpu.memref_slice %arg9[%dma_start3A_83] : memref<100000xf32, #tpu.memory_space<vmem>> -> memref<100000xf32, #tpu.memory_space<vmem>>
        tpu.enqueue_dma source(%dma_start3A_84 : memref<100000xf32, #tpu.memory_space<vmem>>) target(%dma_start3A_82 : memref<100000xf32, #tpu.memory_space<vmem_shared>>) target_semaphore(%run_scoped3A : memref<!tpu.dma_semaphore, #tpu.memory_space<semaphore_mem>>)
        %dma_wait3A = arith.constant 0 : i32
        %dma_wait3A_85 = tpu.memref_slice %arg9[%dma_wait3A] : memref<100000xf32, #tpu.memory_space<vmem>> -> memref<100000xf32, #tpu.memory_space<vmem>>
        %dma_wait3A_86 = arith.constant 0 : i32
        %dma_wait3A_87 = tpu.memref_slice %arg8[%dma_wait3A_86] : memref<100352xf32, #tpu.memory_space<vmem_shared>> -> memref<100000xf32, #tpu.memory_space<vmem_shared>>
        %dma_wait3A_88 = arith.constant 0 : i32
        %dma_wait3A_89 = tpu.memref_slice %arg8[%dma_wait3A_88] : memref<100352xf32, #tpu.memory_space<vmem_shared>> -> memref<100000xf32, #tpu.memory_space<vmem_shared>>
        %dma_wait3A_90 = arith.constant 0 : i32
        %dma_wait3A_91 = tpu.memref_slice %arg9[%dma_wait3A_90] : memref<100000xf32, #tpu.memory_space<vmem>> -> memref<100000xf32, #tpu.memory_space<vmem>>
        tpu.wait_dma2 semaphore(%run_scoped3A : memref<!tpu.dma_semaphore, #tpu.memory_space<semaphore_mem>>) src(%dma_wait3A_91 : memref<100000xf32, #tpu.memory_space<vmem>>) dst(%dma_wait3A_89 : memref<100000xf32, #tpu.memory_space<vmem_shared>>)
        tpu.yield
      }) : () -> ()
    } else {
    }
    %barrier3A = arith.constant 0 : index
    tpu.barrier barrier_id(%barrier3A)
    %ne3A = arith.constant 0 : i32
    %ne3A_3 = arith.cmpi ne, %arg1, %ne3A : i32
    %convert_element_type3A_4 = arith.extui %ne3A_3 : i1 to i32
    %cond3A_5 = arith.constant 0 : i32
    %cond3A_6 = arith.cmpi ne, %convert_element_type3A_4, %cond3A_5 : i32
    scf.if %cond3A_6 {
      "tpu.region"() ({
        %run_scoped3A = tpu.sem_alloc : memref<!tpu.dma_semaphore, #tpu.memory_space<semaphore_mem>>
        %dma_start3A = arith.constant 0 : i32
        %dma_start3A_78 = tpu.memref_slice %arg9[%dma_start3A] : memref<100000xf32, #tpu.memory_space<vmem>> -> memref<100000xf32, #tpu.memory_space<vmem>>
        %dma_start3A_79 = arith.constant 0 : i32
        %dma_start3A_80 = tpu.memref_slice %arg8[%dma_start3A_79] : memref<100352xf32, #tpu.memory_space<vmem_shared>> -> memref<100000xf32, #tpu.memory_space<vmem_shared>>
        %dma_start3A_81 = arith.constant 0 : i32
        %dma_start3A_82 = tpu.memref_slice %arg9[%dma_start3A_81] : memref<100000xf32, #tpu.memory_space<vmem>> -> memref<100000xf32, #tpu.memory_space<vmem>>
        %dma_start3A_83 = arith.constant 0 : i32
        %dma_start3A_84 = tpu.memref_slice %arg8[%dma_start3A_83] : memref<100352xf32, #tpu.memory_space<vmem_shared>> -> memref<100000xf32, #tpu.memory_space<vmem_shared>>
        tpu.enqueue_dma source(%dma_start3A_84 : memref<100000xf32, #tpu.memory_space<vmem_shared>>) target(%dma_start3A_82 : memref<100000xf32, #tpu.memory_space<vmem>>) target_semaphore(%run_scoped3A : memref<!tpu.dma_semaphore, #tpu.memory_space<semaphore_mem>>)
        %dma_wait3A = arith.constant 0 : i32
        %dma_wait3A_85 = tpu.memref_slice %arg9[%dma_wait3A] : memref<100000xf32, #tpu.memory_space<vmem>> -> memref<100000xf32, #tpu.memory_space<vmem>>
        %dma_wait3A_86 = arith.constant 0 : i32
        %dma_wait3A_87 = tpu.memref_slice %arg8[%dma_wait3A_86] : memref<100352xf32, #tpu.memory_space<vmem_shared>> -> memref<100000xf32, #tpu.memory_space<vmem_shared>>
        %dma_wait3A_88 = arith.constant 0 : i32
        %dma_wait3A_89 = tpu.memref_slice %arg9[%dma_wait3A_88] : memref<100000xf32, #tpu.memory_space<vmem>> -> memref<100000xf32, #tpu.memory_space<vmem>>
        %dma_wait3A_90 = arith.constant 0 : i32
        %dma_wait3A_91 = tpu.memref_slice %arg8[%dma_wait3A_90] : memref<100352xf32, #tpu.memory_space<vmem_shared>> -> memref<100000xf32, #tpu.memory_space<vmem_shared>>
        tpu.wait_dma2 semaphore(%run_scoped3A : memref<!tpu.dma_semaphore, #tpu.memory_space<semaphore_mem>>) src(%dma_wait3A_91 : memref<100000xf32, #tpu.memory_space<vmem_shared>>) dst(%dma_wait3A_89 : memref<100000xf32, #tpu.memory_space<vmem>>)
        tpu.yield
      }) : () -> ()
    } else {
    }
    %barrier3A_7 = arith.constant 0 : index
    tpu.barrier barrier_id(%barrier3A_7)
    %scan3A = arith.constant 0 : i32
    %scan3A_8 = arith.constant 0 : i32
    %scan3A_9 = arith.constant 128 : i32
    %scan3A_10 = arith.addi %scan3A_8, %scan3A_9 : i32
    %scan3A_11 = arith.constant 1 : i32
    %scan3A_12 = scf.for %scan3A_78 = %scan3A_8 to %scan3A_10 step %scan3A_11 iter_args(%scan3A_79 = %scan3A) -> (i32)  : i32 {
      %broadcast_in_dim3A = arith.constant 0.000000e+00 : f32
      %broadcast_in_dim3A_80 = vector.broadcast %broadcast_in_dim3A : f32 to vector<16xf32>
      %mul3A_81 = arith.constant 16 : i32
      %mul3A_82 = arith.muli %scan3A_78, %mul3A_81 : i32
      %add3A_83 = arith.constant 0 : i32
      %add3A_84 = arith.addi %add3A_83, %mul3A_82 : i32
      %swap3A = arith.index_cast %add3A_84 : i32 to index
      %swap3A_85 = tpu.vector_load %arg14[%swap3A] {strides = array<i32>} : memref<2048xf32, #tpu.memory_space<vmem>>, vector<16xf32>,
      tpu.vector_store %arg14[%swap3A], %broadcast_in_dim3A_80 {strides = array<i32>} : memref<2048xf32, #tpu.memory_space<vmem>>, vector<16xf32>,
      %scan3A_86 = arith.constant 0 : i32
      scf.yield %scan3A_86 : i32
    }
    %scan3A_13 = arith.constant 128 : i32
    %mul3A_14 = arith.constant 6272 : i32
    %mul3A_15 = arith.muli %arg1, %mul3A_14 : i32
    %add3A_16 = arith.constant 0 : i32
    %add3A_17 = arith.addi %mul3A_15, %add3A_16 : i32
    "tpu.region"() ({
      %run_scoped3A = tpu.sem_alloc : memref<!tpu.dma_semaphore, #tpu.memory_space<semaphore_mem>>
      %dma_start3A = arith.constant 0 : i32
      %dma_start3A_78 = tpu.memref_slice %arg14[%dma_start3A] : memref<2048xf32, #tpu.memory_space<vmem>> -> memref<2048xf32, #tpu.memory_space<vmem>>
      %dma_start3A_79 = tpu.memref_slice %arg7[%add3A_17] : memref<100352xf32, #tpu.memory_space<vmem_shared>> -> memref<2048xf32, #tpu.memory_space<vmem_shared>>
      %dma_start3A_80 = tpu.memref_slice %arg7[%add3A_17] : memref<100352xf32, #tpu.memory_space<vmem_shared>> -> memref<2048xf32, #tpu.memory_space<vmem_shared>>
      %dma_start3A_81 = arith.constant 0 : i32
      %dma_start3A_82 = tpu.memref_slice %arg14[%dma_start3A_81] : memref<2048xf32, #tpu.memory_space<vmem>> -> memref<2048xf32, #tpu.memory_space<vmem>>
      tpu.enqueue_dma source(%dma_start3A_82 : memref<2048xf32, #tpu.memory_space<vmem>>) target(%dma_start3A_80 : memref<2048xf32, #tpu.memory_space<vmem_shared>>) target_semaphore(%run_scoped3A : memref<!tpu.dma_semaphore, #tpu.memory_space<semaphore_mem>>)
      %dma_wait3A = arith.constant 0 : i32
      %dma_wait3A_83 = tpu.memref_slice %arg14[%dma_wait3A] : memref<2048xf32, #tpu.memory_space<vmem>> -> memref<2048xf32, #tpu.memory_space<vmem>>
      %dma_wait3A_84 = tpu.memref_slice %arg7[%add3A_17] : memref<100352xf32, #tpu.memory_space<vmem_shared>> -> memref<2048xf32, #tpu.memory_space<vmem_shared>>
      %dma_wait3A_85 = tpu.memref_slice %arg7[%add3A_17] : memref<100352xf32, #tpu.memory_space<vmem_shared>> -> memref<2048xf32, #tpu.memory_space<vmem_shared>>
      %dma_wait3A_86 = arith.constant 0 : i32
      %dma_wait3A_87 = tpu.memref_slice %arg14[%dma_wait3A_86] : memref<2048xf32, #tpu.memory_space<vmem>> -> memref<2048xf32, #tpu.memory_space<vmem>>
      tpu.wait_dma2 semaphore(%run_scoped3A : memref<!tpu.dma_semaphore, #tpu.memory_space<semaphore_mem>>) src(%dma_wait3A_87 : memref<2048xf32, #tpu.memory_space<vmem>>) dst(%dma_wait3A_85 : memref<2048xf32, #tpu.memory_space<vmem_shared>>)
      tpu.yield
    }) : () -> ()
    %add3A_18 = arith.constant 2048 : i32
    %add3A_19 = arith.addi %mul3A_15, %add3A_18 : i32
    "tpu.region"() ({
      %run_scoped3A = tpu.sem_alloc : memref<!tpu.dma_semaphore, #tpu.memory_space<semaphore_mem>>
      %dma_start3A = arith.constant 0 : i32
      %dma_start3A_78 = tpu.memref_slice %arg14[%dma_start3A] : memref<2048xf32, #tpu.memory_space<vmem>> -> memref<2048xf32, #tpu.memory_space<vmem>>
      %dma_start3A_79 = tpu.memref_slice %arg7[%add3A_19] : memref<100352xf32, #tpu.memory_space<vmem_shared>> -> memref<2048xf32, #tpu.memory_space<vmem_shared>>
      %dma_start3A_80 = tpu.memref_slice %arg7[%add3A_19] : memref<100352xf32, #tpu.memory_space<vmem_shared>> -> memref<2048xf32, #tpu.memory_space<vmem_shared>>
      %dma_start3A_81 = arith.constant 0 : i32
      %dma_start3A_82 = tpu.memref_slice %arg14[%dma_start3A_81] : memref<2048xf32, #tpu.memory_space<vmem>> -> memref<2048xf32, #tpu.memory_space<vmem>>
      tpu.enqueue_dma source(%dma_start3A_82 : memref<2048xf32, #tpu.memory_space<vmem>>) target(%dma_start3A_80 : memref<2048xf32, #tpu.memory_space<vmem_shared>>) target_semaphore(%run_scoped3A : memref<!tpu.dma_semaphore, #tpu.memory_space<semaphore_mem>>)
      %dma_wait3A = arith.constant 0 : i32
      %dma_wait3A_83 = tpu.memref_slice %arg14[%dma_wait3A] : memref<2048xf32, #tpu.memory_space<vmem>> -> memref<2048xf32, #tpu.memory_space<vmem>>
      %dma_wait3A_84 = tpu.memref_slice %arg7[%add3A_19] : memref<100352xf32, #tpu.memory_space<vmem_shared>> -> memref<2048xf32, #tpu.memory_space<vmem_shared>>
      %dma_wait3A_85 = tpu.memref_slice %arg7[%add3A_19] : memref<100352xf32, #tpu.memory_space<vmem_shared>> -> memref<2048xf32, #tpu.memory_space<vmem_shared>>
      %dma_wait3A_86 = arith.constant 0 : i32
      %dma_wait3A_87 = tpu.memref_slice %arg14[%dma_wait3A_86] : memref<2048xf32, #tpu.memory_space<vmem>> -> memref<2048xf32, #tpu.memory_space<vmem>>
      tpu.wait_dma2 semaphore(%run_scoped3A : memref<!tpu.dma_semaphore, #tpu.memory_space<semaphore_mem>>) src(%dma_wait3A_87 : memref<2048xf32, #tpu.memory_space<vmem>>) dst(%dma_wait3A_85 : memref<2048xf32, #tpu.memory_space<vmem_shared>>)
      tpu.yield
    }) : () -> ()
    %add3A_20 = arith.constant 4096 : i32
    %add3A_21 = arith.addi %mul3A_15, %add3A_20 : i32
    "tpu.region"() ({
      %run_scoped3A = tpu.sem_alloc : memref<!tpu.dma_semaphore, #tpu.memory_space<semaphore_mem>>
      %dma_start3A = arith.constant 0 : i32
      %dma_start3A_78 = tpu.memref_slice %arg14[%dma_start3A] : memref<2048xf32, #tpu.memory_space<vmem>> -> memref<2048xf32, #tpu.memory_space<vmem>>
      %dma_start3A_79 = tpu.memref_slice %arg7[%add3A_21] : memref<100352xf32, #tpu.memory_space<vmem_shared>> -> memref<2048xf32, #tpu.memory_space<vmem_shared>>
      %dma_start3A_80 = tpu.memref_slice %arg7[%add3A_21] : memref<100352xf32, #tpu.memory_space<vmem_shared>> -> memref<2048xf32, #tpu.memory_space<vmem_shared>>
      %dma_start3A_81 = arith.constant 0 : i32
      %dma_start3A_82 = tpu.memref_slice %arg14[%dma_start3A_81] : memref<2048xf32, #tpu.memory_space<vmem>> -> memref<2048xf32, #tpu.memory_space<vmem>>
      tpu.enqueue_dma source(%dma_start3A_82 : memref<2048xf32, #tpu.memory_space<vmem>>) target(%dma_start3A_80 : memref<2048xf32, #tpu.memory_space<vmem_shared>>) target_semaphore(%run_scoped3A : memref<!tpu.dma_semaphore, #tpu.memory_space<semaphore_mem>>)
      %dma_wait3A = arith.constant 0 : i32
      %dma_wait3A_83 = tpu.memref_slice %arg14[%dma_wait3A] : memref<2048xf32, #tpu.memory_space<vmem>> -> memref<2048xf32, #tpu.memory_space<vmem>>
      %dma_wait3A_84 = tpu.memref_slice %arg7[%add3A_21] : memref<100352xf32, #tpu.memory_space<vmem_shared>> -> memref<2048xf32, #tpu.memory_space<vmem_shared>>
      %dma_wait3A_85 = tpu.memref_slice %arg7[%add3A_21] : memref<100352xf32, #tpu.memory_space<vmem_shared>> -> memref<2048xf32, #tpu.memory_space<vmem_shared>>
      %dma_wait3A_86 = arith.constant 0 : i32
      %dma_wait3A_87 = tpu.memref_slice %arg14[%dma_wait3A_86] : memref<2048xf32, #tpu.memory_space<vmem>> -> memref<2048xf32, #tpu.memory_space<vmem>>
      tpu.wait_dma2 semaphore(%run_scoped3A : memref<!tpu.dma_semaphore, #tpu.memory_space<semaphore_mem>>) src(%dma_wait3A_87 : memref<2048xf32, #tpu.memory_space<vmem>>) dst(%dma_wait3A_85 : memref<2048xf32, #tpu.memory_space<vmem_shared>>)
      tpu.yield
    }) : () -> ()
    %add3A_22 = arith.constant 6144 : i32
    %add3A_23 = arith.addi %mul3A_15, %add3A_22 : i32
    "tpu.region"() ({
      %run_scoped3A = tpu.sem_alloc : memref<!tpu.dma_semaphore, #tpu.memory_space<semaphore_mem>>
      %dma_start3A = arith.constant 0 : i32
      %dma_start3A_78 = tpu.memref_slice %arg14[%dma_start3A] : memref<2048xf32, #tpu.memory_space<vmem>> -> memref<128xf32, #tpu.memory_space<vmem>>
      %dma_start3A_79 = tpu.memref_slice %arg7[%add3A_23] : memref<100352xf32, #tpu.memory_space<vmem_shared>> -> memref<128xf32, #tpu.memory_space<vmem_shared>>
      %dma_start3A_80 = tpu.memref_slice %arg7[%add3A_23] : memref<100352xf32, #tpu.memory_space<vmem_shared>> -> memref<128xf32, #tpu.memory_space<vmem_shared>>
      %dma_start3A_81 = arith.constant 0 : i32
      %dma_start3A_82 = tpu.memref_slice %arg14[%dma_start3A_81] : memref<2048xf32, #tpu.memory_space<vmem>> -> memref<128xf32, #tpu.memory_space<vmem>>
      tpu.enqueue_dma source(%dma_start3A_82 : memref<128xf32, #tpu.memory_space<vmem>>) target(%dma_start3A_80 : memref<128xf32, #tpu.memory_space<vmem_shared>>) target_semaphore(%run_scoped3A : memref<!tpu.dma_semaphore, #tpu.memory_space<semaphore_mem>>)
      %dma_wait3A = arith.constant 0 : i32
      %dma_wait3A_83 = tpu.memref_slice %arg14[%dma_wait3A] : memref<2048xf32, #tpu.memory_space<vmem>> -> memref<128xf32, #tpu.memory_space<vmem>>
      %dma_wait3A_84 = tpu.memref_slice %arg7[%add3A_23] : memref<100352xf32, #tpu.memory_space<vmem_shared>> -> memref<128xf32, #tpu.memory_space<vmem_shared>>
      %dma_wait3A_85 = tpu.memref_slice %arg7[%add3A_23] : memref<100352xf32, #tpu.memory_space<vmem_shared>> -> memref<128xf32, #tpu.memory_space<vmem_shared>>
      %dma_wait3A_86 = arith.constant 0 : i32
      %dma_wait3A_87 = tpu.memref_slice %arg14[%dma_wait3A_86] : memref<2048xf32, #tpu.memory_space<vmem>> -> memref<128xf32, #tpu.memory_space<vmem>>
      tpu.wait_dma2 semaphore(%run_scoped3A : memref<!tpu.dma_semaphore, #tpu.memory_space<semaphore_mem>>) src(%dma_wait3A_87 : memref<128xf32, #tpu.memory_space<vmem>>) dst(%dma_wait3A_85 : memref<128xf32, #tpu.memory_space<vmem_shared>>)
      tpu.yield
    }) : () -> ()
    %mul3A_24 = arith.constant 6272 : i32
    %mul3A_25 = arith.muli %arg1, %mul3A_24 : i32
    %add3A_26 = arith.constant 0 : i32
    %add3A_27 = arith.addi %mul3A_25, %add3A_26 : i32
    "tpu.region"() ({
      %run_scoped3A = tpu.sem_alloc : memref<!tpu.dma_semaphore, #tpu.memory_space<semaphore_mem>>
      %dma_start3A = arith.constant 0 : i32
      %dma_start3A_78 = tpu.memref_slice %arg14[%dma_start3A] : memref<2048xf32, #tpu.memory_space<vmem>> -> memref<2048xf32, #tpu.memory_space<vmem>>
      %dma_start3A_79 = tpu.memref_slice %arg8[%add3A_27] : memref<100352xf32, #tpu.memory_space<vmem_shared>> -> memref<2048xf32, #tpu.memory_space<vmem_shared>>
      %dma_start3A_80 = tpu.memref_slice %arg8[%add3A_27] : memref<100352xf32, #tpu.memory_space<vmem_shared>> -> memref<2048xf32, #tpu.memory_space<vmem_shared>>
      %dma_start3A_81 = arith.constant 0 : i32
      %dma_start3A_82 = tpu.memref_slice %arg14[%dma_start3A_81] : memref<2048xf32, #tpu.memory_space<vmem>> -> memref<2048xf32, #tpu.memory_space<vmem>>
      tpu.enqueue_dma source(%dma_start3A_82 : memref<2048xf32, #tpu.memory_space<vmem>>) target(%dma_start3A_80 : memref<2048xf32, #tpu.memory_space<vmem_shared>>) target_semaphore(%run_scoped3A : memref<!tpu.dma_semaphore, #tpu.memory_space<semaphore_mem>>)
      %dma_wait3A = arith.constant 0 : i32
      %dma_wait3A_83 = tpu.memref_slice %arg14[%dma_wait3A] : memref<2048xf32, #tpu.memory_space<vmem>> -> memref<2048xf32, #tpu.memory_space<vmem>>
      %dma_wait3A_84 = tpu.memref_slice %arg8[%add3A_27] : memref<100352xf32, #tpu.memory_space<vmem_shared>> -> memref<2048xf32, #tpu.memory_space<vmem_shared>>
      %dma_wait3A_85 = tpu.memref_slice %arg8[%add3A_27] : memref<100352xf32, #tpu.memory_space<vmem_shared>> -> memref<2048xf32, #tpu.memory_space<vmem_shared>>
      %dma_wait3A_86 = arith.constant 0 : i32
      %dma_wait3A_87 = tpu.memref_slice %arg14[%dma_wait3A_86] : memref<2048xf32, #tpu.memory_space<vmem>> -> memref<2048xf32, #tpu.memory_space<vmem>>
      tpu.wait_dma2 semaphore(%run_scoped3A : memref<!tpu.dma_semaphore, #tpu.memory_space<semaphore_mem>>) src(%dma_wait3A_87 : memref<2048xf32, #tpu.memory_space<vmem>>) dst(%dma_wait3A_85 : memref<2048xf32, #tpu.memory_space<vmem_shared>>)
      tpu.yield
    }) : () -> ()
    %add3A_28 = arith.constant 2048 : i32
    %add3A_29 = arith.addi %mul3A_25, %add3A_28 : i32
    "tpu.region"() ({
      %run_scoped3A = tpu.sem_alloc : memref<!tpu.dma_semaphore, #tpu.memory_space<semaphore_mem>>
      %dma_start3A = arith.constant 0 : i32
      %dma_start3A_78 = tpu.memref_slice %arg14[%dma_start3A] : memref<2048xf32, #tpu.memory_space<vmem>> -> memref<2048xf32, #tpu.memory_space<vmem>>
      %dma_start3A_79 = tpu.memref_slice %arg8[%add3A_29] : memref<100352xf32, #tpu.memory_space<vmem_shared>> -> memref<2048xf32, #tpu.memory_space<vmem_shared>>
      %dma_start3A_80 = tpu.memref_slice %arg8[%add3A_29] : memref<100352xf32, #tpu.memory_space<vmem_shared>> -> memref<2048xf32, #tpu.memory_space<vmem_shared>>
      %dma_start3A_81 = arith.constant 0 : i32
      %dma_start3A_82 = tpu.memref_slice %arg14[%dma_start3A_81] : memref<2048xf32, #tpu.memory_space<vmem>> -> memref<2048xf32, #tpu.memory_space<vmem>>
      tpu.enqueue_dma source(%dma_start3A_82 : memref<2048xf32, #tpu.memory_space<vmem>>) target(%dma_start3A_80 : memref<2048xf32, #tpu.memory_space<vmem_shared>>) target_semaphore(%run_scoped3A : memref<!tpu.dma_semaphore, #tpu.memory_space<semaphore_mem>>)
      %dma_wait3A = arith.constant 0 : i32
      %dma_wait3A_83 = tpu.memref_slice %arg14[%dma_wait3A] : memref<2048xf32, #tpu.memory_space<vmem>> -> memref<2048xf32, #tpu.memory_space<vmem>>
      %dma_wait3A_84 = tpu.memref_slice %arg8[%add3A_29] : memref<100352xf32, #tpu.memory_space<vmem_shared>> -> memref<2048xf32, #tpu.memory_space<vmem_shared>>
      %dma_wait3A_85 = tpu.memref_slice %arg8[%add3A_29] : memref<100352xf32, #tpu.memory_space<vmem_shared>> -> memref<2048xf32, #tpu.memory_space<vmem_shared>>
      %dma_wait3A_86 = arith.constant 0 : i32
      %dma_wait3A_87 = tpu.memref_slice %arg14[%dma_wait3A_86] : memref<2048xf32, #tpu.memory_space<vmem>> -> memref<2048xf32, #tpu.memory_space<vmem>>
      tpu.wait_dma2 semaphore(%run_scoped3A : memref<!tpu.dma_semaphore, #tpu.memory_space<semaphore_mem>>) src(%dma_wait3A_87 : memref<2048xf32, #tpu.memory_space<vmem>>) dst(%dma_wait3A_85 : memref<2048xf32, #tpu.memory_space<vmem_shared>>)
      tpu.yield
    }) : () -> ()
    %add3A_30 = arith.constant 4096 : i32
    %add3A_31 = arith.addi %mul3A_25, %add3A_30 : i32
    "tpu.region"() ({
      %run_scoped3A = tpu.sem_alloc : memref<!tpu.dma_semaphore, #tpu.memory_space<semaphore_mem>>
      %dma_start3A = arith.constant 0 : i32
      %dma_start3A_78 = tpu.memref_slice %arg14[%dma_start3A] : memref<2048xf32, #tpu.memory_space<vmem>> -> memref<2048xf32, #tpu.memory_space<vmem>>
      %dma_start3A_79 = tpu.memref_slice %arg8[%add3A_31] : memref<100352xf32, #tpu.memory_space<vmem_shared>> -> memref<2048xf32, #tpu.memory_space<vmem_shared>>
      %dma_start3A_80 = tpu.memref_slice %arg8[%add3A_31] : memref<100352xf32, #tpu.memory_space<vmem_shared>> -> memref<2048xf32, #tpu.memory_space<vmem_shared>>
      %dma_start3A_81 = arith.constant 0 : i32
      %dma_start3A_82 = tpu.memref_slice %arg14[%dma_start3A_81] : memref<2048xf32, #tpu.memory_space<vmem>> -> memref<2048xf32, #tpu.memory_space<vmem>>
      tpu.enqueue_dma source(%dma_start3A_82 : memref<2048xf32, #tpu.memory_space<vmem>>) target(%dma_start3A_80 : memref<2048xf32, #tpu.memory_space<vmem_shared>>) target_semaphore(%run_scoped3A : memref<!tpu.dma_semaphore, #tpu.memory_space<semaphore_mem>>)
      %dma_wait3A = arith.constant 0 : i32
      %dma_wait3A_83 = tpu.memref_slice %arg14[%dma_wait3A] : memref<2048xf32, #tpu.memory_space<vmem>> -> memref<2048xf32, #tpu.memory_space<vmem>>
      %dma_wait3A_84 = tpu.memref_slice %arg8[%add3A_31] : memref<100352xf32, #tpu.memory_space<vmem_shared>> -> memref<2048xf32, #tpu.memory_space<vmem_shared>>
      %dma_wait3A_85 = tpu.memref_slice %arg8[%add3A_31] : memref<100352xf32, #tpu.memory_space<vmem_shared>> -> memref<2048xf32, #tpu.memory_space<vmem_shared>>
      %dma_wait3A_86 = arith.constant 0 : i32
      %dma_wait3A_87 = tpu.memref_slice %arg14[%dma_wait3A_86] : memref<2048xf32, #tpu.memory_space<vmem>> -> memref<2048xf32, #tpu.memory_space<vmem>>
      tpu.wait_dma2 semaphore(%run_scoped3A : memref<!tpu.dma_semaphore, #tpu.memory_space<semaphore_mem>>) src(%dma_wait3A_87 : memref<2048xf32, #tpu.memory_space<vmem>>) dst(%dma_wait3A_85 : memref<2048xf32, #tpu.memory_space<vmem_shared>>)
      tpu.yield
    }) : () -> ()
    %add3A_32 = arith.constant 6144 : i32
    %add3A_33 = arith.addi %mul3A_25, %add3A_32 : i32
    "tpu.region"() ({
      %run_scoped3A = tpu.sem_alloc : memref<!tpu.dma_semaphore, #tpu.memory_space<semaphore_mem>>
      %dma_start3A = arith.constant 0 : i32
      %dma_start3A_78 = tpu.memref_slice %arg14[%dma_start3A] : memref<2048xf32, #tpu.memory_space<vmem>> -> memref<128xf32, #tpu.memory_space<vmem>>
      %dma_start3A_79 = tpu.memref_slice %arg8[%add3A_33] : memref<100352xf32, #tpu.memory_space<vmem_shared>> -> memref<128xf32, #tpu.memory_space<vmem_shared>>
      %dma_start3A_80 = tpu.memref_slice %arg8[%add3A_33] : memref<100352xf32, #tpu.memory_space<vmem_shared>> -> memref<128xf32, #tpu.memory_space<vmem_shared>>
      %dma_start3A_81 = arith.constant 0 : i32
      %dma_start3A_82 = tpu.memref_slice %arg14[%dma_start3A_81] : memref<2048xf32, #tpu.memory_space<vmem>> -> memref<128xf32, #tpu.memory_space<vmem>>
      tpu.enqueue_dma source(%dma_start3A_82 : memref<128xf32, #tpu.memory_space<vmem>>) target(%dma_start3A_80 : memref<128xf32, #tpu.memory_space<vmem_shared>>) target_semaphore(%run_scoped3A : memref<!tpu.dma_semaphore, #tpu.memory_space<semaphore_mem>>)
      %dma_wait3A = arith.constant 0 : i32
      %dma_wait3A_83 = tpu.memref_slice %arg14[%dma_wait3A] : memref<2048xf32, #tpu.memory_space<vmem>> -> memref<128xf32, #tpu.memory_space<vmem>>
      %dma_wait3A_84 = tpu.memref_slice %arg8[%add3A_33] : memref<100352xf32, #tpu.memory_space<vmem_shared>> -> memref<128xf32, #tpu.memory_space<vmem_shared>>
      %dma_wait3A_85 = tpu.memref_slice %arg8[%add3A_33] : memref<100352xf32, #tpu.memory_space<vmem_shared>> -> memref<128xf32, #tpu.memory_space<vmem_shared>>
      %dma_wait3A_86 = arith.constant 0 : i32
      %dma_wait3A_87 = tpu.memref_slice %arg14[%dma_wait3A_86] : memref<2048xf32, #tpu.memory_space<vmem>> -> memref<128xf32, #tpu.memory_space<vmem>>
      tpu.wait_dma2 semaphore(%run_scoped3A : memref<!tpu.dma_semaphore, #tpu.memory_space<semaphore_mem>>) src(%dma_wait3A_87 : memref<128xf32, #tpu.memory_space<vmem>>) dst(%dma_wait3A_85 : memref<128xf32, #tpu.memory_space<vmem_shared>>)
      tpu.yield
    }) : () -> ()
    %scan3A_34 = arith.constant 0 : i32
    %scan3A_35 = arith.constant 0 : i32
    %scan3A_36 = arith.constant 128 : i32
    %scan3A_37 = arith.addi %scan3A_35, %scan3A_36 : i32
    %scan3A_38 = arith.constant 1 : i32
    %scan3A_39 = scf.for %scan3A_78 = %scan3A_35 to %scan3A_37 step %scan3A_38 iter_args(%scan3A_79 = %scan3A_34) -> (i32)  : i32 {
      %jit3A = arith.constant 8 : i32
      %div3A = arith.divsi %scan3A_78, %jit3A : i32
      %sign3A = arith.constant 0 : i32
      %sign3A_80 = arith.cmpi sgt, %scan3A_78, %sign3A : i32
      %sign3A_81 = arith.extui %sign3A_80 : i1 to i32
      %sign3A_82 = arith.constant 0 : i32
      %sign3A_83 = arith.cmpi slt, %scan3A_78, %sign3A_82 : i32
      %sign3A_84 = arith.extui %sign3A_83 : i1 to i32
      %sign3A_85 = arith.subi %sign3A_81, %sign3A_84 : i32
      %sign3A_86 = arith.constant 0 : i32
      %sign3A_87 = arith.cmpi sgt, %jit3A, %sign3A_86 : i32
      %sign3A_88 = arith.extui %sign3A_87 : i1 to i32
      %sign3A_89 = arith.constant 0 : i32
      %sign3A_90 = arith.cmpi slt, %jit3A, %sign3A_89 : i32
      %sign3A_91 = arith.extui %sign3A_90 : i1 to i32
      %sign3A_92 = arith.subi %sign3A_88, %sign3A_91 : i32
      %ne3A_93 = arith.cmpi ne, %sign3A_85, %sign3A_92 : i32
      %rem3A = arith.remsi %scan3A_78, %jit3A : i32
      %ne3A_94 = arith.constant 0 : i32
      %ne3A_95 = arith.cmpi ne, %rem3A, %ne3A_94 : i32
      %and3A_96 = arith.andi %ne3A_93, %ne3A_95 : i1
      %sub3A = arith.constant 1 : i32
      %sub3A_97 = arith.subi %div3A, %sub3A : i32
      %select_n3A = arith.select %and3A_96, %sub3A_97, %div3A : i32
      %jit3A_98 = arith.constant 8 : i32
      %eq3A_99 = arith.constant 0 : i32
      %eq3A_100 = arith.cmpi eq, %jit3A_98, %eq3A_99 : i32
      %jit3A_101 = arith.constant 1 : i32
      %select_n3A_102 = arith.select %eq3A_100, %jit3A_101, %jit3A_98 : i32
      %rem3A_103 = arith.remsi %scan3A_78, %select_n3A_102 : i32
      %ne3A_104 = arith.constant 0 : i32
      %ne3A_105 = arith.cmpi ne, %rem3A_103, %ne3A_104 : i32
      %lt3A_106 = arith.constant 0 : i32
      %lt3A_107 = arith.cmpi slt, %rem3A_103, %lt3A_106 : i32
      %lt3A_108 = arith.constant 0 : i32
      %lt3A_109 = arith.cmpi slt, %select_n3A_102, %lt3A_108 : i32
      %ne3A_110 = arith.xori %lt3A_107, %lt3A_109 : i1
      %and3A_111 = arith.andi %ne3A_110, %ne3A_105 : i1
      %add3A_112 = arith.addi %rem3A_103, %select_n3A_102 : i32
      %select_n3A_113 = arith.select %and3A_111, %add3A_112, %rem3A_103 : i32
      %mul3A_114 = arith.constant 16 : i32
      %mul3A_115 = arith.muli %select_n3A_113, %mul3A_114 : i32
      %broadcast_in_dim3A = arith.constant 1.000000e+00 : f32
      %broadcast_in_dim3A_116 = vector.broadcast %broadcast_in_dim3A : f32 to vector<16xf32>
      %swap3A = arith.index_cast %select_n3A : i32 to index
      %swap3A_117 = arith.index_cast %mul3A_115 : i32 to index
      %swap3A_118 = tpu.vector_load %arg18[%swap3A, %swap3A_117] {strides = array<i32>} : memref<16x128xf32, #tpu.memory_space<vmem>>, vector<16xf32>,
      tpu.vector_store %arg18[%swap3A, %swap3A_117], %broadcast_in_dim3A_116 {strides = array<i32>} : memref<16x128xf32, #tpu.memory_space<vmem>>, vector<16xf32>,
      %scan3A_119 = arith.constant 0 : i32
      scf.yield %scan3A_119 : i32
    }
    %scan3A_40 = arith.constant 128 : i32
    %add3A_41 = arith.constant 0 : i32
    %add3A_42 = arith.addi %add3A, %add3A_41 : i32
    %lt3A = arith.constant 3125 : i32
    %lt3A_43 = arith.cmpi slt, %add3A_42, %lt3A : i32
    %convert_element_type3A_44 = arith.extui %lt3A_43 : i1 to i32
    %cond3A_45 = arith.constant 0 : i32
    %cond3A_46 = arith.cmpi ne, %convert_element_type3A_44, %cond3A_45 : i32
    scf.if %cond3A_46 {
      %mul3A_78 = arith.constant 2048 : i32
      %mul3A_79 = arith.muli %add3A_42, %mul3A_78 : i32
      %dma_start3A = arith.constant 0 : i32
      %dma_start3A_80 = arith.constant 0 : i32
      %dma_start3A_81 = arith.constant 0 : i32
      %dma_start3A_82 = tpu.memref_slice %arg3[%dma_start3A, %add3A_42, %dma_start3A_80, %dma_start3A_81] : memref<2x3125x16x128xi32, #tpu.memory_space<hbm>> -> memref<1x1x16x128xi32, #tpu.memory_space<hbm>>
      %dma_start3A_83 = tpu.memref_squeeze %dma_start3A_82 : memref<1x1x16x128xi32, #tpu.memory_space<hbm>> -> memref<16x128xi32, #tpu.memory_space<hbm>>
      %dma_start3A_84 = arith.constant 0 : i32
      %dma_start3A_85 = arith.constant 0 : i32
      %dma_start3A_86 = tpu.memref_slice %arg3[%dma_start3A, %add3A_42, %dma_start3A_84, %dma_start3A_85] : memref<2x3125x16x128xi32, #tpu.memory_space<hbm>> -> memref<1x1x16x128xi32, #tpu.memory_space<hbm>>
      %dma_start3A_87 = tpu.memref_squeeze %dma_start3A_86 : memref<1x1x16x128xi32, #tpu.memory_space<hbm>> -> memref<16x128xi32, #tpu.memory_space<hbm>>
      tpu.enqueue_dma source(%dma_start3A_87 : memref<16x128xi32, #tpu.memory_space<hbm>>) target(%arg10 : memref<16x128xi32, #tpu.memory_space<vmem>>) target_semaphore(%arg19 : memref<!tpu.dma_semaphore, #tpu.memory_space<semaphore_mem>>)
      %dma_start3A_88 = arith.constant 1 : i32
      %dma_start3A_89 = arith.constant 0 : i32
      %dma_start3A_90 = arith.constant 0 : i32
      %dma_start3A_91 = tpu.memref_slice %arg3[%dma_start3A_88, %add3A_42, %dma_start3A_89, %dma_start3A_90] : memref<2x3125x16x128xi32, #tpu.memory_space<hbm>> -> memref<1x1x16x128xi32, #tpu.memory_space<hbm>>
      %dma_start3A_92 = tpu.memref_squeeze %dma_start3A_91 : memref<1x1x16x128xi32, #tpu.memory_space<hbm>> -> memref<16x128xi32, #tpu.memory_space<hbm>>
      %dma_start3A_93 = arith.constant 0 : i32
      %dma_start3A_94 = arith.constant 0 : i32
      %dma_start3A_95 = tpu.memref_slice %arg3[%dma_start3A_88, %add3A_42, %dma_start3A_93, %dma_start3A_94] : memref<2x3125x16x128xi32, #tpu.memory_space<hbm>> -> memref<1x1x16x128xi32, #tpu.memory_space<hbm>>
      %dma_start3A_96 = tpu.memref_squeeze %dma_start3A_95 : memref<1x1x16x128xi32, #tpu.memory_space<hbm>> -> memref<16x128xi32, #tpu.memory_space<hbm>>
      tpu.enqueue_dma source(%dma_start3A_96 : memref<16x128xi32, #tpu.memory_space<hbm>>) target(%arg12 : memref<16x128xi32, #tpu.memory_space<vmem>>) target_semaphore(%arg19 : memref<!tpu.dma_semaphore, #tpu.memory_space<semaphore_mem>>)
      %dma_start3A_97 = tpu.memref_slice %arg4[%mul3A_79] : memref<6400000xf32, #tpu.memory_space<hbm>> -> memref<2048xf32, #tpu.memory_space<hbm>>
      %dma_start3A_98 = tpu.memref_slice %arg4[%mul3A_79] : memref<6400000xf32, #tpu.memory_space<hbm>> -> memref<2048xf32, #tpu.memory_space<hbm>>
      tpu.enqueue_dma source(%dma_start3A_98 : memref<2048xf32, #tpu.memory_space<hbm>>) target(%arg14 : memref<2048xf32, #tpu.memory_space<vmem>>) target_semaphore(%arg19 : memref<!tpu.dma_semaphore, #tpu.memory_space<semaphore_mem>>)
    } else {
    }
    %barrier3A_47 = arith.constant 0 : index
    tpu.barrier barrier_id(%barrier3A_47)
    %scan3A_48 = arith.constant 0 : i32
    %scan3A_49 = arith.constant 0 : i32
    %scan3A_50 = arith.constant 49 : i32
    %scan3A_51 = arith.addi %scan3A_49, %scan3A_50 : i32
    %scan3A_52 = arith.constant 1 : i32
    %scan3A_53 = scf.for %scan3A_78 = %scan3A_49 to %scan3A_51 step %scan3A_52 iter_args(%scan3A_79 = %scan3A_48) -> (i32)  : i32 {
      %mul3A_80 = arith.constant 2 : i32
      %mul3A_81 = arith.muli %mul3A_80, %scan3A_78 : i32
      %mul3A_82 = arith.constant 32 : i32
      %mul3A_83 = arith.muli %mul3A_82, %mul3A_81 : i32
      %add3A_84 = arith.addi %add3A, %mul3A_83 : i32
      %lt3A_85 = arith.constant 3125 : i32
      %lt3A_86 = arith.cmpi slt, %add3A_84, %lt3A_85 : i32
      %convert_element_type3A_87 = arith.extui %lt3A_86 : i1 to i32
      %cond3A_88 = arith.constant 0 : i32
      %cond3A_89 = arith.cmpi ne, %convert_element_type3A_87, %cond3A_88 : i32
      scf.if %cond3A_89 {
        %mul3A_179 = arith.constant 2048 : i32
        %mul3A_180 = arith.muli %add3A_84, %mul3A_179 : i32
        %dma_wait3A = arith.constant 0 : i32
        %dma_wait3A_181 = arith.constant 0 : i32
        %dma_wait3A_182 = arith.constant 0 : i32
        %dma_wait3A_183 = tpu.memref_slice %arg3[%dma_wait3A, %add3A_84, %dma_wait3A_181, %dma_wait3A_182] : memref<2x3125x16x128xi32, #tpu.memory_space<hbm>> -> memref<1x1x16x128xi32, #tpu.memory_space<hbm>>
        %dma_wait3A_184 = tpu.memref_squeeze %dma_wait3A_183 : memref<1x1x16x128xi32, #tpu.memory_space<hbm>> -> memref<16x128xi32, #tpu.memory_space<hbm>>
        %dma_wait3A_185 = arith.constant 0 : i32
        %dma_wait3A_186 = arith.constant 0 : i32
        %dma_wait3A_187 = tpu.memref_slice %arg3[%dma_wait3A, %add3A_84, %dma_wait3A_185, %dma_wait3A_186] : memref<2x3125x16x128xi32, #tpu.memory_space<hbm>> -> memref<1x1x16x128xi32, #tpu.memory_space<hbm>>
        %dma_wait3A_188 = tpu.memref_squeeze %dma_wait3A_187 : memref<1x1x16x128xi32, #tpu.memory_space<hbm>> -> memref<16x128xi32, #tpu.memory_space<hbm>>
        tpu.wait_dma2 semaphore(%arg19 : memref<!tpu.dma_semaphore, #tpu.memory_space<semaphore_mem>>) src(%dma_wait3A_188 : memref<16x128xi32, #tpu.memory_space<hbm>>) dst(%arg10 : memref<16x128xi32, #tpu.memory_space<vmem>>)
        %dma_wait3A_189 = arith.constant 1 : i32
        %dma_wait3A_190 = arith.constant 0 : i32
        %dma_wait3A_191 = arith.constant 0 : i32
        %dma_wait3A_192 = tpu.memref_slice %arg3[%dma_wait3A_189, %add3A_84, %dma_wait3A_190, %dma_wait3A_191] : memref<2x3125x16x128xi32, #tpu.memory_space<hbm>> -> memref<1x1x16x128xi32, #tpu.memory_space<hbm>>
        %dma_wait3A_193 = tpu.memref_squeeze %dma_wait3A_192 : memref<1x1x16x128xi32, #tpu.memory_space<hbm>> -> memref<16x128xi32, #tpu.memory_space<hbm>>
        %dma_wait3A_194 = arith.constant 0 : i32
        %dma_wait3A_195 = arith.constant 0 : i32
        %dma_wait3A_196 = tpu.memref_slice %arg3[%dma_wait3A_189, %add3A_84, %dma_wait3A_194, %dma_wait3A_195] : memref<2x3125x16x128xi32, #tpu.memory_space<hbm>> -> memref<1x1x16x128xi32, #tpu.memory_space<hbm>>
        %dma_wait3A_197 = tpu.memref_squeeze %dma_wait3A_196 : memref<1x1x16x128xi32, #tpu.memory_space<hbm>> -> memref<16x128xi32, #tpu.memory_space<hbm>>
        tpu.wait_dma2 semaphore(%arg19 : memref<!tpu.dma_semaphore, #tpu.memory_space<semaphore_mem>>) src(%dma_wait3A_197 : memref<16x128xi32, #tpu.memory_space<hbm>>) dst(%arg12 : memref<16x128xi32, #tpu.memory_space<vmem>>)
        %dma_wait3A_198 = tpu.memref_slice %arg4[%mul3A_180] : memref<6400000xf32, #tpu.memory_space<hbm>> -> memref<2048xf32, #tpu.memory_space<hbm>>
        %dma_wait3A_199 = tpu.memref_slice %arg4[%mul3A_180] : memref<6400000xf32, #tpu.memory_space<hbm>> -> memref<2048xf32, #tpu.memory_space<hbm>>
        tpu.wait_dma2 semaphore(%arg19 : memref<!tpu.dma_semaphore, #tpu.memory_space<semaphore_mem>>) src(%dma_wait3A_199 : memref<2048xf32, #tpu.memory_space<hbm>>) dst(%arg14 : memref<2048xf32, #tpu.memory_space<vmem>>)
      } else {
      }
      %mul3A_90 = arith.constant 32 : i32
      %mul3A_91 = arith.muli %mul3A_90, %mul3A_81 : i32
      %add3A_92 = arith.addi %add3A, %mul3A_91 : i32
      %lt3A_93 = arith.constant 3125 : i32
      %lt3A_94 = arith.cmpi slt, %add3A_92, %lt3A_93 : i32
      %convert_element_type3A_95 = arith.extui %lt3A_94 : i1 to i32
      %cond3A_96 = arith.constant 0 : i32
      %cond3A_97 = arith.cmpi ne, %convert_element_type3A_95, %cond3A_96 : i32
      scf.if %cond3A_97 {
        %scan3A_179 = arith.constant 0 : i32
        %scan3A_180 = arith.constant 0 : i32
        %scan3A_181 = arith.constant 16 : i32
        %scan3A_182 = arith.addi %scan3A_180, %scan3A_181 : i32
        %scan3A_183 = arith.constant 1 : i32
        %scan3A_184 = scf.for %scan3A_186 = %scan3A_180 to %scan3A_182 step %scan3A_183 iter_args(%scan3A_187 = %scan3A_179) -> (i32)  : i32 {
          %get3A = arith.index_cast %scan3A_186 : i32 to index
          %get3A_188 = arith.constant 0 : index
          %get3A_189 = tpu.vector_load %arg10[%get3A, %get3A_188] {strides = array<i32>} : memref<16x128xi32, #tpu.memory_space<vmem>>, vector<16xi32>,
          %get3A_190 = arith.index_cast %scan3A_186 : i32 to index
          %get3A_191 = arith.constant 0 : index
          %get3A_192 = tpu.vector_load %arg12[%get3A_190, %get3A_191] {strides = array<i32>} : memref<16x128xi32, #tpu.memory_space<vmem>>, vector<16xi32>,
          %gather3A = tpu.vector_load_idx %arg9[%get3A_189] : memref<100000xf32, #tpu.memory_space<vmem>>[vector<16xi32>], vector<16xf32>,
          %gather3A_193 = tpu.vector_load_idx %arg9[%get3A_192] : memref<100000xf32, #tpu.memory_space<vmem>>[vector<16xi32>], vector<16xf32>,
          %mul3A_194 = arith.constant 128 : i32
          %mul3A_195 = arith.muli %scan3A_186, %mul3A_194 : i32
          %add3A_196 = arith.constant 0 : i32
          %add3A_197 = arith.addi %mul3A_195, %add3A_196 : i32
          %get3A_198 = arith.index_cast %add3A_197 : i32 to index
          %get3A_199 = tpu.vector_load %arg14[%get3A_198] {strides = array<i32>} : memref<2048xf32, #tpu.memory_space<vmem>>, vector<16xf32>,
          %div3A = arith.constant 1.000000e+00 : f32
          %div3A_200 = vector.broadcast %div3A : f32 to vector<16xf32>
          %div3A_201 = arith.divf %div3A_200, %get3A_199 : vector<16xf32>
          %sub3A_202 = arith.subf %gather3A_193, %gather3A : vector<16xf32>
          %mul3A_203 = arith.mulf %sub3A_202, %div3A_201 : vector<16xf32>
          %swap3A = arith.index_cast %scan3A_186 : i32 to index
          %swap3A_204 = arith.constant 0 : index
          %swap3A_205 = tpu.vector_load %arg16[%swap3A, %swap3A_204] {strides = array<i32>} : memref<16x128xf32, #tpu.memory_space<vmem>>, vector<16xf32>,
          tpu.vector_store %arg16[%swap3A, %swap3A_204], %mul3A_203 {strides = array<i32>} : memref<16x128xf32, #tpu.memory_space<vmem>>, vector<16xf32>,
          %get3A_206 = arith.index_cast %scan3A_186 : i32 to index
          %get3A_207 = arith.constant 16 : index
          %get3A_208 = tpu.vector_load %arg10[%get3A_206, %get3A_207] {strides = array<i32>} : memref<16x128xi32, #tpu.memory_space<vmem>>, vector<16xi32>,
          %get3A_209 = arith.index_cast %scan3A_186 : i32 to index
          %get3A_210 = arith.constant 16 : index
          %get3A_211 = tpu.vector_load %arg12[%get3A_209, %get3A_210] {strides = array<i32>} : memref<16x128xi32, #tpu.memory_space<vmem>>, vector<16xi32>,
          %gather3A_212 = tpu.vector_load_idx %arg9[%get3A_208] : memref<100000xf32, #tpu.memory_space<vmem>>[vector<16xi32>], vector<16xf32>,
          %gather3A_213 = tpu.vector_load_idx %arg9[%get3A_211] : memref<100000xf32, #tpu.memory_space<vmem>>[vector<16xi32>], vector<16xf32>,
          %mul3A_214 = arith.constant 128 : i32
          %mul3A_215 = arith.muli %scan3A_186, %mul3A_214 : i32
          %add3A_216 = arith.constant 16 : i32
          %add3A_217 = arith.addi %mul3A_215, %add3A_216 : i32
          %get3A_218 = arith.index_cast %add3A_217 : i32 to index
          %get3A_219 = tpu.vector_load %arg14[%get3A_218] {strides = array<i32>} : memref<2048xf32, #tpu.memory_space<vmem>>, vector<16xf32>,
          %div3A_220 = arith.constant 1.000000e+00 : f32
          %div3A_221 = vector.broadcast %div3A_220 : f32 to vector<16xf32>
          %div3A_222 = arith.divf %div3A_221, %get3A_219 : vector<16xf32>
          %sub3A_223 = arith.subf %gather3A_213, %gather3A_212 : vector<16xf32>
          %mul3A_224 = arith.mulf %sub3A_223, %div3A_222 : vector<16xf32>
          %swap3A_225 = arith.index_cast %scan3A_186 : i32 to index
          %swap3A_226 = arith.constant 16 : index
          %swap3A_227 = tpu.vector_load %arg16[%swap3A_225, %swap3A_226] {strides = array<i32>} : memref<16x128xf32, #tpu.memory_space<vmem>>, vector<16xf32>,
          tpu.vector_store %arg16[%swap3A_225, %swap3A_226], %mul3A_224 {strides = array<i32>} : memref<16x128xf32, #tpu.memory_space<vmem>>, vector<16xf32>,
          %get3A_228 = arith.index_cast %scan3A_186 : i32 to index
          %get3A_229 = arith.constant 32 : index
          %get3A_230 = tpu.vector_load %arg10[%get3A_228, %get3A_229] {strides = array<i32>} : memref<16x128xi32, #tpu.memory_space<vmem>>, vector<16xi32>,
          %get3A_231 = arith.index_cast %scan3A_186 : i32 to index
          %get3A_232 = arith.constant 32 : index
          %get3A_233 = tpu.vector_load %arg12[%get3A_231, %get3A_232] {strides = array<i32>} : memref<16x128xi32, #tpu.memory_space<vmem>>, vector<16xi32>,
          %gather3A_234 = tpu.vector_load_idx %arg9[%get3A_230] : memref<100000xf32, #tpu.memory_space<vmem>>[vector<16xi32>], vector<16xf32>,
          %gather3A_235 = tpu.vector_load_idx %arg9[%get3A_233] : memref<100000xf32, #tpu.memory_space<vmem>>[vector<16xi32>], vector<16xf32>,
          %mul3A_236 = arith.constant 128 : i32
          %mul3A_237 = arith.muli %scan3A_186, %mul3A_236 : i32
          %add3A_238 = arith.constant 32 : i32
          %add3A_239 = arith.addi %mul3A_237, %add3A_238 : i32
          %get3A_240 = arith.index_cast %add3A_239 : i32 to index
          %get3A_241 = tpu.vector_load %arg14[%get3A_240] {strides = array<i32>} : memref<2048xf32, #tpu.memory_space<vmem>>, vector<16xf32>,
          %div3A_242 = arith.constant 1.000000e+00 : f32
          %div3A_243 = vector.broadcast %div3A_242 : f32 to vector<16xf32>
          %div3A_244 = arith.divf %div3A_243, %get3A_241 : vector<16xf32>
          %sub3A_245 = arith.subf %gather3A_235, %gather3A_234 : vector<16xf32>
          %mul3A_246 = arith.mulf %sub3A_245, %div3A_244 : vector<16xf32>
          %swap3A_247 = arith.index_cast %scan3A_186 : i32 to index
          %swap3A_248 = arith.constant 32 : index
          %swap3A_249 = tpu.vector_load %arg16[%swap3A_247, %swap3A_248] {strides = array<i32>} : memref<16x128xf32, #tpu.memory_space<vmem>>, vector<16xf32>,
          tpu.vector_store %arg16[%swap3A_247, %swap3A_248], %mul3A_246 {strides = array<i32>} : memref<16x128xf32, #tpu.memory_space<vmem>>, vector<16xf32>,
          %get3A_250 = arith.index_cast %scan3A_186 : i32 to index
          %get3A_251 = arith.constant 48 : index
          %get3A_252 = tpu.vector_load %arg10[%get3A_250, %get3A_251] {strides = array<i32>} : memref<16x128xi32, #tpu.memory_space<vmem>>, vector<16xi32>,
          %get3A_253 = arith.index_cast %scan3A_186 : i32 to index
          %get3A_254 = arith.constant 48 : index
          %get3A_255 = tpu.vector_load %arg12[%get3A_253, %get3A_254] {strides = array<i32>} : memref<16x128xi32, #tpu.memory_space<vmem>>, vector<16xi32>,
          %gather3A_256 = tpu.vector_load_idx %arg9[%get3A_252] : memref<100000xf32, #tpu.memory_space<vmem>>[vector<16xi32>], vector<16xf32>,
          %gather3A_257 = tpu.vector_load_idx %arg9[%get3A_255] : memref<100000xf32, #tpu.memory_space<vmem>>[vector<16xi32>], vector<16xf32>,
          %mul3A_258 = arith.constant 128 : i32
          %mul3A_259 = arith.muli %scan3A_186, %mul3A_258 : i32
          %add3A_260 = arith.constant 48 : i32
          %add3A_261 = arith.addi %mul3A_259, %add3A_260 : i32
          %get3A_262 = arith.index_cast %add3A_261 : i32 to index
          %get3A_263 = tpu.vector_load %arg14[%get3A_262] {strides = array<i32>} : memref<2048xf32, #tpu.memory_space<vmem>>, vector<16xf32>,
          %div3A_264 = arith.constant 1.000000e+00 : f32
          %div3A_265 = vector.broadcast %div3A_264 : f32 to vector<16xf32>
          %div3A_266 = arith.divf %div3A_265, %get3A_263 : vector<16xf32>
          %sub3A_267 = arith.subf %gather3A_257, %gather3A_256 : vector<16xf32>
          %mul3A_268 = arith.mulf %sub3A_267, %div3A_266 : vector<16xf32>
          %swap3A_269 = arith.index_cast %scan3A_186 : i32 to index
          %swap3A_270 = arith.constant 48 : index
          %swap3A_271 = tpu.vector_load %arg16[%swap3A_269, %swap3A_270] {strides = array<i32>} : memref<16x128xf32, #tpu.memory_space<vmem>>, vector<16xf32>,
          tpu.vector_store %arg16[%swap3A_269, %swap3A_270], %mul3A_268 {strides = array<i32>} : memref<16x128xf32, #tpu.memory_space<vmem>>, vector<16xf32>,
          %get3A_272 = arith.index_cast %scan3A_186 : i32 to index
          %get3A_273 = arith.constant 64 : index
          %get3A_274 = tpu.vector_load %arg10[%get3A_272, %get3A_273] {strides = array<i32>} : memref<16x128xi32, #tpu.memory_space<vmem>>, vector<16xi32>,
          %get3A_275 = arith.index_cast %scan3A_186 : i32 to index
          %get3A_276 = arith.constant 64 : index
          %get3A_277 = tpu.vector_load %arg12[%get3A_275, %get3A_276] {strides = array<i32>} : memref<16x128xi32, #tpu.memory_space<vmem>>, vector<16xi32>,
          %gather3A_278 = tpu.vector_load_idx %arg9[%get3A_274] : memref<100000xf32, #tpu.memory_space<vmem>>[vector<16xi32>], vector<16xf32>,
          %gather3A_279 = tpu.vector_load_idx %arg9[%get3A_277] : memref<100000xf32, #tpu.memory_space<vmem>>[vector<16xi32>], vector<16xf32>,
          %mul3A_280 = arith.constant 128 : i32
          %mul3A_281 = arith.muli %scan3A_186, %mul3A_280 : i32
          %add3A_282 = arith.constant 64 : i32
          %add3A_283 = arith.addi %mul3A_281, %add3A_282 : i32
          %get3A_284 = arith.index_cast %add3A_283 : i32 to index
          %get3A_285 = tpu.vector_load %arg14[%get3A_284] {strides = array<i32>} : memref<2048xf32, #tpu.memory_space<vmem>>, vector<16xf32>,
          %div3A_286 = arith.constant 1.000000e+00 : f32
          %div3A_287 = vector.broadcast %div3A_286 : f32 to vector<16xf32>
          %div3A_288 = arith.divf %div3A_287, %get3A_285 : vector<16xf32>
          %sub3A_289 = arith.subf %gather3A_279, %gather3A_278 : vector<16xf32>
          %mul3A_290 = arith.mulf %sub3A_289, %div3A_288 : vector<16xf32>
          %swap3A_291 = arith.index_cast %scan3A_186 : i32 to index
          %swap3A_292 = arith.constant 64 : index
          %swap3A_293 = tpu.vector_load %arg16[%swap3A_291, %swap3A_292] {strides = array<i32>} : memref<16x128xf32, #tpu.memory_space<vmem>>, vector<16xf32>,
          tpu.vector_store %arg16[%swap3A_291, %swap3A_292], %mul3A_290 {strides = array<i32>} : memref<16x128xf32, #tpu.memory_space<vmem>>, vector<16xf32>,
          %get3A_294 = arith.index_cast %scan3A_186 : i32 to index
          %get3A_295 = arith.constant 80 : index
          %get3A_296 = tpu.vector_load %arg10[%get3A_294, %get3A_295] {strides = array<i32>} : memref<16x128xi32, #tpu.memory_space<vmem>>, vector<16xi32>,
          %get3A_297 = arith.index_cast %scan3A_186 : i32 to index
          %get3A_298 = arith.constant 80 : index
          %get3A_299 = tpu.vector_load %arg12[%get3A_297, %get3A_298] {strides = array<i32>} : memref<16x128xi32, #tpu.memory_space<vmem>>, vector<16xi32>,
          %gather3A_300 = tpu.vector_load_idx %arg9[%get3A_296] : memref<100000xf32, #tpu.memory_space<vmem>>[vector<16xi32>], vector<16xf32>,
          %gather3A_301 = tpu.vector_load_idx %arg9[%get3A_299] : memref<100000xf32, #tpu.memory_space<vmem>>[vector<16xi32>], vector<16xf32>,
          %mul3A_302 = arith.constant 128 : i32
          %mul3A_303 = arith.muli %scan3A_186, %mul3A_302 : i32
          %add3A_304 = arith.constant 80 : i32
          %add3A_305 = arith.addi %mul3A_303, %add3A_304 : i32
          %get3A_306 = arith.index_cast %add3A_305 : i32 to index
          %get3A_307 = tpu.vector_load %arg14[%get3A_306] {strides = array<i32>} : memref<2048xf32, #tpu.memory_space<vmem>>, vector<16xf32>,
          %div3A_308 = arith.constant 1.000000e+00 : f32
          %div3A_309 = vector.broadcast %div3A_308 : f32 to vector<16xf32>
          %div3A_310 = arith.divf %div3A_309, %get3A_307 : vector<16xf32>
          %sub3A_311 = arith.subf %gather3A_301, %gather3A_300 : vector<16xf32>
          %mul3A_312 = arith.mulf %sub3A_311, %div3A_310 : vector<16xf32>
          %swap3A_313 = arith.index_cast %scan3A_186 : i32 to index
          %swap3A_314 = arith.constant 80 : index
          %swap3A_315 = tpu.vector_load %arg16[%swap3A_313, %swap3A_314] {strides = array<i32>} : memref<16x128xf32, #tpu.memory_space<vmem>>, vector<16xf32>,
          tpu.vector_store %arg16[%swap3A_313, %swap3A_314], %mul3A_312 {strides = array<i32>} : memref<16x128xf32, #tpu.memory_space<vmem>>, vector<16xf32>,
          %get3A_316 = arith.index_cast %scan3A_186 : i32 to index
          %get3A_317 = arith.constant 96 : index
          %get3A_318 = tpu.vector_load %arg10[%get3A_316, %get3A_317] {strides = array<i32>} : memref<16x128xi32, #tpu.memory_space<vmem>>, vector<16xi32>,
          %get3A_319 = arith.index_cast %scan3A_186 : i32 to index
          %get3A_320 = arith.constant 96 : index
          %get3A_321 = tpu.vector_load %arg12[%get3A_319, %get3A_320] {strides = array<i32>} : memref<16x128xi32, #tpu.memory_space<vmem>>, vector<16xi32>,
          %gather3A_322 = tpu.vector_load_idx %arg9[%get3A_318] : memref<100000xf32, #tpu.memory_space<vmem>>[vector<16xi32>], vector<16xf32>,
          %gather3A_323 = tpu.vector_load_idx %arg9[%get3A_321] : memref<100000xf32, #tpu.memory_space<vmem>>[vector<16xi32>], vector<16xf32>,
          %mul3A_324 = arith.constant 128 : i32
          %mul3A_325 = arith.muli %scan3A_186, %mul3A_324 : i32
          %add3A_326 = arith.constant 96 : i32
          %add3A_327 = arith.addi %mul3A_325, %add3A_326 : i32
          %get3A_328 = arith.index_cast %add3A_327 : i32 to index
          %get3A_329 = tpu.vector_load %arg14[%get3A_328] {strides = array<i32>} : memref<2048xf32, #tpu.memory_space<vmem>>, vector<16xf32>,
          %div3A_330 = arith.constant 1.000000e+00 : f32
          %div3A_331 = vector.broadcast %div3A_330 : f32 to vector<16xf32>
          %div3A_332 = arith.divf %div3A_331, %get3A_329 : vector<16xf32>
          %sub3A_333 = arith.subf %gather3A_323, %gather3A_322 : vector<16xf32>
          %mul3A_334 = arith.mulf %sub3A_333, %div3A_332 : vector<16xf32>
          %swap3A_335 = arith.index_cast %scan3A_186 : i32 to index
          %swap3A_336 = arith.constant 96 : index
          %swap3A_337 = tpu.vector_load %arg16[%swap3A_335, %swap3A_336] {strides = array<i32>} : memref<16x128xf32, #tpu.memory_space<vmem>>, vector<16xf32>,
          tpu.vector_store %arg16[%swap3A_335, %swap3A_336], %mul3A_334 {strides = array<i32>} : memref<16x128xf32, #tpu.memory_space<vmem>>, vector<16xf32>,
          %get3A_338 = arith.index_cast %scan3A_186 : i32 to index
          %get3A_339 = arith.constant 112 : index
          %get3A_340 = tpu.vector_load %arg10[%get3A_338, %get3A_339] {strides = array<i32>} : memref<16x128xi32, #tpu.memory_space<vmem>>, vector<16xi32>,
          %get3A_341 = arith.index_cast %scan3A_186 : i32 to index
          %get3A_342 = arith.constant 112 : index
          %get3A_343 = tpu.vector_load %arg12[%get3A_341, %get3A_342] {strides = array<i32>} : memref<16x128xi32, #tpu.memory_space<vmem>>, vector<16xi32>,
          %gather3A_344 = tpu.vector_load_idx %arg9[%get3A_340] : memref<100000xf32, #tpu.memory_space<vmem>>[vector<16xi32>], vector<16xf32>,
          %gather3A_345 = tpu.vector_load_idx %arg9[%get3A_343] : memref<100000xf32, #tpu.memory_space<vmem>>[vector<16xi32>], vector<16xf32>,
          %mul3A_346 = arith.constant 128 : i32
          %mul3A_347 = arith.muli %scan3A_186, %mul3A_346 : i32
          %add3A_348 = arith.constant 112 : i32
          %add3A_349 = arith.addi %mul3A_347, %add3A_348 : i32
          %get3A_350 = arith.index_cast %add3A_349 : i32 to index
          %get3A_351 = tpu.vector_load %arg14[%get3A_350] {strides = array<i32>} : memref<2048xf32, #tpu.memory_space<vmem>>, vector<16xf32>,
          %div3A_352 = arith.constant 1.000000e+00 : f32
          %div3A_353 = vector.broadcast %div3A_352 : f32 to vector<16xf32>
          %div3A_354 = arith.divf %div3A_353, %get3A_351 : vector<16xf32>
          %sub3A_355 = arith.subf %gather3A_345, %gather3A_344 : vector<16xf32>
          %mul3A_356 = arith.mulf %sub3A_355, %div3A_354 : vector<16xf32>
          %swap3A_357 = arith.index_cast %scan3A_186 : i32 to index
          %swap3A_358 = arith.constant 112 : index
          %swap3A_359 = tpu.vector_load %arg16[%swap3A_357, %swap3A_358] {strides = array<i32>} : memref<16x128xf32, #tpu.memory_space<vmem>>, vector<16xf32>,
          tpu.vector_store %arg16[%swap3A_357, %swap3A_358], %mul3A_356 {strides = array<i32>} : memref<16x128xf32, #tpu.memory_space<vmem>>, vector<16xf32>,
          %scan3A_360 = arith.constant 0 : i32
          scf.yield %scan3A_360 : i32
        }
        %scan3A_185 = arith.constant 16 : i32
      } else {
      }
      %sub3A = arith.constant 1 : i32
      %sub3A_98 = arith.subi %mul3A_81, %sub3A : i32
      %mul3A_99 = arith.constant 32 : i32
      %mul3A_100 = arith.muli %mul3A_99, %sub3A_98 : i32
      %add3A_101 = arith.addi %add3A, %mul3A_100 : i32
      %ge3A = arith.constant 0 : i32
      %ge3A_102 = arith.cmpi sge, %sub3A_98, %ge3A : i32
      %lt3A_103 = arith.constant 3125 : i32
      %lt3A_104 = arith.cmpi slt, %add3A_101, %lt3A_103 : i32
      %and3A_105 = arith.andi %ge3A_102, %lt3A_104 : i1
      %convert_element_type3A_106 = arith.extui %and3A_105 : i1 to i32
      %cond3A_107 = arith.constant 0 : i32
      %cond3A_108 = arith.cmpi ne, %convert_element_type3A_106, %cond3A_107 : i32
      scf.if %cond3A_108 {
        %scan3A_179 = arith.constant 0 : i32
        %scan3A_180 = arith.constant 0 : i32
        %scan3A_181 = arith.constant 16 : i32
        %scan3A_182 = arith.addi %scan3A_180, %scan3A_181 : i32
        %scan3A_183 = arith.constant 1 : i32
        %scan3A_184 = scf.for %scan3A_186 = %scan3A_180 to %scan3A_182 step %scan3A_183 iter_args(%scan3A_187 = %scan3A_179) -> (i32)  : i32 {
          %dma_wait3A = arith.constant 0 : i32
          %dma_wait3A_188 = tpu.memref_slice %arg17[%scan3A_186, %dma_wait3A] : memref<16x128xf32, #tpu.memory_space<vmem>> -> memref<1x128xf32, #tpu.memory_space<vmem>>
          %dma_wait3A_189 = tpu.memref_squeeze %dma_wait3A_188 : memref<1x128xf32, #tpu.memory_space<vmem>> -> memref<128xf32, #tpu.memory_space<vmem>>
          %dma_wait3A_190 = arith.constant 0 : i32
          %dma_wait3A_191 = tpu.memref_slice %arg13[%scan3A_186, %dma_wait3A_190] : memref<16x128xi32, #tpu.memory_space<vmem>> -> memref<1x128xi32, #tpu.memory_space<vmem>>
          %dma_wait3A_192 = tpu.memref_squeeze %dma_wait3A_191 : memref<1x128xi32, #tpu.memory_space<vmem>> -> memref<128xi32, #tpu.memory_space<vmem>>
          %dma_wait3A_193 = arith.constant 0 : i32
          %dma_wait3A_194 = tpu.memref_slice %arg7[%dma_wait3A_193] : memref<100352xf32, #tpu.memory_space<vmem_shared>> -> memref<100352xf32, #tpu.memory_space<vmem_shared>>
          tpu.wait_indirect_dma semaphore(%arg22 : memref<!tpu.dma_semaphore, #tpu.memory_space<semaphore_mem>>) src(%dma_wait3A_189 : memref<128xf32, #tpu.memory_space<vmem>>) dst(%dma_wait3A_194 : memref<100352xf32, #tpu.memory_space<vmem_shared>>)
          %dma_wait3A_195 = arith.constant 0 : i32
          %dma_wait3A_196 = tpu.memref_slice %arg18[%scan3A_186, %dma_wait3A_195] : memref<16x128xf32, #tpu.memory_space<vmem>> -> memref<1x128xf32, #tpu.memory_space<vmem>>
          %dma_wait3A_197 = tpu.memref_squeeze %dma_wait3A_196 : memref<1x128xf32, #tpu.memory_space<vmem>> -> memref<128xf32, #tpu.memory_space<vmem>>
          %dma_wait3A_198 = arith.constant 0 : i32
          %dma_wait3A_199 = tpu.memref_slice %arg13[%scan3A_186, %dma_wait3A_198] : memref<16x128xi32, #tpu.memory_space<vmem>> -> memref<1x128xi32, #tpu.memory_space<vmem>>
          %dma_wait3A_200 = tpu.memref_squeeze %dma_wait3A_199 : memref<1x128xi32, #tpu.memory_space<vmem>> -> memref<128xi32, #tpu.memory_space<vmem>>
          %dma_wait3A_201 = arith.constant 0 : i32
          %dma_wait3A_202 = tpu.memref_slice %arg8[%dma_wait3A_201] : memref<100352xf32, #tpu.memory_space<vmem_shared>> -> memref<100352xf32, #tpu.memory_space<vmem_shared>>
          tpu.wait_indirect_dma semaphore(%arg24 : memref<!tpu.dma_semaphore, #tpu.memory_space<semaphore_mem>>) src(%dma_wait3A_197 : memref<128xf32, #tpu.memory_space<vmem>>) dst(%dma_wait3A_202 : memref<100352xf32, #tpu.memory_space<vmem_shared>>)
          %scan3A_203 = arith.constant 0 : i32
          scf.yield %scan3A_203 : i32
        }
        %scan3A_185 = arith.constant 16 : i32
      } else {
      }
      %add3A_109 = arith.constant 1 : i32
      %add3A_110 = arith.addi %mul3A_81, %add3A_109 : i32
      %mul3A_111 = arith.constant 32 : i32
      %mul3A_112 = arith.muli %mul3A_111, %add3A_110 : i32
      %add3A_113 = arith.addi %add3A, %mul3A_112 : i32
      %lt3A_114 = arith.constant 3125 : i32
      %lt3A_115 = arith.cmpi slt, %add3A_113, %lt3A_114 : i32
      %convert_element_type3A_116 = arith.extui %lt3A_115 : i1 to i32
      %cond3A_117 = arith.constant 0 : i32
      %cond3A_118 = arith.cmpi ne, %convert_element_type3A_116, %cond3A_117 : i32
      scf.if %cond3A_118 {
        %mul3A_179 = arith.constant 2048 : i32
        %mul3A_180 = arith.muli %add3A_113, %mul3A_179 : i32
        %dma_start3A = arith.constant 0 : i32
        %dma_start3A_181 = arith.constant 0 : i32
        %dma_start3A_182 = arith.constant 0 : i32
        %dma_start3A_183 = tpu.memref_slice %arg3[%dma_start3A, %add3A_113, %dma_start3A_181, %dma_start3A_182] : memref<2x3125x16x128xi32, #tpu.memory_space<hbm>> -> memref<1x1x16x128xi32, #tpu.memory_space<hbm>>
        %dma_start3A_184 = tpu.memref_squeeze %dma_start3A_183 : memref<1x1x16x128xi32, #tpu.memory_space<hbm>> -> memref<16x128xi32, #tpu.memory_space<hbm>>
        %dma_start3A_185 = arith.constant 0 : i32
        %dma_start3A_186 = arith.constant 0 : i32
        %dma_start3A_187 = tpu.memref_slice %arg3[%dma_start3A, %add3A_113, %dma_start3A_185, %dma_start3A_186] : memref<2x3125x16x128xi32, #tpu.memory_space<hbm>> -> memref<1x1x16x128xi32, #tpu.memory_space<hbm>>
        %dma_start3A_188 = tpu.memref_squeeze %dma_start3A_187 : memref<1x1x16x128xi32, #tpu.memory_space<hbm>> -> memref<16x128xi32, #tpu.memory_space<hbm>>
        tpu.enqueue_dma source(%dma_start3A_188 : memref<16x128xi32, #tpu.memory_space<hbm>>) target(%arg11 : memref<16x128xi32, #tpu.memory_space<vmem>>) target_semaphore(%arg20 : memref<!tpu.dma_semaphore, #tpu.memory_space<semaphore_mem>>)
        %dma_start3A_189 = arith.constant 1 : i32
        %dma_start3A_190 = arith.constant 0 : i32
        %dma_start3A_191 = arith.constant 0 : i32
        %dma_start3A_192 = tpu.memref_slice %arg3[%dma_start3A_189, %add3A_113, %dma_start3A_190, %dma_start3A_191] : memref<2x3125x16x128xi32, #tpu.memory_space<hbm>> -> memref<1x1x16x128xi32, #tpu.memory_space<hbm>>
        %dma_start3A_193 = tpu.memref_squeeze %dma_start3A_192 : memref<1x1x16x128xi32, #tpu.memory_space<hbm>> -> memref<16x128xi32, #tpu.memory_space<hbm>>
        %dma_start3A_194 = arith.constant 0 : i32
        %dma_start3A_195 = arith.constant 0 : i32
        %dma_start3A_196 = tpu.memref_slice %arg3[%dma_start3A_189, %add3A_113, %dma_start3A_194, %dma_start3A_195] : memref<2x3125x16x128xi32, #tpu.memory_space<hbm>> -> memref<1x1x16x128xi32, #tpu.memory_space<hbm>>
        %dma_start3A_197 = tpu.memref_squeeze %dma_start3A_196 : memref<1x1x16x128xi32, #tpu.memory_space<hbm>> -> memref<16x128xi32, #tpu.memory_space<hbm>>
        tpu.enqueue_dma source(%dma_start3A_197 : memref<16x128xi32, #tpu.memory_space<hbm>>) target(%arg13 : memref<16x128xi32, #tpu.memory_space<vmem>>) target_semaphore(%arg20 : memref<!tpu.dma_semaphore, #tpu.memory_space<semaphore_mem>>)
        %dma_start3A_198 = tpu.memref_slice %arg4[%mul3A_180] : memref<6400000xf32, #tpu.memory_space<hbm>> -> memref<2048xf32, #tpu.memory_space<hbm>>
        %dma_start3A_199 = tpu.memref_slice %arg4[%mul3A_180] : memref<6400000xf32, #tpu.memory_space<hbm>> -> memref<2048xf32, #tpu.memory_space<hbm>>
        tpu.enqueue_dma source(%dma_start3A_199 : memref<2048xf32, #tpu.memory_space<hbm>>) target(%arg15 : memref<2048xf32, #tpu.memory_space<vmem>>) target_semaphore(%arg20 : memref<!tpu.dma_semaphore, #tpu.memory_space<semaphore_mem>>)
      } else {
      }
      %mul3A_119 = arith.constant 32 : i32
      %mul3A_120 = arith.muli %mul3A_119, %mul3A_81 : i32
      %add3A_121 = arith.addi %add3A, %mul3A_120 : i32
      %lt3A_122 = arith.constant 3125 : i32
      %lt3A_123 = arith.cmpi slt, %add3A_121, %lt3A_122 : i32
      %convert_element_type3A_124 = arith.extui %lt3A_123 : i1 to i32
      %cond3A_125 = arith.constant 0 : i32
      %cond3A_126 = arith.cmpi ne, %convert_element_type3A_124, %cond3A_125 : i32
      scf.if %cond3A_126 {
        %scan3A_179 = arith.constant 0 : i32
        %scan3A_180 = arith.constant 0 : i32
        %scan3A_181 = arith.constant 16 : i32
        %scan3A_182 = arith.addi %scan3A_180, %scan3A_181 : i32
        %scan3A_183 = arith.constant 1 : i32
        %scan3A_184 = scf.for %scan3A_186 = %scan3A_180 to %scan3A_182 step %scan3A_183 iter_args(%scan3A_187 = %scan3A_179) -> (i32)  : i32 {
          %dma_start3A = arith.constant 0 : i32
          %dma_start3A_188 = tpu.memref_slice %arg16[%scan3A_186, %dma_start3A] : memref<16x128xf32, #tpu.memory_space<vmem>> -> memref<1x128xf32, #tpu.memory_space<vmem>>
          %dma_start3A_189 = tpu.memref_squeeze %dma_start3A_188 : memref<1x128xf32, #tpu.memory_space<vmem>> -> memref<128xf32, #tpu.memory_space<vmem>>
          %dma_start3A_190 = arith.constant 0 : i32
          %dma_start3A_191 = tpu.memref_slice %arg12[%scan3A_186, %dma_start3A_190] : memref<16x128xi32, #tpu.memory_space<vmem>> -> memref<1x128xi32, #tpu.memory_space<vmem>>
          %dma_start3A_192 = tpu.memref_squeeze %dma_start3A_191 : memref<1x128xi32, #tpu.memory_space<vmem>> -> memref<128xi32, #tpu.memory_space<vmem>>
          %dma_start3A_193 = arith.constant 0 : i32
          %dma_start3A_194 = tpu.memref_slice %arg7[%dma_start3A_193] : memref<100352xf32, #tpu.memory_space<vmem_shared>> -> memref<100352xf32, #tpu.memory_space<vmem_shared>>
          tpu.enqueue_indirect_dma source(%dma_start3A_189 : memref<128xf32, #tpu.memory_space<vmem>>) target(%dma_start3A_194 : memref<100352xf32, #tpu.memory_space<vmem_shared>>) offsets(%dma_start3A_192 : memref<128xi32, #tpu.memory_space<vmem>>) semaphore(%arg21 : memref<!tpu.dma_semaphore, #tpu.memory_space<semaphore_mem>>) {add = true}
          %dma_start3A_195 = arith.constant 0 : i32
          %dma_start3A_196 = tpu.memref_slice %arg18[%scan3A_186, %dma_start3A_195] : memref<16x128xf32, #tpu.memory_space<vmem>> -> memref<1x128xf32, #tpu.memory_space<vmem>>
          %dma_start3A_197 = tpu.memref_squeeze %dma_start3A_196 : memref<1x128xf32, #tpu.memory_space<vmem>> -> memref<128xf32, #tpu.memory_space<vmem>>
          %dma_start3A_198 = arith.constant 0 : i32
          %dma_start3A_199 = tpu.memref_slice %arg12[%scan3A_186, %dma_start3A_198] : memref<16x128xi32, #tpu.memory_space<vmem>> -> memref<1x128xi32, #tpu.memory_space<vmem>>
          %dma_start3A_200 = tpu.memref_squeeze %dma_start3A_199 : memref<1x128xi32, #tpu.memory_space<vmem>> -> memref<128xi32, #tpu.memory_space<vmem>>
          %dma_start3A_201 = arith.constant 0 : i32
          %dma_start3A_202 = tpu.memref_slice %arg8[%dma_start3A_201] : memref<100352xf32, #tpu.memory_space<vmem_shared>> -> memref<100352xf32, #tpu.memory_space<vmem_shared>>
          tpu.enqueue_indirect_dma source(%dma_start3A_197 : memref<128xf32, #tpu.memory_space<vmem>>) target(%dma_start3A_202 : memref<100352xf32, #tpu.memory_space<vmem_shared>>) offsets(%dma_start3A_200 : memref<128xi32, #tpu.memory_space<vmem>>) semaphore(%arg23 : memref<!tpu.dma_semaphore, #tpu.memory_space<semaphore_mem>>) {add = true}
          %scan3A_203 = arith.constant 0 : i32
          scf.yield %scan3A_203 : i32
        }
        %scan3A_185 = arith.constant 16 : i32
      } else {
      }
      %add3A_127 = arith.constant 1 : i32
      %add3A_128 = arith.addi %mul3A_81, %add3A_127 : i32
      %mul3A_129 = arith.constant 32 : i32
      %mul3A_130 = arith.muli %mul3A_129, %add3A_128 : i32
      %add3A_131 = arith.addi %add3A, %mul3A_130 : i32
      %lt3A_132 = arith.constant 3125 : i32
      %lt3A_133 = arith.cmpi slt, %add3A_131, %lt3A_132 : i32
      %convert_element_type3A_134 = arith.extui %lt3A_133 : i1 to i32
      %cond3A_135 = arith.constant 0 : i32
      %cond3A_136 = arith.cmpi ne, %convert_element_type3A_134, %cond3A_135 : i32
      scf.if %cond3A_136 {
        %mul3A_179 = arith.constant 2048 : i32
        %mul3A_180 = arith.muli %add3A_131, %mul3A_179 : i32
        %dma_wait3A = arith.constant 0 : i32
        %dma_wait3A_181 = arith.constant 0 : i32
        %dma_wait3A_182 = arith.constant 0 : i32
        %dma_wait3A_183 = tpu.memref_slice %arg3[%dma_wait3A, %add3A_131, %dma_wait3A_181, %dma_wait3A_182] : memref<2x3125x16x128xi32, #tpu.memory_space<hbm>> -> memref<1x1x16x128xi32, #tpu.memory_space<hbm>>
        %dma_wait3A_184 = tpu.memref_squeeze %dma_wait3A_183 : memref<1x1x16x128xi32, #tpu.memory_space<hbm>> -> memref<16x128xi32, #tpu.memory_space<hbm>>
        %dma_wait3A_185 = arith.constant 0 : i32
        %dma_wait3A_186 = arith.constant 0 : i32
        %dma_wait3A_187 = tpu.memref_slice %arg3[%dma_wait3A, %add3A_131, %dma_wait3A_185, %dma_wait3A_186] : memref<2x3125x16x128xi32, #tpu.memory_space<hbm>> -> memref<1x1x16x128xi32, #tpu.memory_space<hbm>>
        %dma_wait3A_188 = tpu.memref_squeeze %dma_wait3A_187 : memref<1x1x16x128xi32, #tpu.memory_space<hbm>> -> memref<16x128xi32, #tpu.memory_space<hbm>>
        tpu.wait_dma2 semaphore(%arg20 : memref<!tpu.dma_semaphore, #tpu.memory_space<semaphore_mem>>) src(%dma_wait3A_188 : memref<16x128xi32, #tpu.memory_space<hbm>>) dst(%arg11 : memref<16x128xi32, #tpu.memory_space<vmem>>)
        %dma_wait3A_189 = arith.constant 1 : i32
        %dma_wait3A_190 = arith.constant 0 : i32
        %dma_wait3A_191 = arith.constant 0 : i32
        %dma_wait3A_192 = tpu.memref_slice %arg3[%dma_wait3A_189, %add3A_131, %dma_wait3A_190, %dma_wait3A_191] : memref<2x3125x16x128xi32, #tpu.memory_space<hbm>> -> memref<1x1x16x128xi32, #tpu.memory_space<hbm>>
        %dma_wait3A_193 = tpu.memref_squeeze %dma_wait3A_192 : memref<1x1x16x128xi32, #tpu.memory_space<hbm>> -> memref<16x128xi32, #tpu.memory_space<hbm>>
        %dma_wait3A_194 = arith.constant 0 : i32
        %dma_wait3A_195 = arith.constant 0 : i32
        %dma_wait3A_196 = tpu.memref_slice %arg3[%dma_wait3A_189, %add3A_131, %dma_wait3A_194, %dma_wait3A_195] : memref<2x3125x16x128xi32, #tpu.memory_space<hbm>> -> memref<1x1x16x128xi32, #tpu.memory_space<hbm>>
        %dma_wait3A_197 = tpu.memref_squeeze %dma_wait3A_196 : memref<1x1x16x128xi32, #tpu.memory_space<hbm>> -> memref<16x128xi32, #tpu.memory_space<hbm>>
        tpu.wait_dma2 semaphore(%arg20 : memref<!tpu.dma_semaphore, #tpu.memory_space<semaphore_mem>>) src(%dma_wait3A_197 : memref<16x128xi32, #tpu.memory_space<hbm>>) dst(%arg13 : memref<16x128xi32, #tpu.memory_space<vmem>>)
        %dma_wait3A_198 = tpu.memref_slice %arg4[%mul3A_180] : memref<6400000xf32, #tpu.memory_space<hbm>> -> memref<2048xf32, #tpu.memory_space<hbm>>
        %dma_wait3A_199 = tpu.memref_slice %arg4[%mul3A_180] : memref<6400000xf32, #tpu.memory_space<hbm>> -> memref<2048xf32, #tpu.memory_space<hbm>>
        tpu.wait_dma2 semaphore(%arg20 : memref<!tpu.dma_semaphore, #tpu.memory_space<semaphore_mem>>) src(%dma_wait3A_199 : memref<2048xf32, #tpu.memory_space<hbm>>) dst(%arg15 : memref<2048xf32, #tpu.memory_space<vmem>>)
      } else {
      }
      %add3A_137 = arith.constant 1 : i32
      %add3A_138 = arith.addi %mul3A_81, %add3A_137 : i32
      %mul3A_139 = arith.constant 32 : i32
      %mul3A_140 = arith.muli %mul3A_139, %add3A_138 : i32
      %add3A_141 = arith.addi %add3A, %mul3A_140 : i32
      %lt3A_142 = arith.constant 3125 : i32
      %lt3A_143 = arith.cmpi slt, %add3A_141, %lt3A_142 : i32
      %convert_element_type3A_144 = arith.extui %lt3A_143 : i1 to i32
      %cond3A_145 = arith.constant 0 : i32
      %cond3A_146 = arith.cmpi ne, %convert_element_type3A_144, %cond3A_145 : i32
      scf.if %cond3A_146 {
        %scan3A_179 = arith.constant 0 : i32
        %scan3A_180 = arith.constant 0 : i32
        %scan3A_181 = arith.constant 16 : i32
        %scan3A_182 = arith.addi %scan3A_180, %scan3A_181 : i32
        %scan3A_183 = arith.constant 1 : i32
        %scan3A_184 = scf.for %scan3A_186 = %scan3A_180 to %scan3A_182 step %scan3A_183 iter_args(%scan3A_187 = %scan3A_179) -> (i32)  : i32 {
          %get3A = arith.index_cast %scan3A_186 : i32 to index
          %get3A_188 = arith.constant 0 : index
          %get3A_189 = tpu.vector_load %arg11[%get3A, %get3A_188] {strides = array<i32>} : memref<16x128xi32, #tpu.memory_space<vmem>>, vector<16xi32>,
          %get3A_190 = arith.index_cast %scan3A_186 : i32 to index
          %get3A_191 = arith.constant 0 : index
          %get3A_192 = tpu.vector_load %arg13[%get3A_190, %get3A_191] {strides = array<i32>} : memref<16x128xi32, #tpu.memory_space<vmem>>, vector<16xi32>,
          %gather3A = tpu.vector_load_idx %arg9[%get3A_189] : memref<100000xf32, #tpu.memory_space<vmem>>[vector<16xi32>], vector<16xf32>,
          %gather3A_193 = tpu.vector_load_idx %arg9[%get3A_192] : memref<100000xf32, #tpu.memory_space<vmem>>[vector<16xi32>], vector<16xf32>,
          %mul3A_194 = arith.constant 128 : i32
          %mul3A_195 = arith.muli %scan3A_186, %mul3A_194 : i32
          %add3A_196 = arith.constant 0 : i32
          %add3A_197 = arith.addi %mul3A_195, %add3A_196 : i32
          %get3A_198 = arith.index_cast %add3A_197 : i32 to index
          %get3A_199 = tpu.vector_load %arg15[%get3A_198] {strides = array<i32>} : memref<2048xf32, #tpu.memory_space<vmem>>, vector<16xf32>,
          %div3A = arith.constant 1.000000e+00 : f32
          %div3A_200 = vector.broadcast %div3A : f32 to vector<16xf32>
          %div3A_201 = arith.divf %div3A_200, %get3A_199 : vector<16xf32>
          %sub3A_202 = arith.subf %gather3A_193, %gather3A : vector<16xf32>
          %mul3A_203 = arith.mulf %sub3A_202, %div3A_201 : vector<16xf32>
          %swap3A = arith.index_cast %scan3A_186 : i32 to index
          %swap3A_204 = arith.constant 0 : index
          %swap3A_205 = tpu.vector_load %arg17[%swap3A, %swap3A_204] {strides = array<i32>} : memref<16x128xf32, #tpu.memory_space<vmem>>, vector<16xf32>,
          tpu.vector_store %arg17[%swap3A, %swap3A_204], %mul3A_203 {strides = array<i32>} : memref<16x128xf32, #tpu.memory_space<vmem>>, vector<16xf32>,
          %get3A_206 = arith.index_cast %scan3A_186 : i32 to index
          %get3A_207 = arith.constant 16 : index
          %get3A_208 = tpu.vector_load %arg11[%get3A_206, %get3A_207] {strides = array<i32>} : memref<16x128xi32, #tpu.memory_space<vmem>>, vector<16xi32>,
          %get3A_209 = arith.index_cast %scan3A_186 : i32 to index
          %get3A_210 = arith.constant 16 : index
          %get3A_211 = tpu.vector_load %arg13[%get3A_209, %get3A_210] {strides = array<i32>} : memref<16x128xi32, #tpu.memory_space<vmem>>, vector<16xi32>,
          %gather3A_212 = tpu.vector_load_idx %arg9[%get3A_208] : memref<100000xf32, #tpu.memory_space<vmem>>[vector<16xi32>], vector<16xf32>,
          %gather3A_213 = tpu.vector_load_idx %arg9[%get3A_211] : memref<100000xf32, #tpu.memory_space<vmem>>[vector<16xi32>], vector<16xf32>,
          %mul3A_214 = arith.constant 128 : i32
          %mul3A_215 = arith.muli %scan3A_186, %mul3A_214 : i32
          %add3A_216 = arith.constant 16 : i32
          %add3A_217 = arith.addi %mul3A_215, %add3A_216 : i32
          %get3A_218 = arith.index_cast %add3A_217 : i32 to index
          %get3A_219 = tpu.vector_load %arg15[%get3A_218] {strides = array<i32>} : memref<2048xf32, #tpu.memory_space<vmem>>, vector<16xf32>,
          %div3A_220 = arith.constant 1.000000e+00 : f32
          %div3A_221 = vector.broadcast %div3A_220 : f32 to vector<16xf32>
          %div3A_222 = arith.divf %div3A_221, %get3A_219 : vector<16xf32>
          %sub3A_223 = arith.subf %gather3A_213, %gather3A_212 : vector<16xf32>
          %mul3A_224 = arith.mulf %sub3A_223, %div3A_222 : vector<16xf32>
          %swap3A_225 = arith.index_cast %scan3A_186 : i32 to index
          %swap3A_226 = arith.constant 16 : index
          %swap3A_227 = tpu.vector_load %arg17[%swap3A_225, %swap3A_226] {strides = array<i32>} : memref<16x128xf32, #tpu.memory_space<vmem>>, vector<16xf32>,
          tpu.vector_store %arg17[%swap3A_225, %swap3A_226], %mul3A_224 {strides = array<i32>} : memref<16x128xf32, #tpu.memory_space<vmem>>, vector<16xf32>,
          %get3A_228 = arith.index_cast %scan3A_186 : i32 to index
          %get3A_229 = arith.constant 32 : index
          %get3A_230 = tpu.vector_load %arg11[%get3A_228, %get3A_229] {strides = array<i32>} : memref<16x128xi32, #tpu.memory_space<vmem>>, vector<16xi32>,
          %get3A_231 = arith.index_cast %scan3A_186 : i32 to index
          %get3A_232 = arith.constant 32 : index
          %get3A_233 = tpu.vector_load %arg13[%get3A_231, %get3A_232] {strides = array<i32>} : memref<16x128xi32, #tpu.memory_space<vmem>>, vector<16xi32>,
          %gather3A_234 = tpu.vector_load_idx %arg9[%get3A_230] : memref<100000xf32, #tpu.memory_space<vmem>>[vector<16xi32>], vector<16xf32>,
          %gather3A_235 = tpu.vector_load_idx %arg9[%get3A_233] : memref<100000xf32, #tpu.memory_space<vmem>>[vector<16xi32>], vector<16xf32>,
          %mul3A_236 = arith.constant 128 : i32
          %mul3A_237 = arith.muli %scan3A_186, %mul3A_236 : i32
          %add3A_238 = arith.constant 32 : i32
          %add3A_239 = arith.addi %mul3A_237, %add3A_238 : i32
          %get3A_240 = arith.index_cast %add3A_239 : i32 to index
          %get3A_241 = tpu.vector_load %arg15[%get3A_240] {strides = array<i32>} : memref<2048xf32, #tpu.memory_space<vmem>>, vector<16xf32>,
          %div3A_242 = arith.constant 1.000000e+00 : f32
          %div3A_243 = vector.broadcast %div3A_242 : f32 to vector<16xf32>
          %div3A_244 = arith.divf %div3A_243, %get3A_241 : vector<16xf32>
          %sub3A_245 = arith.subf %gather3A_235, %gather3A_234 : vector<16xf32>
          %mul3A_246 = arith.mulf %sub3A_245, %div3A_244 : vector<16xf32>
          %swap3A_247 = arith.index_cast %scan3A_186 : i32 to index
          %swap3A_248 = arith.constant 32 : index
          %swap3A_249 = tpu.vector_load %arg17[%swap3A_247, %swap3A_248] {strides = array<i32>} : memref<16x128xf32, #tpu.memory_space<vmem>>, vector<16xf32>,
          tpu.vector_store %arg17[%swap3A_247, %swap3A_248], %mul3A_246 {strides = array<i32>} : memref<16x128xf32, #tpu.memory_space<vmem>>, vector<16xf32>,
          %get3A_250 = arith.index_cast %scan3A_186 : i32 to index
          %get3A_251 = arith.constant 48 : index
          %get3A_252 = tpu.vector_load %arg11[%get3A_250, %get3A_251] {strides = array<i32>} : memref<16x128xi32, #tpu.memory_space<vmem>>, vector<16xi32>,
          %get3A_253 = arith.index_cast %scan3A_186 : i32 to index
          %get3A_254 = arith.constant 48 : index
          %get3A_255 = tpu.vector_load %arg13[%get3A_253, %get3A_254] {strides = array<i32>} : memref<16x128xi32, #tpu.memory_space<vmem>>, vector<16xi32>,
          %gather3A_256 = tpu.vector_load_idx %arg9[%get3A_252] : memref<100000xf32, #tpu.memory_space<vmem>>[vector<16xi32>], vector<16xf32>,
          %gather3A_257 = tpu.vector_load_idx %arg9[%get3A_255] : memref<100000xf32, #tpu.memory_space<vmem>>[vector<16xi32>], vector<16xf32>,
          %mul3A_258 = arith.constant 128 : i32
          %mul3A_259 = arith.muli %scan3A_186, %mul3A_258 : i32
          %add3A_260 = arith.constant 48 : i32
          %add3A_261 = arith.addi %mul3A_259, %add3A_260 : i32
          %get3A_262 = arith.index_cast %add3A_261 : i32 to index
          %get3A_263 = tpu.vector_load %arg15[%get3A_262] {strides = array<i32>} : memref<2048xf32, #tpu.memory_space<vmem>>, vector<16xf32>,
          %div3A_264 = arith.constant 1.000000e+00 : f32
          %div3A_265 = vector.broadcast %div3A_264 : f32 to vector<16xf32>
          %div3A_266 = arith.divf %div3A_265, %get3A_263 : vector<16xf32>
          %sub3A_267 = arith.subf %gather3A_257, %gather3A_256 : vector<16xf32>
          %mul3A_268 = arith.mulf %sub3A_267, %div3A_266 : vector<16xf32>
          %swap3A_269 = arith.index_cast %scan3A_186 : i32 to index
          %swap3A_270 = arith.constant 48 : index
          %swap3A_271 = tpu.vector_load %arg17[%swap3A_269, %swap3A_270] {strides = array<i32>} : memref<16x128xf32, #tpu.memory_space<vmem>>, vector<16xf32>,
          tpu.vector_store %arg17[%swap3A_269, %swap3A_270], %mul3A_268 {strides = array<i32>} : memref<16x128xf32, #tpu.memory_space<vmem>>, vector<16xf32>,
          %get3A_272 = arith.index_cast %scan3A_186 : i32 to index
          %get3A_273 = arith.constant 64 : index
          %get3A_274 = tpu.vector_load %arg11[%get3A_272, %get3A_273] {strides = array<i32>} : memref<16x128xi32, #tpu.memory_space<vmem>>, vector<16xi32>,
          %get3A_275 = arith.index_cast %scan3A_186 : i32 to index
          %get3A_276 = arith.constant 64 : index
          %get3A_277 = tpu.vector_load %arg13[%get3A_275, %get3A_276] {strides = array<i32>} : memref<16x128xi32, #tpu.memory_space<vmem>>, vector<16xi32>,
          %gather3A_278 = tpu.vector_load_idx %arg9[%get3A_274] : memref<100000xf32, #tpu.memory_space<vmem>>[vector<16xi32>], vector<16xf32>,
          %gather3A_279 = tpu.vector_load_idx %arg9[%get3A_277] : memref<100000xf32, #tpu.memory_space<vmem>>[vector<16xi32>], vector<16xf32>,
          %mul3A_280 = arith.constant 128 : i32
          %mul3A_281 = arith.muli %scan3A_186, %mul3A_280 : i32
          %add3A_282 = arith.constant 64 : i32
          %add3A_283 = arith.addi %mul3A_281, %add3A_282 : i32
          %get3A_284 = arith.index_cast %add3A_283 : i32 to index
          %get3A_285 = tpu.vector_load %arg15[%get3A_284] {strides = array<i32>} : memref<2048xf32, #tpu.memory_space<vmem>>, vector<16xf32>,
          %div3A_286 = arith.constant 1.000000e+00 : f32
          %div3A_287 = vector.broadcast %div3A_286 : f32 to vector<16xf32>
          %div3A_288 = arith.divf %div3A_287, %get3A_285 : vector<16xf32>
          %sub3A_289 = arith.subf %gather3A_279, %gather3A_278 : vector<16xf32>
          %mul3A_290 = arith.mulf %sub3A_289, %div3A_288 : vector<16xf32>
          %swap3A_291 = arith.index_cast %scan3A_186 : i32 to index
          %swap3A_292 = arith.constant 64 : index
          %swap3A_293 = tpu.vector_load %arg17[%swap3A_291, %swap3A_292] {strides = array<i32>} : memref<16x128xf32, #tpu.memory_space<vmem>>, vector<16xf32>,
          tpu.vector_store %arg17[%swap3A_291, %swap3A_292], %mul3A_290 {strides = array<i32>} : memref<16x128xf32, #tpu.memory_space<vmem>>, vector<16xf32>,
          %get3A_294 = arith.index_cast %scan3A_186 : i32 to index
          %get3A_295 = arith.constant 80 : index
          %get3A_296 = tpu.vector_load %arg11[%get3A_294, %get3A_295] {strides = array<i32>} : memref<16x128xi32, #tpu.memory_space<vmem>>, vector<16xi32>,
          %get3A_297 = arith.index_cast %scan3A_186 : i32 to index
          %get3A_298 = arith.constant 80 : index
          %get3A_299 = tpu.vector_load %arg13[%get3A_297, %get3A_298] {strides = array<i32>} : memref<16x128xi32, #tpu.memory_space<vmem>>, vector<16xi32>,
          %gather3A_300 = tpu.vector_load_idx %arg9[%get3A_296] : memref<100000xf32, #tpu.memory_space<vmem>>[vector<16xi32>], vector<16xf32>,
          %gather3A_301 = tpu.vector_load_idx %arg9[%get3A_299] : memref<100000xf32, #tpu.memory_space<vmem>>[vector<16xi32>], vector<16xf32>,
          %mul3A_302 = arith.constant 128 : i32
          %mul3A_303 = arith.muli %scan3A_186, %mul3A_302 : i32
          %add3A_304 = arith.constant 80 : i32
          %add3A_305 = arith.addi %mul3A_303, %add3A_304 : i32
          %get3A_306 = arith.index_cast %add3A_305 : i32 to index
          %get3A_307 = tpu.vector_load %arg15[%get3A_306] {strides = array<i32>} : memref<2048xf32, #tpu.memory_space<vmem>>, vector<16xf32>,
          %div3A_308 = arith.constant 1.000000e+00 : f32
          %div3A_309 = vector.broadcast %div3A_308 : f32 to vector<16xf32>
          %div3A_310 = arith.divf %div3A_309, %get3A_307 : vector<16xf32>
          %sub3A_311 = arith.subf %gather3A_301, %gather3A_300 : vector<16xf32>
          %mul3A_312 = arith.mulf %sub3A_311, %div3A_310 : vector<16xf32>
          %swap3A_313 = arith.index_cast %scan3A_186 : i32 to index
          %swap3A_314 = arith.constant 80 : index
          %swap3A_315 = tpu.vector_load %arg17[%swap3A_313, %swap3A_314] {strides = array<i32>} : memref<16x128xf32, #tpu.memory_space<vmem>>, vector<16xf32>,
          tpu.vector_store %arg17[%swap3A_313, %swap3A_314], %mul3A_312 {strides = array<i32>} : memref<16x128xf32, #tpu.memory_space<vmem>>, vector<16xf32>,
          %get3A_316 = arith.index_cast %scan3A_186 : i32 to index
          %get3A_317 = arith.constant 96 : index
          %get3A_318 = tpu.vector_load %arg11[%get3A_316, %get3A_317] {strides = array<i32>} : memref<16x128xi32, #tpu.memory_space<vmem>>, vector<16xi32>,
          %get3A_319 = arith.index_cast %scan3A_186 : i32 to index
          %get3A_320 = arith.constant 96 : index
          %get3A_321 = tpu.vector_load %arg13[%get3A_319, %get3A_320] {strides = array<i32>} : memref<16x128xi32, #tpu.memory_space<vmem>>, vector<16xi32>,
          %gather3A_322 = tpu.vector_load_idx %arg9[%get3A_318] : memref<100000xf32, #tpu.memory_space<vmem>>[vector<16xi32>], vector<16xf32>,
          %gather3A_323 = tpu.vector_load_idx %arg9[%get3A_321] : memref<100000xf32, #tpu.memory_space<vmem>>[vector<16xi32>], vector<16xf32>,
          %mul3A_324 = arith.constant 128 : i32
          %mul3A_325 = arith.muli %scan3A_186, %mul3A_324 : i32
          %add3A_326 = arith.constant 96 : i32
          %add3A_327 = arith.addi %mul3A_325, %add3A_326 : i32
          %get3A_328 = arith.index_cast %add3A_327 : i32 to index
          %get3A_329 = tpu.vector_load %arg15[%get3A_328] {strides = array<i32>} : memref<2048xf32, #tpu.memory_space<vmem>>, vector<16xf32>,
          %div3A_330 = arith.constant 1.000000e+00 : f32
          %div3A_331 = vector.broadcast %div3A_330 : f32 to vector<16xf32>
          %div3A_332 = arith.divf %div3A_331, %get3A_329 : vector<16xf32>
          %sub3A_333 = arith.subf %gather3A_323, %gather3A_322 : vector<16xf32>
          %mul3A_334 = arith.mulf %sub3A_333, %div3A_332 : vector<16xf32>
          %swap3A_335 = arith.index_cast %scan3A_186 : i32 to index
          %swap3A_336 = arith.constant 96 : index
          %swap3A_337 = tpu.vector_load %arg17[%swap3A_335, %swap3A_336] {strides = array<i32>} : memref<16x128xf32, #tpu.memory_space<vmem>>, vector<16xf32>,
          tpu.vector_store %arg17[%swap3A_335, %swap3A_336], %mul3A_334 {strides = array<i32>} : memref<16x128xf32, #tpu.memory_space<vmem>>, vector<16xf32>,
          %get3A_338 = arith.index_cast %scan3A_186 : i32 to index
          %get3A_339 = arith.constant 112 : index
          %get3A_340 = tpu.vector_load %arg11[%get3A_338, %get3A_339] {strides = array<i32>} : memref<16x128xi32, #tpu.memory_space<vmem>>, vector<16xi32>,
          %get3A_341 = arith.index_cast %scan3A_186 : i32 to index
          %get3A_342 = arith.constant 112 : index
          %get3A_343 = tpu.vector_load %arg13[%get3A_341, %get3A_342] {strides = array<i32>} : memref<16x128xi32, #tpu.memory_space<vmem>>, vector<16xi32>,
          %gather3A_344 = tpu.vector_load_idx %arg9[%get3A_340] : memref<100000xf32, #tpu.memory_space<vmem>>[vector<16xi32>], vector<16xf32>,
          %gather3A_345 = tpu.vector_load_idx %arg9[%get3A_343] : memref<100000xf32, #tpu.memory_space<vmem>>[vector<16xi32>], vector<16xf32>,
          %mul3A_346 = arith.constant 128 : i32
          %mul3A_347 = arith.muli %scan3A_186, %mul3A_346 : i32
          %add3A_348 = arith.constant 112 : i32
          %add3A_349 = arith.addi %mul3A_347, %add3A_348 : i32
          %get3A_350 = arith.index_cast %add3A_349 : i32 to index
          %get3A_351 = tpu.vector_load %arg15[%get3A_350] {strides = array<i32>} : memref<2048xf32, #tpu.memory_space<vmem>>, vector<16xf32>,
          %div3A_352 = arith.constant 1.000000e+00 : f32
          %div3A_353 = vector.broadcast %div3A_352 : f32 to vector<16xf32>
          %div3A_354 = arith.divf %div3A_353, %get3A_351 : vector<16xf32>
          %sub3A_355 = arith.subf %gather3A_345, %gather3A_344 : vector<16xf32>
          %mul3A_356 = arith.mulf %sub3A_355, %div3A_354 : vector<16xf32>
          %swap3A_357 = arith.index_cast %scan3A_186 : i32 to index
          %swap3A_358 = arith.constant 112 : index
          %swap3A_359 = tpu.vector_load %arg17[%swap3A_357, %swap3A_358] {strides = array<i32>} : memref<16x128xf32, #tpu.memory_space<vmem>>, vector<16xf32>,
          tpu.vector_store %arg17[%swap3A_357, %swap3A_358], %mul3A_356 {strides = array<i32>} : memref<16x128xf32, #tpu.memory_space<vmem>>, vector<16xf32>,
          %scan3A_360 = arith.constant 0 : i32
          scf.yield %scan3A_360 : i32
        }
        %scan3A_185 = arith.constant 16 : i32
      } else {
      }
      %mul3A_147 = arith.constant 32 : i32
      %mul3A_148 = arith.muli %mul3A_147, %mul3A_81 : i32
      %add3A_149 = arith.addi %add3A, %mul3A_148 : i32
      %ge3A_150 = arith.constant 0 : i32
      %ge3A_151 = arith.cmpi sge, %mul3A_81, %ge3A_150 : i32
      %lt3A_152 = arith.constant 3125 : i32
      %lt3A_153 = arith.cmpi slt, %add3A_149, %lt3A_152 : i32
      %and3A_154 = arith.andi %ge3A_151, %lt3A_153 : i1
      %convert_element_type3A_155 = arith.extui %and3A_154 : i1 to i32
      %cond3A_156 = arith.constant 0 : i32
      %cond3A_157 = arith.cmpi ne, %convert_element_type3A_155, %cond3A_156 : i32
      scf.if %cond3A_157 {
        %scan3A_179 = arith.constant 0 : i32
        %scan3A_180 = arith.constant 0 : i32
        %scan3A_181 = arith.constant 16 : i32
        %scan3A_182 = arith.addi %scan3A_180, %scan3A_181 : i32
        %scan3A_183 = arith.constant 1 : i32
        %scan3A_184 = scf.for %scan3A_186 = %scan3A_180 to %scan3A_182 step %scan3A_183 iter_args(%scan3A_187 = %scan3A_179) -> (i32)  : i32 {
          %dma_wait3A = arith.constant 0 : i32
          %dma_wait3A_188 = tpu.memref_slice %arg16[%scan3A_186, %dma_wait3A] : memref<16x128xf32, #tpu.memory_space<vmem>> -> memref<1x128xf32, #tpu.memory_space<vmem>>
          %dma_wait3A_189 = tpu.memref_squeeze %dma_wait3A_188 : memref<1x128xf32, #tpu.memory_space<vmem>> -> memref<128xf32, #tpu.memory_space<vmem>>
          %dma_wait3A_190 = arith.constant 0 : i32
          %dma_wait3A_191 = tpu.memref_slice %arg12[%scan3A_186, %dma_wait3A_190] : memref<16x128xi32, #tpu.memory_space<vmem>> -> memref<1x128xi32, #tpu.memory_space<vmem>>
          %dma_wait3A_192 = tpu.memref_squeeze %dma_wait3A_191 : memref<1x128xi32, #tpu.memory_space<vmem>> -> memref<128xi32, #tpu.memory_space<vmem>>
          %dma_wait3A_193 = arith.constant 0 : i32
          %dma_wait3A_194 = tpu.memref_slice %arg7[%dma_wait3A_193] : memref<100352xf32, #tpu.memory_space<vmem_shared>> -> memref<100352xf32, #tpu.memory_space<vmem_shared>>
          tpu.wait_indirect_dma semaphore(%arg21 : memref<!tpu.dma_semaphore, #tpu.memory_space<semaphore_mem>>) src(%dma_wait3A_189 : memref<128xf32, #tpu.memory_space<vmem>>) dst(%dma_wait3A_194 : memref<100352xf32, #tpu.memory_space<vmem_shared>>)
          %dma_wait3A_195 = arith.constant 0 : i32
          %dma_wait3A_196 = tpu.memref_slice %arg18[%scan3A_186, %dma_wait3A_195] : memref<16x128xf32, #tpu.memory_space<vmem>> -> memref<1x128xf32, #tpu.memory_space<vmem>>
          %dma_wait3A_197 = tpu.memref_squeeze %dma_wait3A_196 : memref<1x128xf32, #tpu.memory_space<vmem>> -> memref<128xf32, #tpu.memory_space<vmem>>
          %dma_wait3A_198 = arith.constant 0 : i32
          %dma_wait3A_199 = tpu.memref_slice %arg12[%scan3A_186, %dma_wait3A_198] : memref<16x128xi32, #tpu.memory_space<vmem>> -> memref<1x128xi32, #tpu.memory_space<vmem>>
          %dma_wait3A_200 = tpu.memref_squeeze %dma_wait3A_199 : memref<1x128xi32, #tpu.memory_space<vmem>> -> memref<128xi32, #tpu.memory_space<vmem>>
          %dma_wait3A_201 = arith.constant 0 : i32
          %dma_wait3A_202 = tpu.memref_slice %arg8[%dma_wait3A_201] : memref<100352xf32, #tpu.memory_space<vmem_shared>> -> memref<100352xf32, #tpu.memory_space<vmem_shared>>
          tpu.wait_indirect_dma semaphore(%arg23 : memref<!tpu.dma_semaphore, #tpu.memory_space<semaphore_mem>>) src(%dma_wait3A_197 : memref<128xf32, #tpu.memory_space<vmem>>) dst(%dma_wait3A_202 : memref<100352xf32, #tpu.memory_space<vmem_shared>>)
          %scan3A_203 = arith.constant 0 : i32
          scf.yield %scan3A_203 : i32
        }
        %scan3A_185 = arith.constant 16 : i32
      } else {
      }
      %add3A_158 = arith.constant 2 : i32
      %add3A_159 = arith.addi %mul3A_81, %add3A_158 : i32
      %mul3A_160 = arith.constant 32 : i32
      %mul3A_161 = arith.muli %mul3A_160, %add3A_159 : i32
      %add3A_162 = arith.addi %add3A, %mul3A_161 : i32
      %lt3A_163 = arith.constant 3125 : i32
      %lt3A_164 = arith.cmpi slt, %add3A_162, %lt3A_163 : i32
      %convert_element_type3A_165 = arith.extui %lt3A_164 : i1 to i32
      %cond3A_166 = arith.constant 0 : i32
      %cond3A_167 = arith.cmpi ne, %convert_element_type3A_165, %cond3A_166 : i32
      scf.if %cond3A_167 {
        %mul3A_179 = arith.constant 2048 : i32
        %mul3A_180 = arith.muli %add3A_162, %mul3A_179 : i32
        %dma_start3A = arith.constant 0 : i32
        %dma_start3A_181 = arith.constant 0 : i32
        %dma_start3A_182 = arith.constant 0 : i32
        %dma_start3A_183 = tpu.memref_slice %arg3[%dma_start3A, %add3A_162, %dma_start3A_181, %dma_start3A_182] : memref<2x3125x16x128xi32, #tpu.memory_space<hbm>> -> memref<1x1x16x128xi32, #tpu.memory_space<hbm>>
        %dma_start3A_184 = tpu.memref_squeeze %dma_start3A_183 : memref<1x1x16x128xi32, #tpu.memory_space<hbm>> -> memref<16x128xi32, #tpu.memory_space<hbm>>
        %dma_start3A_185 = arith.constant 0 : i32
        %dma_start3A_186 = arith.constant 0 : i32
        %dma_start3A_187 = tpu.memref_slice %arg3[%dma_start3A, %add3A_162, %dma_start3A_185, %dma_start3A_186] : memref<2x3125x16x128xi32, #tpu.memory_space<hbm>> -> memref<1x1x16x128xi32, #tpu.memory_space<hbm>>
        %dma_start3A_188 = tpu.memref_squeeze %dma_start3A_187 : memref<1x1x16x128xi32, #tpu.memory_space<hbm>> -> memref<16x128xi32, #tpu.memory_space<hbm>>
        tpu.enqueue_dma source(%dma_start3A_188 : memref<16x128xi32, #tpu.memory_space<hbm>>) target(%arg10 : memref<16x128xi32, #tpu.memory_space<vmem>>) target_semaphore(%arg19 : memref<!tpu.dma_semaphore, #tpu.memory_space<semaphore_mem>>)
        %dma_start3A_189 = arith.constant 1 : i32
        %dma_start3A_190 = arith.constant 0 : i32
        %dma_start3A_191 = arith.constant 0 : i32
        %dma_start3A_192 = tpu.memref_slice %arg3[%dma_start3A_189, %add3A_162, %dma_start3A_190, %dma_start3A_191] : memref<2x3125x16x128xi32, #tpu.memory_space<hbm>> -> memref<1x1x16x128xi32, #tpu.memory_space<hbm>>
        %dma_start3A_193 = tpu.memref_squeeze %dma_start3A_192 : memref<1x1x16x128xi32, #tpu.memory_space<hbm>> -> memref<16x128xi32, #tpu.memory_space<hbm>>
        %dma_start3A_194 = arith.constant 0 : i32
        %dma_start3A_195 = arith.constant 0 : i32
        %dma_start3A_196 = tpu.memref_slice %arg3[%dma_start3A_189, %add3A_162, %dma_start3A_194, %dma_start3A_195] : memref<2x3125x16x128xi32, #tpu.memory_space<hbm>> -> memref<1x1x16x128xi32, #tpu.memory_space<hbm>>
        %dma_start3A_197 = tpu.memref_squeeze %dma_start3A_196 : memref<1x1x16x128xi32, #tpu.memory_space<hbm>> -> memref<16x128xi32, #tpu.memory_space<hbm>>
        tpu.enqueue_dma source(%dma_start3A_197 : memref<16x128xi32, #tpu.memory_space<hbm>>) target(%arg12 : memref<16x128xi32, #tpu.memory_space<vmem>>) target_semaphore(%arg19 : memref<!tpu.dma_semaphore, #tpu.memory_space<semaphore_mem>>)
        %dma_start3A_198 = tpu.memref_slice %arg4[%mul3A_180] : memref<6400000xf32, #tpu.memory_space<hbm>> -> memref<2048xf32, #tpu.memory_space<hbm>>
        %dma_start3A_199 = tpu.memref_slice %arg4[%mul3A_180] : memref<6400000xf32, #tpu.memory_space<hbm>> -> memref<2048xf32, #tpu.memory_space<hbm>>
        tpu.enqueue_dma source(%dma_start3A_199 : memref<2048xf32, #tpu.memory_space<hbm>>) target(%arg14 : memref<2048xf32, #tpu.memory_space<vmem>>) target_semaphore(%arg19 : memref<!tpu.dma_semaphore, #tpu.memory_space<semaphore_mem>>)
      } else {
      }
      %add3A_168 = arith.constant 1 : i32
      %add3A_169 = arith.addi %mul3A_81, %add3A_168 : i32
      %mul3A_170 = arith.constant 32 : i32
      %mul3A_171 = arith.muli %mul3A_170, %add3A_169 : i32
      %add3A_172 = arith.addi %add3A, %mul3A_171 : i32
      %lt3A_173 = arith.constant 3125 : i32
      %lt3A_174 = arith.cmpi slt, %add3A_172, %lt3A_173 : i32
      %convert_element_type3A_175 = arith.extui %lt3A_174 : i1 to i32
      %cond3A_176 = arith.constant 0 : i32
      %cond3A_177 = arith.cmpi ne, %convert_element_type3A_175, %cond3A_176 : i32
      scf.if %cond3A_177 {
        %scan3A_179 = arith.constant 0 : i32
        %scan3A_180 = arith.constant 0 : i32
        %scan3A_181 = arith.constant 16 : i32
        %scan3A_182 = arith.addi %scan3A_180, %scan3A_181 : i32
        %scan3A_183 = arith.constant 1 : i32
        %scan3A_184 = scf.for %scan3A_186 = %scan3A_180 to %scan3A_182 step %scan3A_183 iter_args(%scan3A_187 = %scan3A_179) -> (i32)  : i32 {
          %dma_start3A = arith.constant 0 : i32
          %dma_start3A_188 = tpu.memref_slice %arg17[%scan3A_186, %dma_start3A] : memref<16x128xf32, #tpu.memory_space<vmem>> -> memref<1x128xf32, #tpu.memory_space<vmem>>
          %dma_start3A_189 = tpu.memref_squeeze %dma_start3A_188 : memref<1x128xf32, #tpu.memory_space<vmem>> -> memref<128xf32, #tpu.memory_space<vmem>>
          %dma_start3A_190 = arith.constant 0 : i32
          %dma_start3A_191 = tpu.memref_slice %arg13[%scan3A_186, %dma_start3A_190] : memref<16x128xi32, #tpu.memory_space<vmem>> -> memref<1x128xi32, #tpu.memory_space<vmem>>
          %dma_start3A_192 = tpu.memref_squeeze %dma_start3A_191 : memref<1x128xi32, #tpu.memory_space<vmem>> -> memref<128xi32, #tpu.memory_space<vmem>>
          %dma_start3A_193 = arith.constant 0 : i32
          %dma_start3A_194 = tpu.memref_slice %arg7[%dma_start3A_193] : memref<100352xf32, #tpu.memory_space<vmem_shared>> -> memref<100352xf32, #tpu.memory_space<vmem_shared>>
          tpu.enqueue_indirect_dma source(%dma_start3A_189 : memref<128xf32, #tpu.memory_space<vmem>>) target(%dma_start3A_194 : memref<100352xf32, #tpu.memory_space<vmem_shared>>) offsets(%dma_start3A_192 : memref<128xi32, #tpu.memory_space<vmem>>) semaphore(%arg22 : memref<!tpu.dma_semaphore, #tpu.memory_space<semaphore_mem>>) {add = true}
          %dma_start3A_195 = arith.constant 0 : i32
          %dma_start3A_196 = tpu.memref_slice %arg18[%scan3A_186, %dma_start3A_195] : memref<16x128xf32, #tpu.memory_space<vmem>> -> memref<1x128xf32, #tpu.memory_space<vmem>>
          %dma_start3A_197 = tpu.memref_squeeze %dma_start3A_196 : memref<1x128xf32, #tpu.memory_space<vmem>> -> memref<128xf32, #tpu.memory_space<vmem>>
          %dma_start3A_198 = arith.constant 0 : i32
          %dma_start3A_199 = tpu.memref_slice %arg13[%scan3A_186, %dma_start3A_198] : memref<16x128xi32, #tpu.memory_space<vmem>> -> memref<1x128xi32, #tpu.memory_space<vmem>>
          %dma_start3A_200 = tpu.memref_squeeze %dma_start3A_199 : memref<1x128xi32, #tpu.memory_space<vmem>> -> memref<128xi32, #tpu.memory_space<vmem>>
          %dma_start3A_201 = arith.constant 0 : i32
          %dma_start3A_202 = tpu.memref_slice %arg8[%dma_start3A_201] : memref<100352xf32, #tpu.memory_space<vmem_shared>> -> memref<100352xf32, #tpu.memory_space<vmem_shared>>
          tpu.enqueue_indirect_dma source(%dma_start3A_197 : memref<128xf32, #tpu.memory_space<vmem>>) target(%dma_start3A_202 : memref<100352xf32, #tpu.memory_space<vmem_shared>>) offsets(%dma_start3A_200 : memref<128xi32, #tpu.memory_space<vmem>>) semaphore(%arg24 : memref<!tpu.dma_semaphore, #tpu.memory_space<semaphore_mem>>) {add = true}
          %scan3A_203 = arith.constant 0 : i32
          scf.yield %scan3A_203 : i32
        }
        %scan3A_185 = arith.constant 16 : i32
      } else {
      }
      %scan3A_178 = arith.constant 0 : i32
      scf.yield %scan3A_178 : i32
    }
    %scan3A_54 = arith.constant 49 : i32
    %add3A_55 = arith.constant 3104 : i32
    %add3A_56 = arith.addi %add3A, %add3A_55 : i32
    %lt3A_57 = arith.constant 3125 : i32
    %lt3A_58 = arith.cmpi slt, %add3A_56, %lt3A_57 : i32
    %and3A = arith.constant true
    %and3A_59 = arith.andi %and3A, %lt3A_58 : i1
    %convert_element_type3A_60 = arith.extui %and3A_59 : i1 to i32
    %cond3A_61 = arith.constant 0 : i32
    %cond3A_62 = arith.cmpi ne, %convert_element_type3A_60, %cond3A_61 : i32
    scf.if %cond3A_62 {
      %scan3A_78 = arith.constant 0 : i32
      %scan3A_79 = arith.constant 0 : i32
      %scan3A_80 = arith.constant 16 : i32
      %scan3A_81 = arith.addi %scan3A_79, %scan3A_80 : i32
      %scan3A_82 = arith.constant 1 : i32
      %scan3A_83 = scf.for %scan3A_85 = %scan3A_79 to %scan3A_81 step %scan3A_82 iter_args(%scan3A_86 = %scan3A_78) -> (i32)  : i32 {
        %dma_wait3A = arith.constant 0 : i32
        %dma_wait3A_87 = tpu.memref_slice %arg17[%scan3A_85, %dma_wait3A] : memref<16x128xf32, #tpu.memory_space<vmem>> -> memref<1x128xf32, #tpu.memory_space<vmem>>
        %dma_wait3A_88 = tpu.memref_squeeze %dma_wait3A_87 : memref<1x128xf32, #tpu.memory_space<vmem>> -> memref<128xf32, #tpu.memory_space<vmem>>
        %dma_wait3A_89 = arith.constant 0 : i32
        %dma_wait3A_90 = tpu.memref_slice %arg13[%scan3A_85, %dma_wait3A_89] : memref<16x128xi32, #tpu.memory_space<vmem>> -> memref<1x128xi32, #tpu.memory_space<vmem>>
        %dma_wait3A_91 = tpu.memref_squeeze %dma_wait3A_90 : memref<1x128xi32, #tpu.memory_space<vmem>> -> memref<128xi32, #tpu.memory_space<vmem>>
        %dma_wait3A_92 = arith.constant 0 : i32
        %dma_wait3A_93 = tpu.memref_slice %arg7[%dma_wait3A_92] : memref<100352xf32, #tpu.memory_space<vmem_shared>> -> memref<100352xf32, #tpu.memory_space<vmem_shared>>
        tpu.wait_indirect_dma semaphore(%arg22 : memref<!tpu.dma_semaphore, #tpu.memory_space<semaphore_mem>>) src(%dma_wait3A_88 : memref<128xf32, #tpu.memory_space<vmem>>) dst(%dma_wait3A_93 : memref<100352xf32, #tpu.memory_space<vmem_shared>>)
        %dma_wait3A_94 = arith.constant 0 : i32
        %dma_wait3A_95 = tpu.memref_slice %arg18[%scan3A_85, %dma_wait3A_94] : memref<16x128xf32, #tpu.memory_space<vmem>> -> memref<1x128xf32, #tpu.memory_space<vmem>>
        %dma_wait3A_96 = tpu.memref_squeeze %dma_wait3A_95 : memref<1x128xf32, #tpu.memory_space<vmem>> -> memref<128xf32, #tpu.memory_space<vmem>>
        %dma_wait3A_97 = arith.constant 0 : i32
        %dma_wait3A_98 = tpu.memref_slice %arg13[%scan3A_85, %dma_wait3A_97] : memref<16x128xi32, #tpu.memory_space<vmem>> -> memref<1x128xi32, #tpu.memory_space<vmem>>
        %dma_wait3A_99 = tpu.memref_squeeze %dma_wait3A_98 : memref<1x128xi32, #tpu.memory_space<vmem>> -> memref<128xi32, #tpu.memory_space<vmem>>
        %dma_wait3A_100 = arith.constant 0 : i32
        %dma_wait3A_101 = tpu.memref_slice %arg8[%dma_wait3A_100] : memref<100352xf32, #tpu.memory_space<vmem_shared>> -> memref<100352xf32, #tpu.memory_space<vmem_shared>>
        tpu.wait_indirect_dma semaphore(%arg24 : memref<!tpu.dma_semaphore, #tpu.memory_space<semaphore_mem>>) src(%dma_wait3A_96 : memref<128xf32, #tpu.memory_space<vmem>>) dst(%dma_wait3A_101 : memref<100352xf32, #tpu.memory_space<vmem_shared>>)
        %scan3A_102 = arith.constant 0 : i32
        scf.yield %scan3A_102 : i32
      }
      %scan3A_84 = arith.constant 16 : i32
    } else {
    }
    %barrier3A_63 = arith.constant 0 : index
    tpu.barrier barrier_id(%barrier3A_63)
    %mul3A_64 = arith.constant 6272 : i32
    %mul3A_65 = arith.muli %arg1, %mul3A_64 : i32
    "tpu.region"() ({
      %run_scoped3A = tpu.sem_alloc : memref<!tpu.dma_semaphore, #tpu.memory_space<semaphore_mem>>
      %dma_start3A = arith.constant 0 : i32
      %dma_start3A_78 = tpu.memref_slice %arg9[%dma_start3A] : memref<100000xf32, #tpu.memory_space<vmem>> -> memref<6272xf32, #tpu.memory_space<vmem>>
      %dma_start3A_79 = tpu.memref_slice %arg7[%mul3A_65] : memref<100352xf32, #tpu.memory_space<vmem_shared>> -> memref<6272xf32, #tpu.memory_space<vmem_shared>>
      %dma_start3A_80 = arith.constant 0 : i32
      %dma_start3A_81 = tpu.memref_slice %arg9[%dma_start3A_80] : memref<100000xf32, #tpu.memory_space<vmem>> -> memref<6272xf32, #tpu.memory_space<vmem>>
      %dma_start3A_82 = tpu.memref_slice %arg7[%mul3A_65] : memref<100352xf32, #tpu.memory_space<vmem_shared>> -> memref<6272xf32, #tpu.memory_space<vmem_shared>>
      tpu.enqueue_dma source(%dma_start3A_82 : memref<6272xf32, #tpu.memory_space<vmem_shared>>) target(%dma_start3A_81 : memref<6272xf32, #tpu.memory_space<vmem>>) target_semaphore(%run_scoped3A : memref<!tpu.dma_semaphore, #tpu.memory_space<semaphore_mem>>)
      %dma_wait3A = arith.constant 0 : i32
      %dma_wait3A_83 = tpu.memref_slice %arg9[%dma_wait3A] : memref<100000xf32, #tpu.memory_space<vmem>> -> memref<6272xf32, #tpu.memory_space<vmem>>
      %dma_wait3A_84 = tpu.memref_slice %arg7[%mul3A_65] : memref<100352xf32, #tpu.memory_space<vmem_shared>> -> memref<6272xf32, #tpu.memory_space<vmem_shared>>
      %dma_wait3A_85 = arith.constant 0 : i32
      %dma_wait3A_86 = tpu.memref_slice %arg9[%dma_wait3A_85] : memref<100000xf32, #tpu.memory_space<vmem>> -> memref<6272xf32, #tpu.memory_space<vmem>>
      %dma_wait3A_87 = tpu.memref_slice %arg7[%mul3A_65] : memref<100352xf32, #tpu.memory_space<vmem_shared>> -> memref<6272xf32, #tpu.memory_space<vmem_shared>>
      tpu.wait_dma2 semaphore(%run_scoped3A : memref<!tpu.dma_semaphore, #tpu.memory_space<semaphore_mem>>) src(%dma_wait3A_87 : memref<6272xf32, #tpu.memory_space<vmem_shared>>) dst(%dma_wait3A_86 : memref<6272xf32, #tpu.memory_space<vmem>>)
      tpu.yield
    }) : () -> ()
    %mul3A_66 = arith.constant 100352 : i32
    %mul3A_67 = arith.muli %arg0, %mul3A_66 : i32
    %mul3A_68 = arith.constant 6272 : i32
    %mul3A_69 = arith.muli %arg1, %mul3A_68 : i32
    %add3A_70 = arith.addi %mul3A_67, %mul3A_69 : i32
    "tpu.region"() ({
      %run_scoped3A = tpu.sem_alloc : memref<!tpu.dma_semaphore, #tpu.memory_space<semaphore_mem>>
      %dma_start3A = arith.constant 0 : i32
      %dma_start3A_78 = tpu.memref_slice %arg9[%dma_start3A] : memref<100000xf32, #tpu.memory_space<vmem>> -> memref<6272xf32, #tpu.memory_space<vmem>>
      %dma_start3A_79 = tpu.memref_slice %arg5[%add3A_70] : memref<200704xf32, #tpu.memory_space<hbm>> -> memref<6272xf32, #tpu.memory_space<hbm>>
      %dma_start3A_80 = tpu.memref_slice %arg5[%add3A_70] : memref<200704xf32, #tpu.memory_space<hbm>> -> memref<6272xf32, #tpu.memory_space<hbm>>
      %dma_start3A_81 = arith.constant 0 : i32
      %dma_start3A_82 = tpu.memref_slice %arg9[%dma_start3A_81] : memref<100000xf32, #tpu.memory_space<vmem>> -> memref<6272xf32, #tpu.memory_space<vmem>>
      tpu.enqueue_dma source(%dma_start3A_82 : memref<6272xf32, #tpu.memory_space<vmem>>) target(%dma_start3A_80 : memref<6272xf32, #tpu.memory_space<hbm>>) target_semaphore(%run_scoped3A : memref<!tpu.dma_semaphore, #tpu.memory_space<semaphore_mem>>)
      %dma_wait3A = arith.constant 0 : i32
      %dma_wait3A_83 = tpu.memref_slice %arg9[%dma_wait3A] : memref<100000xf32, #tpu.memory_space<vmem>> -> memref<6272xf32, #tpu.memory_space<vmem>>
      %dma_wait3A_84 = tpu.memref_slice %arg5[%add3A_70] : memref<200704xf32, #tpu.memory_space<hbm>> -> memref<6272xf32, #tpu.memory_space<hbm>>
      %dma_wait3A_85 = tpu.memref_slice %arg5[%add3A_70] : memref<200704xf32, #tpu.memory_space<hbm>> -> memref<6272xf32, #tpu.memory_space<hbm>>
      %dma_wait3A_86 = arith.constant 0 : i32
      %dma_wait3A_87 = tpu.memref_slice %arg9[%dma_wait3A_86] : memref<100000xf32, #tpu.memory_space<vmem>> -> memref<6272xf32, #tpu.memory_space<vmem>>
      tpu.wait_dma2 semaphore(%run_scoped3A : memref<!tpu.dma_semaphore, #tpu.memory_space<semaphore_mem>>) src(%dma_wait3A_87 : memref<6272xf32, #tpu.memory_space<vmem>>) dst(%dma_wait3A_85 : memref<6272xf32, #tpu.memory_space<hbm>>)
      tpu.yield
    }) : () -> ()
    %mul3A_71 = arith.constant 6272 : i32
    %mul3A_72 = arith.muli %arg1, %mul3A_71 : i32
    "tpu.region"() ({
      %run_scoped3A = tpu.sem_alloc : memref<!tpu.dma_semaphore, #tpu.memory_space<semaphore_mem>>
      %dma_start3A = arith.constant 0 : i32
      %dma_start3A_78 = tpu.memref_slice %arg9[%dma_start3A] : memref<100000xf32, #tpu.memory_space<vmem>> -> memref<6272xf32, #tpu.memory_space<vmem>>
      %dma_start3A_79 = tpu.memref_slice %arg8[%mul3A_72] : memref<100352xf32, #tpu.memory_space<vmem_shared>> -> memref<6272xf32, #tpu.memory_space<vmem_shared>>
      %dma_start3A_80 = arith.constant 0 : i32
      %dma_start3A_81 = tpu.memref_slice %arg9[%dma_start3A_80] : memref<100000xf32, #tpu.memory_space<vmem>> -> memref<6272xf32, #tpu.memory_space<vmem>>
      %dma_start3A_82 = tpu.memref_slice %arg8[%mul3A_72] : memref<100352xf32, #tpu.memory_space<vmem_shared>> -> memref<6272xf32, #tpu.memory_space<vmem_shared>>
      tpu.enqueue_dma source(%dma_start3A_82 : memref<6272xf32, #tpu.memory_space<vmem_shared>>) target(%dma_start3A_81 : memref<6272xf32, #tpu.memory_space<vmem>>) target_semaphore(%run_scoped3A : memref<!tpu.dma_semaphore, #tpu.memory_space<semaphore_mem>>)
      %dma_wait3A = arith.constant 0 : i32
      %dma_wait3A_83 = tpu.memref_slice %arg9[%dma_wait3A] : memref<100000xf32, #tpu.memory_space<vmem>> -> memref<6272xf32, #tpu.memory_space<vmem>>
      %dma_wait3A_84 = tpu.memref_slice %arg8[%mul3A_72] : memref<100352xf32, #tpu.memory_space<vmem_shared>> -> memref<6272xf32, #tpu.memory_space<vmem_shared>>
      %dma_wait3A_85 = arith.constant 0 : i32
      %dma_wait3A_86 = tpu.memref_slice %arg9[%dma_wait3A_85] : memref<100000xf32, #tpu.memory_space<vmem>> -> memref<6272xf32, #tpu.memory_space<vmem>>
      %dma_wait3A_87 = tpu.memref_slice %arg8[%mul3A_72] : memref<100352xf32, #tpu.memory_space<vmem_shared>> -> memref<6272xf32, #tpu.memory_space<vmem_shared>>
      tpu.wait_dma2 semaphore(%run_scoped3A : memref<!tpu.dma_semaphore, #tpu.memory_space<semaphore_mem>>) src(%dma_wait3A_87 : memref<6272xf32, #tpu.memory_space<vmem_shared>>) dst(%dma_wait3A_86 : memref<6272xf32, #tpu.memory_space<vmem>>)
      tpu.yield
    }) : () -> ()
    %mul3A_73 = arith.constant 100352 : i32
    %mul3A_74 = arith.muli %arg0, %mul3A_73 : i32
    %mul3A_75 = arith.constant 6272 : i32
    %mul3A_76 = arith.muli %arg1, %mul3A_75 : i32
    %add3A_77 = arith.addi %mul3A_74, %mul3A_76 : i32
    "tpu.region"() ({
      %run_scoped3A = tpu.sem_alloc : memref<!tpu.dma_semaphore, #tpu.memory_space<semaphore_mem>>
      %dma_start3A = arith.constant 0 : i32
      %dma_start3A_78 = tpu.memref_slice %arg9[%dma_start3A] : memref<100000xf32, #tpu.memory_space<vmem>> -> memref<6272xf32, #tpu.memory_space<vmem>>
      %dma_start3A_79 = tpu.memref_slice %arg6[%add3A_77] : memref<200704xf32, #tpu.memory_space<hbm>> -> memref<6272xf32, #tpu.memory_space<hbm>>
      %dma_start3A_80 = tpu.memref_slice %arg6[%add3A_77] : memref<200704xf32, #tpu.memory_space<hbm>> -> memref<6272xf32, #tpu.memory_space<hbm>>
      %dma_start3A_81 = arith.constant 0 : i32
      %dma_start3A_82 = tpu.memref_slice %arg9[%dma_start3A_81] : memref<100000xf32, #tpu.memory_space<vmem>> -> memref<6272xf32, #tpu.memory_space<vmem>>
      tpu.enqueue_dma source(%dma_start3A_82 : memref<6272xf32, #tpu.memory_space<vmem>>) target(%dma_start3A_80 : memref<6272xf32, #tpu.memory_space<hbm>>) target_semaphore(%run_scoped3A : memref<!tpu.dma_semaphore, #tpu.memory_space<semaphore_mem>>)
      %dma_wait3A = arith.constant 0 : i32
      %dma_wait3A_83 = tpu.memref_slice %arg9[%dma_wait3A] : memref<100000xf32, #tpu.memory_space<vmem>> -> memref<6272xf32, #tpu.memory_space<vmem>>
      %dma_wait3A_84 = tpu.memref_slice %arg6[%add3A_77] : memref<200704xf32, #tpu.memory_space<hbm>> -> memref<6272xf32, #tpu.memory_space<hbm>>
      %dma_wait3A_85 = tpu.memref_slice %arg6[%add3A_77] : memref<200704xf32, #tpu.memory_space<hbm>> -> memref<6272xf32, #tpu.memory_space<hbm>>
      %dma_wait3A_86 = arith.constant 0 : i32
      %dma_wait3A_87 = tpu.memref_slice %arg9[%dma_wait3A_86] : memref<100000xf32, #tpu.memory_space<vmem>> -> memref<6272xf32, #tpu.memory_space<vmem>>
      tpu.wait_dma2 semaphore(%run_scoped3A : memref<!tpu.dma_semaphore, #tpu.memory_space<semaphore_mem>>) src(%dma_wait3A_87 : memref<6272xf32, #tpu.memory_space<vmem>>) dst(%dma_wait3A_85 : memref<6272xf32, #tpu.memory_space<hbm>>)
      tpu.yield
    }) : () -> ()
    return
  }
}

#map = affine_map<(d0, d1) -> (0)>
#map1 = affine_map<(d0, d1) -> (0, 0, 0, 0)>
module attributes {stable_mosaic.version = 14 : i64} {
  func.func @body(%arg0: i32, %arg1: i32, %arg2: memref<100352xf32, #tpu.memory_space<hbm>>, %arg3: memref<2x3125x16x128xi32, #tpu.memory_space<hbm>>, %arg4: memref<6400000xf32, #tpu.memory_space<hbm>>, %arg5: memref<200704xf32, #tpu.memory_space<hbm>>, %arg6: memref<100352xf32, #tpu.memory_space<vmem_shared>>, %arg7: memref<100000xf32, #tpu.memory_space<vmem>>, %arg8: memref<16x128xi32, #tpu.memory_space<vmem>>, %arg9: memref<16x128xi32, #tpu.memory_space<vmem>>, %arg10: memref<16x128xi32, #tpu.memory_space<vmem>>, %arg11: memref<16x128xi32, #tpu.memory_space<vmem>>, %arg12: memref<2048xf32, #tpu.memory_space<vmem>>, %arg13: memref<2048xf32, #tpu.memory_space<vmem>>, %arg14: memref<16x128xf32, #tpu.memory_space<vmem>>, %arg15: memref<16x128xf32, #tpu.memory_space<vmem>>, %arg16: memref<!tpu.dma_semaphore, #tpu.memory_space<semaphore_mem>>, %arg17: memref<!tpu.dma_semaphore, #tpu.memory_space<semaphore_mem>>, %arg18: memref<!tpu.dma_semaphore, #tpu.memory_space<semaphore_mem>>, %arg19: memref<!tpu.dma_semaphore, #tpu.memory_space<semaphore_mem>>) attributes {dimension_semantics = [#tpu.dimension_semantics<core_parallel>, #tpu.dimension_semantics<subcore_parallel>], iteration_bounds = array<i64: 2, 16>, scalar_prefetch = 0 : i64, scratch_operands = 14 : i64, tpu.core_type = #tpu.core_type<sc_vector_subcore>, window_params = [{transform_indices = #map}, {transform_indices = #map1}, {transform_indices = #map}, {transform_indices = #map}]} {
    %mul3A = arith.constant 16 : i32
    %mul3A_0 = arith.muli %arg0, %mul3A : i32
    %add3A = arith.addi %mul3A_0, %arg1 : i32
    %eq3A = arith.constant 0 : i32
    %eq3A_1 = arith.cmpi eq, %arg1, %eq3A : i32
    %convert_element_type3A = arith.extui %eq3A_1 : i1 to i32
    %cond3A = arith.constant 0 : i32
    %cond3A_2 = arith.cmpi ne, %convert_element_type3A, %cond3A : i32
    scf.if %cond3A_2 {
      "tpu.region"() ({
        %run_scoped3A = tpu.sem_alloc : memref<!tpu.dma_semaphore, #tpu.memory_space<semaphore_mem>>
        %dma_start3A = arith.constant 0 : i32
        %dma_start3A_54 = tpu.memref_slice %arg7[%dma_start3A] : memref<100000xf32, #tpu.memory_space<vmem>> -> memref<100000xf32, #tpu.memory_space<vmem>>
        %dma_start3A_55 = arith.constant 0 : i32
        %dma_start3A_56 = tpu.memref_slice %arg2[%dma_start3A_55] : memref<100352xf32, #tpu.memory_space<hbm>> -> memref<100000xf32, #tpu.memory_space<hbm>>
        %dma_start3A_57 = arith.constant 0 : i32
        %dma_start3A_58 = tpu.memref_slice %arg7[%dma_start3A_57] : memref<100000xf32, #tpu.memory_space<vmem>> -> memref<100000xf32, #tpu.memory_space<vmem>>
        %dma_start3A_59 = arith.constant 0 : i32
        %dma_start3A_60 = tpu.memref_slice %arg2[%dma_start3A_59] : memref<100352xf32, #tpu.memory_space<hbm>> -> memref<100000xf32, #tpu.memory_space<hbm>>
        tpu.enqueue_dma source(%dma_start3A_60 : memref<100000xf32, #tpu.memory_space<hbm>>) target(%dma_start3A_58 : memref<100000xf32, #tpu.memory_space<vmem>>) target_semaphore(%run_scoped3A : memref<!tpu.dma_semaphore, #tpu.memory_space<semaphore_mem>>)
        %dma_wait3A = arith.constant 0 : i32
        %dma_wait3A_61 = tpu.memref_slice %arg7[%dma_wait3A] : memref<100000xf32, #tpu.memory_space<vmem>> -> memref<100000xf32, #tpu.memory_space<vmem>>
        %dma_wait3A_62 = arith.constant 0 : i32
        %dma_wait3A_63 = tpu.memref_slice %arg2[%dma_wait3A_62] : memref<100352xf32, #tpu.memory_space<hbm>> -> memref<100000xf32, #tpu.memory_space<hbm>>
        %dma_wait3A_64 = arith.constant 0 : i32
        %dma_wait3A_65 = tpu.memref_slice %arg7[%dma_wait3A_64] : memref<100000xf32, #tpu.memory_space<vmem>> -> memref<100000xf32, #tpu.memory_space<vmem>>
        %dma_wait3A_66 = arith.constant 0 : i32
        %dma_wait3A_67 = tpu.memref_slice %arg2[%dma_wait3A_66] : memref<100352xf32, #tpu.memory_space<hbm>> -> memref<100000xf32, #tpu.memory_space<hbm>>
        tpu.wait_dma2 semaphore(%run_scoped3A : memref<!tpu.dma_semaphore, #tpu.memory_space<semaphore_mem>>) src(%dma_wait3A_67 : memref<100000xf32, #tpu.memory_space<hbm>>) dst(%dma_wait3A_65 : memref<100000xf32, #tpu.memory_space<vmem>>)
        tpu.yield
      }) : () -> ()
      "tpu.region"() ({
        %run_scoped3A = tpu.sem_alloc : memref<!tpu.dma_semaphore, #tpu.memory_space<semaphore_mem>>
        %dma_start3A = arith.constant 0 : i32
        %dma_start3A_54 = tpu.memref_slice %arg7[%dma_start3A] : memref<100000xf32, #tpu.memory_space<vmem>> -> memref<100000xf32, #tpu.memory_space<vmem>>
        %dma_start3A_55 = arith.constant 0 : i32
        %dma_start3A_56 = tpu.memref_slice %arg6[%dma_start3A_55] : memref<100352xf32, #tpu.memory_space<vmem_shared>> -> memref<100000xf32, #tpu.memory_space<vmem_shared>>
        %dma_start3A_57 = arith.constant 0 : i32
        %dma_start3A_58 = tpu.memref_slice %arg6[%dma_start3A_57] : memref<100352xf32, #tpu.memory_space<vmem_shared>> -> memref<100000xf32, #tpu.memory_space<vmem_shared>>
        %dma_start3A_59 = arith.constant 0 : i32
        %dma_start3A_60 = tpu.memref_slice %arg7[%dma_start3A_59] : memref<100000xf32, #tpu.memory_space<vmem>> -> memref<100000xf32, #tpu.memory_space<vmem>>
        tpu.enqueue_dma source(%dma_start3A_60 : memref<100000xf32, #tpu.memory_space<vmem>>) target(%dma_start3A_58 : memref<100000xf32, #tpu.memory_space<vmem_shared>>) target_semaphore(%run_scoped3A : memref<!tpu.dma_semaphore, #tpu.memory_space<semaphore_mem>>)
        %dma_wait3A = arith.constant 0 : i32
        %dma_wait3A_61 = tpu.memref_slice %arg7[%dma_wait3A] : memref<100000xf32, #tpu.memory_space<vmem>> -> memref<100000xf32, #tpu.memory_space<vmem>>
        %dma_wait3A_62 = arith.constant 0 : i32
        %dma_wait3A_63 = tpu.memref_slice %arg6[%dma_wait3A_62] : memref<100352xf32, #tpu.memory_space<vmem_shared>> -> memref<100000xf32, #tpu.memory_space<vmem_shared>>
        %dma_wait3A_64 = arith.constant 0 : i32
        %dma_wait3A_65 = tpu.memref_slice %arg6[%dma_wait3A_64] : memref<100352xf32, #tpu.memory_space<vmem_shared>> -> memref<100000xf32, #tpu.memory_space<vmem_shared>>
        %dma_wait3A_66 = arith.constant 0 : i32
        %dma_wait3A_67 = tpu.memref_slice %arg7[%dma_wait3A_66] : memref<100000xf32, #tpu.memory_space<vmem>> -> memref<100000xf32, #tpu.memory_space<vmem>>
        tpu.wait_dma2 semaphore(%run_scoped3A : memref<!tpu.dma_semaphore, #tpu.memory_space<semaphore_mem>>) src(%dma_wait3A_67 : memref<100000xf32, #tpu.memory_space<vmem>>) dst(%dma_wait3A_65 : memref<100000xf32, #tpu.memory_space<vmem_shared>>)
        tpu.yield
      }) : () -> ()
    } else {
    }
    %barrier3A = arith.constant 0 : index
    tpu.barrier barrier_id(%barrier3A)
    %ne3A = arith.constant 0 : i32
    %ne3A_3 = arith.cmpi ne, %arg1, %ne3A : i32
    %convert_element_type3A_4 = arith.extui %ne3A_3 : i1 to i32
    %cond3A_5 = arith.constant 0 : i32
    %cond3A_6 = arith.cmpi ne, %convert_element_type3A_4, %cond3A_5 : i32
    scf.if %cond3A_6 {
      "tpu.region"() ({
        %run_scoped3A = tpu.sem_alloc : memref<!tpu.dma_semaphore, #tpu.memory_space<semaphore_mem>>
        %dma_start3A = arith.constant 0 : i32
        %dma_start3A_54 = tpu.memref_slice %arg7[%dma_start3A] : memref<100000xf32, #tpu.memory_space<vmem>> -> memref<100000xf32, #tpu.memory_space<vmem>>
        %dma_start3A_55 = arith.constant 0 : i32
        %dma_start3A_56 = tpu.memref_slice %arg6[%dma_start3A_55] : memref<100352xf32, #tpu.memory_space<vmem_shared>> -> memref<100000xf32, #tpu.memory_space<vmem_shared>>
        %dma_start3A_57 = arith.constant 0 : i32
        %dma_start3A_58 = tpu.memref_slice %arg7[%dma_start3A_57] : memref<100000xf32, #tpu.memory_space<vmem>> -> memref<100000xf32, #tpu.memory_space<vmem>>
        %dma_start3A_59 = arith.constant 0 : i32
        %dma_start3A_60 = tpu.memref_slice %arg6[%dma_start3A_59] : memref<100352xf32, #tpu.memory_space<vmem_shared>> -> memref<100000xf32, #tpu.memory_space<vmem_shared>>
        tpu.enqueue_dma source(%dma_start3A_60 : memref<100000xf32, #tpu.memory_space<vmem_shared>>) target(%dma_start3A_58 : memref<100000xf32, #tpu.memory_space<vmem>>) target_semaphore(%run_scoped3A : memref<!tpu.dma_semaphore, #tpu.memory_space<semaphore_mem>>)
        %dma_wait3A = arith.constant 0 : i32
        %dma_wait3A_61 = tpu.memref_slice %arg7[%dma_wait3A] : memref<100000xf32, #tpu.memory_space<vmem>> -> memref<100000xf32, #tpu.memory_space<vmem>>
        %dma_wait3A_62 = arith.constant 0 : i32
        %dma_wait3A_63 = tpu.memref_slice %arg6[%dma_wait3A_62] : memref<100352xf32, #tpu.memory_space<vmem_shared>> -> memref<100000xf32, #tpu.memory_space<vmem_shared>>
        %dma_wait3A_64 = arith.constant 0 : i32
        %dma_wait3A_65 = tpu.memref_slice %arg7[%dma_wait3A_64] : memref<100000xf32, #tpu.memory_space<vmem>> -> memref<100000xf32, #tpu.memory_space<vmem>>
        %dma_wait3A_66 = arith.constant 0 : i32
        %dma_wait3A_67 = tpu.memref_slice %arg6[%dma_wait3A_66] : memref<100352xf32, #tpu.memory_space<vmem_shared>> -> memref<100000xf32, #tpu.memory_space<vmem_shared>>
        tpu.wait_dma2 semaphore(%run_scoped3A : memref<!tpu.dma_semaphore, #tpu.memory_space<semaphore_mem>>) src(%dma_wait3A_67 : memref<100000xf32, #tpu.memory_space<vmem_shared>>) dst(%dma_wait3A_65 : memref<100000xf32, #tpu.memory_space<vmem>>)
        tpu.yield
      }) : () -> ()
    } else {
    }
    %barrier3A_7 = arith.constant 0 : index
    tpu.barrier barrier_id(%barrier3A_7)
    %scan3A = arith.constant 0 : i32
    %scan3A_8 = arith.constant 0 : i32
    %scan3A_9 = arith.constant 128 : i32
    %scan3A_10 = arith.addi %scan3A_8, %scan3A_9 : i32
    %scan3A_11 = arith.constant 1 : i32
    %scan3A_12 = scf.for %scan3A_54 = %scan3A_8 to %scan3A_10 step %scan3A_11 iter_args(%scan3A_55 = %scan3A) -> (i32)  : i32 {
      %broadcast_in_dim3A = arith.constant 0.000000e+00 : f32
      %broadcast_in_dim3A_56 = vector.broadcast %broadcast_in_dim3A : f32 to vector<16xf32>
      %mul3A_57 = arith.constant 16 : i32
      %mul3A_58 = arith.muli %scan3A_54, %mul3A_57 : i32
      %add3A_59 = arith.constant 0 : i32
      %add3A_60 = arith.addi %add3A_59, %mul3A_58 : i32
      %swap3A = arith.index_cast %add3A_60 : i32 to index
      %swap3A_61 = tpu.vector_load %arg12[%swap3A] {strides = array<i32>} : memref<2048xf32, #tpu.memory_space<vmem>>, vector<16xf32>,
      tpu.vector_store %arg12[%swap3A], %broadcast_in_dim3A_56 {strides = array<i32>} : memref<2048xf32, #tpu.memory_space<vmem>>, vector<16xf32>,
      %scan3A_62 = arith.constant 0 : i32
      scf.yield %scan3A_62 : i32
    }
    %scan3A_13 = arith.constant 128 : i32
    %mul3A_14 = arith.constant 6272 : i32
    %mul3A_15 = arith.muli %arg1, %mul3A_14 : i32
    %add3A_16 = arith.constant 0 : i32
    %add3A_17 = arith.addi %mul3A_15, %add3A_16 : i32
    "tpu.region"() ({
      %run_scoped3A = tpu.sem_alloc : memref<!tpu.dma_semaphore, #tpu.memory_space<semaphore_mem>>
      %dma_start3A = arith.constant 0 : i32
      %dma_start3A_54 = tpu.memref_slice %arg12[%dma_start3A] : memref<2048xf32, #tpu.memory_space<vmem>> -> memref<2048xf32, #tpu.memory_space<vmem>>
      %dma_start3A_55 = tpu.memref_slice %arg6[%add3A_17] : memref<100352xf32, #tpu.memory_space<vmem_shared>> -> memref<2048xf32, #tpu.memory_space<vmem_shared>>
      %dma_start3A_56 = tpu.memref_slice %arg6[%add3A_17] : memref<100352xf32, #tpu.memory_space<vmem_shared>> -> memref<2048xf32, #tpu.memory_space<vmem_shared>>
      %dma_start3A_57 = arith.constant 0 : i32
      %dma_start3A_58 = tpu.memref_slice %arg12[%dma_start3A_57] : memref<2048xf32, #tpu.memory_space<vmem>> -> memref<2048xf32, #tpu.memory_space<vmem>>
      tpu.enqueue_dma source(%dma_start3A_58 : memref<2048xf32, #tpu.memory_space<vmem>>) target(%dma_start3A_56 : memref<2048xf32, #tpu.memory_space<vmem_shared>>) target_semaphore(%run_scoped3A : memref<!tpu.dma_semaphore, #tpu.memory_space<semaphore_mem>>)
      %dma_wait3A = arith.constant 0 : i32
      %dma_wait3A_59 = tpu.memref_slice %arg12[%dma_wait3A] : memref<2048xf32, #tpu.memory_space<vmem>> -> memref<2048xf32, #tpu.memory_space<vmem>>
      %dma_wait3A_60 = tpu.memref_slice %arg6[%add3A_17] : memref<100352xf32, #tpu.memory_space<vmem_shared>> -> memref<2048xf32, #tpu.memory_space<vmem_shared>>
      %dma_wait3A_61 = tpu.memref_slice %arg6[%add3A_17] : memref<100352xf32, #tpu.memory_space<vmem_shared>> -> memref<2048xf32, #tpu.memory_space<vmem_shared>>
      %dma_wait3A_62 = arith.constant 0 : i32
      %dma_wait3A_63 = tpu.memref_slice %arg12[%dma_wait3A_62] : memref<2048xf32, #tpu.memory_space<vmem>> -> memref<2048xf32, #tpu.memory_space<vmem>>
      tpu.wait_dma2 semaphore(%run_scoped3A : memref<!tpu.dma_semaphore, #tpu.memory_space<semaphore_mem>>) src(%dma_wait3A_63 : memref<2048xf32, #tpu.memory_space<vmem>>) dst(%dma_wait3A_61 : memref<2048xf32, #tpu.memory_space<vmem_shared>>)
      tpu.yield
    }) : () -> ()
    %add3A_18 = arith.constant 2048 : i32
    %add3A_19 = arith.addi %mul3A_15, %add3A_18 : i32
    "tpu.region"() ({
      %run_scoped3A = tpu.sem_alloc : memref<!tpu.dma_semaphore, #tpu.memory_space<semaphore_mem>>
      %dma_start3A = arith.constant 0 : i32
      %dma_start3A_54 = tpu.memref_slice %arg12[%dma_start3A] : memref<2048xf32, #tpu.memory_space<vmem>> -> memref<2048xf32, #tpu.memory_space<vmem>>
      %dma_start3A_55 = tpu.memref_slice %arg6[%add3A_19] : memref<100352xf32, #tpu.memory_space<vmem_shared>> -> memref<2048xf32, #tpu.memory_space<vmem_shared>>
      %dma_start3A_56 = tpu.memref_slice %arg6[%add3A_19] : memref<100352xf32, #tpu.memory_space<vmem_shared>> -> memref<2048xf32, #tpu.memory_space<vmem_shared>>
      %dma_start3A_57 = arith.constant 0 : i32
      %dma_start3A_58 = tpu.memref_slice %arg12[%dma_start3A_57] : memref<2048xf32, #tpu.memory_space<vmem>> -> memref<2048xf32, #tpu.memory_space<vmem>>
      tpu.enqueue_dma source(%dma_start3A_58 : memref<2048xf32, #tpu.memory_space<vmem>>) target(%dma_start3A_56 : memref<2048xf32, #tpu.memory_space<vmem_shared>>) target_semaphore(%run_scoped3A : memref<!tpu.dma_semaphore, #tpu.memory_space<semaphore_mem>>)
      %dma_wait3A = arith.constant 0 : i32
      %dma_wait3A_59 = tpu.memref_slice %arg12[%dma_wait3A] : memref<2048xf32, #tpu.memory_space<vmem>> -> memref<2048xf32, #tpu.memory_space<vmem>>
      %dma_wait3A_60 = tpu.memref_slice %arg6[%add3A_19] : memref<100352xf32, #tpu.memory_space<vmem_shared>> -> memref<2048xf32, #tpu.memory_space<vmem_shared>>
      %dma_wait3A_61 = tpu.memref_slice %arg6[%add3A_19] : memref<100352xf32, #tpu.memory_space<vmem_shared>> -> memref<2048xf32, #tpu.memory_space<vmem_shared>>
      %dma_wait3A_62 = arith.constant 0 : i32
      %dma_wait3A_63 = tpu.memref_slice %arg12[%dma_wait3A_62] : memref<2048xf32, #tpu.memory_space<vmem>> -> memref<2048xf32, #tpu.memory_space<vmem>>
      tpu.wait_dma2 semaphore(%run_scoped3A : memref<!tpu.dma_semaphore, #tpu.memory_space<semaphore_mem>>) src(%dma_wait3A_63 : memref<2048xf32, #tpu.memory_space<vmem>>) dst(%dma_wait3A_61 : memref<2048xf32, #tpu.memory_space<vmem_shared>>)
      tpu.yield
    }) : () -> ()
    %add3A_20 = arith.constant 4096 : i32
    %add3A_21 = arith.addi %mul3A_15, %add3A_20 : i32
    "tpu.region"() ({
      %run_scoped3A = tpu.sem_alloc : memref<!tpu.dma_semaphore, #tpu.memory_space<semaphore_mem>>
      %dma_start3A = arith.constant 0 : i32
      %dma_start3A_54 = tpu.memref_slice %arg12[%dma_start3A] : memref<2048xf32, #tpu.memory_space<vmem>> -> memref<2048xf32, #tpu.memory_space<vmem>>
      %dma_start3A_55 = tpu.memref_slice %arg6[%add3A_21] : memref<100352xf32, #tpu.memory_space<vmem_shared>> -> memref<2048xf32, #tpu.memory_space<vmem_shared>>
      %dma_start3A_56 = tpu.memref_slice %arg6[%add3A_21] : memref<100352xf32, #tpu.memory_space<vmem_shared>> -> memref<2048xf32, #tpu.memory_space<vmem_shared>>
      %dma_start3A_57 = arith.constant 0 : i32
      %dma_start3A_58 = tpu.memref_slice %arg12[%dma_start3A_57] : memref<2048xf32, #tpu.memory_space<vmem>> -> memref<2048xf32, #tpu.memory_space<vmem>>
      tpu.enqueue_dma source(%dma_start3A_58 : memref<2048xf32, #tpu.memory_space<vmem>>) target(%dma_start3A_56 : memref<2048xf32, #tpu.memory_space<vmem_shared>>) target_semaphore(%run_scoped3A : memref<!tpu.dma_semaphore, #tpu.memory_space<semaphore_mem>>)
      %dma_wait3A = arith.constant 0 : i32
      %dma_wait3A_59 = tpu.memref_slice %arg12[%dma_wait3A] : memref<2048xf32, #tpu.memory_space<vmem>> -> memref<2048xf32, #tpu.memory_space<vmem>>
      %dma_wait3A_60 = tpu.memref_slice %arg6[%add3A_21] : memref<100352xf32, #tpu.memory_space<vmem_shared>> -> memref<2048xf32, #tpu.memory_space<vmem_shared>>
      %dma_wait3A_61 = tpu.memref_slice %arg6[%add3A_21] : memref<100352xf32, #tpu.memory_space<vmem_shared>> -> memref<2048xf32, #tpu.memory_space<vmem_shared>>
      %dma_wait3A_62 = arith.constant 0 : i32
      %dma_wait3A_63 = tpu.memref_slice %arg12[%dma_wait3A_62] : memref<2048xf32, #tpu.memory_space<vmem>> -> memref<2048xf32, #tpu.memory_space<vmem>>
      tpu.wait_dma2 semaphore(%run_scoped3A : memref<!tpu.dma_semaphore, #tpu.memory_space<semaphore_mem>>) src(%dma_wait3A_63 : memref<2048xf32, #tpu.memory_space<vmem>>) dst(%dma_wait3A_61 : memref<2048xf32, #tpu.memory_space<vmem_shared>>)
      tpu.yield
    }) : () -> ()
    %add3A_22 = arith.constant 6144 : i32
    %add3A_23 = arith.addi %mul3A_15, %add3A_22 : i32
    "tpu.region"() ({
      %run_scoped3A = tpu.sem_alloc : memref<!tpu.dma_semaphore, #tpu.memory_space<semaphore_mem>>
      %dma_start3A = arith.constant 0 : i32
      %dma_start3A_54 = tpu.memref_slice %arg12[%dma_start3A] : memref<2048xf32, #tpu.memory_space<vmem>> -> memref<128xf32, #tpu.memory_space<vmem>>
      %dma_start3A_55 = tpu.memref_slice %arg6[%add3A_23] : memref<100352xf32, #tpu.memory_space<vmem_shared>> -> memref<128xf32, #tpu.memory_space<vmem_shared>>
      %dma_start3A_56 = tpu.memref_slice %arg6[%add3A_23] : memref<100352xf32, #tpu.memory_space<vmem_shared>> -> memref<128xf32, #tpu.memory_space<vmem_shared>>
      %dma_start3A_57 = arith.constant 0 : i32
      %dma_start3A_58 = tpu.memref_slice %arg12[%dma_start3A_57] : memref<2048xf32, #tpu.memory_space<vmem>> -> memref<128xf32, #tpu.memory_space<vmem>>
      tpu.enqueue_dma source(%dma_start3A_58 : memref<128xf32, #tpu.memory_space<vmem>>) target(%dma_start3A_56 : memref<128xf32, #tpu.memory_space<vmem_shared>>) target_semaphore(%run_scoped3A : memref<!tpu.dma_semaphore, #tpu.memory_space<semaphore_mem>>)
      %dma_wait3A = arith.constant 0 : i32
      %dma_wait3A_59 = tpu.memref_slice %arg12[%dma_wait3A] : memref<2048xf32, #tpu.memory_space<vmem>> -> memref<128xf32, #tpu.memory_space<vmem>>
      %dma_wait3A_60 = tpu.memref_slice %arg6[%add3A_23] : memref<100352xf32, #tpu.memory_space<vmem_shared>> -> memref<128xf32, #tpu.memory_space<vmem_shared>>
      %dma_wait3A_61 = tpu.memref_slice %arg6[%add3A_23] : memref<100352xf32, #tpu.memory_space<vmem_shared>> -> memref<128xf32, #tpu.memory_space<vmem_shared>>
      %dma_wait3A_62 = arith.constant 0 : i32
      %dma_wait3A_63 = tpu.memref_slice %arg12[%dma_wait3A_62] : memref<2048xf32, #tpu.memory_space<vmem>> -> memref<128xf32, #tpu.memory_space<vmem>>
      tpu.wait_dma2 semaphore(%run_scoped3A : memref<!tpu.dma_semaphore, #tpu.memory_space<semaphore_mem>>) src(%dma_wait3A_63 : memref<128xf32, #tpu.memory_space<vmem>>) dst(%dma_wait3A_61 : memref<128xf32, #tpu.memory_space<vmem_shared>>)
      tpu.yield
    }) : () -> ()
    %add3A_24 = arith.constant 0 : i32
    %add3A_25 = arith.addi %add3A, %add3A_24 : i32
    %lt3A = arith.constant 3125 : i32
    %lt3A_26 = arith.cmpi slt, %add3A_25, %lt3A : i32
    %convert_element_type3A_27 = arith.extui %lt3A_26 : i1 to i32
    %cond3A_28 = arith.constant 0 : i32
    %cond3A_29 = arith.cmpi ne, %convert_element_type3A_27, %cond3A_28 : i32
    scf.if %cond3A_29 {
      %mul3A_54 = arith.constant 2048 : i32
      %mul3A_55 = arith.muli %add3A_25, %mul3A_54 : i32
      %dma_start3A = arith.constant 0 : i32
      %dma_start3A_56 = arith.constant 0 : i32
      %dma_start3A_57 = arith.constant 0 : i32
      %dma_start3A_58 = tpu.memref_slice %arg3[%dma_start3A, %add3A_25, %dma_start3A_56, %dma_start3A_57] : memref<2x3125x16x128xi32, #tpu.memory_space<hbm>> -> memref<1x1x16x128xi32, #tpu.memory_space<hbm>>
      %dma_start3A_59 = tpu.memref_squeeze %dma_start3A_58 : memref<1x1x16x128xi32, #tpu.memory_space<hbm>> -> memref<16x128xi32, #tpu.memory_space<hbm>>
      %dma_start3A_60 = arith.constant 0 : i32
      %dma_start3A_61 = arith.constant 0 : i32
      %dma_start3A_62 = tpu.memref_slice %arg3[%dma_start3A, %add3A_25, %dma_start3A_60, %dma_start3A_61] : memref<2x3125x16x128xi32, #tpu.memory_space<hbm>> -> memref<1x1x16x128xi32, #tpu.memory_space<hbm>>
      %dma_start3A_63 = tpu.memref_squeeze %dma_start3A_62 : memref<1x1x16x128xi32, #tpu.memory_space<hbm>> -> memref<16x128xi32, #tpu.memory_space<hbm>>
      tpu.enqueue_dma source(%dma_start3A_63 : memref<16x128xi32, #tpu.memory_space<hbm>>) target(%arg8 : memref<16x128xi32, #tpu.memory_space<vmem>>) target_semaphore(%arg16 : memref<!tpu.dma_semaphore, #tpu.memory_space<semaphore_mem>>)
      %dma_start3A_64 = arith.constant 1 : i32
      %dma_start3A_65 = arith.constant 0 : i32
      %dma_start3A_66 = arith.constant 0 : i32
      %dma_start3A_67 = tpu.memref_slice %arg3[%dma_start3A_64, %add3A_25, %dma_start3A_65, %dma_start3A_66] : memref<2x3125x16x128xi32, #tpu.memory_space<hbm>> -> memref<1x1x16x128xi32, #tpu.memory_space<hbm>>
      %dma_start3A_68 = tpu.memref_squeeze %dma_start3A_67 : memref<1x1x16x128xi32, #tpu.memory_space<hbm>> -> memref<16x128xi32, #tpu.memory_space<hbm>>
      %dma_start3A_69 = arith.constant 0 : i32
      %dma_start3A_70 = arith.constant 0 : i32
      %dma_start3A_71 = tpu.memref_slice %arg3[%dma_start3A_64, %add3A_25, %dma_start3A_69, %dma_start3A_70] : memref<2x3125x16x128xi32, #tpu.memory_space<hbm>> -> memref<1x1x16x128xi32, #tpu.memory_space<hbm>>
      %dma_start3A_72 = tpu.memref_squeeze %dma_start3A_71 : memref<1x1x16x128xi32, #tpu.memory_space<hbm>> -> memref<16x128xi32, #tpu.memory_space<hbm>>
      tpu.enqueue_dma source(%dma_start3A_72 : memref<16x128xi32, #tpu.memory_space<hbm>>) target(%arg10 : memref<16x128xi32, #tpu.memory_space<vmem>>) target_semaphore(%arg16 : memref<!tpu.dma_semaphore, #tpu.memory_space<semaphore_mem>>)
      %dma_start3A_73 = tpu.memref_slice %arg4[%mul3A_55] : memref<6400000xf32, #tpu.memory_space<hbm>> -> memref<2048xf32, #tpu.memory_space<hbm>>
      %dma_start3A_74 = tpu.memref_slice %arg4[%mul3A_55] : memref<6400000xf32, #tpu.memory_space<hbm>> -> memref<2048xf32, #tpu.memory_space<hbm>>
      tpu.enqueue_dma source(%dma_start3A_74 : memref<2048xf32, #tpu.memory_space<hbm>>) target(%arg12 : memref<2048xf32, #tpu.memory_space<vmem>>) target_semaphore(%arg16 : memref<!tpu.dma_semaphore, #tpu.memory_space<semaphore_mem>>)
    } else {
    }
    %barrier3A_30 = arith.constant 0 : index
    tpu.barrier barrier_id(%barrier3A_30)
    %scan3A_31 = arith.constant 0 : i32
    %scan3A_32 = arith.constant 0 : i32
    %scan3A_33 = arith.constant 49 : i32
    %scan3A_34 = arith.addi %scan3A_32, %scan3A_33 : i32
    %scan3A_35 = arith.constant 1 : i32
    %scan3A_36 = scf.for %scan3A_54 = %scan3A_32 to %scan3A_34 step %scan3A_35 iter_args(%scan3A_55 = %scan3A_31) -> (i32)  : i32 {
      %mul3A_56 = arith.constant 2 : i32
      %mul3A_57 = arith.muli %mul3A_56, %scan3A_54 : i32
      %mul3A_58 = arith.constant 32 : i32
      %mul3A_59 = arith.muli %mul3A_58, %mul3A_57 : i32
      %add3A_60 = arith.addi %add3A, %mul3A_59 : i32
      %lt3A_61 = arith.constant 3125 : i32
      %lt3A_62 = arith.cmpi slt, %add3A_60, %lt3A_61 : i32
      %convert_element_type3A_63 = arith.extui %lt3A_62 : i1 to i32
      %cond3A_64 = arith.constant 0 : i32
      %cond3A_65 = arith.cmpi ne, %convert_element_type3A_63, %cond3A_64 : i32
      scf.if %cond3A_65 {
        %mul3A_155 = arith.constant 2048 : i32
        %mul3A_156 = arith.muli %add3A_60, %mul3A_155 : i32
        %dma_wait3A = arith.constant 0 : i32
        %dma_wait3A_157 = arith.constant 0 : i32
        %dma_wait3A_158 = arith.constant 0 : i32
        %dma_wait3A_159 = tpu.memref_slice %arg3[%dma_wait3A, %add3A_60, %dma_wait3A_157, %dma_wait3A_158] : memref<2x3125x16x128xi32, #tpu.memory_space<hbm>> -> memref<1x1x16x128xi32, #tpu.memory_space<hbm>>
        %dma_wait3A_160 = tpu.memref_squeeze %dma_wait3A_159 : memref<1x1x16x128xi32, #tpu.memory_space<hbm>> -> memref<16x128xi32, #tpu.memory_space<hbm>>
        %dma_wait3A_161 = arith.constant 0 : i32
        %dma_wait3A_162 = arith.constant 0 : i32
        %dma_wait3A_163 = tpu.memref_slice %arg3[%dma_wait3A, %add3A_60, %dma_wait3A_161, %dma_wait3A_162] : memref<2x3125x16x128xi32, #tpu.memory_space<hbm>> -> memref<1x1x16x128xi32, #tpu.memory_space<hbm>>
        %dma_wait3A_164 = tpu.memref_squeeze %dma_wait3A_163 : memref<1x1x16x128xi32, #tpu.memory_space<hbm>> -> memref<16x128xi32, #tpu.memory_space<hbm>>
        tpu.wait_dma2 semaphore(%arg16 : memref<!tpu.dma_semaphore, #tpu.memory_space<semaphore_mem>>) src(%dma_wait3A_164 : memref<16x128xi32, #tpu.memory_space<hbm>>) dst(%arg8 : memref<16x128xi32, #tpu.memory_space<vmem>>)
        %dma_wait3A_165 = arith.constant 1 : i32
        %dma_wait3A_166 = arith.constant 0 : i32
        %dma_wait3A_167 = arith.constant 0 : i32
        %dma_wait3A_168 = tpu.memref_slice %arg3[%dma_wait3A_165, %add3A_60, %dma_wait3A_166, %dma_wait3A_167] : memref<2x3125x16x128xi32, #tpu.memory_space<hbm>> -> memref<1x1x16x128xi32, #tpu.memory_space<hbm>>
        %dma_wait3A_169 = tpu.memref_squeeze %dma_wait3A_168 : memref<1x1x16x128xi32, #tpu.memory_space<hbm>> -> memref<16x128xi32, #tpu.memory_space<hbm>>
        %dma_wait3A_170 = arith.constant 0 : i32
        %dma_wait3A_171 = arith.constant 0 : i32
        %dma_wait3A_172 = tpu.memref_slice %arg3[%dma_wait3A_165, %add3A_60, %dma_wait3A_170, %dma_wait3A_171] : memref<2x3125x16x128xi32, #tpu.memory_space<hbm>> -> memref<1x1x16x128xi32, #tpu.memory_space<hbm>>
        %dma_wait3A_173 = tpu.memref_squeeze %dma_wait3A_172 : memref<1x1x16x128xi32, #tpu.memory_space<hbm>> -> memref<16x128xi32, #tpu.memory_space<hbm>>
        tpu.wait_dma2 semaphore(%arg16 : memref<!tpu.dma_semaphore, #tpu.memory_space<semaphore_mem>>) src(%dma_wait3A_173 : memref<16x128xi32, #tpu.memory_space<hbm>>) dst(%arg10 : memref<16x128xi32, #tpu.memory_space<vmem>>)
        %dma_wait3A_174 = tpu.memref_slice %arg4[%mul3A_156] : memref<6400000xf32, #tpu.memory_space<hbm>> -> memref<2048xf32, #tpu.memory_space<hbm>>
        %dma_wait3A_175 = tpu.memref_slice %arg4[%mul3A_156] : memref<6400000xf32, #tpu.memory_space<hbm>> -> memref<2048xf32, #tpu.memory_space<hbm>>
        tpu.wait_dma2 semaphore(%arg16 : memref<!tpu.dma_semaphore, #tpu.memory_space<semaphore_mem>>) src(%dma_wait3A_175 : memref<2048xf32, #tpu.memory_space<hbm>>) dst(%arg12 : memref<2048xf32, #tpu.memory_space<vmem>>)
      } else {
      }
      %mul3A_66 = arith.constant 32 : i32
      %mul3A_67 = arith.muli %mul3A_66, %mul3A_57 : i32
      %add3A_68 = arith.addi %add3A, %mul3A_67 : i32
      %lt3A_69 = arith.constant 3125 : i32
      %lt3A_70 = arith.cmpi slt, %add3A_68, %lt3A_69 : i32
      %convert_element_type3A_71 = arith.extui %lt3A_70 : i1 to i32
      %cond3A_72 = arith.constant 0 : i32
      %cond3A_73 = arith.cmpi ne, %convert_element_type3A_71, %cond3A_72 : i32
      scf.if %cond3A_73 {
        %scan3A_155 = arith.constant 0 : i32
        %scan3A_156 = arith.constant 0 : i32
        %scan3A_157 = arith.constant 16 : i32
        %scan3A_158 = arith.addi %scan3A_156, %scan3A_157 : i32
        %scan3A_159 = arith.constant 1 : i32
        %scan3A_160 = scf.for %scan3A_162 = %scan3A_156 to %scan3A_158 step %scan3A_159 iter_args(%scan3A_163 = %scan3A_155) -> (i32)  : i32 {
          %get3A = arith.index_cast %scan3A_162 : i32 to index
          %get3A_164 = arith.constant 0 : index
          %get3A_165 = tpu.vector_load %arg8[%get3A, %get3A_164] {strides = array<i32>} : memref<16x128xi32, #tpu.memory_space<vmem>>, vector<16xi32>,
          %get3A_166 = arith.index_cast %scan3A_162 : i32 to index
          %get3A_167 = arith.constant 0 : index
          %get3A_168 = tpu.vector_load %arg10[%get3A_166, %get3A_167] {strides = array<i32>} : memref<16x128xi32, #tpu.memory_space<vmem>>, vector<16xi32>,
          %gather3A = tpu.vector_load_idx %arg7[%get3A_165] : memref<100000xf32, #tpu.memory_space<vmem>>[vector<16xi32>], vector<16xf32>,
          %gather3A_169 = tpu.vector_load_idx %arg7[%get3A_168] : memref<100000xf32, #tpu.memory_space<vmem>>[vector<16xi32>], vector<16xf32>,
          %mul3A_170 = arith.constant 128 : i32
          %mul3A_171 = arith.muli %scan3A_162, %mul3A_170 : i32
          %add3A_172 = arith.constant 0 : i32
          %add3A_173 = arith.addi %mul3A_171, %add3A_172 : i32
          %get3A_174 = arith.index_cast %add3A_173 : i32 to index
          %get3A_175 = tpu.vector_load %arg12[%get3A_174] {strides = array<i32>} : memref<2048xf32, #tpu.memory_space<vmem>>, vector<16xf32>,
          %sub3A_176 = arith.subf %gather3A_169, %gather3A : vector<16xf32>
          %mul3A_177 = arith.mulf %sub3A_176, %get3A_175 : vector<16xf32>
          %swap3A = arith.index_cast %scan3A_162 : i32 to index
          %swap3A_178 = arith.constant 0 : index
          %swap3A_179 = tpu.vector_load %arg14[%swap3A, %swap3A_178] {strides = array<i32>} : memref<16x128xf32, #tpu.memory_space<vmem>>, vector<16xf32>,
          tpu.vector_store %arg14[%swap3A, %swap3A_178], %mul3A_177 {strides = array<i32>} : memref<16x128xf32, #tpu.memory_space<vmem>>, vector<16xf32>,
          %get3A_180 = arith.index_cast %scan3A_162 : i32 to index
          %get3A_181 = arith.constant 16 : index
          %get3A_182 = tpu.vector_load %arg8[%get3A_180, %get3A_181] {strides = array<i32>} : memref<16x128xi32, #tpu.memory_space<vmem>>, vector<16xi32>,
          %get3A_183 = arith.index_cast %scan3A_162 : i32 to index
          %get3A_184 = arith.constant 16 : index
          %get3A_185 = tpu.vector_load %arg10[%get3A_183, %get3A_184] {strides = array<i32>} : memref<16x128xi32, #tpu.memory_space<vmem>>, vector<16xi32>,
          %gather3A_186 = tpu.vector_load_idx %arg7[%get3A_182] : memref<100000xf32, #tpu.memory_space<vmem>>[vector<16xi32>], vector<16xf32>,
          %gather3A_187 = tpu.vector_load_idx %arg7[%get3A_185] : memref<100000xf32, #tpu.memory_space<vmem>>[vector<16xi32>], vector<16xf32>,
          %mul3A_188 = arith.constant 128 : i32
          %mul3A_189 = arith.muli %scan3A_162, %mul3A_188 : i32
          %add3A_190 = arith.constant 16 : i32
          %add3A_191 = arith.addi %mul3A_189, %add3A_190 : i32
          %get3A_192 = arith.index_cast %add3A_191 : i32 to index
          %get3A_193 = tpu.vector_load %arg12[%get3A_192] {strides = array<i32>} : memref<2048xf32, #tpu.memory_space<vmem>>, vector<16xf32>,
          %sub3A_194 = arith.subf %gather3A_187, %gather3A_186 : vector<16xf32>
          %mul3A_195 = arith.mulf %sub3A_194, %get3A_193 : vector<16xf32>
          %swap3A_196 = arith.index_cast %scan3A_162 : i32 to index
          %swap3A_197 = arith.constant 16 : index
          %swap3A_198 = tpu.vector_load %arg14[%swap3A_196, %swap3A_197] {strides = array<i32>} : memref<16x128xf32, #tpu.memory_space<vmem>>, vector<16xf32>,
          tpu.vector_store %arg14[%swap3A_196, %swap3A_197], %mul3A_195 {strides = array<i32>} : memref<16x128xf32, #tpu.memory_space<vmem>>, vector<16xf32>,
          %get3A_199 = arith.index_cast %scan3A_162 : i32 to index
          %get3A_200 = arith.constant 32 : index
          %get3A_201 = tpu.vector_load %arg8[%get3A_199, %get3A_200] {strides = array<i32>} : memref<16x128xi32, #tpu.memory_space<vmem>>, vector<16xi32>,
          %get3A_202 = arith.index_cast %scan3A_162 : i32 to index
          %get3A_203 = arith.constant 32 : index
          %get3A_204 = tpu.vector_load %arg10[%get3A_202, %get3A_203] {strides = array<i32>} : memref<16x128xi32, #tpu.memory_space<vmem>>, vector<16xi32>,
          %gather3A_205 = tpu.vector_load_idx %arg7[%get3A_201] : memref<100000xf32, #tpu.memory_space<vmem>>[vector<16xi32>], vector<16xf32>,
          %gather3A_206 = tpu.vector_load_idx %arg7[%get3A_204] : memref<100000xf32, #tpu.memory_space<vmem>>[vector<16xi32>], vector<16xf32>,
          %mul3A_207 = arith.constant 128 : i32
          %mul3A_208 = arith.muli %scan3A_162, %mul3A_207 : i32
          %add3A_209 = arith.constant 32 : i32
          %add3A_210 = arith.addi %mul3A_208, %add3A_209 : i32
          %get3A_211 = arith.index_cast %add3A_210 : i32 to index
          %get3A_212 = tpu.vector_load %arg12[%get3A_211] {strides = array<i32>} : memref<2048xf32, #tpu.memory_space<vmem>>, vector<16xf32>,
          %sub3A_213 = arith.subf %gather3A_206, %gather3A_205 : vector<16xf32>
          %mul3A_214 = arith.mulf %sub3A_213, %get3A_212 : vector<16xf32>
          %swap3A_215 = arith.index_cast %scan3A_162 : i32 to index
          %swap3A_216 = arith.constant 32 : index
          %swap3A_217 = tpu.vector_load %arg14[%swap3A_215, %swap3A_216] {strides = array<i32>} : memref<16x128xf32, #tpu.memory_space<vmem>>, vector<16xf32>,
          tpu.vector_store %arg14[%swap3A_215, %swap3A_216], %mul3A_214 {strides = array<i32>} : memref<16x128xf32, #tpu.memory_space<vmem>>, vector<16xf32>,
          %get3A_218 = arith.index_cast %scan3A_162 : i32 to index
          %get3A_219 = arith.constant 48 : index
          %get3A_220 = tpu.vector_load %arg8[%get3A_218, %get3A_219] {strides = array<i32>} : memref<16x128xi32, #tpu.memory_space<vmem>>, vector<16xi32>,
          %get3A_221 = arith.index_cast %scan3A_162 : i32 to index
          %get3A_222 = arith.constant 48 : index
          %get3A_223 = tpu.vector_load %arg10[%get3A_221, %get3A_222] {strides = array<i32>} : memref<16x128xi32, #tpu.memory_space<vmem>>, vector<16xi32>,
          %gather3A_224 = tpu.vector_load_idx %arg7[%get3A_220] : memref<100000xf32, #tpu.memory_space<vmem>>[vector<16xi32>], vector<16xf32>,
          %gather3A_225 = tpu.vector_load_idx %arg7[%get3A_223] : memref<100000xf32, #tpu.memory_space<vmem>>[vector<16xi32>], vector<16xf32>,
          %mul3A_226 = arith.constant 128 : i32
          %mul3A_227 = arith.muli %scan3A_162, %mul3A_226 : i32
          %add3A_228 = arith.constant 48 : i32
          %add3A_229 = arith.addi %mul3A_227, %add3A_228 : i32
          %get3A_230 = arith.index_cast %add3A_229 : i32 to index
          %get3A_231 = tpu.vector_load %arg12[%get3A_230] {strides = array<i32>} : memref<2048xf32, #tpu.memory_space<vmem>>, vector<16xf32>,
          %sub3A_232 = arith.subf %gather3A_225, %gather3A_224 : vector<16xf32>
          %mul3A_233 = arith.mulf %sub3A_232, %get3A_231 : vector<16xf32>
          %swap3A_234 = arith.index_cast %scan3A_162 : i32 to index
          %swap3A_235 = arith.constant 48 : index
          %swap3A_236 = tpu.vector_load %arg14[%swap3A_234, %swap3A_235] {strides = array<i32>} : memref<16x128xf32, #tpu.memory_space<vmem>>, vector<16xf32>,
          tpu.vector_store %arg14[%swap3A_234, %swap3A_235], %mul3A_233 {strides = array<i32>} : memref<16x128xf32, #tpu.memory_space<vmem>>, vector<16xf32>,
          %get3A_237 = arith.index_cast %scan3A_162 : i32 to index
          %get3A_238 = arith.constant 64 : index
          %get3A_239 = tpu.vector_load %arg8[%get3A_237, %get3A_238] {strides = array<i32>} : memref<16x128xi32, #tpu.memory_space<vmem>>, vector<16xi32>,
          %get3A_240 = arith.index_cast %scan3A_162 : i32 to index
          %get3A_241 = arith.constant 64 : index
          %get3A_242 = tpu.vector_load %arg10[%get3A_240, %get3A_241] {strides = array<i32>} : memref<16x128xi32, #tpu.memory_space<vmem>>, vector<16xi32>,
          %gather3A_243 = tpu.vector_load_idx %arg7[%get3A_239] : memref<100000xf32, #tpu.memory_space<vmem>>[vector<16xi32>], vector<16xf32>,
          %gather3A_244 = tpu.vector_load_idx %arg7[%get3A_242] : memref<100000xf32, #tpu.memory_space<vmem>>[vector<16xi32>], vector<16xf32>,
          %mul3A_245 = arith.constant 128 : i32
          %mul3A_246 = arith.muli %scan3A_162, %mul3A_245 : i32
          %add3A_247 = arith.constant 64 : i32
          %add3A_248 = arith.addi %mul3A_246, %add3A_247 : i32
          %get3A_249 = arith.index_cast %add3A_248 : i32 to index
          %get3A_250 = tpu.vector_load %arg12[%get3A_249] {strides = array<i32>} : memref<2048xf32, #tpu.memory_space<vmem>>, vector<16xf32>,
          %sub3A_251 = arith.subf %gather3A_244, %gather3A_243 : vector<16xf32>
          %mul3A_252 = arith.mulf %sub3A_251, %get3A_250 : vector<16xf32>
          %swap3A_253 = arith.index_cast %scan3A_162 : i32 to index
          %swap3A_254 = arith.constant 64 : index
          %swap3A_255 = tpu.vector_load %arg14[%swap3A_253, %swap3A_254] {strides = array<i32>} : memref<16x128xf32, #tpu.memory_space<vmem>>, vector<16xf32>,
          tpu.vector_store %arg14[%swap3A_253, %swap3A_254], %mul3A_252 {strides = array<i32>} : memref<16x128xf32, #tpu.memory_space<vmem>>, vector<16xf32>,
          %get3A_256 = arith.index_cast %scan3A_162 : i32 to index
          %get3A_257 = arith.constant 80 : index
          %get3A_258 = tpu.vector_load %arg8[%get3A_256, %get3A_257] {strides = array<i32>} : memref<16x128xi32, #tpu.memory_space<vmem>>, vector<16xi32>,
          %get3A_259 = arith.index_cast %scan3A_162 : i32 to index
          %get3A_260 = arith.constant 80 : index
          %get3A_261 = tpu.vector_load %arg10[%get3A_259, %get3A_260] {strides = array<i32>} : memref<16x128xi32, #tpu.memory_space<vmem>>, vector<16xi32>,
          %gather3A_262 = tpu.vector_load_idx %arg7[%get3A_258] : memref<100000xf32, #tpu.memory_space<vmem>>[vector<16xi32>], vector<16xf32>,
          %gather3A_263 = tpu.vector_load_idx %arg7[%get3A_261] : memref<100000xf32, #tpu.memory_space<vmem>>[vector<16xi32>], vector<16xf32>,
          %mul3A_264 = arith.constant 128 : i32
          %mul3A_265 = arith.muli %scan3A_162, %mul3A_264 : i32
          %add3A_266 = arith.constant 80 : i32
          %add3A_267 = arith.addi %mul3A_265, %add3A_266 : i32
          %get3A_268 = arith.index_cast %add3A_267 : i32 to index
          %get3A_269 = tpu.vector_load %arg12[%get3A_268] {strides = array<i32>} : memref<2048xf32, #tpu.memory_space<vmem>>, vector<16xf32>,
          %sub3A_270 = arith.subf %gather3A_263, %gather3A_262 : vector<16xf32>
          %mul3A_271 = arith.mulf %sub3A_270, %get3A_269 : vector<16xf32>
          %swap3A_272 = arith.index_cast %scan3A_162 : i32 to index
          %swap3A_273 = arith.constant 80 : index
          %swap3A_274 = tpu.vector_load %arg14[%swap3A_272, %swap3A_273] {strides = array<i32>} : memref<16x128xf32, #tpu.memory_space<vmem>>, vector<16xf32>,
          tpu.vector_store %arg14[%swap3A_272, %swap3A_273], %mul3A_271 {strides = array<i32>} : memref<16x128xf32, #tpu.memory_space<vmem>>, vector<16xf32>,
          %get3A_275 = arith.index_cast %scan3A_162 : i32 to index
          %get3A_276 = arith.constant 96 : index
          %get3A_277 = tpu.vector_load %arg8[%get3A_275, %get3A_276] {strides = array<i32>} : memref<16x128xi32, #tpu.memory_space<vmem>>, vector<16xi32>,
          %get3A_278 = arith.index_cast %scan3A_162 : i32 to index
          %get3A_279 = arith.constant 96 : index
          %get3A_280 = tpu.vector_load %arg10[%get3A_278, %get3A_279] {strides = array<i32>} : memref<16x128xi32, #tpu.memory_space<vmem>>, vector<16xi32>,
          %gather3A_281 = tpu.vector_load_idx %arg7[%get3A_277] : memref<100000xf32, #tpu.memory_space<vmem>>[vector<16xi32>], vector<16xf32>,
          %gather3A_282 = tpu.vector_load_idx %arg7[%get3A_280] : memref<100000xf32, #tpu.memory_space<vmem>>[vector<16xi32>], vector<16xf32>,
          %mul3A_283 = arith.constant 128 : i32
          %mul3A_284 = arith.muli %scan3A_162, %mul3A_283 : i32
          %add3A_285 = arith.constant 96 : i32
          %add3A_286 = arith.addi %mul3A_284, %add3A_285 : i32
          %get3A_287 = arith.index_cast %add3A_286 : i32 to index
          %get3A_288 = tpu.vector_load %arg12[%get3A_287] {strides = array<i32>} : memref<2048xf32, #tpu.memory_space<vmem>>, vector<16xf32>,
          %sub3A_289 = arith.subf %gather3A_282, %gather3A_281 : vector<16xf32>
          %mul3A_290 = arith.mulf %sub3A_289, %get3A_288 : vector<16xf32>
          %swap3A_291 = arith.index_cast %scan3A_162 : i32 to index
          %swap3A_292 = arith.constant 96 : index
          %swap3A_293 = tpu.vector_load %arg14[%swap3A_291, %swap3A_292] {strides = array<i32>} : memref<16x128xf32, #tpu.memory_space<vmem>>, vector<16xf32>,
          tpu.vector_store %arg14[%swap3A_291, %swap3A_292], %mul3A_290 {strides = array<i32>} : memref<16x128xf32, #tpu.memory_space<vmem>>, vector<16xf32>,
          %get3A_294 = arith.index_cast %scan3A_162 : i32 to index
          %get3A_295 = arith.constant 112 : index
          %get3A_296 = tpu.vector_load %arg8[%get3A_294, %get3A_295] {strides = array<i32>} : memref<16x128xi32, #tpu.memory_space<vmem>>, vector<16xi32>,
          %get3A_297 = arith.index_cast %scan3A_162 : i32 to index
          %get3A_298 = arith.constant 112 : index
          %get3A_299 = tpu.vector_load %arg10[%get3A_297, %get3A_298] {strides = array<i32>} : memref<16x128xi32, #tpu.memory_space<vmem>>, vector<16xi32>,
          %gather3A_300 = tpu.vector_load_idx %arg7[%get3A_296] : memref<100000xf32, #tpu.memory_space<vmem>>[vector<16xi32>], vector<16xf32>,
          %gather3A_301 = tpu.vector_load_idx %arg7[%get3A_299] : memref<100000xf32, #tpu.memory_space<vmem>>[vector<16xi32>], vector<16xf32>,
          %mul3A_302 = arith.constant 128 : i32
          %mul3A_303 = arith.muli %scan3A_162, %mul3A_302 : i32
          %add3A_304 = arith.constant 112 : i32
          %add3A_305 = arith.addi %mul3A_303, %add3A_304 : i32
          %get3A_306 = arith.index_cast %add3A_305 : i32 to index
          %get3A_307 = tpu.vector_load %arg12[%get3A_306] {strides = array<i32>} : memref<2048xf32, #tpu.memory_space<vmem>>, vector<16xf32>,
          %sub3A_308 = arith.subf %gather3A_301, %gather3A_300 : vector<16xf32>
          %mul3A_309 = arith.mulf %sub3A_308, %get3A_307 : vector<16xf32>
          %swap3A_310 = arith.index_cast %scan3A_162 : i32 to index
          %swap3A_311 = arith.constant 112 : index
          %swap3A_312 = tpu.vector_load %arg14[%swap3A_310, %swap3A_311] {strides = array<i32>} : memref<16x128xf32, #tpu.memory_space<vmem>>, vector<16xf32>,
          tpu.vector_store %arg14[%swap3A_310, %swap3A_311], %mul3A_309 {strides = array<i32>} : memref<16x128xf32, #tpu.memory_space<vmem>>, vector<16xf32>,
          %scan3A_313 = arith.constant 0 : i32
          scf.yield %scan3A_313 : i32
        }
        %scan3A_161 = arith.constant 16 : i32
      } else {
      }
      %sub3A = arith.constant 1 : i32
      %sub3A_74 = arith.subi %mul3A_57, %sub3A : i32
      %mul3A_75 = arith.constant 32 : i32
      %mul3A_76 = arith.muli %mul3A_75, %sub3A_74 : i32
      %add3A_77 = arith.addi %add3A, %mul3A_76 : i32
      %ge3A = arith.constant 0 : i32
      %ge3A_78 = arith.cmpi sge, %sub3A_74, %ge3A : i32
      %lt3A_79 = arith.constant 3125 : i32
      %lt3A_80 = arith.cmpi slt, %add3A_77, %lt3A_79 : i32
      %and3A_81 = arith.andi %ge3A_78, %lt3A_80 : i1
      %convert_element_type3A_82 = arith.extui %and3A_81 : i1 to i32
      %cond3A_83 = arith.constant 0 : i32
      %cond3A_84 = arith.cmpi ne, %convert_element_type3A_82, %cond3A_83 : i32
      scf.if %cond3A_84 {
        %scan3A_155 = arith.constant 0 : i32
        %scan3A_156 = arith.constant 0 : i32
        %scan3A_157 = arith.constant 16 : i32
        %scan3A_158 = arith.addi %scan3A_156, %scan3A_157 : i32
        %scan3A_159 = arith.constant 1 : i32
        %scan3A_160 = scf.for %scan3A_162 = %scan3A_156 to %scan3A_158 step %scan3A_159 iter_args(%scan3A_163 = %scan3A_155) -> (i32)  : i32 {
          %dma_wait3A = arith.constant 0 : i32
          %dma_wait3A_164 = tpu.memref_slice %arg15[%scan3A_162, %dma_wait3A] : memref<16x128xf32, #tpu.memory_space<vmem>> -> memref<1x128xf32, #tpu.memory_space<vmem>>
          %dma_wait3A_165 = tpu.memref_squeeze %dma_wait3A_164 : memref<1x128xf32, #tpu.memory_space<vmem>> -> memref<128xf32, #tpu.memory_space<vmem>>
          %dma_wait3A_166 = arith.constant 0 : i32
          %dma_wait3A_167 = tpu.memref_slice %arg11[%scan3A_162, %dma_wait3A_166] : memref<16x128xi32, #tpu.memory_space<vmem>> -> memref<1x128xi32, #tpu.memory_space<vmem>>
          %dma_wait3A_168 = tpu.memref_squeeze %dma_wait3A_167 : memref<1x128xi32, #tpu.memory_space<vmem>> -> memref<128xi32, #tpu.memory_space<vmem>>
          %dma_wait3A_169 = arith.constant 0 : i32
          %dma_wait3A_170 = tpu.memref_slice %arg6[%dma_wait3A_169] : memref<100352xf32, #tpu.memory_space<vmem_shared>> -> memref<100352xf32, #tpu.memory_space<vmem_shared>>
          tpu.wait_indirect_dma semaphore(%arg19 : memref<!tpu.dma_semaphore, #tpu.memory_space<semaphore_mem>>) src(%dma_wait3A_165 : memref<128xf32, #tpu.memory_space<vmem>>) dst(%dma_wait3A_170 : memref<100352xf32, #tpu.memory_space<vmem_shared>>)
          %scan3A_171 = arith.constant 0 : i32
          scf.yield %scan3A_171 : i32
        }
        %scan3A_161 = arith.constant 16 : i32
      } else {
      }
      %add3A_85 = arith.constant 1 : i32
      %add3A_86 = arith.addi %mul3A_57, %add3A_85 : i32
      %mul3A_87 = arith.constant 32 : i32
      %mul3A_88 = arith.muli %mul3A_87, %add3A_86 : i32
      %add3A_89 = arith.addi %add3A, %mul3A_88 : i32
      %lt3A_90 = arith.constant 3125 : i32
      %lt3A_91 = arith.cmpi slt, %add3A_89, %lt3A_90 : i32
      %convert_element_type3A_92 = arith.extui %lt3A_91 : i1 to i32
      %cond3A_93 = arith.constant 0 : i32
      %cond3A_94 = arith.cmpi ne, %convert_element_type3A_92, %cond3A_93 : i32
      scf.if %cond3A_94 {
        %mul3A_155 = arith.constant 2048 : i32
        %mul3A_156 = arith.muli %add3A_89, %mul3A_155 : i32
        %dma_start3A = arith.constant 0 : i32
        %dma_start3A_157 = arith.constant 0 : i32
        %dma_start3A_158 = arith.constant 0 : i32
        %dma_start3A_159 = tpu.memref_slice %arg3[%dma_start3A, %add3A_89, %dma_start3A_157, %dma_start3A_158] : memref<2x3125x16x128xi32, #tpu.memory_space<hbm>> -> memref<1x1x16x128xi32, #tpu.memory_space<hbm>>
        %dma_start3A_160 = tpu.memref_squeeze %dma_start3A_159 : memref<1x1x16x128xi32, #tpu.memory_space<hbm>> -> memref<16x128xi32, #tpu.memory_space<hbm>>
        %dma_start3A_161 = arith.constant 0 : i32
        %dma_start3A_162 = arith.constant 0 : i32
        %dma_start3A_163 = tpu.memref_slice %arg3[%dma_start3A, %add3A_89, %dma_start3A_161, %dma_start3A_162] : memref<2x3125x16x128xi32, #tpu.memory_space<hbm>> -> memref<1x1x16x128xi32, #tpu.memory_space<hbm>>
        %dma_start3A_164 = tpu.memref_squeeze %dma_start3A_163 : memref<1x1x16x128xi32, #tpu.memory_space<hbm>> -> memref<16x128xi32, #tpu.memory_space<hbm>>
        tpu.enqueue_dma source(%dma_start3A_164 : memref<16x128xi32, #tpu.memory_space<hbm>>) target(%arg9 : memref<16x128xi32, #tpu.memory_space<vmem>>) target_semaphore(%arg17 : memref<!tpu.dma_semaphore, #tpu.memory_space<semaphore_mem>>)
        %dma_start3A_165 = arith.constant 1 : i32
        %dma_start3A_166 = arith.constant 0 : i32
        %dma_start3A_167 = arith.constant 0 : i32
        %dma_start3A_168 = tpu.memref_slice %arg3[%dma_start3A_165, %add3A_89, %dma_start3A_166, %dma_start3A_167] : memref<2x3125x16x128xi32, #tpu.memory_space<hbm>> -> memref<1x1x16x128xi32, #tpu.memory_space<hbm>>
        %dma_start3A_169 = tpu.memref_squeeze %dma_start3A_168 : memref<1x1x16x128xi32, #tpu.memory_space<hbm>> -> memref<16x128xi32, #tpu.memory_space<hbm>>
        %dma_start3A_170 = arith.constant 0 : i32
        %dma_start3A_171 = arith.constant 0 : i32
        %dma_start3A_172 = tpu.memref_slice %arg3[%dma_start3A_165, %add3A_89, %dma_start3A_170, %dma_start3A_171] : memref<2x3125x16x128xi32, #tpu.memory_space<hbm>> -> memref<1x1x16x128xi32, #tpu.memory_space<hbm>>
        %dma_start3A_173 = tpu.memref_squeeze %dma_start3A_172 : memref<1x1x16x128xi32, #tpu.memory_space<hbm>> -> memref<16x128xi32, #tpu.memory_space<hbm>>
        tpu.enqueue_dma source(%dma_start3A_173 : memref<16x128xi32, #tpu.memory_space<hbm>>) target(%arg11 : memref<16x128xi32, #tpu.memory_space<vmem>>) target_semaphore(%arg17 : memref<!tpu.dma_semaphore, #tpu.memory_space<semaphore_mem>>)
        %dma_start3A_174 = tpu.memref_slice %arg4[%mul3A_156] : memref<6400000xf32, #tpu.memory_space<hbm>> -> memref<2048xf32, #tpu.memory_space<hbm>>
        %dma_start3A_175 = tpu.memref_slice %arg4[%mul3A_156] : memref<6400000xf32, #tpu.memory_space<hbm>> -> memref<2048xf32, #tpu.memory_space<hbm>>
        tpu.enqueue_dma source(%dma_start3A_175 : memref<2048xf32, #tpu.memory_space<hbm>>) target(%arg13 : memref<2048xf32, #tpu.memory_space<vmem>>) target_semaphore(%arg17 : memref<!tpu.dma_semaphore, #tpu.memory_space<semaphore_mem>>)
      } else {
      }
      %mul3A_95 = arith.constant 32 : i32
      %mul3A_96 = arith.muli %mul3A_95, %mul3A_57 : i32
      %add3A_97 = arith.addi %add3A, %mul3A_96 : i32
      %lt3A_98 = arith.constant 3125 : i32
      %lt3A_99 = arith.cmpi slt, %add3A_97, %lt3A_98 : i32
      %convert_element_type3A_100 = arith.extui %lt3A_99 : i1 to i32
      %cond3A_101 = arith.constant 0 : i32
      %cond3A_102 = arith.cmpi ne, %convert_element_type3A_100, %cond3A_101 : i32
      scf.if %cond3A_102 {
        %scan3A_155 = arith.constant 0 : i32
        %scan3A_156 = arith.constant 0 : i32
        %scan3A_157 = arith.constant 16 : i32
        %scan3A_158 = arith.addi %scan3A_156, %scan3A_157 : i32
        %scan3A_159 = arith.constant 1 : i32
        %scan3A_160 = scf.for %scan3A_162 = %scan3A_156 to %scan3A_158 step %scan3A_159 iter_args(%scan3A_163 = %scan3A_155) -> (i32)  : i32 {
          %dma_start3A = arith.constant 0 : i32
          %dma_start3A_164 = tpu.memref_slice %arg14[%scan3A_162, %dma_start3A] : memref<16x128xf32, #tpu.memory_space<vmem>> -> memref<1x128xf32, #tpu.memory_space<vmem>>
          %dma_start3A_165 = tpu.memref_squeeze %dma_start3A_164 : memref<1x128xf32, #tpu.memory_space<vmem>> -> memref<128xf32, #tpu.memory_space<vmem>>
          %dma_start3A_166 = arith.constant 0 : i32
          %dma_start3A_167 = tpu.memref_slice %arg10[%scan3A_162, %dma_start3A_166] : memref<16x128xi32, #tpu.memory_space<vmem>> -> memref<1x128xi32, #tpu.memory_space<vmem>>
          %dma_start3A_168 = tpu.memref_squeeze %dma_start3A_167 : memref<1x128xi32, #tpu.memory_space<vmem>> -> memref<128xi32, #tpu.memory_space<vmem>>
          %dma_start3A_169 = arith.constant 0 : i32
          %dma_start3A_170 = tpu.memref_slice %arg6[%dma_start3A_169] : memref<100352xf32, #tpu.memory_space<vmem_shared>> -> memref<100352xf32, #tpu.memory_space<vmem_shared>>
          tpu.enqueue_indirect_dma source(%dma_start3A_165 : memref<128xf32, #tpu.memory_space<vmem>>) target(%dma_start3A_170 : memref<100352xf32, #tpu.memory_space<vmem_shared>>) offsets(%dma_start3A_168 : memref<128xi32, #tpu.memory_space<vmem>>) semaphore(%arg18 : memref<!tpu.dma_semaphore, #tpu.memory_space<semaphore_mem>>) {add = true}
          %scan3A_171 = arith.constant 0 : i32
          scf.yield %scan3A_171 : i32
        }
        %scan3A_161 = arith.constant 16 : i32
      } else {
      }
      %add3A_103 = arith.constant 1 : i32
      %add3A_104 = arith.addi %mul3A_57, %add3A_103 : i32
      %mul3A_105 = arith.constant 32 : i32
      %mul3A_106 = arith.muli %mul3A_105, %add3A_104 : i32
      %add3A_107 = arith.addi %add3A, %mul3A_106 : i32
      %lt3A_108 = arith.constant 3125 : i32
      %lt3A_109 = arith.cmpi slt, %add3A_107, %lt3A_108 : i32
      %convert_element_type3A_110 = arith.extui %lt3A_109 : i1 to i32
      %cond3A_111 = arith.constant 0 : i32
      %cond3A_112 = arith.cmpi ne, %convert_element_type3A_110, %cond3A_111 : i32
      scf.if %cond3A_112 {
        %mul3A_155 = arith.constant 2048 : i32
        %mul3A_156 = arith.muli %add3A_107, %mul3A_155 : i32
        %dma_wait3A = arith.constant 0 : i32
        %dma_wait3A_157 = arith.constant 0 : i32
        %dma_wait3A_158 = arith.constant 0 : i32
        %dma_wait3A_159 = tpu.memref_slice %arg3[%dma_wait3A, %add3A_107, %dma_wait3A_157, %dma_wait3A_158] : memref<2x3125x16x128xi32, #tpu.memory_space<hbm>> -> memref<1x1x16x128xi32, #tpu.memory_space<hbm>>
        %dma_wait3A_160 = tpu.memref_squeeze %dma_wait3A_159 : memref<1x1x16x128xi32, #tpu.memory_space<hbm>> -> memref<16x128xi32, #tpu.memory_space<hbm>>
        %dma_wait3A_161 = arith.constant 0 : i32
        %dma_wait3A_162 = arith.constant 0 : i32
        %dma_wait3A_163 = tpu.memref_slice %arg3[%dma_wait3A, %add3A_107, %dma_wait3A_161, %dma_wait3A_162] : memref<2x3125x16x128xi32, #tpu.memory_space<hbm>> -> memref<1x1x16x128xi32, #tpu.memory_space<hbm>>
        %dma_wait3A_164 = tpu.memref_squeeze %dma_wait3A_163 : memref<1x1x16x128xi32, #tpu.memory_space<hbm>> -> memref<16x128xi32, #tpu.memory_space<hbm>>
        tpu.wait_dma2 semaphore(%arg17 : memref<!tpu.dma_semaphore, #tpu.memory_space<semaphore_mem>>) src(%dma_wait3A_164 : memref<16x128xi32, #tpu.memory_space<hbm>>) dst(%arg9 : memref<16x128xi32, #tpu.memory_space<vmem>>)
        %dma_wait3A_165 = arith.constant 1 : i32
        %dma_wait3A_166 = arith.constant 0 : i32
        %dma_wait3A_167 = arith.constant 0 : i32
        %dma_wait3A_168 = tpu.memref_slice %arg3[%dma_wait3A_165, %add3A_107, %dma_wait3A_166, %dma_wait3A_167] : memref<2x3125x16x128xi32, #tpu.memory_space<hbm>> -> memref<1x1x16x128xi32, #tpu.memory_space<hbm>>
        %dma_wait3A_169 = tpu.memref_squeeze %dma_wait3A_168 : memref<1x1x16x128xi32, #tpu.memory_space<hbm>> -> memref<16x128xi32, #tpu.memory_space<hbm>>
        %dma_wait3A_170 = arith.constant 0 : i32
        %dma_wait3A_171 = arith.constant 0 : i32
        %dma_wait3A_172 = tpu.memref_slice %arg3[%dma_wait3A_165, %add3A_107, %dma_wait3A_170, %dma_wait3A_171] : memref<2x3125x16x128xi32, #tpu.memory_space<hbm>> -> memref<1x1x16x128xi32, #tpu.memory_space<hbm>>
        %dma_wait3A_173 = tpu.memref_squeeze %dma_wait3A_172 : memref<1x1x16x128xi32, #tpu.memory_space<hbm>> -> memref<16x128xi32, #tpu.memory_space<hbm>>
        tpu.wait_dma2 semaphore(%arg17 : memref<!tpu.dma_semaphore, #tpu.memory_space<semaphore_mem>>) src(%dma_wait3A_173 : memref<16x128xi32, #tpu.memory_space<hbm>>) dst(%arg11 : memref<16x128xi32, #tpu.memory_space<vmem>>)
        %dma_wait3A_174 = tpu.memref_slice %arg4[%mul3A_156] : memref<6400000xf32, #tpu.memory_space<hbm>> -> memref<2048xf32, #tpu.memory_space<hbm>>
        %dma_wait3A_175 = tpu.memref_slice %arg4[%mul3A_156] : memref<6400000xf32, #tpu.memory_space<hbm>> -> memref<2048xf32, #tpu.memory_space<hbm>>
        tpu.wait_dma2 semaphore(%arg17 : memref<!tpu.dma_semaphore, #tpu.memory_space<semaphore_mem>>) src(%dma_wait3A_175 : memref<2048xf32, #tpu.memory_space<hbm>>) dst(%arg13 : memref<2048xf32, #tpu.memory_space<vmem>>)
      } else {
      }
      %add3A_113 = arith.constant 1 : i32
      %add3A_114 = arith.addi %mul3A_57, %add3A_113 : i32
      %mul3A_115 = arith.constant 32 : i32
      %mul3A_116 = arith.muli %mul3A_115, %add3A_114 : i32
      %add3A_117 = arith.addi %add3A, %mul3A_116 : i32
      %lt3A_118 = arith.constant 3125 : i32
      %lt3A_119 = arith.cmpi slt, %add3A_117, %lt3A_118 : i32
      %convert_element_type3A_120 = arith.extui %lt3A_119 : i1 to i32
      %cond3A_121 = arith.constant 0 : i32
      %cond3A_122 = arith.cmpi ne, %convert_element_type3A_120, %cond3A_121 : i32
      scf.if %cond3A_122 {
        %scan3A_155 = arith.constant 0 : i32
        %scan3A_156 = arith.constant 0 : i32
        %scan3A_157 = arith.constant 16 : i32
        %scan3A_158 = arith.addi %scan3A_156, %scan3A_157 : i32
        %scan3A_159 = arith.constant 1 : i32
        %scan3A_160 = scf.for %scan3A_162 = %scan3A_156 to %scan3A_158 step %scan3A_159 iter_args(%scan3A_163 = %scan3A_155) -> (i32)  : i32 {
          %get3A = arith.index_cast %scan3A_162 : i32 to index
          %get3A_164 = arith.constant 0 : index
          %get3A_165 = tpu.vector_load %arg9[%get3A, %get3A_164] {strides = array<i32>} : memref<16x128xi32, #tpu.memory_space<vmem>>, vector<16xi32>,
          %get3A_166 = arith.index_cast %scan3A_162 : i32 to index
          %get3A_167 = arith.constant 0 : index
          %get3A_168 = tpu.vector_load %arg11[%get3A_166, %get3A_167] {strides = array<i32>} : memref<16x128xi32, #tpu.memory_space<vmem>>, vector<16xi32>,
          %gather3A = tpu.vector_load_idx %arg7[%get3A_165] : memref<100000xf32, #tpu.memory_space<vmem>>[vector<16xi32>], vector<16xf32>,
          %gather3A_169 = tpu.vector_load_idx %arg7[%get3A_168] : memref<100000xf32, #tpu.memory_space<vmem>>[vector<16xi32>], vector<16xf32>,
          %mul3A_170 = arith.constant 128 : i32
          %mul3A_171 = arith.muli %scan3A_162, %mul3A_170 : i32
          %add3A_172 = arith.constant 0 : i32
          %add3A_173 = arith.addi %mul3A_171, %add3A_172 : i32
          %get3A_174 = arith.index_cast %add3A_173 : i32 to index
          %get3A_175 = tpu.vector_load %arg13[%get3A_174] {strides = array<i32>} : memref<2048xf32, #tpu.memory_space<vmem>>, vector<16xf32>,
          %sub3A_176 = arith.subf %gather3A_169, %gather3A : vector<16xf32>
          %mul3A_177 = arith.mulf %sub3A_176, %get3A_175 : vector<16xf32>
          %swap3A = arith.index_cast %scan3A_162 : i32 to index
          %swap3A_178 = arith.constant 0 : index
          %swap3A_179 = tpu.vector_load %arg15[%swap3A, %swap3A_178] {strides = array<i32>} : memref<16x128xf32, #tpu.memory_space<vmem>>, vector<16xf32>,
          tpu.vector_store %arg15[%swap3A, %swap3A_178], %mul3A_177 {strides = array<i32>} : memref<16x128xf32, #tpu.memory_space<vmem>>, vector<16xf32>,
          %get3A_180 = arith.index_cast %scan3A_162 : i32 to index
          %get3A_181 = arith.constant 16 : index
          %get3A_182 = tpu.vector_load %arg9[%get3A_180, %get3A_181] {strides = array<i32>} : memref<16x128xi32, #tpu.memory_space<vmem>>, vector<16xi32>,
          %get3A_183 = arith.index_cast %scan3A_162 : i32 to index
          %get3A_184 = arith.constant 16 : index
          %get3A_185 = tpu.vector_load %arg11[%get3A_183, %get3A_184] {strides = array<i32>} : memref<16x128xi32, #tpu.memory_space<vmem>>, vector<16xi32>,
          %gather3A_186 = tpu.vector_load_idx %arg7[%get3A_182] : memref<100000xf32, #tpu.memory_space<vmem>>[vector<16xi32>], vector<16xf32>,
          %gather3A_187 = tpu.vector_load_idx %arg7[%get3A_185] : memref<100000xf32, #tpu.memory_space<vmem>>[vector<16xi32>], vector<16xf32>,
          %mul3A_188 = arith.constant 128 : i32
          %mul3A_189 = arith.muli %scan3A_162, %mul3A_188 : i32
          %add3A_190 = arith.constant 16 : i32
          %add3A_191 = arith.addi %mul3A_189, %add3A_190 : i32
          %get3A_192 = arith.index_cast %add3A_191 : i32 to index
          %get3A_193 = tpu.vector_load %arg13[%get3A_192] {strides = array<i32>} : memref<2048xf32, #tpu.memory_space<vmem>>, vector<16xf32>,
          %sub3A_194 = arith.subf %gather3A_187, %gather3A_186 : vector<16xf32>
          %mul3A_195 = arith.mulf %sub3A_194, %get3A_193 : vector<16xf32>
          %swap3A_196 = arith.index_cast %scan3A_162 : i32 to index
          %swap3A_197 = arith.constant 16 : index
          %swap3A_198 = tpu.vector_load %arg15[%swap3A_196, %swap3A_197] {strides = array<i32>} : memref<16x128xf32, #tpu.memory_space<vmem>>, vector<16xf32>,
          tpu.vector_store %arg15[%swap3A_196, %swap3A_197], %mul3A_195 {strides = array<i32>} : memref<16x128xf32, #tpu.memory_space<vmem>>, vector<16xf32>,
          %get3A_199 = arith.index_cast %scan3A_162 : i32 to index
          %get3A_200 = arith.constant 32 : index
          %get3A_201 = tpu.vector_load %arg9[%get3A_199, %get3A_200] {strides = array<i32>} : memref<16x128xi32, #tpu.memory_space<vmem>>, vector<16xi32>,
          %get3A_202 = arith.index_cast %scan3A_162 : i32 to index
          %get3A_203 = arith.constant 32 : index
          %get3A_204 = tpu.vector_load %arg11[%get3A_202, %get3A_203] {strides = array<i32>} : memref<16x128xi32, #tpu.memory_space<vmem>>, vector<16xi32>,
          %gather3A_205 = tpu.vector_load_idx %arg7[%get3A_201] : memref<100000xf32, #tpu.memory_space<vmem>>[vector<16xi32>], vector<16xf32>,
          %gather3A_206 = tpu.vector_load_idx %arg7[%get3A_204] : memref<100000xf32, #tpu.memory_space<vmem>>[vector<16xi32>], vector<16xf32>,
          %mul3A_207 = arith.constant 128 : i32
          %mul3A_208 = arith.muli %scan3A_162, %mul3A_207 : i32
          %add3A_209 = arith.constant 32 : i32
          %add3A_210 = arith.addi %mul3A_208, %add3A_209 : i32
          %get3A_211 = arith.index_cast %add3A_210 : i32 to index
          %get3A_212 = tpu.vector_load %arg13[%get3A_211] {strides = array<i32>} : memref<2048xf32, #tpu.memory_space<vmem>>, vector<16xf32>,
          %sub3A_213 = arith.subf %gather3A_206, %gather3A_205 : vector<16xf32>
          %mul3A_214 = arith.mulf %sub3A_213, %get3A_212 : vector<16xf32>
          %swap3A_215 = arith.index_cast %scan3A_162 : i32 to index
          %swap3A_216 = arith.constant 32 : index
          %swap3A_217 = tpu.vector_load %arg15[%swap3A_215, %swap3A_216] {strides = array<i32>} : memref<16x128xf32, #tpu.memory_space<vmem>>, vector<16xf32>,
          tpu.vector_store %arg15[%swap3A_215, %swap3A_216], %mul3A_214 {strides = array<i32>} : memref<16x128xf32, #tpu.memory_space<vmem>>, vector<16xf32>,
          %get3A_218 = arith.index_cast %scan3A_162 : i32 to index
          %get3A_219 = arith.constant 48 : index
          %get3A_220 = tpu.vector_load %arg9[%get3A_218, %get3A_219] {strides = array<i32>} : memref<16x128xi32, #tpu.memory_space<vmem>>, vector<16xi32>,
          %get3A_221 = arith.index_cast %scan3A_162 : i32 to index
          %get3A_222 = arith.constant 48 : index
          %get3A_223 = tpu.vector_load %arg11[%get3A_221, %get3A_222] {strides = array<i32>} : memref<16x128xi32, #tpu.memory_space<vmem>>, vector<16xi32>,
          %gather3A_224 = tpu.vector_load_idx %arg7[%get3A_220] : memref<100000xf32, #tpu.memory_space<vmem>>[vector<16xi32>], vector<16xf32>,
          %gather3A_225 = tpu.vector_load_idx %arg7[%get3A_223] : memref<100000xf32, #tpu.memory_space<vmem>>[vector<16xi32>], vector<16xf32>,
          %mul3A_226 = arith.constant 128 : i32
          %mul3A_227 = arith.muli %scan3A_162, %mul3A_226 : i32
          %add3A_228 = arith.constant 48 : i32
          %add3A_229 = arith.addi %mul3A_227, %add3A_228 : i32
          %get3A_230 = arith.index_cast %add3A_229 : i32 to index
          %get3A_231 = tpu.vector_load %arg13[%get3A_230] {strides = array<i32>} : memref<2048xf32, #tpu.memory_space<vmem>>, vector<16xf32>,
          %sub3A_232 = arith.subf %gather3A_225, %gather3A_224 : vector<16xf32>
          %mul3A_233 = arith.mulf %sub3A_232, %get3A_231 : vector<16xf32>
          %swap3A_234 = arith.index_cast %scan3A_162 : i32 to index
          %swap3A_235 = arith.constant 48 : index
          %swap3A_236 = tpu.vector_load %arg15[%swap3A_234, %swap3A_235] {strides = array<i32>} : memref<16x128xf32, #tpu.memory_space<vmem>>, vector<16xf32>,
          tpu.vector_store %arg15[%swap3A_234, %swap3A_235], %mul3A_233 {strides = array<i32>} : memref<16x128xf32, #tpu.memory_space<vmem>>, vector<16xf32>,
          %get3A_237 = arith.index_cast %scan3A_162 : i32 to index
          %get3A_238 = arith.constant 64 : index
          %get3A_239 = tpu.vector_load %arg9[%get3A_237, %get3A_238] {strides = array<i32>} : memref<16x128xi32, #tpu.memory_space<vmem>>, vector<16xi32>,
          %get3A_240 = arith.index_cast %scan3A_162 : i32 to index
          %get3A_241 = arith.constant 64 : index
          %get3A_242 = tpu.vector_load %arg11[%get3A_240, %get3A_241] {strides = array<i32>} : memref<16x128xi32, #tpu.memory_space<vmem>>, vector<16xi32>,
          %gather3A_243 = tpu.vector_load_idx %arg7[%get3A_239] : memref<100000xf32, #tpu.memory_space<vmem>>[vector<16xi32>], vector<16xf32>,
          %gather3A_244 = tpu.vector_load_idx %arg7[%get3A_242] : memref<100000xf32, #tpu.memory_space<vmem>>[vector<16xi32>], vector<16xf32>,
          %mul3A_245 = arith.constant 128 : i32
          %mul3A_246 = arith.muli %scan3A_162, %mul3A_245 : i32
          %add3A_247 = arith.constant 64 : i32
          %add3A_248 = arith.addi %mul3A_246, %add3A_247 : i32
          %get3A_249 = arith.index_cast %add3A_248 : i32 to index
          %get3A_250 = tpu.vector_load %arg13[%get3A_249] {strides = array<i32>} : memref<2048xf32, #tpu.memory_space<vmem>>, vector<16xf32>,
          %sub3A_251 = arith.subf %gather3A_244, %gather3A_243 : vector<16xf32>
          %mul3A_252 = arith.mulf %sub3A_251, %get3A_250 : vector<16xf32>
          %swap3A_253 = arith.index_cast %scan3A_162 : i32 to index
          %swap3A_254 = arith.constant 64 : index
          %swap3A_255 = tpu.vector_load %arg15[%swap3A_253, %swap3A_254] {strides = array<i32>} : memref<16x128xf32, #tpu.memory_space<vmem>>, vector<16xf32>,
          tpu.vector_store %arg15[%swap3A_253, %swap3A_254], %mul3A_252 {strides = array<i32>} : memref<16x128xf32, #tpu.memory_space<vmem>>, vector<16xf32>,
          %get3A_256 = arith.index_cast %scan3A_162 : i32 to index
          %get3A_257 = arith.constant 80 : index
          %get3A_258 = tpu.vector_load %arg9[%get3A_256, %get3A_257] {strides = array<i32>} : memref<16x128xi32, #tpu.memory_space<vmem>>, vector<16xi32>,
          %get3A_259 = arith.index_cast %scan3A_162 : i32 to index
          %get3A_260 = arith.constant 80 : index
          %get3A_261 = tpu.vector_load %arg11[%get3A_259, %get3A_260] {strides = array<i32>} : memref<16x128xi32, #tpu.memory_space<vmem>>, vector<16xi32>,
          %gather3A_262 = tpu.vector_load_idx %arg7[%get3A_258] : memref<100000xf32, #tpu.memory_space<vmem>>[vector<16xi32>], vector<16xf32>,
          %gather3A_263 = tpu.vector_load_idx %arg7[%get3A_261] : memref<100000xf32, #tpu.memory_space<vmem>>[vector<16xi32>], vector<16xf32>,
          %mul3A_264 = arith.constant 128 : i32
          %mul3A_265 = arith.muli %scan3A_162, %mul3A_264 : i32
          %add3A_266 = arith.constant 80 : i32
          %add3A_267 = arith.addi %mul3A_265, %add3A_266 : i32
          %get3A_268 = arith.index_cast %add3A_267 : i32 to index
          %get3A_269 = tpu.vector_load %arg13[%get3A_268] {strides = array<i32>} : memref<2048xf32, #tpu.memory_space<vmem>>, vector<16xf32>,
          %sub3A_270 = arith.subf %gather3A_263, %gather3A_262 : vector<16xf32>
          %mul3A_271 = arith.mulf %sub3A_270, %get3A_269 : vector<16xf32>
          %swap3A_272 = arith.index_cast %scan3A_162 : i32 to index
          %swap3A_273 = arith.constant 80 : index
          %swap3A_274 = tpu.vector_load %arg15[%swap3A_272, %swap3A_273] {strides = array<i32>} : memref<16x128xf32, #tpu.memory_space<vmem>>, vector<16xf32>,
          tpu.vector_store %arg15[%swap3A_272, %swap3A_273], %mul3A_271 {strides = array<i32>} : memref<16x128xf32, #tpu.memory_space<vmem>>, vector<16xf32>,
          %get3A_275 = arith.index_cast %scan3A_162 : i32 to index
          %get3A_276 = arith.constant 96 : index
          %get3A_277 = tpu.vector_load %arg9[%get3A_275, %get3A_276] {strides = array<i32>} : memref<16x128xi32, #tpu.memory_space<vmem>>, vector<16xi32>,
          %get3A_278 = arith.index_cast %scan3A_162 : i32 to index
          %get3A_279 = arith.constant 96 : index
          %get3A_280 = tpu.vector_load %arg11[%get3A_278, %get3A_279] {strides = array<i32>} : memref<16x128xi32, #tpu.memory_space<vmem>>, vector<16xi32>,
          %gather3A_281 = tpu.vector_load_idx %arg7[%get3A_277] : memref<100000xf32, #tpu.memory_space<vmem>>[vector<16xi32>], vector<16xf32>,
          %gather3A_282 = tpu.vector_load_idx %arg7[%get3A_280] : memref<100000xf32, #tpu.memory_space<vmem>>[vector<16xi32>], vector<16xf32>,
          %mul3A_283 = arith.constant 128 : i32
          %mul3A_284 = arith.muli %scan3A_162, %mul3A_283 : i32
          %add3A_285 = arith.constant 96 : i32
          %add3A_286 = arith.addi %mul3A_284, %add3A_285 : i32
          %get3A_287 = arith.index_cast %add3A_286 : i32 to index
          %get3A_288 = tpu.vector_load %arg13[%get3A_287] {strides = array<i32>} : memref<2048xf32, #tpu.memory_space<vmem>>, vector<16xf32>,
          %sub3A_289 = arith.subf %gather3A_282, %gather3A_281 : vector<16xf32>
          %mul3A_290 = arith.mulf %sub3A_289, %get3A_288 : vector<16xf32>
          %swap3A_291 = arith.index_cast %scan3A_162 : i32 to index
          %swap3A_292 = arith.constant 96 : index
          %swap3A_293 = tpu.vector_load %arg15[%swap3A_291, %swap3A_292] {strides = array<i32>} : memref<16x128xf32, #tpu.memory_space<vmem>>, vector<16xf32>,
          tpu.vector_store %arg15[%swap3A_291, %swap3A_292], %mul3A_290 {strides = array<i32>} : memref<16x128xf32, #tpu.memory_space<vmem>>, vector<16xf32>,
          %get3A_294 = arith.index_cast %scan3A_162 : i32 to index
          %get3A_295 = arith.constant 112 : index
          %get3A_296 = tpu.vector_load %arg9[%get3A_294, %get3A_295] {strides = array<i32>} : memref<16x128xi32, #tpu.memory_space<vmem>>, vector<16xi32>,
          %get3A_297 = arith.index_cast %scan3A_162 : i32 to index
          %get3A_298 = arith.constant 112 : index
          %get3A_299 = tpu.vector_load %arg11[%get3A_297, %get3A_298] {strides = array<i32>} : memref<16x128xi32, #tpu.memory_space<vmem>>, vector<16xi32>,
          %gather3A_300 = tpu.vector_load_idx %arg7[%get3A_296] : memref<100000xf32, #tpu.memory_space<vmem>>[vector<16xi32>], vector<16xf32>,
          %gather3A_301 = tpu.vector_load_idx %arg7[%get3A_299] : memref<100000xf32, #tpu.memory_space<vmem>>[vector<16xi32>], vector<16xf32>,
          %mul3A_302 = arith.constant 128 : i32
          %mul3A_303 = arith.muli %scan3A_162, %mul3A_302 : i32
          %add3A_304 = arith.constant 112 : i32
          %add3A_305 = arith.addi %mul3A_303, %add3A_304 : i32
          %get3A_306 = arith.index_cast %add3A_305 : i32 to index
          %get3A_307 = tpu.vector_load %arg13[%get3A_306] {strides = array<i32>} : memref<2048xf32, #tpu.memory_space<vmem>>, vector<16xf32>,
          %sub3A_308 = arith.subf %gather3A_301, %gather3A_300 : vector<16xf32>
          %mul3A_309 = arith.mulf %sub3A_308, %get3A_307 : vector<16xf32>
          %swap3A_310 = arith.index_cast %scan3A_162 : i32 to index
          %swap3A_311 = arith.constant 112 : index
          %swap3A_312 = tpu.vector_load %arg15[%swap3A_310, %swap3A_311] {strides = array<i32>} : memref<16x128xf32, #tpu.memory_space<vmem>>, vector<16xf32>,
          tpu.vector_store %arg15[%swap3A_310, %swap3A_311], %mul3A_309 {strides = array<i32>} : memref<16x128xf32, #tpu.memory_space<vmem>>, vector<16xf32>,
          %scan3A_313 = arith.constant 0 : i32
          scf.yield %scan3A_313 : i32
        }
        %scan3A_161 = arith.constant 16 : i32
      } else {
      }
      %mul3A_123 = arith.constant 32 : i32
      %mul3A_124 = arith.muli %mul3A_123, %mul3A_57 : i32
      %add3A_125 = arith.addi %add3A, %mul3A_124 : i32
      %ge3A_126 = arith.constant 0 : i32
      %ge3A_127 = arith.cmpi sge, %mul3A_57, %ge3A_126 : i32
      %lt3A_128 = arith.constant 3125 : i32
      %lt3A_129 = arith.cmpi slt, %add3A_125, %lt3A_128 : i32
      %and3A_130 = arith.andi %ge3A_127, %lt3A_129 : i1
      %convert_element_type3A_131 = arith.extui %and3A_130 : i1 to i32
      %cond3A_132 = arith.constant 0 : i32
      %cond3A_133 = arith.cmpi ne, %convert_element_type3A_131, %cond3A_132 : i32
      scf.if %cond3A_133 {
        %scan3A_155 = arith.constant 0 : i32
        %scan3A_156 = arith.constant 0 : i32
        %scan3A_157 = arith.constant 16 : i32
        %scan3A_158 = arith.addi %scan3A_156, %scan3A_157 : i32
        %scan3A_159 = arith.constant 1 : i32
        %scan3A_160 = scf.for %scan3A_162 = %scan3A_156 to %scan3A_158 step %scan3A_159 iter_args(%scan3A_163 = %scan3A_155) -> (i32)  : i32 {
          %dma_wait3A = arith.constant 0 : i32
          %dma_wait3A_164 = tpu.memref_slice %arg14[%scan3A_162, %dma_wait3A] : memref<16x128xf32, #tpu.memory_space<vmem>> -> memref<1x128xf32, #tpu.memory_space<vmem>>
          %dma_wait3A_165 = tpu.memref_squeeze %dma_wait3A_164 : memref<1x128xf32, #tpu.memory_space<vmem>> -> memref<128xf32, #tpu.memory_space<vmem>>
          %dma_wait3A_166 = arith.constant 0 : i32
          %dma_wait3A_167 = tpu.memref_slice %arg10[%scan3A_162, %dma_wait3A_166] : memref<16x128xi32, #tpu.memory_space<vmem>> -> memref<1x128xi32, #tpu.memory_space<vmem>>
          %dma_wait3A_168 = tpu.memref_squeeze %dma_wait3A_167 : memref<1x128xi32, #tpu.memory_space<vmem>> -> memref<128xi32, #tpu.memory_space<vmem>>
          %dma_wait3A_169 = arith.constant 0 : i32
          %dma_wait3A_170 = tpu.memref_slice %arg6[%dma_wait3A_169] : memref<100352xf32, #tpu.memory_space<vmem_shared>> -> memref<100352xf32, #tpu.memory_space<vmem_shared>>
          tpu.wait_indirect_dma semaphore(%arg18 : memref<!tpu.dma_semaphore, #tpu.memory_space<semaphore_mem>>) src(%dma_wait3A_165 : memref<128xf32, #tpu.memory_space<vmem>>) dst(%dma_wait3A_170 : memref<100352xf32, #tpu.memory_space<vmem_shared>>)
          %scan3A_171 = arith.constant 0 : i32
          scf.yield %scan3A_171 : i32
        }
        %scan3A_161 = arith.constant 16 : i32
      } else {
      }
      %add3A_134 = arith.constant 2 : i32
      %add3A_135 = arith.addi %mul3A_57, %add3A_134 : i32
      %mul3A_136 = arith.constant 32 : i32
      %mul3A_137 = arith.muli %mul3A_136, %add3A_135 : i32
      %add3A_138 = arith.addi %add3A, %mul3A_137 : i32
      %lt3A_139 = arith.constant 3125 : i32
      %lt3A_140 = arith.cmpi slt, %add3A_138, %lt3A_139 : i32
      %convert_element_type3A_141 = arith.extui %lt3A_140 : i1 to i32
      %cond3A_142 = arith.constant 0 : i32
      %cond3A_143 = arith.cmpi ne, %convert_element_type3A_141, %cond3A_142 : i32
      scf.if %cond3A_143 {
        %mul3A_155 = arith.constant 2048 : i32
        %mul3A_156 = arith.muli %add3A_138, %mul3A_155 : i32
        %dma_start3A = arith.constant 0 : i32
        %dma_start3A_157 = arith.constant 0 : i32
        %dma_start3A_158 = arith.constant 0 : i32
        %dma_start3A_159 = tpu.memref_slice %arg3[%dma_start3A, %add3A_138, %dma_start3A_157, %dma_start3A_158] : memref<2x3125x16x128xi32, #tpu.memory_space<hbm>> -> memref<1x1x16x128xi32, #tpu.memory_space<hbm>>
        %dma_start3A_160 = tpu.memref_squeeze %dma_start3A_159 : memref<1x1x16x128xi32, #tpu.memory_space<hbm>> -> memref<16x128xi32, #tpu.memory_space<hbm>>
        %dma_start3A_161 = arith.constant 0 : i32
        %dma_start3A_162 = arith.constant 0 : i32
        %dma_start3A_163 = tpu.memref_slice %arg3[%dma_start3A, %add3A_138, %dma_start3A_161, %dma_start3A_162] : memref<2x3125x16x128xi32, #tpu.memory_space<hbm>> -> memref<1x1x16x128xi32, #tpu.memory_space<hbm>>
        %dma_start3A_164 = tpu.memref_squeeze %dma_start3A_163 : memref<1x1x16x128xi32, #tpu.memory_space<hbm>> -> memref<16x128xi32, #tpu.memory_space<hbm>>
        tpu.enqueue_dma source(%dma_start3A_164 : memref<16x128xi32, #tpu.memory_space<hbm>>) target(%arg8 : memref<16x128xi32, #tpu.memory_space<vmem>>) target_semaphore(%arg16 : memref<!tpu.dma_semaphore, #tpu.memory_space<semaphore_mem>>)
        %dma_start3A_165 = arith.constant 1 : i32
        %dma_start3A_166 = arith.constant 0 : i32
        %dma_start3A_167 = arith.constant 0 : i32
        %dma_start3A_168 = tpu.memref_slice %arg3[%dma_start3A_165, %add3A_138, %dma_start3A_166, %dma_start3A_167] : memref<2x3125x16x128xi32, #tpu.memory_space<hbm>> -> memref<1x1x16x128xi32, #tpu.memory_space<hbm>>
        %dma_start3A_169 = tpu.memref_squeeze %dma_start3A_168 : memref<1x1x16x128xi32, #tpu.memory_space<hbm>> -> memref<16x128xi32, #tpu.memory_space<hbm>>
        %dma_start3A_170 = arith.constant 0 : i32
        %dma_start3A_171 = arith.constant 0 : i32
        %dma_start3A_172 = tpu.memref_slice %arg3[%dma_start3A_165, %add3A_138, %dma_start3A_170, %dma_start3A_171] : memref<2x3125x16x128xi32, #tpu.memory_space<hbm>> -> memref<1x1x16x128xi32, #tpu.memory_space<hbm>>
        %dma_start3A_173 = tpu.memref_squeeze %dma_start3A_172 : memref<1x1x16x128xi32, #tpu.memory_space<hbm>> -> memref<16x128xi32, #tpu.memory_space<hbm>>
        tpu.enqueue_dma source(%dma_start3A_173 : memref<16x128xi32, #tpu.memory_space<hbm>>) target(%arg10 : memref<16x128xi32, #tpu.memory_space<vmem>>) target_semaphore(%arg16 : memref<!tpu.dma_semaphore, #tpu.memory_space<semaphore_mem>>)
        %dma_start3A_174 = tpu.memref_slice %arg4[%mul3A_156] : memref<6400000xf32, #tpu.memory_space<hbm>> -> memref<2048xf32, #tpu.memory_space<hbm>>
        %dma_start3A_175 = tpu.memref_slice %arg4[%mul3A_156] : memref<6400000xf32, #tpu.memory_space<hbm>> -> memref<2048xf32, #tpu.memory_space<hbm>>
        tpu.enqueue_dma source(%dma_start3A_175 : memref<2048xf32, #tpu.memory_space<hbm>>) target(%arg12 : memref<2048xf32, #tpu.memory_space<vmem>>) target_semaphore(%arg16 : memref<!tpu.dma_semaphore, #tpu.memory_space<semaphore_mem>>)
      } else {
      }
      %add3A_144 = arith.constant 1 : i32
      %add3A_145 = arith.addi %mul3A_57, %add3A_144 : i32
      %mul3A_146 = arith.constant 32 : i32
      %mul3A_147 = arith.muli %mul3A_146, %add3A_145 : i32
      %add3A_148 = arith.addi %add3A, %mul3A_147 : i32
      %lt3A_149 = arith.constant 3125 : i32
      %lt3A_150 = arith.cmpi slt, %add3A_148, %lt3A_149 : i32
      %convert_element_type3A_151 = arith.extui %lt3A_150 : i1 to i32
      %cond3A_152 = arith.constant 0 : i32
      %cond3A_153 = arith.cmpi ne, %convert_element_type3A_151, %cond3A_152 : i32
      scf.if %cond3A_153 {
        %scan3A_155 = arith.constant 0 : i32
        %scan3A_156 = arith.constant 0 : i32
        %scan3A_157 = arith.constant 16 : i32
        %scan3A_158 = arith.addi %scan3A_156, %scan3A_157 : i32
        %scan3A_159 = arith.constant 1 : i32
        %scan3A_160 = scf.for %scan3A_162 = %scan3A_156 to %scan3A_158 step %scan3A_159 iter_args(%scan3A_163 = %scan3A_155) -> (i32)  : i32 {
          %dma_start3A = arith.constant 0 : i32
          %dma_start3A_164 = tpu.memref_slice %arg15[%scan3A_162, %dma_start3A] : memref<16x128xf32, #tpu.memory_space<vmem>> -> memref<1x128xf32, #tpu.memory_space<vmem>>
          %dma_start3A_165 = tpu.memref_squeeze %dma_start3A_164 : memref<1x128xf32, #tpu.memory_space<vmem>> -> memref<128xf32, #tpu.memory_space<vmem>>
          %dma_start3A_166 = arith.constant 0 : i32
          %dma_start3A_167 = tpu.memref_slice %arg11[%scan3A_162, %dma_start3A_166] : memref<16x128xi32, #tpu.memory_space<vmem>> -> memref<1x128xi32, #tpu.memory_space<vmem>>
          %dma_start3A_168 = tpu.memref_squeeze %dma_start3A_167 : memref<1x128xi32, #tpu.memory_space<vmem>> -> memref<128xi32, #tpu.memory_space<vmem>>
          %dma_start3A_169 = arith.constant 0 : i32
          %dma_start3A_170 = tpu.memref_slice %arg6[%dma_start3A_169] : memref<100352xf32, #tpu.memory_space<vmem_shared>> -> memref<100352xf32, #tpu.memory_space<vmem_shared>>
          tpu.enqueue_indirect_dma source(%dma_start3A_165 : memref<128xf32, #tpu.memory_space<vmem>>) target(%dma_start3A_170 : memref<100352xf32, #tpu.memory_space<vmem_shared>>) offsets(%dma_start3A_168 : memref<128xi32, #tpu.memory_space<vmem>>) semaphore(%arg19 : memref<!tpu.dma_semaphore, #tpu.memory_space<semaphore_mem>>) {add = true}
          %scan3A_171 = arith.constant 0 : i32
          scf.yield %scan3A_171 : i32
        }
        %scan3A_161 = arith.constant 16 : i32
      } else {
      }
      %scan3A_154 = arith.constant 0 : i32
      scf.yield %scan3A_154 : i32
    }
    %scan3A_37 = arith.constant 49 : i32
    %add3A_38 = arith.constant 3104 : i32
    %add3A_39 = arith.addi %add3A, %add3A_38 : i32
    %lt3A_40 = arith.constant 3125 : i32
    %lt3A_41 = arith.cmpi slt, %add3A_39, %lt3A_40 : i32
    %and3A = arith.constant true
    %and3A_42 = arith.andi %and3A, %lt3A_41 : i1
    %convert_element_type3A_43 = arith.extui %and3A_42 : i1 to i32
    %cond3A_44 = arith.constant 0 : i32
    %cond3A_45 = arith.cmpi ne, %convert_element_type3A_43, %cond3A_44 : i32
    scf.if %cond3A_45 {
      %scan3A_54 = arith.constant 0 : i32
      %scan3A_55 = arith.constant 0 : i32
      %scan3A_56 = arith.constant 16 : i32
      %scan3A_57 = arith.addi %scan3A_55, %scan3A_56 : i32
      %scan3A_58 = arith.constant 1 : i32
      %scan3A_59 = scf.for %scan3A_61 = %scan3A_55 to %scan3A_57 step %scan3A_58 iter_args(%scan3A_62 = %scan3A_54) -> (i32)  : i32 {
        %dma_wait3A = arith.constant 0 : i32
        %dma_wait3A_63 = tpu.memref_slice %arg15[%scan3A_61, %dma_wait3A] : memref<16x128xf32, #tpu.memory_space<vmem>> -> memref<1x128xf32, #tpu.memory_space<vmem>>
        %dma_wait3A_64 = tpu.memref_squeeze %dma_wait3A_63 : memref<1x128xf32, #tpu.memory_space<vmem>> -> memref<128xf32, #tpu.memory_space<vmem>>
        %dma_wait3A_65 = arith.constant 0 : i32
        %dma_wait3A_66 = tpu.memref_slice %arg11[%scan3A_61, %dma_wait3A_65] : memref<16x128xi32, #tpu.memory_space<vmem>> -> memref<1x128xi32, #tpu.memory_space<vmem>>
        %dma_wait3A_67 = tpu.memref_squeeze %dma_wait3A_66 : memref<1x128xi32, #tpu.memory_space<vmem>> -> memref<128xi32, #tpu.memory_space<vmem>>
        %dma_wait3A_68 = arith.constant 0 : i32
        %dma_wait3A_69 = tpu.memref_slice %arg6[%dma_wait3A_68] : memref<100352xf32, #tpu.memory_space<vmem_shared>> -> memref<100352xf32, #tpu.memory_space<vmem_shared>>
        tpu.wait_indirect_dma semaphore(%arg19 : memref<!tpu.dma_semaphore, #tpu.memory_space<semaphore_mem>>) src(%dma_wait3A_64 : memref<128xf32, #tpu.memory_space<vmem>>) dst(%dma_wait3A_69 : memref<100352xf32, #tpu.memory_space<vmem_shared>>)
        %scan3A_70 = arith.constant 0 : i32
        scf.yield %scan3A_70 : i32
      }
      %scan3A_60 = arith.constant 16 : i32
    } else {
    }
    %barrier3A_46 = arith.constant 0 : index
    tpu.barrier barrier_id(%barrier3A_46)
    %mul3A_47 = arith.constant 6272 : i32
    %mul3A_48 = arith.muli %arg1, %mul3A_47 : i32
    "tpu.region"() ({
      %run_scoped3A = tpu.sem_alloc : memref<!tpu.dma_semaphore, #tpu.memory_space<semaphore_mem>>
      %dma_start3A = arith.constant 0 : i32
      %dma_start3A_54 = tpu.memref_slice %arg7[%dma_start3A] : memref<100000xf32, #tpu.memory_space<vmem>> -> memref<6272xf32, #tpu.memory_space<vmem>>
      %dma_start3A_55 = tpu.memref_slice %arg6[%mul3A_48] : memref<100352xf32, #tpu.memory_space<vmem_shared>> -> memref<6272xf32, #tpu.memory_space<vmem_shared>>
      %dma_start3A_56 = arith.constant 0 : i32
      %dma_start3A_57 = tpu.memref_slice %arg7[%dma_start3A_56] : memref<100000xf32, #tpu.memory_space<vmem>> -> memref<6272xf32, #tpu.memory_space<vmem>>
      %dma_start3A_58 = tpu.memref_slice %arg6[%mul3A_48] : memref<100352xf32, #tpu.memory_space<vmem_shared>> -> memref<6272xf32, #tpu.memory_space<vmem_shared>>
      tpu.enqueue_dma source(%dma_start3A_58 : memref<6272xf32, #tpu.memory_space<vmem_shared>>) target(%dma_start3A_57 : memref<6272xf32, #tpu.memory_space<vmem>>) target_semaphore(%run_scoped3A : memref<!tpu.dma_semaphore, #tpu.memory_space<semaphore_mem>>)
      %dma_wait3A = arith.constant 0 : i32
      %dma_wait3A_59 = tpu.memref_slice %arg7[%dma_wait3A] : memref<100000xf32, #tpu.memory_space<vmem>> -> memref<6272xf32, #tpu.memory_space<vmem>>
      %dma_wait3A_60 = tpu.memref_slice %arg6[%mul3A_48] : memref<100352xf32, #tpu.memory_space<vmem_shared>> -> memref<6272xf32, #tpu.memory_space<vmem_shared>>
      %dma_wait3A_61 = arith.constant 0 : i32
      %dma_wait3A_62 = tpu.memref_slice %arg7[%dma_wait3A_61] : memref<100000xf32, #tpu.memory_space<vmem>> -> memref<6272xf32, #tpu.memory_space<vmem>>
      %dma_wait3A_63 = tpu.memref_slice %arg6[%mul3A_48] : memref<100352xf32, #tpu.memory_space<vmem_shared>> -> memref<6272xf32, #tpu.memory_space<vmem_shared>>
      tpu.wait_dma2 semaphore(%run_scoped3A : memref<!tpu.dma_semaphore, #tpu.memory_space<semaphore_mem>>) src(%dma_wait3A_63 : memref<6272xf32, #tpu.memory_space<vmem_shared>>) dst(%dma_wait3A_62 : memref<6272xf32, #tpu.memory_space<vmem>>)
      tpu.yield
    }) : () -> ()
    %mul3A_49 = arith.constant 100352 : i32
    %mul3A_50 = arith.muli %arg0, %mul3A_49 : i32
    %mul3A_51 = arith.constant 6272 : i32
    %mul3A_52 = arith.muli %arg1, %mul3A_51 : i32
    %add3A_53 = arith.addi %mul3A_50, %mul3A_52 : i32
    "tpu.region"() ({
      %run_scoped3A = tpu.sem_alloc : memref<!tpu.dma_semaphore, #tpu.memory_space<semaphore_mem>>
      %dma_start3A = arith.constant 0 : i32
      %dma_start3A_54 = tpu.memref_slice %arg7[%dma_start3A] : memref<100000xf32, #tpu.memory_space<vmem>> -> memref<6272xf32, #tpu.memory_space<vmem>>
      %dma_start3A_55 = tpu.memref_slice %arg5[%add3A_53] : memref<200704xf32, #tpu.memory_space<hbm>> -> memref<6272xf32, #tpu.memory_space<hbm>>
      %dma_start3A_56 = tpu.memref_slice %arg5[%add3A_53] : memref<200704xf32, #tpu.memory_space<hbm>> -> memref<6272xf32, #tpu.memory_space<hbm>>
      %dma_start3A_57 = arith.constant 0 : i32
      %dma_start3A_58 = tpu.memref_slice %arg7[%dma_start3A_57] : memref<100000xf32, #tpu.memory_space<vmem>> -> memref<6272xf32, #tpu.memory_space<vmem>>
      tpu.enqueue_dma source(%dma_start3A_58 : memref<6272xf32, #tpu.memory_space<vmem>>) target(%dma_start3A_56 : memref<6272xf32, #tpu.memory_space<hbm>>) target_semaphore(%run_scoped3A : memref<!tpu.dma_semaphore, #tpu.memory_space<semaphore_mem>>)
      %dma_wait3A = arith.constant 0 : i32
      %dma_wait3A_59 = tpu.memref_slice %arg7[%dma_wait3A] : memref<100000xf32, #tpu.memory_space<vmem>> -> memref<6272xf32, #tpu.memory_space<vmem>>
      %dma_wait3A_60 = tpu.memref_slice %arg5[%add3A_53] : memref<200704xf32, #tpu.memory_space<hbm>> -> memref<6272xf32, #tpu.memory_space<hbm>>
      %dma_wait3A_61 = tpu.memref_slice %arg5[%add3A_53] : memref<200704xf32, #tpu.memory_space<hbm>> -> memref<6272xf32, #tpu.memory_space<hbm>>
      %dma_wait3A_62 = arith.constant 0 : i32
      %dma_wait3A_63 = tpu.memref_slice %arg7[%dma_wait3A_62] : memref<100000xf32, #tpu.memory_space<vmem>> -> memref<6272xf32, #tpu.memory_space<vmem>>
      tpu.wait_dma2 semaphore(%run_scoped3A : memref<!tpu.dma_semaphore, #tpu.memory_space<semaphore_mem>>) src(%dma_wait3A_63 : memref<6272xf32, #tpu.memory_space<vmem>>) dst(%dma_wait3A_61 : memref<6272xf32, #tpu.memory_space<hbm>>)
      tpu.yield
    }) : () -> ()
    return
  }
}

#map = affine_map<(d0, d1) -> (0)>
module attributes {stable_mosaic.version = 14 : i64} {
  func.func @body(%arg0: i32, %arg1: i32, %arg2: memref<200704xf32, #tpu.memory_space<hbm>>, %arg3: memref<200704xf32, #tpu.memory_space<hbm>>, %arg4: memref<100000xf32, #tpu.memory_space<hbm>>, %arg5: memref<100352xf32, #tpu.memory_space<hbm>>, %arg6: memref<100352xf32, #tpu.memory_space<hbm>>, %arg7: memref<3136xf32, #tpu.memory_space<vmem>>, %arg8: memref<3136xf32, #tpu.memory_space<vmem>>, %arg9: memref<3136xf32, #tpu.memory_space<vmem>>, %arg10: memref<3136xf32, #tpu.memory_space<vmem>>, %arg11: memref<3136xf32, #tpu.memory_space<vmem>>, %arg12: memref<3136xf32, #tpu.memory_space<vmem>>, %arg13: memref<3136xf32, #tpu.memory_space<vmem>>) attributes {dimension_semantics = [#tpu.dimension_semantics<core_parallel>, #tpu.dimension_semantics<subcore_parallel>], iteration_bounds = array<i64: 2, 16>, scalar_prefetch = 0 : i64, scratch_operands = 7 : i64, tpu.core_type = #tpu.core_type<sc_vector_subcore>, window_params = [{transform_indices = #map}, {transform_indices = #map}, {transform_indices = #map}, {transform_indices = #map}, {transform_indices = #map}]} {
    %mul3A = arith.constant 16 : i32
    %mul3A_0 = arith.muli %arg0, %mul3A : i32
    %add3A = arith.addi %mul3A_0, %arg1 : i32
    %mul3A_1 = arith.constant 3136 : i32
    %mul3A_2 = arith.muli %add3A, %mul3A_1 : i32
    %mul3A_3 = arith.constant 3136 : i32
    %mul3A_4 = arith.muli %add3A, %mul3A_3 : i32
    %add3A_5 = arith.constant 100352 : i32
    %add3A_6 = arith.addi %add3A_5, %mul3A_4 : i32
    "tpu.region"() ({
      %run_scoped3A = tpu.sem_alloc : memref<!tpu.dma_semaphore, #tpu.memory_space<semaphore_mem>>
      %dma_start3A = tpu.memref_slice %arg2[%mul3A_2] : memref<200704xf32, #tpu.memory_space<hbm>> -> memref<3136xf32, #tpu.memory_space<hbm>>
      %dma_start3A_19 = tpu.memref_slice %arg2[%mul3A_2] : memref<200704xf32, #tpu.memory_space<hbm>> -> memref<3136xf32, #tpu.memory_space<hbm>>
      tpu.enqueue_dma source(%dma_start3A_19 : memref<3136xf32, #tpu.memory_space<hbm>>) target(%arg7 : memref<3136xf32, #tpu.memory_space<vmem>>) target_semaphore(%run_scoped3A : memref<!tpu.dma_semaphore, #tpu.memory_space<semaphore_mem>>)
      %dma_wait3A = tpu.memref_slice %arg2[%mul3A_2] : memref<200704xf32, #tpu.memory_space<hbm>> -> memref<3136xf32, #tpu.memory_space<hbm>>
      %dma_wait3A_20 = tpu.memref_slice %arg2[%mul3A_2] : memref<200704xf32, #tpu.memory_space<hbm>> -> memref<3136xf32, #tpu.memory_space<hbm>>
      tpu.wait_dma2 semaphore(%run_scoped3A : memref<!tpu.dma_semaphore, #tpu.memory_space<semaphore_mem>>) src(%dma_wait3A_20 : memref<3136xf32, #tpu.memory_space<hbm>>) dst(%arg7 : memref<3136xf32, #tpu.memory_space<vmem>>)
      tpu.yield
    }) : () -> ()
    "tpu.region"() ({
      %run_scoped3A = tpu.sem_alloc : memref<!tpu.dma_semaphore, #tpu.memory_space<semaphore_mem>>
      %dma_start3A = tpu.memref_slice %arg2[%add3A_6] : memref<200704xf32, #tpu.memory_space<hbm>> -> memref<3136xf32, #tpu.memory_space<hbm>>
      %dma_start3A_19 = tpu.memref_slice %arg2[%add3A_6] : memref<200704xf32, #tpu.memory_space<hbm>> -> memref<3136xf32, #tpu.memory_space<hbm>>
      tpu.enqueue_dma source(%dma_start3A_19 : memref<3136xf32, #tpu.memory_space<hbm>>) target(%arg8 : memref<3136xf32, #tpu.memory_space<vmem>>) target_semaphore(%run_scoped3A : memref<!tpu.dma_semaphore, #tpu.memory_space<semaphore_mem>>)
      %dma_wait3A = tpu.memref_slice %arg2[%add3A_6] : memref<200704xf32, #tpu.memory_space<hbm>> -> memref<3136xf32, #tpu.memory_space<hbm>>
      %dma_wait3A_20 = tpu.memref_slice %arg2[%add3A_6] : memref<200704xf32, #tpu.memory_space<hbm>> -> memref<3136xf32, #tpu.memory_space<hbm>>
      tpu.wait_dma2 semaphore(%run_scoped3A : memref<!tpu.dma_semaphore, #tpu.memory_space<semaphore_mem>>) src(%dma_wait3A_20 : memref<3136xf32, #tpu.memory_space<hbm>>) dst(%arg8 : memref<3136xf32, #tpu.memory_space<vmem>>)
      tpu.yield
    }) : () -> ()
    "tpu.region"() ({
      %run_scoped3A = tpu.sem_alloc : memref<!tpu.dma_semaphore, #tpu.memory_space<semaphore_mem>>
      %dma_start3A = tpu.memref_slice %arg3[%mul3A_2] : memref<200704xf32, #tpu.memory_space<hbm>> -> memref<3136xf32, #tpu.memory_space<hbm>>
      %dma_start3A_19 = tpu.memref_slice %arg3[%mul3A_2] : memref<200704xf32, #tpu.memory_space<hbm>> -> memref<3136xf32, #tpu.memory_space<hbm>>
      tpu.enqueue_dma source(%dma_start3A_19 : memref<3136xf32, #tpu.memory_space<hbm>>) target(%arg9 : memref<3136xf32, #tpu.memory_space<vmem>>) target_semaphore(%run_scoped3A : memref<!tpu.dma_semaphore, #tpu.memory_space<semaphore_mem>>)
      %dma_wait3A = tpu.memref_slice %arg3[%mul3A_2] : memref<200704xf32, #tpu.memory_space<hbm>> -> memref<3136xf32, #tpu.memory_space<hbm>>
      %dma_wait3A_20 = tpu.memref_slice %arg3[%mul3A_2] : memref<200704xf32, #tpu.memory_space<hbm>> -> memref<3136xf32, #tpu.memory_space<hbm>>
      tpu.wait_dma2 semaphore(%run_scoped3A : memref<!tpu.dma_semaphore, #tpu.memory_space<semaphore_mem>>) src(%dma_wait3A_20 : memref<3136xf32, #tpu.memory_space<hbm>>) dst(%arg9 : memref<3136xf32, #tpu.memory_space<vmem>>)
      tpu.yield
    }) : () -> ()
    "tpu.region"() ({
      %run_scoped3A = tpu.sem_alloc : memref<!tpu.dma_semaphore, #tpu.memory_space<semaphore_mem>>
      %dma_start3A = tpu.memref_slice %arg3[%add3A_6] : memref<200704xf32, #tpu.memory_space<hbm>> -> memref<3136xf32, #tpu.memory_space<hbm>>
      %dma_start3A_19 = tpu.memref_slice %arg3[%add3A_6] : memref<200704xf32, #tpu.memory_space<hbm>> -> memref<3136xf32, #tpu.memory_space<hbm>>
      tpu.enqueue_dma source(%dma_start3A_19 : memref<3136xf32, #tpu.memory_space<hbm>>) target(%arg10 : memref<3136xf32, #tpu.memory_space<vmem>>) target_semaphore(%run_scoped3A : memref<!tpu.dma_semaphore, #tpu.memory_space<semaphore_mem>>)
      %dma_wait3A = tpu.memref_slice %arg3[%add3A_6] : memref<200704xf32, #tpu.memory_space<hbm>> -> memref<3136xf32, #tpu.memory_space<hbm>>
      %dma_wait3A_20 = tpu.memref_slice %arg3[%add3A_6] : memref<200704xf32, #tpu.memory_space<hbm>> -> memref<3136xf32, #tpu.memory_space<hbm>>
      tpu.wait_dma2 semaphore(%run_scoped3A : memref<!tpu.dma_semaphore, #tpu.memory_space<semaphore_mem>>) src(%dma_wait3A_20 : memref<3136xf32, #tpu.memory_space<hbm>>) dst(%arg10 : memref<3136xf32, #tpu.memory_space<vmem>>)
      tpu.yield
    }) : () -> ()
    %lt3A = arith.constant 31 : i32
    %lt3A_7 = arith.cmpi slt, %add3A, %lt3A : i32
    %convert_element_type3A = arith.extui %lt3A_7 : i1 to i32
    %cond3A = arith.constant 0 : i32
    %cond3A_8 = arith.cmpi ne, %convert_element_type3A, %cond3A : i32
    scf.if %cond3A_8 {
      "tpu.region"() ({
        %run_scoped3A = tpu.sem_alloc : memref<!tpu.dma_semaphore, #tpu.memory_space<semaphore_mem>>
        %dma_start3A = tpu.memref_slice %arg4[%mul3A_2] : memref<100000xf32, #tpu.memory_space<hbm>> -> memref<3136xf32, #tpu.memory_space<hbm>>
        %dma_start3A_19 = tpu.memref_slice %arg4[%mul3A_2] : memref<100000xf32, #tpu.memory_space<hbm>> -> memref<3136xf32, #tpu.memory_space<hbm>>
        tpu.enqueue_dma source(%dma_start3A_19 : memref<3136xf32, #tpu.memory_space<hbm>>) target(%arg11 : memref<3136xf32, #tpu.memory_space<vmem>>) target_semaphore(%run_scoped3A : memref<!tpu.dma_semaphore, #tpu.memory_space<semaphore_mem>>)
        %dma_wait3A = tpu.memref_slice %arg4[%mul3A_2] : memref<100000xf32, #tpu.memory_space<hbm>> -> memref<3136xf32, #tpu.memory_space<hbm>>
        %dma_wait3A_20 = tpu.memref_slice %arg4[%mul3A_2] : memref<100000xf32, #tpu.memory_space<hbm>> -> memref<3136xf32, #tpu.memory_space<hbm>>
        tpu.wait_dma2 semaphore(%run_scoped3A : memref<!tpu.dma_semaphore, #tpu.memory_space<semaphore_mem>>) src(%dma_wait3A_20 : memref<3136xf32, #tpu.memory_space<hbm>>) dst(%arg11 : memref<3136xf32, #tpu.memory_space<vmem>>)
        tpu.yield
      }) : () -> ()
    } else {
    }
    %eq3A = arith.constant 31 : i32
    %eq3A_9 = arith.cmpi eq, %add3A, %eq3A : i32
    %convert_element_type3A_10 = arith.extui %eq3A_9 : i1 to i32
    %cond3A_11 = arith.constant 0 : i32
    %cond3A_12 = arith.cmpi ne, %convert_element_type3A_10, %cond3A_11 : i32
    scf.if %cond3A_12 {
      "tpu.region"() ({
        %run_scoped3A = tpu.sem_alloc : memref<!tpu.dma_semaphore, #tpu.memory_space<semaphore_mem>>
        %dma_start3A = arith.constant 0 : i32
        %dma_start3A_19 = tpu.memref_slice %arg11[%dma_start3A] : memref<3136xf32, #tpu.memory_space<vmem>> -> memref<2784xf32, #tpu.memory_space<vmem>>
        %dma_start3A_20 = arith.constant 97216 : i32
        %dma_start3A_21 = tpu.memref_slice %arg4[%dma_start3A_20] : memref<100000xf32, #tpu.memory_space<hbm>> -> memref<2784xf32, #tpu.memory_space<hbm>>
        %dma_start3A_22 = arith.constant 0 : i32
        %dma_start3A_23 = tpu.memref_slice %arg11[%dma_start3A_22] : memref<3136xf32, #tpu.memory_space<vmem>> -> memref<2784xf32, #tpu.memory_space<vmem>>
        %dma_start3A_24 = arith.constant 97216 : i32
        %dma_start3A_25 = tpu.memref_slice %arg4[%dma_start3A_24] : memref<100000xf32, #tpu.memory_space<hbm>> -> memref<2784xf32, #tpu.memory_space<hbm>>
        tpu.enqueue_dma source(%dma_start3A_25 : memref<2784xf32, #tpu.memory_space<hbm>>) target(%dma_start3A_23 : memref<2784xf32, #tpu.memory_space<vmem>>) target_semaphore(%run_scoped3A : memref<!tpu.dma_semaphore, #tpu.memory_space<semaphore_mem>>)
        %dma_wait3A = arith.constant 0 : i32
        %dma_wait3A_26 = tpu.memref_slice %arg11[%dma_wait3A] : memref<3136xf32, #tpu.memory_space<vmem>> -> memref<2784xf32, #tpu.memory_space<vmem>>
        %dma_wait3A_27 = arith.constant 97216 : i32
        %dma_wait3A_28 = tpu.memref_slice %arg4[%dma_wait3A_27] : memref<100000xf32, #tpu.memory_space<hbm>> -> memref<2784xf32, #tpu.memory_space<hbm>>
        %dma_wait3A_29 = arith.constant 0 : i32
        %dma_wait3A_30 = tpu.memref_slice %arg11[%dma_wait3A_29] : memref<3136xf32, #tpu.memory_space<vmem>> -> memref<2784xf32, #tpu.memory_space<vmem>>
        %dma_wait3A_31 = arith.constant 97216 : i32
        %dma_wait3A_32 = tpu.memref_slice %arg4[%dma_wait3A_31] : memref<100000xf32, #tpu.memory_space<hbm>> -> memref<2784xf32, #tpu.memory_space<hbm>>
        tpu.wait_dma2 semaphore(%run_scoped3A : memref<!tpu.dma_semaphore, #tpu.memory_space<semaphore_mem>>) src(%dma_wait3A_32 : memref<2784xf32, #tpu.memory_space<hbm>>) dst(%dma_wait3A_30 : memref<2784xf32, #tpu.memory_space<vmem>>)
        tpu.yield
      }) : () -> ()
    } else {
    }
    %scan3A = arith.constant 0 : i32
    %scan3A_13 = arith.constant 0 : i32
    %scan3A_14 = arith.constant 196 : i32
    %scan3A_15 = arith.addi %scan3A_13, %scan3A_14 : i32
    %scan3A_16 = arith.constant 1 : i32
    %scan3A_17 = scf.for %scan3A_19 = %scan3A_13 to %scan3A_15 step %scan3A_16 iter_args(%scan3A_20 = %scan3A) -> (i32)  : i32 {
      %mul3A_21 = arith.constant 16 : i32
      %mul3A_22 = arith.muli %scan3A_19, %mul3A_21 : i32
      %get3A = arith.index_cast %mul3A_22 : i32 to index
      %get3A_23 = tpu.vector_load %arg9[%get3A] {strides = array<i32>} : memref<3136xf32, #tpu.memory_space<vmem>>, vector<16xf32>,
      %get3A_24 = arith.index_cast %mul3A_22 : i32 to index
      %get3A_25 = tpu.vector_load %arg10[%get3A_24] {strides = array<i32>} : memref<3136xf32, #tpu.memory_space<vmem>>, vector<16xf32>,
      %add3A_26 = arith.addf %get3A_23, %get3A_25 : vector<16xf32>
      %get3A_27 = arith.index_cast %mul3A_22 : i32 to index
      %get3A_28 = tpu.vector_load %arg11[%get3A_27] {strides = array<i32>} : memref<3136xf32, #tpu.memory_space<vmem>>, vector<16xf32>,
      %get3A_29 = arith.index_cast %mul3A_22 : i32 to index
      %get3A_30 = tpu.vector_load %arg7[%get3A_29] {strides = array<i32>} : memref<3136xf32, #tpu.memory_space<vmem>>, vector<16xf32>,
      %get3A_31 = arith.index_cast %mul3A_22 : i32 to index
      %get3A_32 = tpu.vector_load %arg8[%get3A_31] {strides = array<i32>} : memref<3136xf32, #tpu.memory_space<vmem>>, vector<16xf32>,
      %add3A_33 = arith.addf %get3A_30, %get3A_32 : vector<16xf32>
      %mul3A_34 = arith.mulf %get3A_28, %add3A_33 : vector<16xf32>
      %max3A = arith.constant 1.000000e+00 : f32
      %max3A_35 = vector.broadcast %max3A : f32 to vector<16xf32>
      %max3A_36 = arith.maximumf %add3A_26, %max3A_35 : vector<16xf32>
      %div3A = arith.divf %mul3A_34, %max3A_36 : vector<16xf32>
      %swap3A = arith.index_cast %mul3A_22 : i32 to index
      %swap3A_37 = tpu.vector_load %arg12[%swap3A] {strides = array<i32>} : memref<3136xf32, #tpu.memory_space<vmem>>, vector<16xf32>,
      tpu.vector_store %arg12[%swap3A], %div3A {strides = array<i32>} : memref<3136xf32, #tpu.memory_space<vmem>>, vector<16xf32>,
      %swap3A_38 = arith.index_cast %mul3A_22 : i32 to index
      %swap3A_39 = tpu.vector_load %arg13[%swap3A_38] {strides = array<i32>} : memref<3136xf32, #tpu.memory_space<vmem>>, vector<16xf32>,
      tpu.vector_store %arg13[%swap3A_38], %add3A_26 {strides = array<i32>} : memref<3136xf32, #tpu.memory_space<vmem>>, vector<16xf32>,
      %scan3A_40 = arith.constant 0 : i32
      scf.yield %scan3A_40 : i32
    }
    %scan3A_18 = arith.constant 196 : i32
    "tpu.region"() ({
      %run_scoped3A = tpu.sem_alloc : memref<!tpu.dma_semaphore, #tpu.memory_space<semaphore_mem>>
      %dma_start3A = tpu.memref_slice %arg5[%mul3A_2] : memref<100352xf32, #tpu.memory_space<hbm>> -> memref<3136xf32, #tpu.memory_space<hbm>>
      %dma_start3A_19 = tpu.memref_slice %arg5[%mul3A_2] : memref<100352xf32, #tpu.memory_space<hbm>> -> memref<3136xf32, #tpu.memory_space<hbm>>
      tpu.enqueue_dma source(%arg12 : memref<3136xf32, #tpu.memory_space<vmem>>) target(%dma_start3A_19 : memref<3136xf32, #tpu.memory_space<hbm>>) target_semaphore(%run_scoped3A : memref<!tpu.dma_semaphore, #tpu.memory_space<semaphore_mem>>)
      %dma_wait3A = tpu.memref_slice %arg5[%mul3A_2] : memref<100352xf32, #tpu.memory_space<hbm>> -> memref<3136xf32, #tpu.memory_space<hbm>>
      %dma_wait3A_20 = tpu.memref_slice %arg5[%mul3A_2] : memref<100352xf32, #tpu.memory_space<hbm>> -> memref<3136xf32, #tpu.memory_space<hbm>>
      tpu.wait_dma2 semaphore(%run_scoped3A : memref<!tpu.dma_semaphore, #tpu.memory_space<semaphore_mem>>) src(%arg12 : memref<3136xf32, #tpu.memory_space<vmem>>) dst(%dma_wait3A_20 : memref<3136xf32, #tpu.memory_space<hbm>>)
      tpu.yield
    }) : () -> ()
    "tpu.region"() ({
      %run_scoped3A = tpu.sem_alloc : memref<!tpu.dma_semaphore, #tpu.memory_space<semaphore_mem>>
      %dma_start3A = tpu.memref_slice %arg6[%mul3A_2] : memref<100352xf32, #tpu.memory_space<hbm>> -> memref<3136xf32, #tpu.memory_space<hbm>>
      %dma_start3A_19 = tpu.memref_slice %arg6[%mul3A_2] : memref<100352xf32, #tpu.memory_space<hbm>> -> memref<3136xf32, #tpu.memory_space<hbm>>
      tpu.enqueue_dma source(%arg13 : memref<3136xf32, #tpu.memory_space<vmem>>) target(%dma_start3A_19 : memref<3136xf32, #tpu.memory_space<hbm>>) target_semaphore(%run_scoped3A : memref<!tpu.dma_semaphore, #tpu.memory_space<semaphore_mem>>)
      %dma_wait3A = tpu.memref_slice %arg6[%mul3A_2] : memref<100352xf32, #tpu.memory_space<hbm>> -> memref<3136xf32, #tpu.memory_space<hbm>>
      %dma_wait3A_20 = tpu.memref_slice %arg6[%mul3A_2] : memref<100352xf32, #tpu.memory_space<hbm>> -> memref<3136xf32, #tpu.memory_space<hbm>>
      tpu.wait_dma2 semaphore(%run_scoped3A : memref<!tpu.dma_semaphore, #tpu.memory_space<semaphore_mem>>) src(%arg13 : memref<3136xf32, #tpu.memory_space<vmem>>) dst(%dma_wait3A_20 : memref<3136xf32, #tpu.memory_space<hbm>>)
      tpu.yield
    }) : () -> ()
    return
  }
}

#map = affine_map<(d0, d1) -> (0)>
module attributes {stable_mosaic.version = 14 : i64} {
  func.func @body(%arg0: i32, %arg1: i32, %arg2: memref<200704xf32, #tpu.memory_space<hbm>>, %arg3: memref<100352xf32, #tpu.memory_space<hbm>>, %arg4: memref<100000xf32, #tpu.memory_space<hbm>>, %arg5: memref<100000xf32, #tpu.memory_space<hbm>>, %arg6: memref<100352xf32, #tpu.memory_space<hbm>>, %arg7: memref<3136xf32, #tpu.memory_space<vmem>>, %arg8: memref<3136xf32, #tpu.memory_space<vmem>>, %arg9: memref<3136xf32, #tpu.memory_space<vmem>>, %arg10: memref<3136xf32, #tpu.memory_space<vmem>>, %arg11: memref<3136xf32, #tpu.memory_space<vmem>>, %arg12: memref<3136xf32, #tpu.memory_space<vmem>>) attributes {dimension_semantics = [#tpu.dimension_semantics<core_parallel>, #tpu.dimension_semantics<subcore_parallel>], iteration_bounds = array<i64: 2, 16>, scalar_prefetch = 0 : i64, scratch_operands = 6 : i64, tpu.core_type = #tpu.core_type<sc_vector_subcore>, window_params = [{transform_indices = #map}, {transform_indices = #map}, {transform_indices = #map}, {transform_indices = #map}, {transform_indices = #map}]} {
    %mul3A = arith.constant 16 : i32
    %mul3A_0 = arith.muli %arg0, %mul3A : i32
    %add3A = arith.addi %mul3A_0, %arg1 : i32
    %mul3A_1 = arith.constant 3136 : i32
    %mul3A_2 = arith.muli %add3A, %mul3A_1 : i32
    "tpu.region"() ({
      %run_scoped3A = tpu.sem_alloc : memref<!tpu.dma_semaphore, #tpu.memory_space<semaphore_mem>>
      %dma_start3A = tpu.memref_slice %arg2[%mul3A_2] : memref<200704xf32, #tpu.memory_space<hbm>> -> memref<3136xf32, #tpu.memory_space<hbm>>
      %dma_start3A_19 = tpu.memref_slice %arg2[%mul3A_2] : memref<200704xf32, #tpu.memory_space<hbm>> -> memref<3136xf32, #tpu.memory_space<hbm>>
      tpu.enqueue_dma source(%dma_start3A_19 : memref<3136xf32, #tpu.memory_space<hbm>>) target(%arg7 : memref<3136xf32, #tpu.memory_space<vmem>>) target_semaphore(%run_scoped3A : memref<!tpu.dma_semaphore, #tpu.memory_space<semaphore_mem>>)
      %dma_wait3A = tpu.memref_slice %arg2[%mul3A_2] : memref<200704xf32, #tpu.memory_space<hbm>> -> memref<3136xf32, #tpu.memory_space<hbm>>
      %dma_wait3A_20 = tpu.memref_slice %arg2[%mul3A_2] : memref<200704xf32, #tpu.memory_space<hbm>> -> memref<3136xf32, #tpu.memory_space<hbm>>
      tpu.wait_dma2 semaphore(%run_scoped3A : memref<!tpu.dma_semaphore, #tpu.memory_space<semaphore_mem>>) src(%dma_wait3A_20 : memref<3136xf32, #tpu.memory_space<hbm>>) dst(%arg7 : memref<3136xf32, #tpu.memory_space<vmem>>)
      tpu.yield
    }) : () -> ()
    %mul3A_3 = arith.constant 3136 : i32
    %mul3A_4 = arith.muli %add3A, %mul3A_3 : i32
    %add3A_5 = arith.constant 100352 : i32
    %add3A_6 = arith.addi %add3A_5, %mul3A_4 : i32
    "tpu.region"() ({
      %run_scoped3A = tpu.sem_alloc : memref<!tpu.dma_semaphore, #tpu.memory_space<semaphore_mem>>
      %dma_start3A = tpu.memref_slice %arg2[%add3A_6] : memref<200704xf32, #tpu.memory_space<hbm>> -> memref<3136xf32, #tpu.memory_space<hbm>>
      %dma_start3A_19 = tpu.memref_slice %arg2[%add3A_6] : memref<200704xf32, #tpu.memory_space<hbm>> -> memref<3136xf32, #tpu.memory_space<hbm>>
      tpu.enqueue_dma source(%dma_start3A_19 : memref<3136xf32, #tpu.memory_space<hbm>>) target(%arg8 : memref<3136xf32, #tpu.memory_space<vmem>>) target_semaphore(%run_scoped3A : memref<!tpu.dma_semaphore, #tpu.memory_space<semaphore_mem>>)
      %dma_wait3A = tpu.memref_slice %arg2[%add3A_6] : memref<200704xf32, #tpu.memory_space<hbm>> -> memref<3136xf32, #tpu.memory_space<hbm>>
      %dma_wait3A_20 = tpu.memref_slice %arg2[%add3A_6] : memref<200704xf32, #tpu.memory_space<hbm>> -> memref<3136xf32, #tpu.memory_space<hbm>>
      tpu.wait_dma2 semaphore(%run_scoped3A : memref<!tpu.dma_semaphore, #tpu.memory_space<semaphore_mem>>) src(%dma_wait3A_20 : memref<3136xf32, #tpu.memory_space<hbm>>) dst(%arg8 : memref<3136xf32, #tpu.memory_space<vmem>>)
      tpu.yield
    }) : () -> ()
    "tpu.region"() ({
      %run_scoped3A = tpu.sem_alloc : memref<!tpu.dma_semaphore, #tpu.memory_space<semaphore_mem>>
      %dma_start3A = tpu.memref_slice %arg3[%mul3A_2] : memref<100352xf32, #tpu.memory_space<hbm>> -> memref<3136xf32, #tpu.memory_space<hbm>>
      %dma_start3A_19 = tpu.memref_slice %arg3[%mul3A_2] : memref<100352xf32, #tpu.memory_space<hbm>> -> memref<3136xf32, #tpu.memory_space<hbm>>
      tpu.enqueue_dma source(%dma_start3A_19 : memref<3136xf32, #tpu.memory_space<hbm>>) target(%arg9 : memref<3136xf32, #tpu.memory_space<vmem>>) target_semaphore(%run_scoped3A : memref<!tpu.dma_semaphore, #tpu.memory_space<semaphore_mem>>)
      %dma_wait3A = tpu.memref_slice %arg3[%mul3A_2] : memref<100352xf32, #tpu.memory_space<hbm>> -> memref<3136xf32, #tpu.memory_space<hbm>>
      %dma_wait3A_20 = tpu.memref_slice %arg3[%mul3A_2] : memref<100352xf32, #tpu.memory_space<hbm>> -> memref<3136xf32, #tpu.memory_space<hbm>>
      tpu.wait_dma2 semaphore(%run_scoped3A : memref<!tpu.dma_semaphore, #tpu.memory_space<semaphore_mem>>) src(%dma_wait3A_20 : memref<3136xf32, #tpu.memory_space<hbm>>) dst(%arg9 : memref<3136xf32, #tpu.memory_space<vmem>>)
      tpu.yield
    }) : () -> ()
    %lt3A = arith.constant 31 : i32
    %lt3A_7 = arith.cmpi slt, %add3A, %lt3A : i32
    %convert_element_type3A = arith.extui %lt3A_7 : i1 to i32
    %cond3A = arith.constant 0 : i32
    %cond3A_8 = arith.cmpi ne, %convert_element_type3A, %cond3A : i32
    scf.if %cond3A_8 {
      "tpu.region"() ({
        %run_scoped3A = tpu.sem_alloc : memref<!tpu.dma_semaphore, #tpu.memory_space<semaphore_mem>>
        %dma_start3A = tpu.memref_slice %arg4[%mul3A_2] : memref<100000xf32, #tpu.memory_space<hbm>> -> memref<3136xf32, #tpu.memory_space<hbm>>
        %dma_start3A_19 = tpu.memref_slice %arg4[%mul3A_2] : memref<100000xf32, #tpu.memory_space<hbm>> -> memref<3136xf32, #tpu.memory_space<hbm>>
        tpu.enqueue_dma source(%dma_start3A_19 : memref<3136xf32, #tpu.memory_space<hbm>>) target(%arg10 : memref<3136xf32, #tpu.memory_space<vmem>>) target_semaphore(%run_scoped3A : memref<!tpu.dma_semaphore, #tpu.memory_space<semaphore_mem>>)
        %dma_wait3A = tpu.memref_slice %arg4[%mul3A_2] : memref<100000xf32, #tpu.memory_space<hbm>> -> memref<3136xf32, #tpu.memory_space<hbm>>
        %dma_wait3A_20 = tpu.memref_slice %arg4[%mul3A_2] : memref<100000xf32, #tpu.memory_space<hbm>> -> memref<3136xf32, #tpu.memory_space<hbm>>
        tpu.wait_dma2 semaphore(%run_scoped3A : memref<!tpu.dma_semaphore, #tpu.memory_space<semaphore_mem>>) src(%dma_wait3A_20 : memref<3136xf32, #tpu.memory_space<hbm>>) dst(%arg10 : memref<3136xf32, #tpu.memory_space<vmem>>)
        tpu.yield
      }) : () -> ()
      "tpu.region"() ({
        %run_scoped3A = tpu.sem_alloc : memref<!tpu.dma_semaphore, #tpu.memory_space<semaphore_mem>>
        %dma_start3A = tpu.memref_slice %arg5[%mul3A_2] : memref<100000xf32, #tpu.memory_space<hbm>> -> memref<3136xf32, #tpu.memory_space<hbm>>
        %dma_start3A_19 = tpu.memref_slice %arg5[%mul3A_2] : memref<100000xf32, #tpu.memory_space<hbm>> -> memref<3136xf32, #tpu.memory_space<hbm>>
        tpu.enqueue_dma source(%dma_start3A_19 : memref<3136xf32, #tpu.memory_space<hbm>>) target(%arg11 : memref<3136xf32, #tpu.memory_space<vmem>>) target_semaphore(%run_scoped3A : memref<!tpu.dma_semaphore, #tpu.memory_space<semaphore_mem>>)
        %dma_wait3A = tpu.memref_slice %arg5[%mul3A_2] : memref<100000xf32, #tpu.memory_space<hbm>> -> memref<3136xf32, #tpu.memory_space<hbm>>
        %dma_wait3A_20 = tpu.memref_slice %arg5[%mul3A_2] : memref<100000xf32, #tpu.memory_space<hbm>> -> memref<3136xf32, #tpu.memory_space<hbm>>
        tpu.wait_dma2 semaphore(%run_scoped3A : memref<!tpu.dma_semaphore, #tpu.memory_space<semaphore_mem>>) src(%dma_wait3A_20 : memref<3136xf32, #tpu.memory_space<hbm>>) dst(%arg11 : memref<3136xf32, #tpu.memory_space<vmem>>)
        tpu.yield
      }) : () -> ()
    } else {
    }
    %eq3A = arith.constant 31 : i32
    %eq3A_9 = arith.cmpi eq, %add3A, %eq3A : i32
    %convert_element_type3A_10 = arith.extui %eq3A_9 : i1 to i32
    %cond3A_11 = arith.constant 0 : i32
    %cond3A_12 = arith.cmpi ne, %convert_element_type3A_10, %cond3A_11 : i32
    scf.if %cond3A_12 {
      "tpu.region"() ({
        %run_scoped3A = tpu.sem_alloc : memref<!tpu.dma_semaphore, #tpu.memory_space<semaphore_mem>>
        %dma_start3A = arith.constant 0 : i32
        %dma_start3A_19 = tpu.memref_slice %arg10[%dma_start3A] : memref<3136xf32, #tpu.memory_space<vmem>> -> memref<2784xf32, #tpu.memory_space<vmem>>
        %dma_start3A_20 = arith.constant 97216 : i32
        %dma_start3A_21 = tpu.memref_slice %arg4[%dma_start3A_20] : memref<100000xf32, #tpu.memory_space<hbm>> -> memref<2784xf32, #tpu.memory_space<hbm>>
        %dma_start3A_22 = arith.constant 0 : i32
        %dma_start3A_23 = tpu.memref_slice %arg10[%dma_start3A_22] : memref<3136xf32, #tpu.memory_space<vmem>> -> memref<2784xf32, #tpu.memory_space<vmem>>
        %dma_start3A_24 = arith.constant 97216 : i32
        %dma_start3A_25 = tpu.memref_slice %arg4[%dma_start3A_24] : memref<100000xf32, #tpu.memory_space<hbm>> -> memref<2784xf32, #tpu.memory_space<hbm>>
        tpu.enqueue_dma source(%dma_start3A_25 : memref<2784xf32, #tpu.memory_space<hbm>>) target(%dma_start3A_23 : memref<2784xf32, #tpu.memory_space<vmem>>) target_semaphore(%run_scoped3A : memref<!tpu.dma_semaphore, #tpu.memory_space<semaphore_mem>>)
        %dma_wait3A = arith.constant 0 : i32
        %dma_wait3A_26 = tpu.memref_slice %arg10[%dma_wait3A] : memref<3136xf32, #tpu.memory_space<vmem>> -> memref<2784xf32, #tpu.memory_space<vmem>>
        %dma_wait3A_27 = arith.constant 97216 : i32
        %dma_wait3A_28 = tpu.memref_slice %arg4[%dma_wait3A_27] : memref<100000xf32, #tpu.memory_space<hbm>> -> memref<2784xf32, #tpu.memory_space<hbm>>
        %dma_wait3A_29 = arith.constant 0 : i32
        %dma_wait3A_30 = tpu.memref_slice %arg10[%dma_wait3A_29] : memref<3136xf32, #tpu.memory_space<vmem>> -> memref<2784xf32, #tpu.memory_space<vmem>>
        %dma_wait3A_31 = arith.constant 97216 : i32
        %dma_wait3A_32 = tpu.memref_slice %arg4[%dma_wait3A_31] : memref<100000xf32, #tpu.memory_space<hbm>> -> memref<2784xf32, #tpu.memory_space<hbm>>
        tpu.wait_dma2 semaphore(%run_scoped3A : memref<!tpu.dma_semaphore, #tpu.memory_space<semaphore_mem>>) src(%dma_wait3A_32 : memref<2784xf32, #tpu.memory_space<hbm>>) dst(%dma_wait3A_30 : memref<2784xf32, #tpu.memory_space<vmem>>)
        tpu.yield
      }) : () -> ()
      "tpu.region"() ({
        %run_scoped3A = tpu.sem_alloc : memref<!tpu.dma_semaphore, #tpu.memory_space<semaphore_mem>>
        %dma_start3A = arith.constant 0 : i32
        %dma_start3A_19 = tpu.memref_slice %arg11[%dma_start3A] : memref<3136xf32, #tpu.memory_space<vmem>> -> memref<2784xf32, #tpu.memory_space<vmem>>
        %dma_start3A_20 = arith.constant 97216 : i32
        %dma_start3A_21 = tpu.memref_slice %arg5[%dma_start3A_20] : memref<100000xf32, #tpu.memory_space<hbm>> -> memref<2784xf32, #tpu.memory_space<hbm>>
        %dma_start3A_22 = arith.constant 0 : i32
        %dma_start3A_23 = tpu.memref_slice %arg11[%dma_start3A_22] : memref<3136xf32, #tpu.memory_space<vmem>> -> memref<2784xf32, #tpu.memory_space<vmem>>
        %dma_start3A_24 = arith.constant 97216 : i32
        %dma_start3A_25 = tpu.memref_slice %arg5[%dma_start3A_24] : memref<100000xf32, #tpu.memory_space<hbm>> -> memref<2784xf32, #tpu.memory_space<hbm>>
        tpu.enqueue_dma source(%dma_start3A_25 : memref<2784xf32, #tpu.memory_space<hbm>>) target(%dma_start3A_23 : memref<2784xf32, #tpu.memory_space<vmem>>) target_semaphore(%run_scoped3A : memref<!tpu.dma_semaphore, #tpu.memory_space<semaphore_mem>>)
        %dma_wait3A = arith.constant 0 : i32
        %dma_wait3A_26 = tpu.memref_slice %arg11[%dma_wait3A] : memref<3136xf32, #tpu.memory_space<vmem>> -> memref<2784xf32, #tpu.memory_space<vmem>>
        %dma_wait3A_27 = arith.constant 97216 : i32
        %dma_wait3A_28 = tpu.memref_slice %arg5[%dma_wait3A_27] : memref<100000xf32, #tpu.memory_space<hbm>> -> memref<2784xf32, #tpu.memory_space<hbm>>
        %dma_wait3A_29 = arith.constant 0 : i32
        %dma_wait3A_30 = tpu.memref_slice %arg11[%dma_wait3A_29] : memref<3136xf32, #tpu.memory_space<vmem>> -> memref<2784xf32, #tpu.memory_space<vmem>>
        %dma_wait3A_31 = arith.constant 97216 : i32
        %dma_wait3A_32 = tpu.memref_slice %arg5[%dma_wait3A_31] : memref<100000xf32, #tpu.memory_space<hbm>> -> memref<2784xf32, #tpu.memory_space<hbm>>
        tpu.wait_dma2 semaphore(%run_scoped3A : memref<!tpu.dma_semaphore, #tpu.memory_space<semaphore_mem>>) src(%dma_wait3A_32 : memref<2784xf32, #tpu.memory_space<hbm>>) dst(%dma_wait3A_30 : memref<2784xf32, #tpu.memory_space<vmem>>)
        tpu.yield
      }) : () -> ()
    } else {
    }
    %scan3A = arith.constant 0 : i32
    %scan3A_13 = arith.constant 0 : i32
    %scan3A_14 = arith.constant 196 : i32
    %scan3A_15 = arith.addi %scan3A_13, %scan3A_14 : i32
    %scan3A_16 = arith.constant 1 : i32
    %scan3A_17 = scf.for %scan3A_19 = %scan3A_13 to %scan3A_15 step %scan3A_16 iter_args(%scan3A_20 = %scan3A) -> (i32)  : i32 {
      %mul3A_21 = arith.constant 16 : i32
      %mul3A_22 = arith.muli %scan3A_19, %mul3A_21 : i32
      %get3A = arith.index_cast %mul3A_22 : i32 to index
      %get3A_23 = tpu.vector_load %arg7[%get3A] {strides = array<i32>} : memref<3136xf32, #tpu.memory_space<vmem>>, vector<16xf32>,
      %get3A_24 = arith.index_cast %mul3A_22 : i32 to index
      %get3A_25 = tpu.vector_load %arg8[%get3A_24] {strides = array<i32>} : memref<3136xf32, #tpu.memory_space<vmem>>, vector<16xf32>,
      %add3A_26 = arith.addf %get3A_23, %get3A_25 : vector<16xf32>
      %get3A_27 = arith.index_cast %mul3A_22 : i32 to index
      %get3A_28 = tpu.vector_load %arg9[%get3A_27] {strides = array<i32>} : memref<3136xf32, #tpu.memory_space<vmem>>, vector<16xf32>,
      %max3A = arith.constant 1.000000e+00 : f32
      %max3A_29 = vector.broadcast %max3A : f32 to vector<16xf32>
      %max3A_30 = arith.maximumf %get3A_28, %max3A_29 : vector<16xf32>
      %div3A = arith.divf %add3A_26, %max3A_30 : vector<16xf32>
      %get3A_31 = arith.index_cast %mul3A_22 : i32 to index
      %get3A_32 = tpu.vector_load %arg10[%get3A_31] {strides = array<i32>} : memref<3136xf32, #tpu.memory_space<vmem>>, vector<16xf32>,
      %mul3A_33 = arith.mulf %div3A, %get3A_32 : vector<16xf32>
      %get3A_34 = arith.index_cast %mul3A_22 : i32 to index
      %get3A_35 = tpu.vector_load %arg11[%get3A_34] {strides = array<i32>} : memref<3136xf32, #tpu.memory_space<vmem>>, vector<16xf32>,
      %sub3A = arith.subf %mul3A_33, %get3A_35 : vector<16xf32>
      %swap3A = arith.index_cast %mul3A_22 : i32 to index
      %swap3A_36 = tpu.vector_load %arg12[%swap3A] {strides = array<i32>} : memref<3136xf32, #tpu.memory_space<vmem>>, vector<16xf32>,
      tpu.vector_store %arg12[%swap3A], %sub3A {strides = array<i32>} : memref<3136xf32, #tpu.memory_space<vmem>>, vector<16xf32>,
      %scan3A_37 = arith.constant 0 : i32
      scf.yield %scan3A_37 : i32
    }
    %scan3A_18 = arith.constant 196 : i32
    "tpu.region"() ({
      %run_scoped3A = tpu.sem_alloc : memref<!tpu.dma_semaphore, #tpu.memory_space<semaphore_mem>>
      %dma_start3A = tpu.memref_slice %arg6[%mul3A_2] : memref<100352xf32, #tpu.memory_space<hbm>> -> memref<3136xf32, #tpu.memory_space<hbm>>
      %dma_start3A_19 = tpu.memref_slice %arg6[%mul3A_2] : memref<100352xf32, #tpu.memory_space<hbm>> -> memref<3136xf32, #tpu.memory_space<hbm>>
      tpu.enqueue_dma source(%arg12 : memref<3136xf32, #tpu.memory_space<vmem>>) target(%dma_start3A_19 : memref<3136xf32, #tpu.memory_space<hbm>>) target_semaphore(%run_scoped3A : memref<!tpu.dma_semaphore, #tpu.memory_space<semaphore_mem>>)
      %dma_wait3A = tpu.memref_slice %arg6[%mul3A_2] : memref<100352xf32, #tpu.memory_space<hbm>> -> memref<3136xf32, #tpu.memory_space<hbm>>
      %dma_wait3A_20 = tpu.memref_slice %arg6[%mul3A_2] : memref<100352xf32, #tpu.memory_space<hbm>> -> memref<3136xf32, #tpu.memory_space<hbm>>
      tpu.wait_dma2 semaphore(%run_scoped3A : memref<!tpu.dma_semaphore, #tpu.memory_space<semaphore_mem>>) src(%arg12 : memref<3136xf32, #tpu.memory_space<vmem>>) dst(%dma_wait3A_20 : memref<3136xf32, #tpu.memory_space<hbm>>)
      tpu.yield
    }) : () -> ()
    return
  }
}

module attributes {stable_mosaic.version = 14 : i64} {
  func.func @body(%arg0: i32, %arg1: memref<640000xf32, #tpu.memory_space<vmem>>, %arg2: memref<640000xf32, #tpu.memory_space<vmem>>, %arg3: memref<640000xf32, #tpu.memory_space<vmem>>) attributes {dimension_semantics = [#tpu.dimension_semantics<arbitrary>], iteration_bounds = array<i64: 10>, scalar_prefetch = 0 : i64, scratch_operands = 0 : i64, tpu.core_type = #tpu.core_type<tc>, window_params = [{transform_indices = @transform_0, window_bounds = array<i64: 640000>}, {transform_indices = @transform_1, window_bounds = array<i64: 640000>}, {transform_indices = @transform_2, window_bounds = array<i64: 640000>}]} {
    %get3A = arith.constant 0 : index
    %get3A_0 = vector.load %arg1[%get3A] : memref<640000xf32, #tpu.memory_space<vmem>>, vector<640000xf32>
    %get3A_1 = arith.constant 0 : index
    %get3A_2 = vector.load %arg2[%get3A_1] : memref<640000xf32, #tpu.memory_space<vmem>>, vector<640000xf32>
    %add3A = arith.addf %get3A_0, %get3A_2 : vector<640000xf32>
    %mul3A = arith.mulf %get3A_0, %get3A_2 : vector<640000xf32>
    %div3A = arith.divf %add3A, %mul3A : vector<640000xf32>
    %swap3A = arith.constant 0 : index
    %swap3A_3 = vector.load %arg3[%swap3A] : memref<640000xf32, #tpu.memory_space<vmem>>, vector<640000xf32>
    tpu.vector_store %arg3[%swap3A], %div3A {strides = array<i32>} : memref<640000xf32, #tpu.memory_space<vmem>>, vector<640000xf32>,
    return
  }
  func.func @transform_0(%arg0: i32) -> i32 {
    %c0_i32 = arith.constant 0 : i32
    return %arg0 : i32
  }
  func.func @transform_1(%arg0: i32) -> i32 {
    %c0_i32 = arith.constant 0 : i32
    return %arg0 : i32
  }
  func.func @transform_2(%arg0: i32) -> i32 {
    %c0_i32 = arith.constant 0 : i32
    return %arg0 : i32
  }
}

</mosaic_0001>

<sc_bundles>
// kernel: kernel.10.cloned.1.call-start
scs
__scs_entry_jumppad:
0x0: {  	(pc) =	sbr.rel $0x88, $3  }
0x1: {  	(tag) =	ssettag $0x0;
	lr =	simm.s32 $0x1  }
0x2: {  	[smem:$0x3F9B] =	sst lr;
	_ =	strace $0xD0000000  }
0x3: {  	_ = 	snop  }
0x4: {  	_ = 	snop  }
0x5: {  	_ = 	snop  }
0x6: {  	_ = 	snop  }
0x7: {  	_ = 	snop  }
__scs_overlays_trampoline_lowered:
0x8: {  	[smem:$0x3FAA] =	sst s0  }
0x9: {  	[smem:$0x3FAB] =	sst s1  }
0xa: {  	[smem:$0x3FAC] =	sst s2  }
0xb: {  	[smem:$0x3FAD] =	sst s3  }
0xc: {  	[smem:$0x3FAE] =	sst s4  }
0xd: {  	[smem:$0x3FAF] =	sst s5  }
0xe: {  	[smem:$0x3FB0] =	sst s6  }
0xf: {  	[smem:$0x3FB1] =	sst s7  }
0x10: {  	[smem:$0x3FB2] =	sst s8  }
0x11: {  	[smem:$0x3FB3] =	sst s9;
	s0 =	simm.s32 @!p0 $0x0  }
0x12: {  	s1 =	sld [smem:$0x3F99];
	s0 =	simm.s32 @p0 $0x1  }
0x13: {  	[smem:$0x3FB4] =	sst s0;
	s0 =	simm.s32 @!p1 $0x0  }
0x14: {  	s2 =	sld [smem:$0x3F98];
	s0 =	simm.s32 @p1 $0x1  }
0x15: {  	[smem:$0x3FB5] =	sst s0;
	s0 =	simm.s32 @!p2 $0x0  }
0x16: {  	s3 =	sld [smem:$0x3FDB];
	s0 =	simm.s32 @p2 $0x1  }
0x17: {  	s4 =	simm.s32 $0x1BF5;
	[smem:$0x3FB7] =	sst s0  }
0x18: {  	s0 =	sld [smem:$0x3F9A];
	_ =	swait.ge [sflag:s4], $0x0  }
0x19: {  	s7 =	sld [smem:$0x3F9B]  }
0x1a: {  	s8 =	sadd.s32 $0xFFFFE003, lr  }
0x1b: {  	s9 =	sadd.s32 $0xFFFFFEF7, lr;
	s5 =	simm.s32 $0xFFFFFFFF;
	p2 =	slt.u32 s8, $0xFFFFF086  }
0x1c: {  	p1 =	slt.u32 s9, $0xF7A;
	s5 =	simm.s32 @!p2 $0x0  }
0x1d: {  	s5 =	simm.s32 @p1 $0x1;
	p0 =	seq.s32 s7, s2  }
0x1e: {  	s7 =	smul.u32 @!p0 $0xF7A, s2;
	p2 =	seq.s32 @!p0 s5, $0x0  }
0x1f: {  	s9 =	smul.u32 $0xF7A, s1;
	s8 =	simm.s32 @!p0 $0x1BF5;
	p2 =	por !p2, p0  }
0x20: {  	[sflag:s8] =	ssyncset.s32 @!p0 $0xFFFFF086;
	s6 =	sadd.s32 @!p0 s3, s7;
	s7 =	simm.s32 @!p0 $0x108  }
0x21: {  	s3 =	sadd.s32 s3, s9;
	s6 =	sadd.s32 @!p0 $0x88, s6;
	s7 =	simm.s32 @p2 $0x1082  }
0x22: {  	[simem:s7], [sflag:s8] =	dma.local @!p0 [hbm:s6], $0xF7A  }
0x23: {  	s9 =	sor.u32 $0xD0000000, s2;
	s6 =	simm.s32 $0x108;
	_ =	swait.ge @!p0 [sflag:s8], $0x0  }
0x24: {  	s3 =	sadd.s32 $0x88, s3;
	s6 =	simm.s32 @!p1 $0x1082;
	[sflag:s4] =	ssyncset.s32 $0xFFFFF086  }
0x25: {  	[simem:s6], [sflag:s4] =	dma.local [hbm:s3], $0xF7A  }
0x26: {  	[smem:$0x3F9B] =	sst s1;
	(tag) =	ssettag s2;
	_ =	strace s9  }
0x27: {  	s1 =	sld [smem:$0x3FAB]  }
0x28: {  	s2 =	sld [smem:$0x3FAC]  }
0x29: {  	s4 =	sld [smem:$0x3FAE]  }
0x2a: {  	p0 =	seq.s32 s5, $0x0;
	s5 =	sld [smem:$0x3FAF]  }
0x2b: {  	s6 =	sld [smem:$0x3FB0]  }
0x2c: {  	s7 =	sld [smem:$0x3FB1]  }
0x2d: {  	s3 =	simm.s32 $0x108;
	s8 =	sld [smem:$0x3FB2]  }
0x2e: {  	s3 =	simm.s32 @!p0 $0x1082;
	s9 =	sld [smem:$0x3FB3]  }
0x2f: {  	lr =	sadd.s32 s0, s3;
	s0 =	sld [smem:$0x3FAA]  }
0x30: {  	s3 =	sld [smem:$0x3FAD]  }
0x31: {  	[smem:$0x3FB6] =	sst s10  }
0x32: {  	s10 =	sld [smem:$0x3FB4];
	_ =	sdelay $0x3  }
0x33: {  	p0 =	seq.s32 s10, $0x1;
	s10 =	sld [smem:$0x3FB6];
	_ =	sdelay $0x3  }
0x34: {  	[smem:$0x3FB6] =	sst s10  }
0x35: {  	s10 =	sld [smem:$0x3FB5];
	_ =	sdelay $0x3  }
0x36: {  	p1 =	seq.s32 s10, $0x1;
	s10 =	sld [smem:$0x3FB6];
	_ =	sdelay $0x3  }
0x37: {  	[smem:$0x3FB6] =	sst s10  }
0x38: {  	s10 =	sld [smem:$0x3FB7]  }
0x39: {  	_ = 	snop;
	(pc) =	sbr.ind lr, $3  }
0x3a: {  	_ = 	snop  }
0x3b: {  	_ = 	snop  }
0x3c: {  	p2 =	seq.s32 s10, $0x1;
	s10 =	sld [smem:$0x3FB6]  }
0x3d: {  	_ =	shalt  }
0x3e: {  	_ =	shalt  }
0x3f: {  	_ =	shalt  }
0x40: {  	_ =	shalt  }
0x41: {  	_ =	shalt  }
0x42: {  	_ =	shalt  }
0x43: {  	_ =	shalt  }
0x44: {  	_ =	shalt  }
0x45: {  	_ =	shalt  }
0x46: {  	_ =	shalt  }
0x47: {  	_ =	shalt  }
0x48: {  	_ =	shalt  }
0x49: {  	_ =	shalt  }
0x4a: {  	_ =	shalt  }
0x4b: {  	_ =	shalt  }
0x4c: {  	_ =	shalt  }
0x4d: {  	_ =	shalt  }
0x4e: {  	_ =	shalt  }
0x4f: {  	_ =	shalt  }
0x50: {  	_ =	shalt  }
0x51: {  	_ =	shalt  }
0x52: {  	_ =	shalt  }
0x53: {  	_ =	shalt  }
0x54: {  	_ =	shalt  }
0x55: {  	_ =	shalt  }
0x56: {  	_ =	shalt  }
0x57: {  	_ =	shalt  }
0x58: {  	_ =	shalt  }
0x59: {  	_ =	shalt  }
0x5a: {  	_ =	shalt  }
0x5b: {  	_ =	shalt  }
0x5c: {  	_ =	shalt  }
0x5d: {  	_ =	shalt  }
0x5e: {  	_ =	shalt  }
0x5f: {  	_ =	shalt  }
0x60: {  	_ =	shalt  }
0x61: {  	_ =	shalt  }
0x62: {  	_ =	shalt  }
0x63: {  	_ =	shalt  }
0x64: {  	_ =	shalt  }
0x65: {  	_ =	shalt  }
0x66: {  	_ =	shalt  }
0x67: {  	_ =	shalt  }
0x68: {  	_ =	shalt  }
0x69: {  	_ =	shalt  }
0x6a: {  	_ =	shalt  }
0x6b: {  	_ =	shalt  }
0x6c: {  	_ =	shalt  }
0x6d: {  	_ =	shalt  }
0x6e: {  	_ =	shalt  }
0x6f: {  	_ =	shalt  }
0x70: {  	_ =	shalt  }
0x71: {  	_ =	shalt  }
0x72: {  	_ =	shalt  }
0x73: {  	_ =	shalt  }
0x74: {  	_ =	shalt  }
0x75: {  	_ =	shalt  }
0x76: {  	_ =	shalt  }
0x77: {  	_ =	shalt  }
0x78: {  	_ =	shalt  }
0x79: {  	_ =	shalt  }
0x7a: {  	_ =	shalt  }
0x7b: {  	_ =	shalt  }
0x7c: {  	_ =	shalt  }
0x7d: {  	_ =	shalt  }
0x7e: {  	_ =	shalt  }
0x7f: {  	_ =	shalt  }
0x80: {  	_ =	shalt  }
0x81: {  	_ =	shalt  }
0x82: {  	_ =	shalt  }
0x83: {  	_ =	shalt  }
0x84: {  	_ =	shalt  }
0x85: {  	_ =	shalt  }
0x86: {  	_ =	shalt  }
0x87: {  	_ =	shalt  }
.Lfunc_end0:
.L_simem_size_0:
called_computation.2_lowered:
.L_overlay_start_0:
0x88: {  	s2 =	sld [smem:$0x3FD9]  }
0x89: {  	s3 =	sld [smem:$0x3FFE];
	_ =	sdelay $0x1  }
0x8a: {  	s1 =	srdreg.scid  }
0x8b: {  	s0 =	sand.u32 $0x1, s1  }
0x8c: {  	s17 =	sshll.u32 s0, $0xA;
	s2 =	sadd.s32 s3, s2  }
0x8d: {  	s2 =	sadd.s32 s2, s17  }
0x8e: {  	[smem:$0x3FC2] =	sst s2  }
0x8f: {  	_ = 	snop  }
0x90: {  	s2 =	sld [smem:$0x3FD0];
	(tm) =	ssettm $0x1  }
0x91: {  	s18 =	sld [smem:$0x3FFB];
	_ =	sdelay $0x3  }
0x92: {  	_ =	strace s18  }
0x93: {  	s3 =	sld [smem:$0x3FFC];
	_ =	sdelay $0x3  }
0x94: {  	_ =	strace s3  }
0x95: {  	s3 =	sld [smem:$0x3FFD];
	_ =	sdelay $0x3  }
0x96: {  	_ =	strace s3  }
0x97: {  	_ =	strace $0x8FFFFFFF  }
0x98: {  	s19 =	sld [smem:$0x3FDB];
	_ =	sdelay $0x1  }
0x99: {  	s4 =	simm.s32 $_scs_section_size  }
0x9a: {  	s5 =	simm.s32 $_size__tile_overlayer_lowered;
	s6 =	simm.s32 $_tile_overlayer_lowered  }
0x9b: {  	s22 =	simm.s32 $0x1BFF;
	s21 =	sshll.u32 s6, $0x1;
	s3 =	sadd.s32 s4, s19  }
0x9c: {  	s7 =	simm.s32 $0x0;
	s20 =	sshll.u32 s5, $0x1;
	s5 =	sadd.s32 s21, s3  }
0x9d: {  	[timem:s7], [sflag:s22] =	dma.local [hbm:s5], s20  }
0x9e: {  	_ =	swait.ge [sflag:s22], s20  }
0x9f: {  	s4 =	ssub.s32 $0x0, s20;
	[sflag:s22] =	ssyncset.done $0x0  }
0xa0: {  	[sflag:s22] =	ssyncadd.s32 s4;
	_ =	sdelay $0x1  }
0xa1: {  	s23 =	simm.s32 $0x1B8B  }
0xa2: {  	_ =	swait.ge [sflag:s23], $0x1  }
0xa3: {  	[sflag:s23] =	ssyncset.done $0x0  }
0xa4: {  	s25 =	simm.s32 $0x1B8E;
	s24 =	sld [smem:$0x3FFE];
	[sflag:s23] =	ssyncadd.s32 $0xFFFFFFFF  }
0xa5: {  	s26 =	simm.s32 $execute0_lowered;
	[smem:$0x3FD2] =	sst s25  }
0xa6: {  	s5 =	sshll.u32 s26, $0x1;
	_ =	strace $0x8000004C;
	[dreg:$0x1] =	wrdreg $0xFFFFFFFF  }
0xa7: {  	s28 =	simm.s32 $_size_execute0_lowered;
	s3 =	sadd.s32 s3, s5;
	[dreg:$0x0] =	wrdreg $0x0  }
0xa8: {  	s5 =	sshll.u32 s28, $0x1;
	[dreg:$0x2] =	wrdreg s3  }
0xa9: {  	[dreg:$0x3] =	wrdreg s5  }
0xaa: {  	[dreg:$0x4] =	wrdreg $0xC0  }
0xab: {  	_ =	task [dreg:s7], $0x5FFFF  }
0xac: {  	[dreg:$0x1] =	wrdreg $0xFFFFFFFF  }
0xad: {  	[dreg:$0x0] =	wrdreg $0x60  }
0xae: {  	[dreg:$0x2] =	wrdreg s24  }
0xaf: {  	[dreg:$0x3] =	wrdreg s2  }
0xb0: {  	[dreg:$0x4] =	wrdreg $0x9  }
0xb1: {  	_ =	task.clear_ibuf [dreg:s7], $0x5FFFF;
	_ =	strace $0x9000004C  }
0xb2: {  	s29 =	simm.s32 $0x9;
	_ =	strace $0x8000004E  }
0xb3: {  	_ =	swait.ge [sflag:s29], $0x1  }
0xb4: {  	[sflag:s29] =	ssyncadd.s32 $0xFFFFFFFF  }
0xb5: {  	_ =	strace $0x9000004E  }
0xb6: {  	_ =	sfence  }
0xb7: {  	s30 =	sld [smem:$0x0];
	_ =	sdelay $0x2  }
0xb8: {  	s31 =	sshll.u32 s1, $0xD;
	s1 =	sshrl.u32 s1, $0x2  }
0xb9: {  	s3 =	sand.u32 $0x4000, s31;
	s1 =	sadd.s32 s1, s30  }
0xba: {  	s0 =	sor.u32 s3, s0;
	s1 =	sshll.u32 s1, $0x11  }
0xbb: {  	s0 =	sor.u32 s1, s0  }
0xbc: {  	s0 =	sadd.s32 $0x8F2B, s0  }
0xbd: {  	[sflag:s0] =	ssyncadd.remote.s32 $0x1  }
0xbe: {  	_ =	sfence.sel $0xFFFF  }
0xbf: {  	[dreg:$0x0] =	wrdreg $0xFFFFFFFF;
	(pc) =	sbr.abs _section_cstart, $3  }
0xc0: {  	[dreg:$0x1] =	wrdreg $0xFFFFFFFF  }
0xc1: {  	_ =	task.clear_ibuf [dreg:s7], $0x2FFFF;
	_ =	strace $0x9FFFFFFF  }
0xc2: {  	(tm) =	ssettm $0x7FFFFFFF  }
0xc3: {  	_ =	shalt  }
tec
execute0_lowered:
.L_overlay_start_1:
0x0: {  	(tag) =	ssettag $0x1  }
0x1: {  	s0 =	srdreg.scid;
	s8 =	rddreg [dreg:$0x0]  }
0x2: {  	s9 =	rddreg [dreg:$0x1];
	s1 =	stileid.u32  }
0x3: {  	s2 =	simm.s32 $0x0;
	s14 =	simm.s32 $0x1900;
	s15 =	simm.s32 $0x2580  }
0x4: {  	s16 =	simm.s32 $0x3E80;
	s17 =	simm.s32 $0x4B00;
	s3 =	sand.u32 $0x1, s0  }
0x5: {  	s18 =	simm.s32 $0x0;
	s0 =	rddreg [dreg:$0x2];
	s4 =	sshll.u32 s3, $0x4  }
0x6: {  	[smem:$0x7FF] =	sst s2;
	s3 =	ssub.s32 $0x2, s3;
	s12 =	sor.u32 s1, s4  }
0x7: {  	s5 =	sadd.s32 $0x30EC00, s8;
	s31 =	sshrl.u32 s3, $0x1;
	s4 =	smul.u32 $0xC40, s12  }
0x8: {  	s6 =	sadd.s32 $0x314E00, s8;
	_ =	strace $0x8000004D;
	s13 =	ssub.s32 s3, s31  }
0x9: {  	p0 =	seq.s32 s12, $0x1F;
	s12 =	simm.s32 $0x1;
	s10 =	sshrl.u32 s4, $0x3  }
0xa: {  	s11 =	sadd.s32 s10, s8;
	s7 =	sadd.s32 $0x3100, s10;
	s3 =	sadd.s32 s5, s10  }
0xb: {  	s8 =	sadd.s32 $0x31DF78, s8;
	s9 =	sadd.s32 s9, s10;
	s4 =	sadd.s32 s5, s7  }
0xc: {  	s5 =	sadd.s32 s6, s10;
	s6 =	sadd.s32 s6, s7;
	s7 =	sadd.s32 $0x31B000, s11  }
0xd: {  	s10 =	sadd.s32 $0x31E200, s11;
	s11 =	smax.u32 s13, $0x1;
	s13 =	simm.s32 $0xC80  }
.LBB2_1:
0xe: {  	[tilespmem:s2], [sflag:$0x1] =	stream.linear.gather [hbm4b:s3+s2], $0xC40, $0x38;
	[tilespmem:$0x5780] =	vst v63  }
0xf: {  	_ =	swait.ge [sflag:s12], $0xC40  }
0x10: {  	[sflag:s12] =	ssyncset.done $0x0  }
0x11: {  	[sflag:s12] =	ssyncadd.s32 $0xFFFFF3C0  }
0x12: {  	[tilespmem:s13], [sflag:$0x1] =	stream.linear.gather [hbm4b:s4+s2], $0xC40, $0x38;
	[tilespmem:$0x5780] =	vst v63  }
0x13: {  	_ =	swait.ge [sflag:s12], $0xC40  }
0x14: {  	[sflag:s12] =	ssyncset.done $0x0  }
0x15: {  	[sflag:s12] =	ssyncadd.s32 $0xFFFFF3C0  }
0x16: {  	[tilespmem:s14], [sflag:$0x1] =	stream.linear.gather [hbm4b:s5+s2], $0xC40, $0x38;
	[tilespmem:$0x5780] =	vst v63  }
0x17: {  	_ =	swait.ge [sflag:s12], $0xC40  }
0x18: {  	[sflag:s12] =	ssyncset.done $0x0  }
0x19: {  	[sflag:s12] =	ssyncadd.s32 $0xFFFFF3C0  }
0x1a: {  	[tilespmem:s15], [sflag:$0x1] =	stream.linear.gather [hbm4b:s6+s2], $0xC40, $0x38;
	[tilespmem:$0x5780] =	vst v63  }
0x1b: {  	_ =	swait.ge [sflag:s12], $0xC40  }
0x1c: {  	[sflag:s12] =	ssyncset.done $0x0  }
0x1d: {  	s19 =	simm.s32 @p0 $0x0;
	s20 =	simm.s32 @p0 $0x3200;
	[sflag:s12] =	ssyncadd.s32 $0xFFFFF3C0  }
0x1e: {  	[tilespmem:s20], [sflag:$0x1] =	stream.linear.gather @p0 [hbm4b:s8+s19], $0xAE0, $0x38;
	[tilespmem:$0x5780] =	vst v63  }
0x1f: {  	s19 =	simm.s32 @p0 $0x1  }
0x20: {  	_ =	swait.ge @p0 [sflag:s19], $0xAE0  }
0x21: {  	[sflag:s19] =	ssyncset.done @p0 $0x0  }
0x22: {  	s20 =	simm.s32 @!p0 $0x3200;
	[sflag:s19] =	ssyncadd.s32 @p0 $0xFFFFF520;
	s19 =	simm.s32 @!p0 $0x0  }
0x23: {  	[tilespmem:s20], [sflag:$0x1] =	stream.linear.gather @!p0 [hbm4b:s7+s19], $0xC40, $0x38;
	[tilespmem:$0x5780] =	vst v63  }
0x24: {  	s19 =	simm.s32 @!p0 $0x1  }
0x25: {  	_ =	swait.ge @!p0 [sflag:s19], $0xC40  }
0x26: {  	[sflag:s19] =	ssyncset.done @!p0 $0x0  }
0x27: {  	s21 =	simm.s32 $0x0;
	[sflag:s19] =	ssyncadd.s32 @!p0 $0xFFFFF3C0  }
0x28: {  	v0 =	vld [tilespmem:s21+$0x1900]  }
0x29: {  	v1 =	vld [tilespmem:s21+$0x2580];
	_ =	sdelay $0x1  }
0x2a: {  	s19 =	simm.s32 $0x10  }
0x2b: {  	v3 =	vld [tilespmem:s19+$0x1900]  }
0x2c: {  	v4 =	vld [tilespmem:s19+$0x2580]  }
0x2d: {  	v0 =	vadd.f32 v1, v0;
	_ =	sdelay $0x1  }
0x2e: {  	v5 =	vld [tilespmem:s21+$0x0];
	[tilespmem:s21+$0x4B00] =	vst v0;
	v0 =	vmax.f32 v0, $1.000000000e+00  }
0x2f: {  	v6 =	vld [tilespmem:s21+$0xC80];
	(erf) = vrcp.f32 v0  }
0x30: {  	s20 =	simm.s32 $0x20;
	v1 =	vld [tilespmem:s21+$0x3200];
	v4 =	vadd.f32 v4, v3  }
0x31: {  	v2 =	vld [tilespmem:s20+$0x1900]  }
0x32: {  	v3 =	vld [tilespmem:s20+$0x2580];
	[tilespmem:s19+$0x4B00] =	vst v4;
	v4 =	vmax.f32 v4, $1.000000000e+00  }
0x33: {  	(erf) = vrcp.f32 v4;
	_ =	sdelay $0x1  }
0x34: {  	v5 =	vadd.f32 v6, v5;
	v0 =	vld [tilespmem:s19+$0x0]  }
0x35: {  	s22 =	simm.s32 $0xC0;
	v4 =	vld [tilespmem:s19+$0xC80]  }
.LBB2_2:
0x36: {  	s23 =	sshra.s32 s22, $0x2;
	v5 =	vmul.f32 v5, v1;
	v1 =	vld [tilespmem:s19+$0x3200];
	p1 =	sne.s32 s22, $0x30C0  }
.Ltmp0:
0x37: {  	s22 =	sadd.s32 $0x40, s22;
	v6 =	vadd.f32 v3, v2;
	v2 =	vld [tilespmem:s23+$0x1900];
	v7 =	vpop (erf);
	(pc) =	sbr.rel @p1 .LBB2_2-.Ltmp0, $4  }
0x38: {  	v3 =	vld [tilespmem:s23+$0x2580];
	v7 =	vmul.f32 v5, v7  }
0x39: {  	v5 =	vmax.f32 v6, $1.000000000e+00;
	[tilespmem:s20+$0x4B00] =	vst v6  }
0x3a: {  	(erf) = vrcp.f32 v5;
	v5 =	vadd.f32 v4, v0;
	v0 =	vld [tilespmem:s20+$0x0];
	[tilespmem:s21+$0x3E80] =	vst v7;
	s21 =	smov.u32 s19;
	s19 =	smov.u32 s20;
	s20 =	smov.u32 s23  }
0x3b: {  	v4 =	vld [tilespmem:s19+$0xC80]  }
0x3c: {  	v1 =	vmul.f32 v5, v1  }
0x3d: {  	v59 =	vpop (erf);
	v2 =	vadd.f32 v3, v2  }
0x3e: {  	v1 =	vmul.f32 v1, v59  }
0x3f: {  	v58 =	vld [tilespmem:s19+$0x3200];
	[tilespmem:s20+$0x4B00] =	vst v2;
	v2 =	vmax.f32 v2, $1.000000000e+00  }
0x40: {  	v60 =	vld [tilespmem:s20+$0x0];
	(erf) = vrcp.f32 v2;
	[tilespmem:s21+$0x3E80] =	vst v1  }
0x41: {  	v1 =	vld [tilespmem:s20+$0xC80];
	_ =	sdelay $0x1  }
0x42: {  	v61 =	vld [tilespmem:s20+$0x3200];
	_ =	sdelay $0x1  }
0x43: {  	v0 =	vadd.f32 v4, v0  }
0x44: {  	v1 =	vadd.f32 v1, v60  }
0x45: {  	v0 =	vmul.f32 v0, v58  }
0x46: {  	v62 =	vpop (erf);
	v1 =	vmul.f32 v1, v61  }
0x47: {  	v0 =	vmul.f32 v0, v62;
	v63 =	vpop (erf)  }
0x48: {  	v1 =	vmul.f32 v1, v63  }
0x49: {  	[tilespmem:s19+$0x3E80] =	vst v0  }
0x4a: {  	[tilespmem:s20+$0x3E80] =	vst v1  }
0x4b: {  	[hbm4b:s9+s2] =	stream.linear.scatter [tilespmem:s16], [sflag:$0x1], $0xC40, $0x38;
	[tilespmem:$0x5780] =	vst v63  }
0x4c: {  	s18 =	sadd.s32 $0x1, s18;
	_ =	swait.ge [sflag:s12], $0xC40  }
0x4d: {  	p1 =	sne.s32 s18, s11;
	[sflag:s12] =	ssyncset.done $0x0  }
.Ltmp1:
0x4e: {  	[sflag:s12] =	ssyncadd.s32 $0xFFFFF3C0;
	(pc) =	sbr.rel @p1 .LBB2_1-.Ltmp1, $4  }
0x4f: {  	[hbm4b:s10+s2] =	stream.linear.scatter [tilespmem:s17], [sflag:$0x1], $0xC40, $0x38;
	[tilespmem:$0x5780] =	vst v63  }
0x50: {  	_ =	swait.ge [sflag:s12], $0xC40  }
0x51: {  	[sflag:s12] =	ssyncset.done $0x0  }
0x52: {  	[sflag:s12] =	ssyncadd.s32 $0xFFFFF3C0  }
0x53: {  	_ =	sfence.sel $0x180000  }
0x54: {  	[bflag:$0x0] =	sbarrier.arrive $0xFFFF  }
0x55: {  	p0 =	sne.s32 s1, $0x0;
	_ =	strace $0x9000004D  }
0x56: {  	s0 =	sadd.s32 @!p0 $0x100000, s0;
	[bflag:$0x2] =	sbarrier.arrive $0xFFFF  }
0x57: {  	[sflag:s0] =	ssyncadd.tile.s32 @!p0 $0x1;
	_ =	shalt  }
.Lfunc_end2:
_tile_overlayer_lowered:
.L_overlay_start_2:
0x58: {  	(tag) =	ssettag $0x2  }
0x59: {  	s0 =	rddreg [dreg:$0x0];
	s2 =	stileid.u32  }
0x5a: {  	s1 =	rddreg [dreg:$0x1];
	p0 =	sne.s32 s2, $0x0  }
0x5b: {  	s3 =	rddreg [dreg:$0x2];
	[bflag:$0x3] =	sbarrier.arrive $0xFFFF;
	s2 =	simm.s32 @!p0 $0x1C01  }
0x5c: {  	[timem:s3], [sflag:s2] =	dma.local @!p0 [hbm:s0], s1  }
0x5d: {  	s0 =	simm.s32 @!p0 $0x1  }
0x5e: {  	_ =	swait.ge @!p0 [sflag:s0], s1  }
0x5f: {  	s1 =	ssub.s32 @!p0 $0x0, s1;
	[sflag:s0] =	ssyncset.done @!p0 $0x0  }
0x60: {  	[sflag:s0] =	ssyncadd.s32 @!p0 s1  }
0x61: {  	[bflag:$0x3] =	sbarrier.arrive $0xFFFF  }
0x62: {  	_ =	shalt  }

// kernel: kernel.13.cloned.1.call-start
scs
__scs_entry_jumppad:
0x0: {  	(pc) =	sbr.rel $0x88, $3  }
0x1: {  	(tag) =	ssettag $0x0;
	lr =	simm.s32 $0x1  }
0x2: {  	[smem:$0x3F9B] =	sst lr;
	_ =	strace $0xD0000000  }
0x3: {  	_ = 	snop  }
0x4: {  	_ = 	snop  }
0x5: {  	_ = 	snop  }
0x6: {  	_ = 	snop  }
0x7: {  	_ = 	snop  }
__scs_overlays_trampoline_lowered:
0x8: {  	[smem:$0x3FAA] =	sst s0  }
0x9: {  	[smem:$0x3FAB] =	sst s1  }
0xa: {  	[smem:$0x3FAC] =	sst s2  }
0xb: {  	[smem:$0x3FAD] =	sst s3  }
0xc: {  	[smem:$0x3FAE] =	sst s4  }
0xd: {  	[smem:$0x3FAF] =	sst s5  }
0xe: {  	[smem:$0x3FB0] =	sst s6  }
0xf: {  	[smem:$0x3FB1] =	sst s7  }
0x10: {  	[smem:$0x3FB2] =	sst s8  }
0x11: {  	[smem:$0x3FB3] =	sst s9;
	s0 =	simm.s32 @!p0 $0x0  }
0x12: {  	s1 =	sld [smem:$0x3F99];
	s0 =	simm.s32 @p0 $0x1  }
0x13: {  	[smem:$0x3FB4] =	sst s0;
	s0 =	simm.s32 @!p1 $0x0  }
0x14: {  	s2 =	sld [smem:$0x3F98];
	s0 =	simm.s32 @p1 $0x1  }
0x15: {  	[smem:$0x3FB5] =	sst s0;
	s0 =	simm.s32 @!p2 $0x0  }
0x16: {  	s3 =	sld [smem:$0x3FDB];
	s0 =	simm.s32 @p2 $0x1  }
0x17: {  	s4 =	simm.s32 $0x1BF5;
	[smem:$0x3FB7] =	sst s0  }
0x18: {  	s0 =	sld [smem:$0x3F9A];
	_ =	swait.ge [sflag:s4], $0x0  }
0x19: {  	s7 =	sld [smem:$0x3F9B]  }
0x1a: {  	s8 =	sadd.s32 $0xFFFFE003, lr  }
0x1b: {  	s9 =	sadd.s32 $0xFFFFFEF7, lr;
	s5 =	simm.s32 $0xFFFFFFFF;
	p2 =	slt.u32 s8, $0xFFFFF086  }
0x1c: {  	p1 =	slt.u32 s9, $0xF7A;
	s5 =	simm.s32 @!p2 $0x0  }
0x1d: {  	s5 =	simm.s32 @p1 $0x1;
	p0 =	seq.s32 s7, s2  }
0x1e: {  	s7 =	smul.u32 @!p0 $0xF7A, s2;
	p2 =	seq.s32 @!p0 s5, $0x0  }
0x1f: {  	s9 =	smul.u32 $0xF7A, s1;
	s8 =	simm.s32 @!p0 $0x1BF5;
	p2 =	por !p2, p0  }
0x20: {  	[sflag:s8] =	ssyncset.s32 @!p0 $0xFFFFF086;
	s6 =	sadd.s32 @!p0 s3, s7;
	s7 =	simm.s32 @!p0 $0x108  }
0x21: {  	s3 =	sadd.s32 s3, s9;
	s6 =	sadd.s32 @!p0 $0x88, s6;
	s7 =	simm.s32 @p2 $0x1082  }
0x22: {  	[simem:s7], [sflag:s8] =	dma.local @!p0 [hbm:s6], $0xF7A  }
0x23: {  	s9 =	sor.u32 $0xD0000000, s2;
	s6 =	simm.s32 $0x108;
	_ =	swait.ge @!p0 [sflag:s8], $0x0  }
0x24: {  	s3 =	sadd.s32 $0x88, s3;
	s6 =	simm.s32 @!p1 $0x1082;
	[sflag:s4] =	ssyncset.s32 $0xFFFFF086  }
0x25: {  	[simem:s6], [sflag:s4] =	dma.local [hbm:s3], $0xF7A  }
0x26: {  	[smem:$0x3F9B] =	sst s1;
	(tag) =	ssettag s2;
	_ =	strace s9  }
0x27: {  	s1 =	sld [smem:$0x3FAB]  }
0x28: {  	s2 =	sld [smem:$0x3FAC]  }
0x29: {  	s4 =	sld [smem:$0x3FAE]  }
0x2a: {  	p0 =	seq.s32 s5, $0x0;
	s5 =	sld [smem:$0x3FAF]  }
0x2b: {  	s6 =	sld [smem:$0x3FB0]  }
0x2c: {  	s7 =	sld [smem:$0x3FB1]  }
0x2d: {  	s3 =	simm.s32 $0x108;
	s8 =	sld [smem:$0x3FB2]  }
0x2e: {  	s3 =	simm.s32 @!p0 $0x1082;
	s9 =	sld [smem:$0x3FB3]  }
0x2f: {  	lr =	sadd.s32 s0, s3;
	s0 =	sld [smem:$0x3FAA]  }
0x30: {  	s3 =	sld [smem:$0x3FAD]  }
0x31: {  	[smem:$0x3FB6] =	sst s10  }
0x32: {  	s10 =	sld [smem:$0x3FB4];
	_ =	sdelay $0x3  }
0x33: {  	p0 =	seq.s32 s10, $0x1;
	s10 =	sld [smem:$0x3FB6];
	_ =	sdelay $0x3  }
0x34: {  	[smem:$0x3FB6] =	sst s10  }
0x35: {  	s10 =	sld [smem:$0x3FB5];
	_ =	sdelay $0x3  }
0x36: {  	p1 =	seq.s32 s10, $0x1;
	s10 =	sld [smem:$0x3FB6];
	_ =	sdelay $0x3  }
0x37: {  	[smem:$0x3FB6] =	sst s10  }
0x38: {  	s10 =	sld [smem:$0x3FB7]  }
0x39: {  	_ = 	snop;
	(pc) =	sbr.ind lr, $3  }
0x3a: {  	_ = 	snop  }
0x3b: {  	_ = 	snop  }
0x3c: {  	p2 =	seq.s32 s10, $0x1;
	s10 =	sld [smem:$0x3FB6]  }
0x3d: {  	_ =	shalt  }
0x3e: {  	_ =	shalt  }
0x3f: {  	_ =	shalt  }
0x40: {  	_ =	shalt  }
0x41: {  	_ =	shalt  }
0x42: {  	_ =	shalt  }
0x43: {  	_ =	shalt  }
0x44: {  	_ =	shalt  }
0x45: {  	_ =	shalt  }
0x46: {  	_ =	shalt  }
0x47: {  	_ =	shalt  }
0x48: {  	_ =	shalt  }
0x49: {  	_ =	shalt  }
0x4a: {  	_ =	shalt  }
0x4b: {  	_ =	shalt  }
0x4c: {  	_ =	shalt  }
0x4d: {  	_ =	shalt  }
0x4e: {  	_ =	shalt  }
0x4f: {  	_ =	shalt  }
0x50: {  	_ =	shalt  }
0x51: {  	_ =	shalt  }
0x52: {  	_ =	shalt  }
0x53: {  	_ =	shalt  }
0x54: {  	_ =	shalt  }
0x55: {  	_ =	shalt  }
0x56: {  	_ =	shalt  }
0x57: {  	_ =	shalt  }
0x58: {  	_ =	shalt  }
0x59: {  	_ =	shalt  }
0x5a: {  	_ =	shalt  }
0x5b: {  	_ =	shalt  }
0x5c: {  	_ =	shalt  }
0x5d: {  	_ =	shalt  }
0x5e: {  	_ =	shalt  }
0x5f: {  	_ =	shalt  }
0x60: {  	_ =	shalt  }
0x61: {  	_ =	shalt  }
0x62: {  	_ =	shalt  }
0x63: {  	_ =	shalt  }
0x64: {  	_ =	shalt  }
0x65: {  	_ =	shalt  }
0x66: {  	_ =	shalt  }
0x67: {  	_ =	shalt  }
0x68: {  	_ =	shalt  }
0x69: {  	_ =	shalt  }
0x6a: {  	_ =	shalt  }
0x6b: {  	_ =	shalt  }
0x6c: {  	_ =	shalt  }
0x6d: {  	_ =	shalt  }
0x6e: {  	_ =	shalt  }
0x6f: {  	_ =	shalt  }
0x70: {  	_ =	shalt  }
0x71: {  	_ =	shalt  }
0x72: {  	_ =	shalt  }
0x73: {  	_ =	shalt  }
0x74: {  	_ =	shalt  }
0x75: {  	_ =	shalt  }
0x76: {  	_ =	shalt  }
0x77: {  	_ =	shalt  }
0x78: {  	_ =	shalt  }
0x79: {  	_ =	shalt  }
0x7a: {  	_ =	shalt  }
0x7b: {  	_ =	shalt  }
0x7c: {  	_ =	shalt  }
0x7d: {  	_ =	shalt  }
0x7e: {  	_ =	shalt  }
0x7f: {  	_ =	shalt  }
0x80: {  	_ =	shalt  }
0x81: {  	_ =	shalt  }
0x82: {  	_ =	shalt  }
0x83: {  	_ =	shalt  }
0x84: {  	_ =	shalt  }
0x85: {  	_ =	shalt  }
0x86: {  	_ =	shalt  }
0x87: {  	_ =	shalt  }
.Lfunc_end0:
.L_simem_size_0:
called_computation.3_lowered:
.L_overlay_start_0:
0x88: {  	s2 =	sld [smem:$0x3FD9]  }
0x89: {  	s3 =	sld [smem:$0x3FFE];
	_ =	sdelay $0x1  }
0x8a: {  	s1 =	srdreg.scid  }
0x8b: {  	s0 =	sand.u32 $0x1, s1  }
0x8c: {  	s17 =	sshll.u32 s0, $0xA;
	s2 =	sadd.s32 s3, s2  }
0x8d: {  	s2 =	sadd.s32 s2, s17  }
0x8e: {  	[smem:$0x3FC2] =	sst s2  }
0x8f: {  	_ = 	snop  }
0x90: {  	s2 =	sld [smem:$0x3FD0];
	(tm) =	ssettm $0x1  }
0x91: {  	s18 =	sld [smem:$0x3FFB];
	_ =	sdelay $0x3  }
0x92: {  	_ =	strace s18  }
0x93: {  	s3 =	sld [smem:$0x3FFC];
	_ =	sdelay $0x3  }
0x94: {  	_ =	strace s3  }
0x95: {  	s3 =	sld [smem:$0x3FFD];
	_ =	sdelay $0x3  }
0x96: {  	_ =	strace s3  }
0x97: {  	_ =	strace $0x8FFFFFFF  }
0x98: {  	s19 =	sld [smem:$0x3FDB];
	_ =	sdelay $0x1  }
0x99: {  	s4 =	simm.s32 $_scs_section_size  }
0x9a: {  	s5 =	simm.s32 $_size__tile_overlayer_lowered;
	s6 =	simm.s32 $_tile_overlayer_lowered  }
0x9b: {  	s22 =	simm.s32 $0x1BFF;
	s21 =	sshll.u32 s6, $0x1;
	s3 =	sadd.s32 s4, s19  }
0x9c: {  	s7 =	simm.s32 $0x0;
	s20 =	sshll.u32 s5, $0x1;
	s5 =	sadd.s32 s21, s3  }
0x9d: {  	[timem:s7], [sflag:s22] =	dma.local [hbm:s5], s20  }
0x9e: {  	_ =	swait.ge [sflag:s22], s20  }
0x9f: {  	s4 =	ssub.s32 $0x0, s20;
	[sflag:s22] =	ssyncset.done $0x0  }
0xa0: {  	[sflag:s22] =	ssyncadd.s32 s4;
	_ =	sdelay $0x1  }
0xa1: {  	s23 =	simm.s32 $0x1B8B  }
0xa2: {  	_ =	swait.ge [sflag:s23], $0x1  }
0xa3: {  	[sflag:s23] =	ssyncset.done $0x0  }
0xa4: {  	s25 =	simm.s32 $0x1B8E;
	s24 =	sld [smem:$0x3FFE];
	[sflag:s23] =	ssyncadd.s32 $0xFFFFFFFF  }
0xa5: {  	s26 =	simm.s32 $execute0_lowered;
	[smem:$0x3FD2] =	sst s25  }
0xa6: {  	s5 =	sshll.u32 s26, $0x1;
	_ =	strace $0x8000004F;
	[dreg:$0x1] =	wrdreg $0xFFFFFFFF  }
0xa7: {  	s28 =	simm.s32 $_size_execute0_lowered;
	s3 =	sadd.s32 s3, s5;
	[dreg:$0x0] =	wrdreg $0x0  }
0xa8: {  	s5 =	sshll.u32 s28, $0x1;
	[dreg:$0x2] =	wrdreg s3  }
0xa9: {  	[dreg:$0x3] =	wrdreg s5  }
0xaa: {  	[dreg:$0x4] =	wrdreg $0xC0  }
0xab: {  	_ =	task [dreg:s7], $0x5FFFF  }
0xac: {  	[dreg:$0x1] =	wrdreg $0xFFFFFFFF  }
0xad: {  	[dreg:$0x0] =	wrdreg $0x60  }
0xae: {  	[dreg:$0x2] =	wrdreg s2  }
0xaf: {  	[dreg:$0x3] =	wrdreg s24  }
0xb0: {  	[dreg:$0x4] =	wrdreg $0x0  }
0xb1: {  	[dreg:$0x5] =	wrdreg $0x9  }
0xb2: {  	_ =	task.clear_ibuf [dreg:s7], $0x6FFFF;
	_ =	strace $0x9000004F  }
0xb3: {  	s29 =	simm.s32 $0x9;
	_ =	strace $0x80000051  }
0xb4: {  	_ =	swait.ge [sflag:s29], $0x1  }
0xb5: {  	[sflag:s29] =	ssyncadd.s32 $0xFFFFFFFF  }
0xb6: {  	_ =	strace $0x90000051  }
0xb7: {  	_ =	sfence  }
0xb8: {  	s30 =	sld [smem:$0x0];
	_ =	sdelay $0x2  }
0xb9: {  	s31 =	sshll.u32 s1, $0xD;
	s1 =	sshrl.u32 s1, $0x2  }
0xba: {  	s3 =	sand.u32 $0x4000, s31;
	s1 =	sadd.s32 s1, s30  }
0xbb: {  	s0 =	sor.u32 s3, s0;
	s1 =	sshll.u32 s1, $0x11  }
0xbc: {  	s0 =	sor.u32 s1, s0  }
0xbd: {  	s0 =	sadd.s32 $0x8F2B, s0  }
0xbe: {  	[sflag:s0] =	ssyncadd.remote.s32 $0x1  }
0xbf: {  	_ =	sfence.sel $0xFFFF  }
0xc0: {  	[dreg:$0x0] =	wrdreg $0xFFFFFFFF;
	(pc) =	sbr.abs _section_cstart, $3  }
0xc1: {  	[dreg:$0x1] =	wrdreg $0xFFFFFFFF  }
0xc2: {  	_ =	task.clear_ibuf [dreg:s7], $0x2FFFF;
	_ =	strace $0x9FFFFFFF  }
0xc3: {  	(tm) =	ssettm $0x7FFFFFFF  }
tec
execute0_lowered:
.L_overlay_start_1:
0x0: {  	(tag) =	ssettag $0x1  }
0x1: {  	s0 =	srdreg.scid;
	s3 =	rddreg [dreg:$0x1]  }
0x2: {  	s1 =	stileid.u32;
	s2 =	rddreg [dreg:$0x2];
	s5 =	simm.s32 $0x0  }
0x3: {  	s13 =	simm.s32 $0x5;
	s28 =	simm.s32 $0x1B580;
	s29 =	simm.s32 $0x1D580  }
0x4: {  	s30 =	simm.s32 $0x1B600;
	s31 =	simm.s32 $0x1D600;
	s10 =	simm.s32 $0x0  }
0x5: {  	s0 =	sand.u32 $0x1, s0;
	s6 =	smul.u32 $0x1880, s1;
	[smem:$0x7FF] =	sst s5  }
0x6: {  	s5 =	sadd.s32 $0x321400, s3;
	p0 =	sne.s32 s1, $0x0;
	s4 =	smul.u32 $0x18800, s0  }
0x7: {  	_ =	strace $0x80000050;
	s8 =	ssub.s32 $0x2, s0;
	s0 =	sshll.u32 s0, $0x4  }
0x8: {  	s9 =	sshrl.u32 s8, $0x1;
	s12 =	sadd.s32 s6, s2;
	s0 =	sor.u32 s1, s0  }
0x9: {  	s1 =	simm.s32 $0x1B680;
	s16 =	sadd.s32 s6, s4;
	s4 =	sadd.s32 $0x1600, s3  }
0xa: {  	s17 =	ssub.s32 s8, s9;
	s18 =	sadd.s32 $0x800, s12;
	s19 =	sadd.s32 $0x1000, s12  }
0xb: {  	s20 =	sshll.u32 s0, $0x8;
	s9 =	sadd.s32 $0xC4B00, s3;
	[dreg:$0x4] =	wrdreg s12  }
0xc: {  	s21 =	sadd.s32 $0x1800, s12;
	s14 =	sor.u32 $0x40, s0;
	[dreg:$0x5] =	wrdreg s18  }
0xd: {  	p1 =	sgt.u32 s0, $0x14;
	s8 =	simm.s32 $0x3;
	[dreg:$0x6] =	wrdreg s19  }
0xe: {  	s7 =	sshrl.u32 s16, $0x3;
	[dreg:$0x7] =	wrdreg s21;
	s22 =	sadd.s32 s4, s20  }
0xf: {  	s23 =	sadd.s32 s20, s9;
	s24 =	sadd.s32 s5, s20;
	s26 =	smax.u32 s17, $0x1  }
0x10: {  	s17 =	sor.u32 $0x20, s0;
	s21 =	simm.s32 $0x1AF80;
	[dreg:$0x8] =	wrdreg s22  }
0x11: {  	s18 =	simm.s32 $0x1B480;
	s19 =	simm.s32 $0x1D480;
	[dreg:$0x9] =	wrdreg s23  }
.Ltmp0:
0x12: {  	s0 =	simm.s32 $0x1D680;
	[dreg:$0xa] =	wrdreg s24;
	(pc) =	sbr.rel .LBB2_1-.Ltmp0, $4  }
0x13: {  	s20 =	simm.s32 $0x1B700;
	s7 =	sadd.s32 s7, s3;
	[dreg:$0xc] =	wrdreg s26  }
0x14: {  	s22 =	simm.s32 $0x1;
	s23 =	simm.s32 $0x1880;
	s24 =	simm.s32 $0x80  }
0x15: {  	s26 =	simm.s32 $0x1D500;
	s3 =	simm.s32 $0x1D700;
	s25 =	sadd.s32 $0x188000, s7  }
0x16: {  	v0 =	vimm.f32 $0.0e+00;
	s7 =	simm.s32 $0x2;
	[dreg:$0xb] =	wrdreg s25;
	s25 =	simm.s32 $0x1B500  }
.LBB2_11:
0x17: {  	s6 =	simm.s32 @!p1 $0x4  }
0x18: {  	_ =	swait.ge @!p1 [sflag:s6], $0x80  }
0x19: {  	[sflag:s6] =	ssyncset.done @!p1 $0x0  }
0x1a: {  	[sflag:s6] =	ssyncadd.s32 @!p1 $0xFFFFFF80  }
0x1b: {  	_ =	swait.ge @!p1 [sflag:s6], $0x80  }
0x1c: {  	[sflag:s6] =	ssyncset.done @!p1 $0x0  }
0x1d: {  	[sflag:s6] =	ssyncadd.s32 @!p1 $0xFFFFFF80  }
0x1e: {  	_ =	swait.ge @!p1 [sflag:s6], $0x80  }
0x1f: {  	[sflag:s6] =	ssyncset.done @!p1 $0x0  }
0x20: {  	[sflag:s6] =	ssyncadd.s32 @!p1 $0xFFFFFF80  }
0x21: {  	_ =	swait.ge @!p1 [sflag:s6], $0x80  }
0x22: {  	[sflag:s6] =	ssyncset.done @!p1 $0x0  }
0x23: {  	[sflag:s6] =	ssyncadd.s32 @!p1 $0xFFFFFF80  }
0x24: {  	_ =	swait.ge @!p1 [sflag:s6], $0x80  }
0x25: {  	[sflag:s6] =	ssyncset.done @!p1 $0x0  }
0x26: {  	[sflag:s6] =	ssyncadd.s32 @!p1 $0xFFFFFF80  }
0x27: {  	_ =	swait.ge @!p1 [sflag:s6], $0x80  }
0x28: {  	[sflag:s6] =	ssyncset.done @!p1 $0x0  }
0x29: {  	[sflag:s6] =	ssyncadd.s32 @!p1 $0xFFFFFF80  }
0x2a: {  	_ =	swait.ge @!p1 [sflag:s6], $0x80  }
0x2b: {  	[sflag:s6] =	ssyncset.done @!p1 $0x0  }
0x2c: {  	[sflag:s6] =	ssyncadd.s32 @!p1 $0xFFFFFF80  }
0x2d: {  	_ =	swait.ge @!p1 [sflag:s6], $0x80  }
0x2e: {  	[sflag:s6] =	ssyncset.done @!p1 $0x0  }
0x2f: {  	[sflag:s6] =	ssyncadd.s32 @!p1 $0xFFFFFF80  }
0x30: {  	_ =	swait.ge @!p1 [sflag:s6], $0x80  }
0x31: {  	[sflag:s6] =	ssyncset.done @!p1 $0x0  }
0x32: {  	[sflag:s6] =	ssyncadd.s32 @!p1 $0xFFFFFF80  }
0x33: {  	_ =	swait.ge @!p1 [sflag:s6], $0x80  }
0x34: {  	[sflag:s6] =	ssyncset.done @!p1 $0x0  }
0x35: {  	[sflag:s6] =	ssyncadd.s32 @!p1 $0xFFFFFF80  }
0x36: {  	_ =	swait.ge @!p1 [sflag:s6], $0x80  }
0x37: {  	[sflag:s6] =	ssyncset.done @!p1 $0x0  }
0x38: {  	[sflag:s6] =	ssyncadd.s32 @!p1 $0xFFFFFF80  }
0x39: {  	_ =	swait.ge @!p1 [sflag:s6], $0x80  }
0x3a: {  	[sflag:s6] =	ssyncset.done @!p1 $0x0  }
0x3b: {  	[sflag:s6] =	ssyncadd.s32 @!p1 $0xFFFFFF80  }
0x3c: {  	_ =	swait.ge @!p1 [sflag:s6], $0x80  }
0x3d: {  	[sflag:s6] =	ssyncset.done @!p1 $0x0  }
0x3e: {  	[sflag:s6] =	ssyncadd.s32 @!p1 $0xFFFFFF80  }
0x3f: {  	_ =	swait.ge @!p1 [sflag:s6], $0x80  }
0x40: {  	[sflag:s6] =	ssyncset.done @!p1 $0x0  }
0x41: {  	[sflag:s6] =	ssyncadd.s32 @!p1 $0xFFFFFF80  }
0x42: {  	_ =	swait.ge @!p1 [sflag:s6], $0x80  }
0x43: {  	[sflag:s6] =	ssyncset.done @!p1 $0x0  }
0x44: {  	[sflag:s6] =	ssyncadd.s32 @!p1 $0xFFFFFF80  }
0x45: {  	_ =	swait.ge @!p1 [sflag:s6], $0x80  }
0x46: {  	[sflag:s6] =	ssyncset.done @!p1 $0x0  }
0x47: {  	[sflag:s6] =	ssyncadd.s32 @!p1 $0xFFFFFF80  }
0x48: {  	[bflag:$0x0] =	sbarrier.arrive $0xFFFF  }
0x49: {  	s13 =	simm.s32 $0x5;
	s12 =	rddreg [dreg:$0x4]  }
0x4a: {  	[tilespmem:s23], [sflag:$0x5] =	stream.linear.gather [spmem:s12], $0x1880, $0x38;
	[tilespmem:$0x1DF80] =	vst v63  }
0x4b: {  	_ =	swait.ge [sflag:s13], $0x1880  }
0x4c: {  	[sflag:s13] =	ssyncset.done $0x0  }
0x4d: {  	s11 =	simm.s32 $0x0;
	s10 =	rddreg [dreg:$0xb];
	[sflag:s13] =	ssyncadd.s32 $0xFFFFE780  }
0x4e: {  	[hbm4b:s10+s11] =	stream.linear.scatter [tilespmem:s23], [sflag:$0x5], $0x1880, $0x38;
	[tilespmem:$0x1DF80] =	vst v63  }
0x4f: {  	_ =	swait.ge [sflag:s13], $0x1880  }
0x50: {  	s15 =	rddreg [dreg:$0xd]  }
0x51: {  	s16 =	rddreg [dreg:$0xc];
	s10 =	sadd.s32 $0x1, s15  }
0x52: {  	p2 =	sne.s32 s10, s16  }
.Ltmp1:
0x53: {  	_ = 	snop;
	(pc) =	sbr.rel @!p2 .LBB2_12-.Ltmp1, $3  }
0x54: {  	_ =	sdelay $0x1  }
0x55: {  	[sflag:s13] =	ssyncset.done $0x0  }
0x56: {  	[sflag:s13] =	ssyncadd.s32 $0xFFFFE780  }
.LBB2_1:
0x57: {  	[dreg:$0xd] =	wrdreg s10  }
0x58: {  	s10 =	simm.s32 @p0 $0x1880;
	[bflag:$0x0] =	sbarrier.arrive @p0 $0xFFFF  }
0x59: {  	[tilespmem:s10], [sflag:$0x5] =	stream.linear.gather @p0 [spmem:s2], $0x186A0, $0x38;
	[tilespmem:$0x1DF80] =	vst v63  }
0x5a: {  	s10 =	simm.s32 @p0 $0x5  }
0x5b: {  	_ =	swait.ge @p0 [sflag:s10], $0x186A0  }
0x5c: {  	[sflag:s10] =	ssyncset.done @p0 $0x0  }
0x5d: {  	[sflag:s10] =	ssyncadd.s32 @p0 $0xFFFE7960  }
0x5e: {  	s11 =	simm.s32 @!p0 $0x1880;
	s10 =	simm.s32 @!p0 $0x0;
	s6 =	rddreg [dreg:$0x0]  }
0x5f: {  	[tilespmem:s11], [sflag:$0x5] =	stream.linear.gather @!p0 [hbm4b:s6+s10], $0x186A0, $0x38;
	[tilespmem:$0x1DF80] =	vst v63  }
0x60: {  	s10 =	simm.s32 @!p0 $0x5  }
0x61: {  	_ =	swait.ge @!p0 [sflag:s10], $0x186A0  }
0x62: {  	[sflag:s10] =	ssyncset.done @!p0 $0x0  }
0x63: {  	[sflag:s10] =	ssyncadd.s32 @!p0 $0xFFFE7960  }
0x64: {  	[spmem:s2] =	stream.linear.scatter @!p0 [tilespmem:s11], [sflag:$0x5], $0x186A0, $0x38;
	[tilespmem:$0x1DF80] =	vst v63  }
0x65: {  	_ =	swait.ge @!p0 [sflag:s10], $0x186A0  }
0x66: {  	[sflag:s10] =	ssyncset.done @!p0 $0x0  }
0x67: {  	[sflag:s10] =	ssyncadd.s32 @!p0 $0xFFFE7960  }
0x68: {  	[bflag:$0x0] =	sbarrier.arrive @!p0 $0xFFFF  }
0x69: {  	s11 =	simm.s32 $0x0;
	s10 =	simm.s32 $0x40;
	[bflag:$0x0] =	sbarrier.arrive $0xFFFF  }
.LBB2_2:
0x6a: {  	p2 =	sne.s32 s10, $0x1FC0;
	[tilespmem:s11+$0x1BF80] =	vst v0;
	s11 =	smov.u32 s10;
	s10 =	sadd.s32 $0x40, s10  }
.Ltmp2:
0x6b: {  	(pc) =	sbr.rel @p2 .LBB2_2-.Ltmp2, $2  }
0x6c: {  	_ =	sdelay $0x2  }
0x6d: {  	s11 =	sshra.s32 s11, $0x2  }
0x6e: {  	[tilespmem:s11+$0x1BF80] =	vst v0;
	s11 =	simm.s32 $0x1BF80  }
0x6f: {  	[spmem:s12] =	stream.linear.scatter [tilespmem:s11], [sflag:$0x5], $0x800, $0x38;
	[tilespmem:$0x1DF80] =	vst v63  }
0x70: {  	_ =	swait.ge [sflag:s13], $0x800  }
0x71: {  	[sflag:s13] =	ssyncset.done $0x0  }
0x72: {  	s6 =	rddreg [dreg:$0x5];
	[sflag:s13] =	ssyncadd.s32 $0xFFFFF800  }
0x73: {  	[spmem:s6] =	stream.linear.scatter [tilespmem:s11], [sflag:$0x5], $0x800, $0x38;
	[tilespmem:$0x1DF80] =	vst v63  }
0x74: {  	_ =	swait.ge [sflag:s13], $0x800  }
0x75: {  	[sflag:s13] =	ssyncset.done $0x0  }
0x76: {  	s16 =	rddreg [dreg:$0x6];
	[sflag:s13] =	ssyncadd.s32 $0xFFFFF800  }
0x77: {  	[spmem:s16] =	stream.linear.scatter [tilespmem:s11], [sflag:$0x5], $0x800, $0x38;
	[tilespmem:$0x1DF80] =	vst v63  }
0x78: {  	_ =	swait.ge [sflag:s13], $0x800  }
0x79: {  	[sflag:s13] =	ssyncset.done $0x0  }
0x7a: {  	s10 =	rddreg [dreg:$0x7];
	[sflag:s13] =	ssyncadd.s32 $0xFFFFF800  }
0x7b: {  	[spmem:s10] =	stream.linear.scatter [tilespmem:s11], [sflag:$0x5], $0x80, $0x38;
	[tilespmem:$0x1DF80] =	vst v63  }
0x7c: {  	_ =	swait.ge [sflag:s13], $0x80  }
0x7d: {  	s10 =	simm.s32 $0x0;
	[sflag:s13] =	ssyncset.done $0x0  }
0x7e: {  	s12 =	rddreg [dreg:$0x8];
	[sflag:s13] =	ssyncadd.s32 $0xFFFFFF80;
	s13 =	simm.s32 $0x19F80  }
0x7f: {  	[tilespmem:s13], [sflag:$0x1] =	stream.linear.gather [hbm4b:s12+s10], $0x800, $0x38;
	[tilespmem:$0x1DF80] =	vst v63  }
0x80: {  	s15 =	rddreg [dreg:$0x9]  }
0x81: {  	[tilespmem:s21], [sflag:$0x1] =	stream.linear.gather [hbm4b:s15+s10], $0x800, $0x38;
	[tilespmem:$0x1DF80] =	vst v63  }
.Ltmp3:
0x82: {  	_ = 	snop;
	(pc) =	sbr.rel .LBB2_4-.Ltmp3, $3  }
0x83: {  	s16 =	rddreg [dreg:$0xa]  }
0x84: {  	[tilespmem:s11], [sflag:$0x1] =	stream.linear.gather [hbm4b:s16+s10], $0x800, $0x38;
	[tilespmem:$0x1DF80] =	vst v63  }
0x85: {  	[bflag:$0x0] =	sbarrier.arrive $0xFFFF;
	_ =	sdelay $0x1  }
.LBB2_10:
0x86: {  	_ =	swait.ge [sflag:s8], $0x80  }
0x87: {  	[sflag:s8] =	ssyncset.done $0x0  }
0x88: {  	[sflag:s8] =	ssyncadd.s32 $0xFFFFFF80  }
0x89: {  	_ =	swait.ge [sflag:s8], $0x80  }
0x8a: {  	[sflag:s8] =	ssyncset.done $0x0  }
0x8b: {  	[sflag:s8] =	ssyncadd.s32 $0xFFFFFF80  }
0x8c: {  	_ =	swait.ge [sflag:s8], $0x80  }
0x8d: {  	[sflag:s8] =	ssyncset.done $0x0  }
0x8e: {  	[sflag:s8] =	ssyncadd.s32 $0xFFFFFF80  }
0x8f: {  	_ =	swait.ge [sflag:s8], $0x80  }
0x90: {  	[sflag:s8] =	ssyncset.done $0x0  }
0x91: {  	[sflag:s8] =	ssyncadd.s32 $0xFFFFFF80  }
0x92: {  	_ =	swait.ge [sflag:s8], $0x80  }
0x93: {  	[sflag:s8] =	ssyncset.done $0x0  }
0x94: {  	[sflag:s8] =	ssyncadd.s32 $0xFFFFFF80  }
0x95: {  	_ =	swait.ge [sflag:s8], $0x80  }
0x96: {  	[sflag:s8] =	ssyncset.done $0x0  }
0x97: {  	[sflag:s8] =	ssyncadd.s32 $0xFFFFFF80  }
0x98: {  	_ =	swait.ge [sflag:s8], $0x80  }
0x99: {  	[sflag:s8] =	ssyncset.done $0x0  }
0x9a: {  	[sflag:s8] =	ssyncadd.s32 $0xFFFFFF80  }
0x9b: {  	_ =	swait.ge [sflag:s8], $0x80  }
0x9c: {  	[sflag:s8] =	ssyncset.done $0x0  }
0x9d: {  	[sflag:s8] =	ssyncadd.s32 $0xFFFFFF80  }
0x9e: {  	_ =	swait.ge [sflag:s8], $0x80  }
0x9f: {  	[sflag:s8] =	ssyncset.done $0x0  }
0xa0: {  	[sflag:s8] =	ssyncadd.s32 $0xFFFFFF80  }
0xa1: {  	_ =	swait.ge [sflag:s8], $0x80  }
0xa2: {  	[sflag:s8] =	ssyncset.done $0x0  }
0xa3: {  	[sflag:s8] =	ssyncadd.s32 $0xFFFFFF80  }
0xa4: {  	_ =	swait.ge [sflag:s8], $0x80  }
0xa5: {  	[sflag:s8] =	ssyncset.done $0x0  }
0xa6: {  	[sflag:s8] =	ssyncadd.s32 $0xFFFFFF80  }
0xa7: {  	_ =	swait.ge [sflag:s8], $0x80  }
0xa8: {  	[sflag:s8] =	ssyncset.done $0x0  }
0xa9: {  	[sflag:s8] =	ssyncadd.s32 $0xFFFFFF80  }
0xaa: {  	_ =	swait.ge [sflag:s8], $0x80  }
0xab: {  	[sflag:s8] =	ssyncset.done $0x0  }
0xac: {  	[sflag:s8] =	ssyncadd.s32 $0xFFFFFF80  }
0xad: {  	_ =	swait.ge [sflag:s8], $0x80  }
0xae: {  	[sflag:s8] =	ssyncset.done $0x0  }
0xaf: {  	[sflag:s8] =	ssyncadd.s32 $0xFFFFFF80  }
0xb0: {  	_ =	swait.ge [sflag:s8], $0x80  }
0xb1: {  	[sflag:s8] =	ssyncset.done $0x0  }
0xb2: {  	s6 =	sadd.s32 s14, s11;
	[sflag:s8] =	ssyncadd.s32 $0xFFFFFF80  }
0xb3: {  	p3 =	sgt.u32 s6, $0xC34;
	_ =	swait.ge [sflag:s8], $0x80  }
0xb4: {  	s6 =	sshll.u32 @!p3 s6, $0x8;
	s13 =	simm.s32 @!p3 $0x0;
	[sflag:s8] =	ssyncset.done $0x0  }
0xb5: {  	s15 =	simm.s32 @!p3 $0x19F80;
	s11 =	sadd.s32 @!p3 s4, s6;
	[sflag:s8] =	ssyncadd.s32 $0xFFFFFF80  }
0xb6: {  	[tilespmem:s15], [sflag:$0x1] =	stream.linear.gather @!p3 [hbm4b:s11+s13], $0x800, $0x38;
	[tilespmem:$0x1DF80] =	vst v63  }
0xb7: {  	s11 =	sadd.s32 @!p3 s6, s9;
	s15 =	simm.s32 @!p3 $0x1AF80  }
0xb8: {  	[tilespmem:s15], [sflag:$0x1] =	stream.linear.gather @!p3 [hbm4b:s11+s13], $0x800, $0x38;
	[tilespmem:$0x1DF80] =	vst v63  }
0xb9: {  	s6 =	sadd.s32 @!p3 s5, s6;
	s11 =	simm.s32 @!p3 $0x1BF80  }
0xba: {  	[tilespmem:s11], [sflag:$0x1] =	stream.linear.gather @!p3 [hbm4b:s6+s13], $0x800, $0x38;
	[tilespmem:$0x1DF80] =	vst v63  }
0xbb: {  	s6 =	simm.s32 @!p2 $0x80;
	s11 =	simm.s32 @!p2 $0x1D780  }
0xbc: {  	[spmem:s2] =	stream.indirect.scatter.add.f32 @!p2 [tilespmem:s11], [sflag:$0x4], $0x1, s12, s6, $0xb8;
	[tilespmem:$0x1DF80] =	vst v63  }
0xbd: {  	s11 =	simm.s32 @!p2 $0x1B800;
	s12 =	simm.s32 @!p2 $0x1D800  }
0xbe: {  	[spmem:s2] =	stream.indirect.scatter.add.f32 @!p2 [tilespmem:s12], [sflag:$0x4], $0x1, s11, s6, $0xb8;
	[tilespmem:$0x1DF80] =	vst v63  }
0xbf: {  	s11 =	simm.s32 @!p2 $0x1B880;
	s12 =	simm.s32 @!p2 $0x1D880  }
0xc0: {  	[spmem:s2] =	stream.indirect.scatter.add.f32 @!p2 [tilespmem:s12], [sflag:$0x4], $0x1, s11, s6, $0xb8;
	[tilespmem:$0x1DF80] =	vst v63  }
0xc1: {  	s11 =	simm.s32 @!p2 $0x1B900;
	s12 =	simm.s32 @!p2 $0x1D900  }
0xc2: {  	[spmem:s2] =	stream.indirect.scatter.add.f32 @!p2 [tilespmem:s12], [sflag:$0x4], $0x1, s11, s6, $0xb8;
	[tilespmem:$0x1DF80] =	vst v63  }
0xc3: {  	s11 =	simm.s32 @!p2 $0x1B980;
	s12 =	simm.s32 @!p2 $0x1D980  }
0xc4: {  	[spmem:s2] =	stream.indirect.scatter.add.f32 @!p2 [tilespmem:s12], [sflag:$0x4], $0x1, s11, s6, $0xb8;
	[tilespmem:$0x1DF80] =	vst v63  }
0xc5: {  	s11 =	simm.s32 @!p2 $0x1BA00;
	s12 =	simm.s32 @!p2 $0x1DA00  }
0xc6: {  	[spmem:s2] =	stream.indirect.scatter.add.f32 @!p2 [tilespmem:s12], [sflag:$0x4], $0x1, s11, s6, $0xb8;
	[tilespmem:$0x1DF80] =	vst v63  }
0xc7: {  	s11 =	simm.s32 @!p2 $0x1BA80;
	s12 =	simm.s32 @!p2 $0x1DA80  }
0xc8: {  	[spmem:s2] =	stream.indirect.scatter.add.f32 @!p2 [tilespmem:s12], [sflag:$0x4], $0x1, s11, s6, $0xb8;
	[tilespmem:$0x1DF80] =	vst v63  }
0xc9: {  	s11 =	simm.s32 @!p2 $0x1BB00;
	s12 =	simm.s32 @!p2 $0x1DB00  }
0xca: {  	[spmem:s2] =	stream.indirect.scatter.add.f32 @!p2 [tilespmem:s12], [sflag:$0x4], $0x1, s11, s6, $0xb8;
	[tilespmem:$0x1DF80] =	vst v63  }
0xcb: {  	s11 =	simm.s32 @!p2 $0x1BB80;
	s12 =	simm.s32 @!p2 $0x1DB80  }
0xcc: {  	[spmem:s2] =	stream.indirect.scatter.add.f32 @!p2 [tilespmem:s12], [sflag:$0x4], $0x1, s11, s6, $0xb8;
	[tilespmem:$0x1DF80] =	vst v63  }
0xcd: {  	s11 =	simm.s32 @!p2 $0x1BC00;
	s12 =	simm.s32 @!p2 $0x1DC00  }
0xce: {  	[spmem:s2] =	stream.indirect.scatter.add.f32 @!p2 [tilespmem:s12], [sflag:$0x4], $0x1, s11, s6, $0xb8;
	[tilespmem:$0x1DF80] =	vst v63  }
0xcf: {  	s11 =	simm.s32 @!p2 $0x1BC80;
	s12 =	simm.s32 @!p2 $0x1DC80  }
0xd0: {  	[spmem:s2] =	stream.indirect.scatter.add.f32 @!p2 [tilespmem:s12], [sflag:$0x4], $0x1, s11, s6, $0xb8;
	[tilespmem:$0x1DF80] =	vst v63  }
0xd1: {  	s11 =	simm.s32 @!p2 $0x1BD00;
	s12 =	simm.s32 @!p2 $0x1DD00  }
0xd2: {  	[spmem:s2] =	stream.indirect.scatter.add.f32 @!p2 [tilespmem:s12], [sflag:$0x4], $0x1, s11, s6, $0xb8;
	[tilespmem:$0x1DF80] =	vst v63  }
0xd3: {  	s11 =	simm.s32 @!p2 $0x1BD80;
	s12 =	simm.s32 @!p2 $0x1DD80  }
0xd4: {  	[spmem:s2] =	stream.indirect.scatter.add.f32 @!p2 [tilespmem:s12], [sflag:$0x4], $0x1, s11, s6, $0xb8;
	[tilespmem:$0x1DF80] =	vst v63  }
0xd5: {  	s11 =	simm.s32 @!p2 $0x1BE00;
	s12 =	simm.s32 @!p2 $0x1DE00  }
0xd6: {  	[spmem:s2] =	stream.indirect.scatter.add.f32 @!p2 [tilespmem:s12], [sflag:$0x4], $0x1, s11, s6, $0xb8;
	[tilespmem:$0x1DF80] =	vst v63  }
0xd7: {  	s11 =	simm.s32 @!p2 $0x1BE80;
	s12 =	simm.s32 @!p2 $0x1DE80  }
0xd8: {  	[spmem:s2] =	stream.indirect.scatter.add.f32 @!p2 [tilespmem:s12], [sflag:$0x4], $0x1, s11, s6, $0xb8;
	[tilespmem:$0x1DF80] =	vst v63  }
0xd9: {  	s10 =	sadd.s32 $0x1, s10;
	s11 =	simm.s32 @!p2 $0x1BF00;
	s12 =	simm.s32 @!p2 $0x1DF00  }
0xda: {  	[spmem:s2] =	stream.indirect.scatter.add.f32 @!p2 [tilespmem:s12], [sflag:$0x4], $0x1, s11, s6, $0xb8;
	[tilespmem:$0x1DF80] =	vst v63  }
0xdb: {  	p2 =	sne.s32 s10, $0x31  }
.Ltmp4:
0xdc: {  	_ = 	snop;
	(pc) =	sbr.rel @!p2 .LBB2_11-.Ltmp4, $1  }
0xdd: {  	_ =	sdelay $0x3  }
.LBB2_4:
0xde: {  	_ =	swait.ge [sflag:s22], $0x800  }
0xdf: {  	[sflag:s22] =	ssyncset.done $0x0  }
0xe0: {  	[sflag:s22] =	ssyncadd.s32 $0xFFFFF800  }
0xe1: {  	_ =	swait.ge [sflag:s22], $0x800  }
0xe2: {  	[sflag:s22] =	ssyncset.done $0x0  }
0xe3: {  	[sflag:s22] =	ssyncadd.s32 $0xFFFFF800  }
0xe4: {  	_ =	swait.ge [sflag:s22], $0x800  }
0xe5: {  	[sflag:s22] =	ssyncset.done $0x0  }
0xe6: {  	s12 =	simm.s32 $0x0;
	[sflag:s22] =	ssyncadd.s32 $0xFFFFF800  }
0xe7: {  	v1 =	vld [tilespmem:s12+$0x19F80]  }
0xe8: {  	v2 =	vld [tilespmem:s12+$0x1AF80];
	_ =	sdelay $0x6  }
0xe9: {  	v1 =	vld.idx.msk [tilespmem:v1+s23+$0x0], $0xffff  }
0xea: {  	v2 =	vld.idx.msk [tilespmem:v2+s23+$0x0], $0xffff  }
0xeb: {  	v3 =	vld [tilespmem:s12+$0x1BF80]  }
0xec: {  	v4 =	vld [tilespmem:s12+$0x19F90]  }
0xed: {  	v5 =	vld [tilespmem:s12+$0x1AF90];
	_ =	sdelay $0x1  }
0xee: {  	v1 =	vsub.f32 v2, v1;
	_ =	sdelay $0x1  }
0xef: {  	v1 =	vmul.f32 v3, v1;
	_ =	sdelay $0x1  }
0xf0: {  	[tilespmem:s12+$0x1CF80] =	vst v1  }
0xf1: {  	v1 =	vld.idx.msk [tilespmem:v4+s23+$0x0], $0xffff  }
0xf2: {  	v2 =	vld.idx.msk [tilespmem:v5+s23+$0x0], $0xffff  }
0xf3: {  	v3 =	vld [tilespmem:s12+$0x1BF90]  }
0xf4: {  	v4 =	vld [tilespmem:s12+$0x19FA0]  }
0xf5: {  	v5 =	vld [tilespmem:s12+$0x1AFA0];
	_ =	sdelay $0x1  }
0xf6: {  	v1 =	vsub.f32 v2, v1;
	_ =	sdelay $0x1  }
0xf7: {  	v1 =	vmul.f32 v3, v1;
	_ =	sdelay $0x1  }
0xf8: {  	[tilespmem:s12+$0x1CF90] =	vst v1  }
0xf9: {  	v1 =	vld.idx.msk [tilespmem:v4+s23+$0x0], $0xffff  }
0xfa: {  	v2 =	vld.idx.msk [tilespmem:v5+s23+$0x0], $0xffff  }
0xfb: {  	v3 =	vld [tilespmem:s12+$0x1BFA0]  }
0xfc: {  	v4 =	vld [tilespmem:s12+$0x19FB0]  }
0xfd: {  	v5 =	vld [tilespmem:s12+$0x1AFB0];
	_ =	sdelay $0x1  }
0xfe: {  	v1 =	vsub.f32 v2, v1;
	_ =	sdelay $0x1  }
0xff: {  	v1 =	vmul.f32 v3, v1;
	_ =	sdelay $0x1  }
0x100: {  	[tilespmem:s12+$0x1CFA0] =	vst v1  }
0x101: {  	v1 =	vld.idx.msk [tilespmem:v4+s23+$0x0], $0xffff  }
0x102: {  	v2 =	vld.idx.msk [tilespmem:v5+s23+$0x0], $0xffff  }
0x103: {  	v3 =	vld [tilespmem:s12+$0x1BFB0]  }
0x104: {  	v4 =	vld [tilespmem:s12+$0x19FC0]  }
0x105: {  	v5 =	vld [tilespmem:s12+$0x1AFC0];
	_ =	sdelay $0x1  }
0x106: {  	v1 =	vsub.f32 v2, v1;
	_ =	sdelay $0x1  }
0x107: {  	v1 =	vmul.f32 v3, v1;
	_ =	sdelay $0x1  }
0x108: {  	[tilespmem:s12+$0x1CFB0] =	vst v1  }
0x109: {  	v1 =	vld.idx.msk [tilespmem:v4+s23+$0x0], $0xffff  }
0x10a: {  	v2 =	vld.idx.msk [tilespmem:v5+s23+$0x0], $0xffff  }
0x10b: {  	v3 =	vld [tilespmem:s12+$0x1BFC0]  }
0x10c: {  	v4 =	vld [tilespmem:s12+$0x19FD0]  }
0x10d: {  	v5 =	vld [tilespmem:s12+$0x1AFD0];
	_ =	sdelay $0x1  }
0x10e: {  	v1 =	vsub.f32 v2, v1;
	_ =	sdelay $0x1  }
0x10f: {  	v1 =	vmul.f32 v3, v1;
	_ =	sdelay $0x1  }
0x110: {  	[tilespmem:s12+$0x1CFC0] =	vst v1  }
0x111: {  	v1 =	vld.idx.msk [tilespmem:v4+s23+$0x0], $0xffff  }
0x112: {  	v3 =	vld.idx.msk [tilespmem:v5+s23+$0x0], $0xffff  }
0x113: {  	v2 =	vld [tilespmem:s12+$0x1BFD0]  }
0x114: {  	v4 =	vld [tilespmem:s12+$0x19FE0]  }
0x115: {  	v5 =	vld [tilespmem:s12+$0x1AFE0];
	_ =	sdelay $0x1  }
0x116: {  	v1 =	vsub.f32 v3, v1;
	_ =	sdelay $0x1  }
0x117: {  	v1 =	vmul.f32 v2, v1;
	_ =	sdelay $0x1  }
0x118: {  	[tilespmem:s12+$0x1CFD0] =	vst v1  }
0x119: {  	v1 =	vld.idx.msk [tilespmem:v4+s23+$0x0], $0xffff  }
0x11a: {  	v3 =	vld.idx.msk [tilespmem:v5+s23+$0x0], $0xffff  }
0x11b: {  	v2 =	vld [tilespmem:s12+$0x1BFE0]  }
0x11c: {  	v4 =	vld [tilespmem:s12+$0x19FF0]  }
0x11d: {  	v5 =	vld [tilespmem:s12+$0x1AFF0];
	_ =	sdelay $0x1  }
0x11e: {  	v1 =	vsub.f32 v3, v1;
	_ =	sdelay $0x1  }
0x11f: {  	v2 =	vmul.f32 v2, v1;
	_ =	sdelay $0x1  }
0x120: {  	v1 =	vld [tilespmem:s12+$0x1BFF0];
	[tilespmem:s12+$0x1CFE0] =	vst v2  }
0x121: {  	v2 =	vld.idx.msk [tilespmem:v4+s23+$0x0], $0xffff  }
0x122: {  	s11 =	sshll.u32 s10, $0x6;
	s13 =	simm.s32 $0x200;
	s15 =	simm.s32 $0x400;
	v3 =	vld.idx.msk [tilespmem:v5+s23+$0x0], $0xffff  }
.LBB2_5:
0x123: {  	p2 =	sne.s32 s15, $0x1E00  }
0x124: {  	s16 =	sshra.s32 s13, $0x2;
	s13 =	smov.u32 s15;
	s15 =	sadd.s32 $0x200, s15  }
0x125: {  	v4 =	vld [tilespmem:s16+$0x19F80]  }
0x126: {  	v5 =	vld [tilespmem:s16+$0x1AF80];
	_ =	sdelay $0x1  }
0x127: {  	v2 =	vsub.f32 v3, v2;
	_ =	sdelay $0x1  }
0x128: {  	v1 =	vmul.f32 v1, v2;
	_ =	sdelay $0x1  }
0x129: {  	[tilespmem:s12+$0x1CFF0] =	vst v1;
	s12 =	smov.u32 s16  }
0x12a: {  	v1 =	vld.idx.msk [tilespmem:v4+s23+$0x0], $0xffff  }
0x12b: {  	v2 =	vld.idx.msk [tilespmem:v5+s23+$0x0], $0xffff  }
0x12c: {  	v3 =	vld [tilespmem:s12+$0x1AF90]  }
0x12d: {  	v4 =	vld [tilespmem:s12+$0x1BF80]  }
0x12e: {  	v5 =	vld [tilespmem:s12+$0x19F90];
	_ =	sdelay $0x2  }
0x12f: {  	v1 =	vsub.f32 v2, v1;
	_ =	sdelay $0x1  }
0x130: {  	v1 =	vmul.f32 v4, v1;
	_ =	sdelay $0x1  }
0x131: {  	[tilespmem:s12+$0x1CF80] =	vst v1  }
0x132: {  	v1 =	vld.idx.msk [tilespmem:v5+s23+$0x0], $0xffff  }
0x133: {  	v2 =	vld.idx.msk [tilespmem:v3+s23+$0x0], $0xffff  }
0x134: {  	v3 =	vld [tilespmem:s12+$0x1BF90]  }
0x135: {  	v4 =	vld [tilespmem:s12+$0x1AFA0]  }
0x136: {  	v5 =	vld [tilespmem:s12+$0x19FA0];
	_ =	sdelay $0x2  }
0x137: {  	v1 =	vsub.f32 v2, v1;
	_ =	sdelay $0x1  }
0x138: {  	v1 =	vmul.f32 v3, v1;
	_ =	sdelay $0x1  }
0x139: {  	[tilespmem:s12+$0x1CF90] =	vst v1;
	v1 =	vld [tilespmem:s12+$0x1BFA0]  }
0x13a: {  	v2 =	vld.idx.msk [tilespmem:v5+s23+$0x0], $0xffff  }
0x13b: {  	v3 =	vld.idx.msk [tilespmem:v4+s23+$0x0], $0xffff;
	_ =	sdelay $0x1  }
0x13c: {  	v4 =	vld [tilespmem:s12+$0x1AFB0]  }
0x13d: {  	v5 =	vld [tilespmem:s12+$0x19FB0];
	_ =	sdelay $0x2  }
0x13e: {  	v2 =	vsub.f32 v3, v2;
	_ =	sdelay $0x1  }
0x13f: {  	v1 =	vmul.f32 v1, v2;
	_ =	sdelay $0x1  }
0x140: {  	[tilespmem:s12+$0x1CFA0] =	vst v1;
	v1 =	vld [tilespmem:s12+$0x1BFB0]  }
0x141: {  	v2 =	vld.idx.msk [tilespmem:v5+s23+$0x0], $0xffff  }
0x142: {  	v3 =	vld.idx.msk [tilespmem:v4+s23+$0x0], $0xffff;
	_ =	sdelay $0x1  }
0x143: {  	v4 =	vld [tilespmem:s12+$0x1AFC0]  }
0x144: {  	v5 =	vld [tilespmem:s12+$0x19FC0];
	_ =	sdelay $0x2  }
0x145: {  	v2 =	vsub.f32 v3, v2;
	_ =	sdelay $0x1  }
0x146: {  	v1 =	vmul.f32 v1, v2;
	_ =	sdelay $0x1  }
0x147: {  	[tilespmem:s12+$0x1CFB0] =	vst v1;
	v1 =	vld [tilespmem:s12+$0x1BFC0]  }
0x148: {  	v2 =	vld.idx.msk [tilespmem:v5+s23+$0x0], $0xffff  }
0x149: {  	v3 =	vld.idx.msk [tilespmem:v4+s23+$0x0], $0xffff;
	_ =	sdelay $0x1  }
0x14a: {  	v4 =	vld [tilespmem:s12+$0x1AFD0]  }
0x14b: {  	v5 =	vld [tilespmem:s12+$0x19FD0];
	_ =	sdelay $0x2  }
0x14c: {  	v2 =	vsub.f32 v3, v2;
	_ =	sdelay $0x1  }
0x14d: {  	v1 =	vmul.f32 v1, v2  }
0x14e: {  	v2 =	vld [tilespmem:s12+$0x1BFD0]  }
0x14f: {  	[tilespmem:s12+$0x1CFC0] =	vst v1  }
0x150: {  	v1 =	vld.idx.msk [tilespmem:v5+s23+$0x0], $0xffff  }
0x151: {  	v3 =	vld.idx.msk [tilespmem:v4+s23+$0x0], $0xffff;
	_ =	sdelay $0x1  }
0x152: {  	v4 =	vld [tilespmem:s12+$0x1AFE0]  }
0x153: {  	v5 =	vld [tilespmem:s12+$0x19FE0];
	_ =	sdelay $0x2  }
0x154: {  	v1 =	vsub.f32 v3, v1;
	_ =	sdelay $0x1  }
0x155: {  	v1 =	vmul.f32 v2, v1;
	v2 =	vld [tilespmem:s12+$0x1BFE0];
	_ =	sdelay $0x1  }
0x156: {  	[tilespmem:s12+$0x1CFD0] =	vst v1  }
0x157: {  	v1 =	vld.idx.msk [tilespmem:v5+s23+$0x0], $0xffff  }
0x158: {  	v3 =	vld.idx.msk [tilespmem:v4+s23+$0x0], $0xffff;
	_ =	sdelay $0x1  }
0x159: {  	v4 =	vld [tilespmem:s12+$0x1AFF0]  }
0x15a: {  	v5 =	vld [tilespmem:s12+$0x19FF0];
	_ =	sdelay $0x2  }
0x15b: {  	v3 =	vsub.f32 v3, v1  }
0x15c: {  	v1 =	vld [tilespmem:s12+$0x1BFF0]  }
.Ltmp5:
0x15d: {  	v2 =	vmul.f32 v2, v3;
	(pc) =	sbr.rel @p2 .LBB2_5-.Ltmp5, $4  }
0x15e: {  	_ = 	snop  }
0x15f: {  	[tilespmem:s12+$0x1CFE0] =	vst v2  }
0x160: {  	v2 =	vld.idx.msk [tilespmem:v5+s23+$0x0], $0xffff  }
0x161: {  	v3 =	vld.idx.msk [tilespmem:v4+s23+$0x0], $0xffff  }
0x162: {  	s13 =	sshra.s32 s13, $0x2  }
0x163: {  	v4 =	vld [tilespmem:s13+$0x19F80]  }
0x164: {  	v5 =	vld [tilespmem:s13+$0x1AF80];
	_ =	sdelay $0x1  }
0x165: {  	v2 =	vsub.f32 v3, v2;
	_ =	sdelay $0x1  }
0x166: {  	v1 =	vmul.f32 v1, v2;
	_ =	sdelay $0x1  }
0x167: {  	[tilespmem:s12+$0x1CFF0] =	vst v1  }
0x168: {  	v1 =	vld.idx.msk [tilespmem:v4+s23+$0x0], $0xffff  }
0x169: {  	v2 =	vld.idx.msk [tilespmem:v5+s23+$0x0], $0xffff  }
0x16a: {  	v3 =	vld [tilespmem:s13+$0x1BF80]  }
0x16b: {  	v50 =	vld [tilespmem:s13+$0x19F90]  }
0x16c: {  	v51 =	vld [tilespmem:s13+$0x1AF90];
	_ =	sdelay $0x1  }
0x16d: {  	v1 =	vsub.f32 v2, v1;
	_ =	sdelay $0x1  }
0x16e: {  	v1 =	vmul.f32 v3, v1;
	_ =	sdelay $0x1  }
0x16f: {  	[tilespmem:s13+$0x1CF80] =	vst v1  }
0x170: {  	v1 =	vld.idx.msk [tilespmem:v50+s23+$0x0], $0xffff  }
0x171: {  	v2 =	vld.idx.msk [tilespmem:v51+s23+$0x0], $0xffff  }
0x172: {  	v52 =	vld [tilespmem:s13+$0x19FA0]  }
0x173: {  	v3 =	vld [tilespmem:s13+$0x1BF90]  }
0x174: {  	v53 =	vld [tilespmem:s13+$0x1AFA0];
	_ =	sdelay $0x1  }
0x175: {  	v1 =	vsub.f32 v2, v1;
	_ =	sdelay $0x1  }
0x176: {  	v1 =	vmul.f32 v3, v1;
	_ =	sdelay $0x1  }
0x177: {  	[tilespmem:s13+$0x1CF90] =	vst v1  }
0x178: {  	v1 =	vld.idx.msk [tilespmem:v52+s23+$0x0], $0xffff  }
0x179: {  	v2 =	vld.idx.msk [tilespmem:v53+s23+$0x0], $0xffff  }
0x17a: {  	v54 =	vld [tilespmem:s13+$0x19FB0]  }
0x17b: {  	v3 =	vld [tilespmem:s13+$0x1BFA0]  }
0x17c: {  	v55 =	vld [tilespmem:s13+$0x1AFB0];
	_ =	sdelay $0x1  }
0x17d: {  	v1 =	vsub.f32 v2, v1;
	_ =	sdelay $0x1  }
0x17e: {  	v1 =	vmul.f32 v3, v1;
	_ =	sdelay $0x1  }
0x17f: {  	[tilespmem:s13+$0x1CFA0] =	vst v1  }
0x180: {  	v1 =	vld.idx.msk [tilespmem:v54+s23+$0x0], $0xffff  }
0x181: {  	v2 =	vld.idx.msk [tilespmem:v55+s23+$0x0], $0xffff  }
0x182: {  	v56 =	vld [tilespmem:s13+$0x19FC0]  }
0x183: {  	v3 =	vld [tilespmem:s13+$0x1BFB0]  }
0x184: {  	v57 =	vld [tilespmem:s13+$0x1AFC0];
	_ =	sdelay $0x1  }
0x185: {  	v1 =	vsub.f32 v2, v1;
	_ =	sdelay $0x1  }
0x186: {  	v1 =	vmul.f32 v3, v1;
	_ =	sdelay $0x1  }
0x187: {  	[tilespmem:s13+$0x1CFB0] =	vst v1  }
0x188: {  	v1 =	vld.idx.msk [tilespmem:v56+s23+$0x0], $0xffff  }
0x189: {  	v2 =	vld.idx.msk [tilespmem:v57+s23+$0x0], $0xffff  }
0x18a: {  	v58 =	vld [tilespmem:s13+$0x19FD0]  }
0x18b: {  	v3 =	vld [tilespmem:s13+$0x1BFC0]  }
0x18c: {  	v59 =	vld [tilespmem:s13+$0x1AFD0];
	_ =	sdelay $0x1  }
0x18d: {  	v1 =	vsub.f32 v2, v1;
	_ =	sdelay $0x1  }
0x18e: {  	v1 =	vmul.f32 v3, v1;
	_ =	sdelay $0x1  }
0x18f: {  	[tilespmem:s13+$0x1CFC0] =	vst v1  }
0x190: {  	v1 =	vld.idx.msk [tilespmem:v58+s23+$0x0], $0xffff  }
0x191: {  	v2 =	vld.idx.msk [tilespmem:v59+s23+$0x0], $0xffff  }
0x192: {  	v60 =	vld [tilespmem:s13+$0x19FE0]  }
0x193: {  	v3 =	vld [tilespmem:s13+$0x1BFD0]  }
0x194: {  	v61 =	vld [tilespmem:s13+$0x1AFE0];
	_ =	sdelay $0x1  }
0x195: {  	v1 =	vsub.f32 v2, v1;
	_ =	sdelay $0x1  }
0x196: {  	v1 =	vmul.f32 v3, v1;
	_ =	sdelay $0x1  }
0x197: {  	[tilespmem:s13+$0x1CFD0] =	vst v1  }
0x198: {  	v1 =	vld.idx.msk [tilespmem:v60+s23+$0x0], $0xffff  }
0x199: {  	v2 =	vld.idx.msk [tilespmem:v61+s23+$0x0], $0xffff  }
0x19a: {  	v62 =	vld [tilespmem:s13+$0x19FF0]  }
0x19b: {  	v3 =	vld [tilespmem:s13+$0x1BFE0]  }
0x19c: {  	v63 =	vld [tilespmem:s13+$0x1AFF0];
	_ =	sdelay $0x1  }
0x19d: {  	v1 =	vsub.f32 v2, v1;
	_ =	sdelay $0x1  }
0x19e: {  	v1 =	vmul.f32 v3, v1;
	_ =	sdelay $0x1  }
0x19f: {  	[tilespmem:s13+$0x1CFE0] =	vst v1  }
0x1a0: {  	v1 =	vld.idx.msk [tilespmem:v62+s23+$0x0], $0xffff  }
0x1a1: {  	v2 =	vld.idx.msk [tilespmem:v63+s23+$0x0], $0xffff;
	_ =	sdelay $0x1  }
0x1a2: {  	v3 =	vld [tilespmem:s13+$0x1BFF0];
	_ =	sdelay $0x2  }
0x1a3: {  	v1 =	vsub.f32 v2, v1;
	_ =	sdelay $0x1  }
0x1a4: {  	v1 =	vmul.f32 v3, v1  }
0x1a5: {  	p3 =	seq.s32 s10, $0x0  }
0x1a6: {  	s12 =	simm.s32 @!p3 $0x4;
	[tilespmem:s13+$0x1CFF0] =	vst v1  }
0x1a7: {  	_ =	swait.ge @!p3 [sflag:s12], $0x80  }
0x1a8: {  	[sflag:s12] =	ssyncset.done @!p3 $0x0  }
0x1a9: {  	[sflag:s12] =	ssyncadd.s32 @!p3 $0xFFFFFF80  }
0x1aa: {  	_ =	swait.ge @!p3 [sflag:s12], $0x80  }
0x1ab: {  	[sflag:s12] =	ssyncset.done @!p3 $0x0  }
0x1ac: {  	[sflag:s12] =	ssyncadd.s32 @!p3 $0xFFFFFF80  }
0x1ad: {  	_ =	swait.ge @!p3 [sflag:s12], $0x80  }
0x1ae: {  	[sflag:s12] =	ssyncset.done @!p3 $0x0  }
0x1af: {  	[sflag:s12] =	ssyncadd.s32 @!p3 $0xFFFFFF80  }
0x1b0: {  	_ =	swait.ge @!p3 [sflag:s12], $0x80  }
0x1b1: {  	[sflag:s12] =	ssyncset.done @!p3 $0x0  }
0x1b2: {  	[sflag:s12] =	ssyncadd.s32 @!p3 $0xFFFFFF80  }
0x1b3: {  	_ =	swait.ge @!p3 [sflag:s12], $0x80  }
0x1b4: {  	[sflag:s12] =	ssyncset.done @!p3 $0x0  }
0x1b5: {  	[sflag:s12] =	ssyncadd.s32 @!p3 $0xFFFFFF80  }
0x1b6: {  	_ =	swait.ge @!p3 [sflag:s12], $0x80  }
0x1b7: {  	[sflag:s12] =	ssyncset.done @!p3 $0x0  }
0x1b8: {  	[sflag:s12] =	ssyncadd.s32 @!p3 $0xFFFFFF80  }
0x1b9: {  	_ =	swait.ge @!p3 [sflag:s12], $0x80  }
0x1ba: {  	[sflag:s12] =	ssyncset.done @!p3 $0x0  }
0x1bb: {  	[sflag:s12] =	ssyncadd.s32 @!p3 $0xFFFFFF80  }
0x1bc: {  	_ =	swait.ge @!p3 [sflag:s12], $0x80  }
0x1bd: {  	[sflag:s12] =	ssyncset.done @!p3 $0x0  }
0x1be: {  	[sflag:s12] =	ssyncadd.s32 @!p3 $0xFFFFFF80  }
0x1bf: {  	_ =	swait.ge @!p3 [sflag:s12], $0x80  }
0x1c0: {  	[sflag:s12] =	ssyncset.done @!p3 $0x0  }
0x1c1: {  	[sflag:s12] =	ssyncadd.s32 @!p3 $0xFFFFFF80  }
0x1c2: {  	_ =	swait.ge @!p3 [sflag:s12], $0x80  }
0x1c3: {  	[sflag:s12] =	ssyncset.done @!p3 $0x0  }
0x1c4: {  	[sflag:s12] =	ssyncadd.s32 @!p3 $0xFFFFFF80  }
0x1c5: {  	_ =	swait.ge @!p3 [sflag:s12], $0x80  }
0x1c6: {  	[sflag:s12] =	ssyncset.done @!p3 $0x0  }
0x1c7: {  	[sflag:s12] =	ssyncadd.s32 @!p3 $0xFFFFFF80  }
0x1c8: {  	_ =	swait.ge @!p3 [sflag:s12], $0x80  }
0x1c9: {  	[sflag:s12] =	ssyncset.done @!p3 $0x0  }
0x1ca: {  	[sflag:s12] =	ssyncadd.s32 @!p3 $0xFFFFFF80  }
0x1cb: {  	_ =	swait.ge @!p3 [sflag:s12], $0x80  }
0x1cc: {  	[sflag:s12] =	ssyncset.done @!p3 $0x0  }
0x1cd: {  	[sflag:s12] =	ssyncadd.s32 @!p3 $0xFFFFFF80  }
0x1ce: {  	_ =	swait.ge @!p3 [sflag:s12], $0x80  }
0x1cf: {  	[sflag:s12] =	ssyncset.done @!p3 $0x0  }
0x1d0: {  	[sflag:s12] =	ssyncadd.s32 @!p3 $0xFFFFFF80  }
0x1d1: {  	_ =	swait.ge @!p3 [sflag:s12], $0x80  }
0x1d2: {  	[sflag:s12] =	ssyncset.done @!p3 $0x0  }
0x1d3: {  	s13 =	sor.u32 s17, s11;
	[sflag:s12] =	ssyncadd.s32 @!p3 $0xFFFFFF80  }
0x1d4: {  	p2 =	sgt.u32 s13, $0xC34;
	_ =	swait.ge @!p3 [sflag:s12], $0x80  }
0x1d5: {  	s13 =	sshll.u32 @!p2 s13, $0x8;
	s15 =	simm.s32 @!p2 $0x0;
	[sflag:s12] =	ssyncset.done @!p3 $0x0  }
0x1d6: {  	s16 =	simm.s32 @!p2 $0x1A780;
	[sflag:s12] =	ssyncadd.s32 @!p3 $0xFFFFFF80;
	s12 =	sadd.s32 @!p2 s4, s13  }
0x1d7: {  	[tilespmem:s16], [sflag:$0x2] =	stream.linear.gather @!p2 [hbm4b:s12+s15], $0x800, $0x38;
	[tilespmem:$0x1DF80] =	vst v63  }
0x1d8: {  	s16 =	sadd.s32 @!p2 s13, s9;
	s12 =	simm.s32 @!p2 $0x1B780  }
0x1d9: {  	[tilespmem:s12], [sflag:$0x2] =	stream.linear.gather @!p2 [hbm4b:s16+s15], $0x800, $0x38;
	[tilespmem:$0x1DF80] =	vst v63  }
0x1da: {  	s13 =	sadd.s32 @!p2 s5, s13;
	s16 =	simm.s32 @!p2 $0x1C780  }
0x1db: {  	[tilespmem:s16], [sflag:$0x2] =	stream.linear.gather @!p2 [hbm4b:s13+s15], $0x800, $0x38;
	[tilespmem:$0x1DF80] =	vst v63  }
0x1dc: {  	s6 =	simm.s32 $0x1CF80  }
0x1dd: {  	[spmem:s2] =	stream.indirect.scatter.add.f32 [tilespmem:s6], [sflag:$0x3], $0x1, s21, s24, $0xb8;
	[tilespmem:$0x1DF80] =	vst v63  }
0x1de: {  	s15 =	simm.s32 $0x1B000;
	s16 =	simm.s32 $0x1D000  }
0x1df: {  	[spmem:s2] =	stream.indirect.scatter.add.f32 [tilespmem:s16], [sflag:$0x3], $0x1, s15, s24, $0xb8;
	[tilespmem:$0x1DF80] =	vst v63  }
0x1e0: {  	s15 =	simm.s32 $0x1B080;
	s16 =	simm.s32 $0x1D080  }
0x1e1: {  	[spmem:s2] =	stream.indirect.scatter.add.f32 [tilespmem:s16], [sflag:$0x3], $0x1, s15, s24, $0xb8;
	[tilespmem:$0x1DF80] =	vst v63  }
0x1e2: {  	s15 =	simm.s32 $0x1B100;
	s16 =	simm.s32 $0x1D100  }
0x1e3: {  	[spmem:s2] =	stream.indirect.scatter.add.f32 [tilespmem:s16], [sflag:$0x3], $0x1, s15, s24, $0xb8;
	[tilespmem:$0x1DF80] =	vst v63  }
0x1e4: {  	s15 =	simm.s32 $0x1B180;
	s16 =	simm.s32 $0x1D180  }
0x1e5: {  	[spmem:s2] =	stream.indirect.scatter.add.f32 [tilespmem:s16], [sflag:$0x3], $0x1, s15, s24, $0xb8;
	[tilespmem:$0x1DF80] =	vst v63  }
0x1e6: {  	s15 =	simm.s32 $0x1B200;
	s16 =	simm.s32 $0x1D200  }
0x1e7: {  	[spmem:s2] =	stream.indirect.scatter.add.f32 [tilespmem:s16], [sflag:$0x3], $0x1, s15, s24, $0xb8;
	[tilespmem:$0x1DF80] =	vst v63  }
0x1e8: {  	s15 =	simm.s32 $0x1B280;
	s16 =	simm.s32 $0x1D280  }
0x1e9: {  	[spmem:s2] =	stream.indirect.scatter.add.f32 [tilespmem:s16], [sflag:$0x3], $0x1, s15, s24, $0xb8;
	[tilespmem:$0x1DF80] =	vst v63  }
0x1ea: {  	s15 =	simm.s32 $0x1B300;
	s16 =	simm.s32 $0x1D300  }
0x1eb: {  	[spmem:s2] =	stream.indirect.scatter.add.f32 [tilespmem:s16], [sflag:$0x3], $0x1, s15, s24, $0xb8;
	[tilespmem:$0x1DF80] =	vst v63  }
0x1ec: {  	s15 =	simm.s32 $0x1B380;
	s16 =	simm.s32 $0x1D380  }
0x1ed: {  	[spmem:s2] =	stream.indirect.scatter.add.f32 [tilespmem:s16], [sflag:$0x3], $0x1, s15, s24, $0xb8;
	[tilespmem:$0x1DF80] =	vst v63  }
0x1ee: {  	s15 =	simm.s32 $0x1B400;
	s16 =	simm.s32 $0x1D400  }
0x1ef: {  	[spmem:s2] =	stream.indirect.scatter.add.f32 [tilespmem:s16], [sflag:$0x3], $0x1, s15, s24, $0xb8;
	[tilespmem:$0x1DF80] =	vst v63  }
0x1f0: {  	_ = 	snop  }
0x1f1: {  	[spmem:s2] =	stream.indirect.scatter.add.f32 [tilespmem:s19], [sflag:$0x3], $0x1, s18, s24, $0xb8;
	[tilespmem:$0x1DF80] =	vst v63  }
0x1f2: {  	_ = 	snop  }
0x1f3: {  	[spmem:s2] =	stream.indirect.scatter.add.f32 [tilespmem:s26], [sflag:$0x3], $0x1, s25, s24, $0xb8;
	[tilespmem:$0x1DF80] =	vst v63  }
0x1f4: {  	_ = 	snop  }
0x1f5: {  	[spmem:s2] =	stream.indirect.scatter.add.f32 [tilespmem:s29], [sflag:$0x3], $0x1, s28, s24, $0xb8;
	[tilespmem:$0x1DF80] =	vst v63  }
0x1f6: {  	_ = 	snop  }
0x1f7: {  	[spmem:s2] =	stream.indirect.scatter.add.f32 [tilespmem:s31], [sflag:$0x3], $0x1, s30, s24, $0xb8;
	[tilespmem:$0x1DF80] =	vst v63  }
.Ltmp6:
0x1f8: {  	_ = 	snop;
	(pc) =	sbr.rel @p2 .LBB2_10-.Ltmp6, $4  }
0x1f9: {  	_ = 	snop  }
0x1fa: {  	[spmem:s2] =	stream.indirect.scatter.add.f32 [tilespmem:s0], [sflag:$0x3], $0x1, s1, s24, $0xb8;
	[tilespmem:$0x1DF80] =	vst v63  }
0x1fb: {  	_ = 	snop  }
0x1fc: {  	[spmem:s2] =	stream.indirect.scatter.add.f32 [tilespmem:s3], [sflag:$0x3], $0x1, s20, s24, $0xb8;
	[tilespmem:$0x1DF80] =	vst v63  }
0x1fd: {  	_ =	swait.ge [sflag:s7], $0x800  }
0x1fe: {  	[sflag:s7] =	ssyncset.done $0x0  }
0x1ff: {  	[sflag:s7] =	ssyncadd.s32 $0xFFFFF800  }
0x200: {  	_ =	swait.ge [sflag:s7], $0x800  }
0x201: {  	[sflag:s7] =	ssyncset.done $0x0  }
0x202: {  	[sflag:s7] =	ssyncadd.s32 $0xFFFFF800  }
0x203: {  	_ =	swait.ge [sflag:s7], $0x800  }
0x204: {  	[sflag:s7] =	ssyncset.done $0x0  }
0x205: {  	s13 =	simm.s32 $0x0;
	[sflag:s7] =	ssyncadd.s32 $0xFFFFF800  }
0x206: {  	v1 =	vld [tilespmem:s13+$0x1A780]  }
0x207: {  	v2 =	vld [tilespmem:s13+$0x1B780];
	_ =	sdelay $0x6  }
0x208: {  	v1 =	vld.idx.msk [tilespmem:v1+s23+$0x0], $0xffff  }
0x209: {  	v2 =	vld.idx.msk [tilespmem:v2+s23+$0x0], $0xffff  }
0x20a: {  	v3 =	vld [tilespmem:s13+$0x1C780]  }
0x20b: {  	v4 =	vld [tilespmem:s13+$0x1A790]  }
0x20c: {  	v5 =	vld [tilespmem:s13+$0x1B790];
	_ =	sdelay $0x1  }
0x20d: {  	v1 =	vsub.f32 v2, v1;
	_ =	sdelay $0x1  }
0x20e: {  	v1 =	vmul.f32 v3, v1;
	_ =	sdelay $0x1  }
0x20f: {  	[tilespmem:s13+$0x1D780] =	vst v1  }
0x210: {  	v1 =	vld.idx.msk [tilespmem:v4+s23+$0x0], $0xffff  }
0x211: {  	v2 =	vld.idx.msk [tilespmem:v5+s23+$0x0], $0xffff  }
0x212: {  	v3 =	vld [tilespmem:s13+$0x1C790]  }
0x213: {  	v4 =	vld [tilespmem:s13+$0x1A7A0]  }
0x214: {  	v5 =	vld [tilespmem:s13+$0x1B7A0];
	_ =	sdelay $0x1  }
0x215: {  	v1 =	vsub.f32 v2, v1;
	_ =	sdelay $0x1  }
0x216: {  	v1 =	vmul.f32 v3, v1;
	_ =	sdelay $0x1  }
0x217: {  	[tilespmem:s13+$0x1D790] =	vst v1  }
0x218: {  	v1 =	vld.idx.msk [tilespmem:v4+s23+$0x0], $0xffff  }
0x219: {  	v2 =	vld.idx.msk [tilespmem:v5+s23+$0x0], $0xffff  }
0x21a: {  	v3 =	vld [tilespmem:s13+$0x1C7A0]  }
0x21b: {  	v4 =	vld [tilespmem:s13+$0x1A7B0]  }
0x21c: {  	v5 =	vld [tilespmem:s13+$0x1B7B0];
	_ =	sdelay $0x1  }
0x21d: {  	v1 =	vsub.f32 v2, v1;
	_ =	sdelay $0x1  }
0x21e: {  	v1 =	vmul.f32 v3, v1;
	_ =	sdelay $0x1  }
0x21f: {  	[tilespmem:s13+$0x1D7A0] =	vst v1  }
0x220: {  	v1 =	vld.idx.msk [tilespmem:v4+s23+$0x0], $0xffff  }
0x221: {  	v2 =	vld.idx.msk [tilespmem:v5+s23+$0x0], $0xffff  }
0x222: {  	v3 =	vld [tilespmem:s13+$0x1C7B0]  }
0x223: {  	v4 =	vld [tilespmem:s13+$0x1A7C0]  }
0x224: {  	v5 =	vld [tilespmem:s13+$0x1B7C0];
	_ =	sdelay $0x1  }
0x225: {  	v1 =	vsub.f32 v2, v1;
	_ =	sdelay $0x1  }
0x226: {  	v1 =	vmul.f32 v3, v1;
	_ =	sdelay $0x1  }
0x227: {  	[tilespmem:s13+$0x1D7B0] =	vst v1  }
0x228: {  	v1 =	vld.idx.msk [tilespmem:v4+s23+$0x0], $0xffff  }
0x229: {  	v2 =	vld.idx.msk [tilespmem:v5+s23+$0x0], $0xffff  }
0x22a: {  	v3 =	vld [tilespmem:s13+$0x1C7C0]  }
0x22b: {  	v4 =	vld [tilespmem:s13+$0x1A7D0]  }
0x22c: {  	v5 =	vld [tilespmem:s13+$0x1B7D0];
	_ =	sdelay $0x1  }
0x22d: {  	v1 =	vsub.f32 v2, v1;
	_ =	sdelay $0x1  }
0x22e: {  	v1 =	vmul.f32 v3, v1;
	_ =	sdelay $0x1  }
0x22f: {  	[tilespmem:s13+$0x1D7C0] =	vst v1  }
0x230: {  	v1 =	vld.idx.msk [tilespmem:v4+s23+$0x0], $0xffff  }
0x231: {  	v3 =	vld.idx.msk [tilespmem:v5+s23+$0x0], $0xffff  }
0x232: {  	v2 =	vld [tilespmem:s13+$0x1C7D0]  }
0x233: {  	v4 =	vld [tilespmem:s13+$0x1A7E0]  }
0x234: {  	v5 =	vld [tilespmem:s13+$0x1B7E0];
	_ =	sdelay $0x1  }
0x235: {  	v1 =	vsub.f32 v3, v1;
	_ =	sdelay $0x1  }
0x236: {  	v1 =	vmul.f32 v2, v1;
	_ =	sdelay $0x1  }
0x237: {  	[tilespmem:s13+$0x1D7D0] =	vst v1  }
0x238: {  	v1 =	vld.idx.msk [tilespmem:v4+s23+$0x0], $0xffff  }
0x239: {  	v3 =	vld.idx.msk [tilespmem:v5+s23+$0x0], $0xffff  }
0x23a: {  	v2 =	vld [tilespmem:s13+$0x1C7E0]  }
0x23b: {  	v4 =	vld [tilespmem:s13+$0x1A7F0]  }
0x23c: {  	v5 =	vld [tilespmem:s13+$0x1B7F0];
	_ =	sdelay $0x1  }
0x23d: {  	v1 =	vsub.f32 v3, v1;
	_ =	sdelay $0x1  }
0x23e: {  	v2 =	vmul.f32 v2, v1;
	_ =	sdelay $0x1  }
0x23f: {  	v1 =	vld [tilespmem:s13+$0x1C7F0];
	[tilespmem:s13+$0x1D7E0] =	vst v2  }
0x240: {  	v2 =	vld.idx.msk [tilespmem:v4+s23+$0x0], $0xffff  }
0x241: {  	s15 =	simm.s32 $0x200;
	s16 =	simm.s32 $0x400;
	v3 =	vld.idx.msk [tilespmem:v5+s23+$0x0], $0xffff  }
.LBB2_8:
0x242: {  	p3 =	sne.s32 s16, $0x1E00  }
0x243: {  	s6 =	sshra.s32 s15, $0x2;
	s15 =	smov.u32 s16;
	s16 =	sadd.s32 $0x200, s16  }
0x244: {  	v4 =	vld [tilespmem:s6+$0x1A780]  }
0x245: {  	v5 =	vld [tilespmem:s6+$0x1B780];
	_ =	sdelay $0x1  }
0x246: {  	v2 =	vsub.f32 v3, v2;
	_ =	sdelay $0x1  }
0x247: {  	v1 =	vmul.f32 v1, v2;
	_ =	sdelay $0x1  }
0x248: {  	[tilespmem:s13+$0x1D7F0] =	vst v1;
	s13 =	smov.u32 s6  }
0x249: {  	v1 =	vld.idx.msk [tilespmem:v4+s23+$0x0], $0xffff  }
0x24a: {  	v2 =	vld.idx.msk [tilespmem:v5+s23+$0x0], $0xffff  }
0x24b: {  	v3 =	vld [tilespmem:s13+$0x1B790]  }
0x24c: {  	v4 =	vld [tilespmem:s13+$0x1C780]  }
0x24d: {  	v5 =	vld [tilespmem:s13+$0x1A790];
	_ =	sdelay $0x2  }
0x24e: {  	v1 =	vsub.f32 v2, v1;
	_ =	sdelay $0x1  }
0x24f: {  	v1 =	vmul.f32 v4, v1;
	_ =	sdelay $0x1  }
0x250: {  	[tilespmem:s13+$0x1D780] =	vst v1  }
0x251: {  	v1 =	vld.idx.msk [tilespmem:v5+s23+$0x0], $0xffff  }
0x252: {  	v2 =	vld.idx.msk [tilespmem:v3+s23+$0x0], $0xffff  }
0x253: {  	v3 =	vld [tilespmem:s13+$0x1C790]  }
0x254: {  	v4 =	vld [tilespmem:s13+$0x1B7A0]  }
0x255: {  	v5 =	vld [tilespmem:s13+$0x1A7A0];
	_ =	sdelay $0x2  }
0x256: {  	v1 =	vsub.f32 v2, v1;
	_ =	sdelay $0x1  }
0x257: {  	v1 =	vmul.f32 v3, v1;
	_ =	sdelay $0x1  }
0x258: {  	[tilespmem:s13+$0x1D790] =	vst v1;
	v1 =	vld [tilespmem:s13+$0x1C7A0]  }
0x259: {  	v2 =	vld.idx.msk [tilespmem:v5+s23+$0x0], $0xffff  }
0x25a: {  	v3 =	vld.idx.msk [tilespmem:v4+s23+$0x0], $0xffff;
	_ =	sdelay $0x1  }
0x25b: {  	v4 =	vld [tilespmem:s13+$0x1B7B0]  }
0x25c: {  	v5 =	vld [tilespmem:s13+$0x1A7B0];
	_ =	sdelay $0x2  }
0x25d: {  	v2 =	vsub.f32 v3, v2;
	_ =	sdelay $0x1  }
0x25e: {  	v1 =	vmul.f32 v1, v2;
	_ =	sdelay $0x1  }
0x25f: {  	[tilespmem:s13+$0x1D7A0] =	vst v1;
	v1 =	vld [tilespmem:s13+$0x1C7B0]  }
0x260: {  	v2 =	vld.idx.msk [tilespmem:v5+s23+$0x0], $0xffff  }
0x261: {  	v3 =	vld.idx.msk [tilespmem:v4+s23+$0x0], $0xffff;
	_ =	sdelay $0x1  }
0x262: {  	v4 =	vld [tilespmem:s13+$0x1B7C0]  }
0x263: {  	v5 =	vld [tilespmem:s13+$0x1A7C0];
	_ =	sdelay $0x2  }
0x264: {  	v2 =	vsub.f32 v3, v2;
	_ =	sdelay $0x1  }
0x265: {  	v1 =	vmul.f32 v1, v2;
	_ =	sdelay $0x1  }
0x266: {  	[tilespmem:s13+$0x1D7B0] =	vst v1;
	v1 =	vld [tilespmem:s13+$0x1C7C0]  }
0x267: {  	v2 =	vld.idx.msk [tilespmem:v5+s23+$0x0], $0xffff  }
0x268: {  	v3 =	vld.idx.msk [tilespmem:v4+s23+$0x0], $0xffff;
	_ =	sdelay $0x1  }
0x269: {  	v4 =	vld [tilespmem:s13+$0x1B7D0]  }
0x26a: {  	v5 =	vld [tilespmem:s13+$0x1A7D0];
	_ =	sdelay $0x2  }
0x26b: {  	v2 =	vsub.f32 v3, v2;
	_ =	sdelay $0x1  }
0x26c: {  	v1 =	vmul.f32 v1, v2  }
0x26d: {  	v2 =	vld [tilespmem:s13+$0x1C7D0]  }
0x26e: {  	[tilespmem:s13+$0x1D7C0] =	vst v1  }
0x26f: {  	v1 =	vld.idx.msk [tilespmem:v5+s23+$0x0], $0xffff  }
0x270: {  	v3 =	vld.idx.msk [tilespmem:v4+s23+$0x0], $0xffff;
	_ =	sdelay $0x1  }
0x271: {  	v4 =	vld [tilespmem:s13+$0x1B7E0]  }
0x272: {  	v5 =	vld [tilespmem:s13+$0x1A7E0];
	_ =	sdelay $0x2  }
0x273: {  	v1 =	vsub.f32 v3, v1;
	_ =	sdelay $0x1  }
0x274: {  	v1 =	vmul.f32 v2, v1;
	v2 =	vld [tilespmem:s13+$0x1C7E0];
	_ =	sdelay $0x1  }
0x275: {  	[tilespmem:s13+$0x1D7D0] =	vst v1  }
0x276: {  	v1 =	vld.idx.msk [tilespmem:v5+s23+$0x0], $0xffff  }
0x277: {  	v3 =	vld.idx.msk [tilespmem:v4+s23+$0x0], $0xffff;
	_ =	sdelay $0x1  }
0x278: {  	v4 =	vld [tilespmem:s13+$0x1B7F0]  }
0x279: {  	v5 =	vld [tilespmem:s13+$0x1A7F0];
	_ =	sdelay $0x2  }
0x27a: {  	v3 =	vsub.f32 v3, v1  }
0x27b: {  	v1 =	vld [tilespmem:s13+$0x1C7F0]  }
.Ltmp7:
0x27c: {  	v2 =	vmul.f32 v2, v3;
	(pc) =	sbr.rel @p3 .LBB2_8-.Ltmp7, $4  }
0x27d: {  	_ = 	snop  }
0x27e: {  	[tilespmem:s13+$0x1D7E0] =	vst v2  }
0x27f: {  	v2 =	vld.idx.msk [tilespmem:v5+s23+$0x0], $0xffff  }
0x280: {  	v3 =	vld.idx.msk [tilespmem:v4+s23+$0x0], $0xffff  }
0x281: {  	s15 =	sshra.s32 s15, $0x2  }
0x282: {  	v4 =	vld [tilespmem:s15+$0x1A780]  }
0x283: {  	v5 =	vld [tilespmem:s15+$0x1B780];
	_ =	sdelay $0x1  }
0x284: {  	v2 =	vsub.f32 v3, v2;
	_ =	sdelay $0x1  }
0x285: {  	v1 =	vmul.f32 v1, v2;
	_ =	sdelay $0x1  }
0x286: {  	[tilespmem:s13+$0x1D7F0] =	vst v1  }
0x287: {  	v1 =	vld.idx.msk [tilespmem:v4+s23+$0x0], $0xffff  }
0x288: {  	v2 =	vld.idx.msk [tilespmem:v5+s23+$0x0], $0xffff  }
0x289: {  	v3 =	vld [tilespmem:s15+$0x1C780]  }
0x28a: {  	v50 =	vld [tilespmem:s15+$0x1A790]  }
0x28b: {  	v51 =	vld [tilespmem:s15+$0x1B790];
	_ =	sdelay $0x1  }
0x28c: {  	v1 =	vsub.f32 v2, v1;
	_ =	sdelay $0x1  }
0x28d: {  	v1 =	vmul.f32 v3, v1;
	_ =	sdelay $0x1  }
0x28e: {  	[tilespmem:s15+$0x1D780] =	vst v1  }
0x28f: {  	v1 =	vld.idx.msk [tilespmem:v50+s23+$0x0], $0xffff  }
0x290: {  	v2 =	vld.idx.msk [tilespmem:v51+s23+$0x0], $0xffff  }
0x291: {  	v52 =	vld [tilespmem:s15+$0x1A7A0]  }
0x292: {  	v3 =	vld [tilespmem:s15+$0x1C790]  }
0x293: {  	v53 =	vld [tilespmem:s15+$0x1B7A0];
	_ =	sdelay $0x1  }
0x294: {  	v1 =	vsub.f32 v2, v1;
	_ =	sdelay $0x1  }
0x295: {  	v1 =	vmul.f32 v3, v1;
	_ =	sdelay $0x1  }
0x296: {  	[tilespmem:s15+$0x1D790] =	vst v1  }
0x297: {  	v1 =	vld.idx.msk [tilespmem:v52+s23+$0x0], $0xffff  }
0x298: {  	v2 =	vld.idx.msk [tilespmem:v53+s23+$0x0], $0xffff  }
0x299: {  	v54 =	vld [tilespmem:s15+$0x1A7B0]  }
0x29a: {  	v3 =	vld [tilespmem:s15+$0x1C7A0]  }
0x29b: {  	v55 =	vld [tilespmem:s15+$0x1B7B0];
	_ =	sdelay $0x1  }
0x29c: {  	v1 =	vsub.f32 v2, v1;
	_ =	sdelay $0x1  }
0x29d: {  	v1 =	vmul.f32 v3, v1;
	_ =	sdelay $0x1  }
0x29e: {  	[tilespmem:s15+$0x1D7A0] =	vst v1  }
0x29f: {  	v1 =	vld.idx.msk [tilespmem:v54+s23+$0x0], $0xffff  }
0x2a0: {  	v2 =	vld.idx.msk [tilespmem:v55+s23+$0x0], $0xffff  }
0x2a1: {  	v56 =	vld [tilespmem:s15+$0x1A7C0]  }
0x2a2: {  	v3 =	vld [tilespmem:s15+$0x1C7B0]  }
0x2a3: {  	v57 =	vld [tilespmem:s15+$0x1B7C0];
	_ =	sdelay $0x1  }
0x2a4: {  	v1 =	vsub.f32 v2, v1;
	_ =	sdelay $0x1  }
0x2a5: {  	v1 =	vmul.f32 v3, v1;
	_ =	sdelay $0x1  }
0x2a6: {  	[tilespmem:s15+$0x1D7B0] =	vst v1  }
0x2a7: {  	v1 =	vld.idx.msk [tilespmem:v56+s23+$0x0], $0xffff  }
0x2a8: {  	v2 =	vld.idx.msk [tilespmem:v57+s23+$0x0], $0xffff  }
0x2a9: {  	v58 =	vld [tilespmem:s15+$0x1A7D0]  }
0x2aa: {  	v3 =	vld [tilespmem:s15+$0x1C7C0]  }
0x2ab: {  	v59 =	vld [tilespmem:s15+$0x1B7D0];
	_ =	sdelay $0x1  }
0x2ac: {  	v1 =	vsub.f32 v2, v1;
	_ =	sdelay $0x1  }
0x2ad: {  	v1 =	vmul.f32 v3, v1;
	_ =	sdelay $0x1  }
0x2ae: {  	[tilespmem:s15+$0x1D7C0] =	vst v1  }
0x2af: {  	v1 =	vld.idx.msk [tilespmem:v58+s23+$0x0], $0xffff  }
0x2b0: {  	v2 =	vld.idx.msk [tilespmem:v59+s23+$0x0], $0xffff  }
0x2b1: {  	v60 =	vld [tilespmem:s15+$0x1A7E0]  }
0x2b2: {  	v3 =	vld [tilespmem:s15+$0x1C7D0]  }
0x2b3: {  	v61 =	vld [tilespmem:s15+$0x1B7E0];
	_ =	sdelay $0x1  }
0x2b4: {  	v1 =	vsub.f32 v2, v1;
	_ =	sdelay $0x1  }
0x2b5: {  	v1 =	vmul.f32 v3, v1;
	_ =	sdelay $0x1  }
0x2b6: {  	[tilespmem:s15+$0x1D7D0] =	vst v1  }
0x2b7: {  	v1 =	vld.idx.msk [tilespmem:v60+s23+$0x0], $0xffff  }
0x2b8: {  	v2 =	vld.idx.msk [tilespmem:v61+s23+$0x0], $0xffff  }
0x2b9: {  	v62 =	vld [tilespmem:s15+$0x1A7F0]  }
0x2ba: {  	v3 =	vld [tilespmem:s15+$0x1C7E0]  }
0x2bb: {  	v63 =	vld [tilespmem:s15+$0x1B7F0];
	_ =	sdelay $0x1  }
0x2bc: {  	v1 =	vsub.f32 v2, v1;
	_ =	sdelay $0x1  }
0x2bd: {  	v1 =	vmul.f32 v3, v1;
	_ =	sdelay $0x1  }
0x2be: {  	[tilespmem:s15+$0x1D7E0] =	vst v1  }
0x2bf: {  	v1 =	vld.idx.msk [tilespmem:v62+s23+$0x0], $0xffff  }
0x2c0: {  	v2 =	vld.idx.msk [tilespmem:v63+s23+$0x0], $0xffff;
	_ =	sdelay $0x1  }
0x2c1: {  	v3 =	vld [tilespmem:s15+$0x1C7F0];
	_ =	sdelay $0x2  }
.Ltmp8:
0x2c2: {  	v1 =	vsub.f32 v2, v1;
	(pc) =	sbr.rel .LBB2_10-.Ltmp8, $3  }
0x2c3: {  	_ = 	snop  }
0x2c4: {  	v1 =	vmul.f32 v3, v1;
	_ =	sdelay $0x1  }
0x2c5: {  	[tilespmem:s15+$0x1D7F0] =	vst v1  }
.LBB2_12:
0x2c6: {  	_ =	sfence.sel $0x180000  }
0x2c7: {  	[bflag:$0x0] =	sbarrier.arrive $0xFFFF  }
0x2c8: {  	_ =	strace $0x90000050  }
0x2c9: {  	[bflag:$0x2] =	sbarrier.arrive $0xFFFF  }
0x2ca: {  	s0 =	rddreg [dreg:$0x3]  }
0x2cb: {  	s0 =	sadd.s32 @!p0 $0x100000, s0  }
0x2cc: {  	[sflag:s0] =	ssyncadd.tile.s32 @!p0 $0x1;
	_ =	shalt  }
.Lfunc_end2:
_tile_overlayer_lowered:
.L_overlay_start_2:
0x2cd: {  	(tag) =	ssettag $0x2  }
0x2ce: {  	s0 =	rddreg [dreg:$0x0];
	s2 =	stileid.u32  }
0x2cf: {  	s1 =	rddreg [dreg:$0x1];
	p0 =	sne.s32 s2, $0x0  }
0x2d0: {  	s3 =	rddreg [dreg:$0x2];
	[bflag:$0x3] =	sbarrier.arrive $0xFFFF;
	s2 =	simm.s32 @!p0 $0x1C05  }
0x2d1: {  	[timem:s3], [sflag:s2] =	dma.local @!p0 [hbm:s0], s1  }
0x2d2: {  	s0 =	simm.s32 @!p0 $0x5  }
0x2d3: {  	_ =	swait.ge @!p0 [sflag:s0], s1  }
0x2d4: {  	s1 =	ssub.s32 @!p0 $0x0, s1;
	[sflag:s0] =	ssyncset.done @!p0 $0x0  }
0x2d5: {  	[sflag:s0] =	ssyncadd.s32 @!p0 s1  }
0x2d6: {  	[bflag:$0x3] =	sbarrier.arrive $0xFFFF  }
0x2d7: {  	_ =	shalt  }

// kernel: kernel.16.cloned.1.call-start
scs
__scs_entry_jumppad:
0x0: {  	(pc) =	sbr.rel $0x88, $3  }
0x1: {  	(tag) =	ssettag $0x0;
	lr =	simm.s32 $0x1  }
0x2: {  	[smem:$0x3F9B] =	sst lr;
	_ =	strace $0xD0000000  }
0x3: {  	_ = 	snop  }
0x4: {  	_ = 	snop  }
0x5: {  	_ = 	snop  }
0x6: {  	_ = 	snop  }
0x7: {  	_ = 	snop  }
__scs_overlays_trampoline_lowered:
0x8: {  	[smem:$0x3FAA] =	sst s0  }
0x9: {  	[smem:$0x3FAB] =	sst s1  }
0xa: {  	[smem:$0x3FAC] =	sst s2  }
0xb: {  	[smem:$0x3FAD] =	sst s3  }
0xc: {  	[smem:$0x3FAE] =	sst s4  }
0xd: {  	[smem:$0x3FAF] =	sst s5  }
0xe: {  	[smem:$0x3FB0] =	sst s6  }
0xf: {  	[smem:$0x3FB1] =	sst s7  }
0x10: {  	[smem:$0x3FB2] =	sst s8  }
0x11: {  	[smem:$0x3FB3] =	sst s9;
	s0 =	simm.s32 @!p0 $0x0  }
0x12: {  	s1 =	sld [smem:$0x3F99];
	s0 =	simm.s32 @p0 $0x1  }
0x13: {  	[smem:$0x3FB4] =	sst s0;
	s0 =	simm.s32 @!p1 $0x0  }
0x14: {  	s2 =	sld [smem:$0x3F98];
	s0 =	simm.s32 @p1 $0x1  }
0x15: {  	[smem:$0x3FB5] =	sst s0;
	s0 =	simm.s32 @!p2 $0x0  }
0x16: {  	s3 =	sld [smem:$0x3FDB];
	s0 =	simm.s32 @p2 $0x1  }
0x17: {  	s4 =	simm.s32 $0x1BF5;
	[smem:$0x3FB7] =	sst s0  }
0x18: {  	s0 =	sld [smem:$0x3F9A];
	_ =	swait.ge [sflag:s4], $0x0  }
0x19: {  	s7 =	sld [smem:$0x3F9B]  }
0x1a: {  	s8 =	sadd.s32 $0xFFFFE003, lr  }
0x1b: {  	s9 =	sadd.s32 $0xFFFFFEF7, lr;
	s5 =	simm.s32 $0xFFFFFFFF;
	p2 =	slt.u32 s8, $0xFFFFF086  }
0x1c: {  	p1 =	slt.u32 s9, $0xF7A;
	s5 =	simm.s32 @!p2 $0x0  }
0x1d: {  	s5 =	simm.s32 @p1 $0x1;
	p0 =	seq.s32 s7, s2  }
0x1e: {  	s7 =	smul.u32 @!p0 $0xF7A, s2;
	p2 =	seq.s32 @!p0 s5, $0x0  }
0x1f: {  	s9 =	smul.u32 $0xF7A, s1;
	s8 =	simm.s32 @!p0 $0x1BF5;
	p2 =	por !p2, p0  }
0x20: {  	[sflag:s8] =	ssyncset.s32 @!p0 $0xFFFFF086;
	s6 =	sadd.s32 @!p0 s3, s7;
	s7 =	simm.s32 @!p0 $0x108  }
0x21: {  	s3 =	sadd.s32 s3, s9;
	s6 =	sadd.s32 @!p0 $0x88, s6;
	s7 =	simm.s32 @p2 $0x1082  }
0x22: {  	[simem:s7], [sflag:s8] =	dma.local @!p0 [hbm:s6], $0xF7A  }
0x23: {  	s9 =	sor.u32 $0xD0000000, s2;
	s6 =	simm.s32 $0x108;
	_ =	swait.ge @!p0 [sflag:s8], $0x0  }
0x24: {  	s3 =	sadd.s32 $0x88, s3;
	s6 =	simm.s32 @!p1 $0x1082;
	[sflag:s4] =	ssyncset.s32 $0xFFFFF086  }
0x25: {  	[simem:s6], [sflag:s4] =	dma.local [hbm:s3], $0xF7A  }
0x26: {  	[smem:$0x3F9B] =	sst s1;
	(tag) =	ssettag s2;
	_ =	strace s9  }
0x27: {  	s1 =	sld [smem:$0x3FAB]  }
0x28: {  	s2 =	sld [smem:$0x3FAC]  }
0x29: {  	s4 =	sld [smem:$0x3FAE]  }
0x2a: {  	p0 =	seq.s32 s5, $0x0;
	s5 =	sld [smem:$0x3FAF]  }
0x2b: {  	s6 =	sld [smem:$0x3FB0]  }
0x2c: {  	s7 =	sld [smem:$0x3FB1]  }
0x2d: {  	s3 =	simm.s32 $0x108;
	s8 =	sld [smem:$0x3FB2]  }
0x2e: {  	s3 =	simm.s32 @!p0 $0x1082;
	s9 =	sld [smem:$0x3FB3]  }
0x2f: {  	lr =	sadd.s32 s0, s3;
	s0 =	sld [smem:$0x3FAA]  }
0x30: {  	s3 =	sld [smem:$0x3FAD]  }
0x31: {  	[smem:$0x3FB6] =	sst s10  }
0x32: {  	s10 =	sld [smem:$0x3FB4];
	_ =	sdelay $0x3  }
0x33: {  	p0 =	seq.s32 s10, $0x1;
	s10 =	sld [smem:$0x3FB6];
	_ =	sdelay $0x3  }
0x34: {  	[smem:$0x3FB6] =	sst s10  }
0x35: {  	s10 =	sld [smem:$0x3FB5];
	_ =	sdelay $0x3  }
0x36: {  	p1 =	seq.s32 s10, $0x1;
	s10 =	sld [smem:$0x3FB6];
	_ =	sdelay $0x3  }
0x37: {  	[smem:$0x3FB6] =	sst s10  }
0x38: {  	s10 =	sld [smem:$0x3FB7]  }
0x39: {  	_ = 	snop;
	(pc) =	sbr.ind lr, $3  }
0x3a: {  	_ = 	snop  }
0x3b: {  	_ = 	snop  }
0x3c: {  	p2 =	seq.s32 s10, $0x1;
	s10 =	sld [smem:$0x3FB6]  }
0x3d: {  	_ =	shalt  }
0x3e: {  	_ =	shalt  }
0x3f: {  	_ =	shalt  }
0x40: {  	_ =	shalt  }
0x41: {  	_ =	shalt  }
0x42: {  	_ =	shalt  }
0x43: {  	_ =	shalt  }
0x44: {  	_ =	shalt  }
0x45: {  	_ =	shalt  }
0x46: {  	_ =	shalt  }
0x47: {  	_ =	shalt  }
0x48: {  	_ =	shalt  }
0x49: {  	_ =	shalt  }
0x4a: {  	_ =	shalt  }
0x4b: {  	_ =	shalt  }
0x4c: {  	_ =	shalt  }
0x4d: {  	_ =	shalt  }
0x4e: {  	_ =	shalt  }
0x4f: {  	_ =	shalt  }
0x50: {  	_ =	shalt  }
0x51: {  	_ =	shalt  }
0x52: {  	_ =	shalt  }
0x53: {  	_ =	shalt  }
0x54: {  	_ =	shalt  }
0x55: {  	_ =	shalt  }
0x56: {  	_ =	shalt  }
0x57: {  	_ =	shalt  }
0x58: {  	_ =	shalt  }
0x59: {  	_ =	shalt  }
0x5a: {  	_ =	shalt  }
0x5b: {  	_ =	shalt  }
0x5c: {  	_ =	shalt  }
0x5d: {  	_ =	shalt  }
0x5e: {  	_ =	shalt  }
0x5f: {  	_ =	shalt  }
0x60: {  	_ =	shalt  }
0x61: {  	_ =	shalt  }
0x62: {  	_ =	shalt  }
0x63: {  	_ =	shalt  }
0x64: {  	_ =	shalt  }
0x65: {  	_ =	shalt  }
0x66: {  	_ =	shalt  }
0x67: {  	_ =	shalt  }
0x68: {  	_ =	shalt  }
0x69: {  	_ =	shalt  }
0x6a: {  	_ =	shalt  }
0x6b: {  	_ =	shalt  }
0x6c: {  	_ =	shalt  }
0x6d: {  	_ =	shalt  }
0x6e: {  	_ =	shalt  }
0x6f: {  	_ =	shalt  }
0x70: {  	_ =	shalt  }
0x71: {  	_ =	shalt  }
0x72: {  	_ =	shalt  }
0x73: {  	_ =	shalt  }
0x74: {  	_ =	shalt  }
0x75: {  	_ =	shalt  }
0x76: {  	_ =	shalt  }
0x77: {  	_ =	shalt  }
0x78: {  	_ =	shalt  }
0x79: {  	_ =	shalt  }
0x7a: {  	_ =	shalt  }
0x7b: {  	_ =	shalt  }
0x7c: {  	_ =	shalt  }
0x7d: {  	_ =	shalt  }
0x7e: {  	_ =	shalt  }
0x7f: {  	_ =	shalt  }
0x80: {  	_ =	shalt  }
0x81: {  	_ =	shalt  }
0x82: {  	_ =	shalt  }
0x83: {  	_ =	shalt  }
0x84: {  	_ =	shalt  }
0x85: {  	_ =	shalt  }
0x86: {  	_ =	shalt  }
0x87: {  	_ =	shalt  }
.Lfunc_end0:
.L_simem_size_0:
called_computation.4_lowered:
.L_overlay_start_0:
0x88: {  	s2 =	sld [smem:$0x3FD9]  }
0x89: {  	s3 =	sld [smem:$0x3FFE];
	_ =	sdelay $0x1  }
0x8a: {  	s1 =	srdreg.scid  }
0x8b: {  	s0 =	sand.u32 $0x1, s1  }
0x8c: {  	s17 =	sshll.u32 s0, $0xA;
	s2 =	sadd.s32 s3, s2  }
0x8d: {  	s2 =	sadd.s32 s2, s17  }
0x8e: {  	[smem:$0x3FC2] =	sst s2  }
0x8f: {  	_ = 	snop  }
0x90: {  	s2 =	sld [smem:$0x3FC5]  }
0x91: {  	s18 =	sld [smem:$0x3FD0];
	(tm) =	ssettm $0x1  }
0x92: {  	s4 =	sld [smem:$0x3FFB];
	_ =	sdelay $0x3  }
0x93: {  	_ =	strace s4  }
0x94: {  	s4 =	sld [smem:$0x3FFC];
	_ =	sdelay $0x3  }
0x95: {  	_ =	strace s4  }
0x96: {  	s4 =	sld [smem:$0x3FFD];
	_ =	sdelay $0x3  }
0x97: {  	_ =	strace s4  }
0x98: {  	_ =	strace $0x8FFFFFFF  }
0x99: {  	s19 =	sld [smem:$0x3FDB];
	_ =	sdelay $0x1  }
0x9a: {  	s5 =	simm.s32 $_scs_section_size  }
0x9b: {  	s6 =	simm.s32 $_size__tile_overlayer_lowered;
	s7 =	simm.s32 $_tile_overlayer_lowered  }
0x9c: {  	s22 =	simm.s32 $0x1BFF;
	s21 =	sshll.u32 s7, $0x1;
	s4 =	sadd.s32 s5, s19  }
0x9d: {  	s8 =	simm.s32 $0x0;
	s20 =	sshll.u32 s6, $0x1;
	s6 =	sadd.s32 s21, s4  }
0x9e: {  	[timem:s8], [sflag:s22] =	dma.local [hbm:s6], s20  }
0x9f: {  	_ =	swait.ge [sflag:s22], s20  }
0xa0: {  	s5 =	ssub.s32 $0x0, s20;
	[sflag:s22] =	ssyncset.done $0x0  }
0xa1: {  	[sflag:s22] =	ssyncadd.s32 s5;
	_ =	sdelay $0x1  }
0xa2: {  	s23 =	simm.s32 $0x1B8B  }
0xa3: {  	_ =	swait.ge [sflag:s23], $0x1  }
0xa4: {  	[sflag:s23] =	ssyncset.done $0x0  }
0xa5: {  	s25 =	simm.s32 $0x1B8E;
	s24 =	sld [smem:$0x3FFE];
	[sflag:s23] =	ssyncadd.s32 $0xFFFFFFFF  }
0xa6: {  	s26 =	simm.s32 $execute0_lowered;
	[smem:$0x3FD2] =	sst s25  }
0xa7: {  	s6 =	sshll.u32 s26, $0x1;
	_ =	strace $0x80000052;
	[dreg:$0x1] =	wrdreg $0xFFFFFFFF  }
0xa8: {  	s28 =	simm.s32 $_size_execute0_lowered;
	s4 =	sadd.s32 s4, s6;
	[dreg:$0x0] =	wrdreg $0x0  }
0xa9: {  	s6 =	sshll.u32 s28, $0x1;
	[dreg:$0x2] =	wrdreg s4  }
0xaa: {  	[dreg:$0x3] =	wrdreg s6  }
0xab: {  	[dreg:$0x4] =	wrdreg $0xC0  }
0xac: {  	_ =	task [dreg:s8], $0x5FFFF  }
0xad: {  	[dreg:$0x1] =	wrdreg $0xFFFFFFFF  }
0xae: {  	[dreg:$0x0] =	wrdreg $0x60  }
0xaf: {  	[dreg:$0x2] =	wrdreg s24  }
0xb0: {  	[dreg:$0x3] =	wrdreg s2  }
0xb1: {  	[dreg:$0x4] =	wrdreg s18  }
0xb2: {  	[dreg:$0x5] =	wrdreg $0x9  }
0xb3: {  	_ =	task.clear_ibuf [dreg:s8], $0x6FFFF;
	_ =	strace $0x90000052  }
0xb4: {  	s29 =	simm.s32 $0x9;
	_ =	strace $0x80000054  }
0xb5: {  	_ =	swait.ge [sflag:s29], $0x1  }
0xb6: {  	[sflag:s29] =	ssyncadd.s32 $0xFFFFFFFF  }
0xb7: {  	_ =	strace $0x90000054  }
0xb8: {  	_ =	sfence  }
0xb9: {  	s30 =	sld [smem:$0x0];
	_ =	sdelay $0x2  }
0xba: {  	s31 =	sshll.u32 s1, $0xD;
	s1 =	sshrl.u32 s1, $0x2  }
0xbb: {  	s3 =	sand.u32 $0x4000, s31;
	s1 =	sadd.s32 s1, s30  }
0xbc: {  	s0 =	sor.u32 s3, s0;
	s1 =	sshll.u32 s1, $0x11  }
0xbd: {  	s0 =	sor.u32 s1, s0  }
0xbe: {  	s0 =	sadd.s32 $0x8F2B, s0  }
0xbf: {  	[sflag:s0] =	ssyncadd.remote.s32 $0x1  }
0xc0: {  	_ =	sfence.sel $0xFFFF  }
0xc1: {  	[dreg:$0x0] =	wrdreg $0xFFFFFFFF;
	(pc) =	sbr.abs _section_cstart, $3  }
0xc2: {  	[dreg:$0x1] =	wrdreg $0xFFFFFFFF  }
0xc3: {  	_ =	task.clear_ibuf [dreg:s8], $0x2FFFF;
	_ =	strace $0x9FFFFFFF  }
0xc4: {  	(tm) =	ssettm $0x7FFFFFFF  }
0xc5: {  	_ =	shalt  }
tec
execute0_lowered:
.L_overlay_start_1:
0x0: {  	(tag) =	ssettag $0x1  }
0x1: {  	s9 =	rddreg [dreg:$0x0]  }
0x2: {  	s0 =	srdreg.scid;
	s8 =	rddreg [dreg:$0x1]  }
0x3: {  	s10 =	rddreg [dreg:$0x2];
	s2 =	simm.s32 $0x0;
	s3 =	sand.u32 $0x1, s0  }
0x4: {  	s14 =	simm.s32 $0x1900;
	s0 =	stileid.u32;
	s1 =	sshll.u32 s3, $0x4  }
0x5: {  	s15 =	simm.s32 $0x3E80;
	s16 =	simm.s32 $0x0;
	s12 =	sor.u32 s0, s1  }
0x6: {  	[smem:$0x7FF] =	sst s2;
	s31 =	ssub.s32 $0x2, s3;
	s4 =	smul.u32 $0xC40, s12  }
0x7: {  	s1 =	rddreg [dreg:$0x3];
	_ =	strace $0x80000053;
	s5 =	sshrl.u32 s31, $0x1  }
0x8: {  	s13 =	ssub.s32 s31, s5;
	p0 =	seq.s32 s12, $0x1F;
	s11 =	sshrl.u32 s4, $0x3  }
0x9: {  	s7 =	sadd.s32 s11, s9;
	s6 =	sadd.s32 s8, s11;
	s8 =	sadd.s32 $0x2F78, s8  }
0xa: {  	s9 =	sadd.s32 $0x191178, s9;
	s10 =	sadd.s32 s10, s11;
	s11 =	smax.u32 s13, $0x1  }
0xb: {  	s13 =	simm.s32 $0xC80;
	s3 =	sadd.s32 $0x188000, s7;
	s4 =	sadd.s32 $0x18B100, s7  }
0xc: {  	s12 =	simm.s32 $0x1;
	s5 =	sadd.s32 $0x31E200, s7;
	s7 =	sadd.s32 $0x18E200, s7  }
.LBB2_1:
0xd: {  	[tilespmem:s2], [sflag:$0x1] =	stream.linear.gather [hbm4b:s3+s2], $0xC40, $0x38;
	[tilespmem:$0x4B00] =	vst v63  }
0xe: {  	_ =	swait.ge [sflag:s12], $0xC40  }
0xf: {  	[sflag:s12] =	ssyncset.done $0x0  }
0x10: {  	[sflag:s12] =	ssyncadd.s32 $0xFFFFF3C0  }
0x11: {  	[tilespmem:s13], [sflag:$0x1] =	stream.linear.gather [hbm4b:s4+s2], $0xC40, $0x38;
	[tilespmem:$0x4B00] =	vst v63  }
0x12: {  	_ =	swait.ge [sflag:s12], $0xC40  }
0x13: {  	[sflag:s12] =	ssyncset.done $0x0  }
0x14: {  	[sflag:s12] =	ssyncadd.s32 $0xFFFFF3C0  }
0x15: {  	[tilespmem:s14], [sflag:$0x1] =	stream.linear.gather [hbm4b:s5+s2], $0xC40, $0x38;
	[tilespmem:$0x4B00] =	vst v63  }
0x16: {  	_ =	swait.ge [sflag:s12], $0xC40  }
0x17: {  	[sflag:s12] =	ssyncset.done $0x0  }
0x18: {  	s17 =	simm.s32 @p0 $0x0;
	s18 =	simm.s32 @p0 $0x2580;
	[sflag:s12] =	ssyncadd.s32 $0xFFFFF3C0  }
0x19: {  	[tilespmem:s18], [sflag:$0x1] =	stream.linear.gather @p0 [hbm4b:s8+s17], $0xAE0, $0x38;
	[tilespmem:$0x4B00] =	vst v63  }
0x1a: {  	s18 =	simm.s32 @p0 $0x1  }
0x1b: {  	_ =	swait.ge @p0 [sflag:s18], $0xAE0  }
0x1c: {  	[sflag:s18] =	ssyncset.done @p0 $0x0  }
0x1d: {  	s19 =	simm.s32 @p0 $0x3200;
	[sflag:s18] =	ssyncadd.s32 @p0 $0xFFFFF520  }
0x1e: {  	[tilespmem:s19], [sflag:$0x1] =	stream.linear.gather @p0 [hbm4b:s9+s17], $0xAE0, $0x38;
	[tilespmem:$0x4B00] =	vst v63  }
0x1f: {  	_ =	swait.ge @p0 [sflag:s18], $0xAE0  }
0x20: {  	[sflag:s18] =	ssyncset.done @p0 $0x0  }
0x21: {  	s17 =	simm.s32 @!p0 $0x0;
	[sflag:s18] =	ssyncadd.s32 @p0 $0xFFFFF520;
	s18 =	simm.s32 @!p0 $0x2580  }
0x22: {  	[tilespmem:s18], [sflag:$0x1] =	stream.linear.gather @!p0 [hbm4b:s6+s17], $0xC40, $0x38;
	[tilespmem:$0x4B00] =	vst v63  }
0x23: {  	s18 =	simm.s32 @!p0 $0x1  }
0x24: {  	_ =	swait.ge @!p0 [sflag:s18], $0xC40  }
0x25: {  	[sflag:s18] =	ssyncset.done @!p0 $0x0  }
0x26: {  	s19 =	simm.s32 @!p0 $0x3200;
	[sflag:s18] =	ssyncadd.s32 @!p0 $0xFFFFF3C0  }
0x27: {  	[tilespmem:s19], [sflag:$0x1] =	stream.linear.gather @!p0 [hbm4b:s7+s17], $0xC40, $0x38;
	[tilespmem:$0x4B00] =	vst v63  }
0x28: {  	_ =	swait.ge @!p0 [sflag:s18], $0xC40  }
0x29: {  	[sflag:s18] =	ssyncset.done @!p0 $0x0  }
0x2a: {  	s19 =	simm.s32 $0x0;
	[sflag:s18] =	ssyncadd.s32 @!p0 $0xFFFFF3C0  }
0x2b: {  	v0 =	vld [tilespmem:s19+$0x1900];
	_ =	sdelay $0x4  }
0x2c: {  	v0 =	vmax.f32 v0, $1.000000000e+00  }
0x2d: {  	(erf) = vrcp.f32 v0  }
0x2e: {  	s17 =	simm.s32 $0x10;
	v4 =	vld [tilespmem:s19+$0xC80]  }
0x2f: {  	v5 =	vld [tilespmem:s17+$0x1900]  }
0x30: {  	v0 =	vld [tilespmem:s19+$0x0];
	_ =	sdelay $0x4  }
0x31: {  	s18 =	simm.s32 $0x20;
	v1 =	vld [tilespmem:s19+$0x3200];
	v6 =	vadd.f32 v4, v0;
	v4 =	vmax.f32 v5, $1.000000000e+00  }
0x32: {  	v3 =	vld [tilespmem:s18+$0x1900];
	v5 =	vpop (erf);
	(erf) = vrcp.f32 v4  }
0x33: {  	v2 =	vld [tilespmem:s19+$0x2580]  }
0x34: {  	v0 =	vld [tilespmem:s17+$0x0]  }
0x35: {  	v4 =	vld [tilespmem:s17+$0xC80]  }
0x36: {  	s20 =	simm.s32 $0xC0;
	v5 =	vmul.f32 v5, v6  }
.LBB2_2:
0x37: {  	s21 =	sshra.s32 s20, $0x2;
	p1 =	sne.s32 s20, $0x30C0;
	s20 =	sadd.s32 $0x40, s20;
	v6 =	vmax.f32 v3, $1.000000000e+00;
	v7 =	vld [tilespmem:s17+$0x3200]  }
.Ltmp0:
0x38: {  	v3 =	vld [tilespmem:s21+$0x1900];
	(erf) = vrcp.f32 v6;
	v8 =	vmul.f32 v5, v2;
	(pc) =	sbr.rel @p1 .LBB2_2-.Ltmp0, $4  }
0x39: {  	v2 =	vld [tilespmem:s17+$0x2580]  }
0x3a: {  	v6 =	vadd.f32 v4, v0;
	v0 =	vld [tilespmem:s18+$0x0];
	v8 =	vsub.f32 v8, v1  }
0x3b: {  	v4 =	vld [tilespmem:s18+$0xC80];
	v5 =	vpop (erf)  }
0x3c: {  	v5 =	vmul.f32 v5, v6;
	[tilespmem:s19+$0x3E80] =	vst v8;
	v1 =	vmov v7;
	s19 =	smov.u32 s17;
	s17 =	smov.u32 s18;
	s18 =	smov.u32 s21  }
0x3d: {  	v3 =	vmax.f32 v3, $1.000000000e+00  }
0x3e: {  	(erf) = vrcp.f32 v3;
	_ =	sdelay $0x1  }
0x3f: {  	v58 =	vld [tilespmem:s18+$0x0];
	v2 =	vmul.f32 v5, v2  }
0x40: {  	v59 =	vld [tilespmem:s18+$0xC80]  }
0x41: {  	v1 =	vsub.f32 v2, v1  }
0x42: {  	v6 =	vld [tilespmem:s17+$0x3200]  }
0x43: {  	v60 =	vld [tilespmem:s17+$0x2580];
	[tilespmem:s19+$0x3E80] =	vst v1  }
0x44: {  	v0 =	vadd.f32 v4, v0;
	v1 =	vld [tilespmem:s18+$0x2580]  }
0x45: {  	v61 =	vpop (erf);
	v3 =	vadd.f32 v59, v58  }
0x46: {  	v0 =	vmul.f32 v61, v0;
	v62 =	vld [tilespmem:s18+$0x3200];
	v63 =	vpop (erf)  }
0x47: {  	v3 =	vmul.f32 v63, v3  }
0x48: {  	v0 =	vmul.f32 v0, v60  }
0x49: {  	v1 =	vmul.f32 v3, v1  }
0x4a: {  	v0 =	vsub.f32 v0, v6  }
0x4b: {  	s16 =	sadd.s32 $0x1, s16;
	v1 =	vsub.f32 v1, v62  }
0x4c: {  	p1 =	sne.s32 s16, s11;
	[tilespmem:s17+$0x3E80] =	vst v0  }
.Ltmp1:
0x4d: {  	[tilespmem:s18+$0x3E80] =	vst v1;
	(pc) =	sbr.rel @p1 .LBB2_1-.Ltmp1, $4  }
0x4e: {  	[hbm4b:s10+s2] =	stream.linear.scatter [tilespmem:s15], [sflag:$0x1], $0xC40, $0x38;
	[tilespmem:$0x4B00] =	vst v63  }
0x4f: {  	_ =	swait.ge [sflag:s12], $0xC40  }
0x50: {  	[sflag:s12] =	ssyncset.done $0x0  }
0x51: {  	[sflag:s12] =	ssyncadd.s32 $0xFFFFF3C0  }
0x52: {  	_ =	sfence.sel $0x180000  }
0x53: {  	[bflag:$0x0] =	sbarrier.arrive $0xFFFF  }
0x54: {  	p0 =	sne.s32 s0, $0x0;
	_ =	strace $0x90000053  }
0x55: {  	s0 =	sadd.s32 @!p0 $0x100000, s1;
	[bflag:$0x2] =	sbarrier.arrive $0xFFFF  }
0x56: {  	[sflag:s0] =	ssyncadd.tile.s32 @!p0 $0x1;
	_ =	shalt  }
.Lfunc_end2:
_tile_overlayer_lowered:
.L_overlay_start_2:
0x57: {  	(tag) =	ssettag $0x2  }
0x58: {  	s0 =	rddreg [dreg:$0x0];
	s2 =	stileid.u32  }
0x59: {  	s1 =	rddreg [dreg:$0x1];
	p0 =	sne.s32 s2, $0x0  }
0x5a: {  	s3 =	rddreg [dreg:$0x2];
	[bflag:$0x3] =	sbarrier.arrive $0xFFFF;
	s2 =	simm.s32 @!p0 $0x1C01  }
0x5b: {  	[timem:s3], [sflag:s2] =	dma.local @!p0 [hbm:s0], s1  }
0x5c: {  	s0 =	simm.s32 @!p0 $0x1  }
0x5d: {  	_ =	swait.ge @!p0 [sflag:s0], s1  }
0x5e: {  	s1 =	ssub.s32 @!p0 $0x0, s1;
	[sflag:s0] =	ssyncset.done @!p0 $0x0  }
0x5f: {  	[sflag:s0] =	ssyncadd.s32 @!p0 s1  }
0x60: {  	[bflag:$0x3] =	sbarrier.arrive $0xFFFF  }
0x61: {  	_ =	shalt  }

// kernel: kernel.7.cloned.1.call-start
scs
__scs_entry_jumppad:
0x0: {  	(pc) =	sbr.rel $0x88, $3  }
0x1: {  	(tag) =	ssettag $0x0;
	lr =	simm.s32 $0x1  }
0x2: {  	[smem:$0x3F9B] =	sst lr;
	_ =	strace $0xD0000000  }
0x3: {  	_ = 	snop  }
0x4: {  	_ = 	snop  }
0x5: {  	_ = 	snop  }
0x6: {  	_ = 	snop  }
0x7: {  	_ = 	snop  }
__scs_overlays_trampoline_lowered:
0x8: {  	[smem:$0x3FAA] =	sst s0  }
0x9: {  	[smem:$0x3FAB] =	sst s1  }
0xa: {  	[smem:$0x3FAC] =	sst s2  }
0xb: {  	[smem:$0x3FAD] =	sst s3  }
0xc: {  	[smem:$0x3FAE] =	sst s4  }
0xd: {  	[smem:$0x3FAF] =	sst s5  }
0xe: {  	[smem:$0x3FB0] =	sst s6  }
0xf: {  	[smem:$0x3FB1] =	sst s7  }
0x10: {  	[smem:$0x3FB2] =	sst s8  }
0x11: {  	[smem:$0x3FB3] =	sst s9;
	s0 =	simm.s32 @!p0 $0x0  }
0x12: {  	s1 =	sld [smem:$0x3F99];
	s0 =	simm.s32 @p0 $0x1  }
0x13: {  	[smem:$0x3FB4] =	sst s0;
	s0 =	simm.s32 @!p1 $0x0  }
0x14: {  	s2 =	sld [smem:$0x3F98];
	s0 =	simm.s32 @p1 $0x1  }
0x15: {  	[smem:$0x3FB5] =	sst s0;
	s0 =	simm.s32 @!p2 $0x0  }
0x16: {  	s3 =	sld [smem:$0x3FDB];
	s0 =	simm.s32 @p2 $0x1  }
0x17: {  	s4 =	simm.s32 $0x1BF5;
	[smem:$0x3FB7] =	sst s0  }
0x18: {  	s0 =	sld [smem:$0x3F9A];
	_ =	swait.ge [sflag:s4], $0x0  }
0x19: {  	s7 =	sld [smem:$0x3F9B]  }
0x1a: {  	s8 =	sadd.s32 $0xFFFFE003, lr  }
0x1b: {  	s9 =	sadd.s32 $0xFFFFFEF7, lr;
	s5 =	simm.s32 $0xFFFFFFFF;
	p2 =	slt.u32 s8, $0xFFFFF086  }
0x1c: {  	p1 =	slt.u32 s9, $0xF7A;
	s5 =	simm.s32 @!p2 $0x0  }
0x1d: {  	s5 =	simm.s32 @p1 $0x1;
	p0 =	seq.s32 s7, s2  }
0x1e: {  	s7 =	smul.u32 @!p0 $0xF7A, s2;
	p2 =	seq.s32 @!p0 s5, $0x0  }
0x1f: {  	s9 =	smul.u32 $0xF7A, s1;
	s8 =	simm.s32 @!p0 $0x1BF5;
	p2 =	por !p2, p0  }
0x20: {  	[sflag:s8] =	ssyncset.s32 @!p0 $0xFFFFF086;
	s6 =	sadd.s32 @!p0 s3, s7;
	s7 =	simm.s32 @!p0 $0x108  }
0x21: {  	s3 =	sadd.s32 s3, s9;
	s6 =	sadd.s32 @!p0 $0x88, s6;
	s7 =	simm.s32 @p2 $0x1082  }
0x22: {  	[simem:s7], [sflag:s8] =	dma.local @!p0 [hbm:s6], $0xF7A  }
0x23: {  	s9 =	sor.u32 $0xD0000000, s2;
	s6 =	simm.s32 $0x108;
	_ =	swait.ge @!p0 [sflag:s8], $0x0  }
0x24: {  	s3 =	sadd.s32 $0x88, s3;
	s6 =	simm.s32 @!p1 $0x1082;
	[sflag:s4] =	ssyncset.s32 $0xFFFFF086  }
0x25: {  	[simem:s6], [sflag:s4] =	dma.local [hbm:s3], $0xF7A  }
0x26: {  	[smem:$0x3F9B] =	sst s1;
	(tag) =	ssettag s2;
	_ =	strace s9  }
0x27: {  	s1 =	sld [smem:$0x3FAB]  }
0x28: {  	s2 =	sld [smem:$0x3FAC]  }
0x29: {  	s4 =	sld [smem:$0x3FAE]  }
0x2a: {  	p0 =	seq.s32 s5, $0x0;
	s5 =	sld [smem:$0x3FAF]  }
0x2b: {  	s6 =	sld [smem:$0x3FB0]  }
0x2c: {  	s7 =	sld [smem:$0x3FB1]  }
0x2d: {  	s3 =	simm.s32 $0x108;
	s8 =	sld [smem:$0x3FB2]  }
0x2e: {  	s3 =	simm.s32 @!p0 $0x1082;
	s9 =	sld [smem:$0x3FB3]  }
0x2f: {  	lr =	sadd.s32 s0, s3;
	s0 =	sld [smem:$0x3FAA]  }
0x30: {  	s3 =	sld [smem:$0x3FAD]  }
0x31: {  	[smem:$0x3FB6] =	sst s10  }
0x32: {  	s10 =	sld [smem:$0x3FB4];
	_ =	sdelay $0x3  }
0x33: {  	p0 =	seq.s32 s10, $0x1;
	s10 =	sld [smem:$0x3FB6];
	_ =	sdelay $0x3  }
0x34: {  	[smem:$0x3FB6] =	sst s10  }
0x35: {  	s10 =	sld [smem:$0x3FB5];
	_ =	sdelay $0x3  }
0x36: {  	p1 =	seq.s32 s10, $0x1;
	s10 =	sld [smem:$0x3FB6];
	_ =	sdelay $0x3  }
0x37: {  	[smem:$0x3FB6] =	sst s10  }
0x38: {  	s10 =	sld [smem:$0x3FB7]  }
0x39: {  	_ = 	snop;
	(pc) =	sbr.ind lr, $3  }
0x3a: {  	_ = 	snop  }
0x3b: {  	_ = 	snop  }
0x3c: {  	p2 =	seq.s32 s10, $0x1;
	s10 =	sld [smem:$0x3FB6]  }
0x3d: {  	_ =	shalt  }
0x3e: {  	_ =	shalt  }
0x3f: {  	_ =	shalt  }
0x40: {  	_ =	shalt  }
0x41: {  	_ =	shalt  }
0x42: {  	_ =	shalt  }
0x43: {  	_ =	shalt  }
0x44: {  	_ =	shalt  }
0x45: {  	_ =	shalt  }
0x46: {  	_ =	shalt  }
0x47: {  	_ =	shalt  }
0x48: {  	_ =	shalt  }
0x49: {  	_ =	shalt  }
0x4a: {  	_ =	shalt  }
0x4b: {  	_ =	shalt  }
0x4c: {  	_ =	shalt  }
0x4d: {  	_ =	shalt  }
0x4e: {  	_ =	shalt  }
0x4f: {  	_ =	shalt  }
0x50: {  	_ =	shalt  }
0x51: {  	_ =	shalt  }
0x52: {  	_ =	shalt  }
0x53: {  	_ =	shalt  }
0x54: {  	_ =	shalt  }
0x55: {  	_ =	shalt  }
0x56: {  	_ =	shalt  }
0x57: {  	_ =	shalt  }
0x58: {  	_ =	shalt  }
0x59: {  	_ =	shalt  }
0x5a: {  	_ =	shalt  }
0x5b: {  	_ =	shalt  }
0x5c: {  	_ =	shalt  }
0x5d: {  	_ =	shalt  }
0x5e: {  	_ =	shalt  }
0x5f: {  	_ =	shalt  }
0x60: {  	_ =	shalt  }
0x61: {  	_ =	shalt  }
0x62: {  	_ =	shalt  }
0x63: {  	_ =	shalt  }
0x64: {  	_ =	shalt  }
0x65: {  	_ =	shalt  }
0x66: {  	_ =	shalt  }
0x67: {  	_ =	shalt  }
0x68: {  	_ =	shalt  }
0x69: {  	_ =	shalt  }
0x6a: {  	_ =	shalt  }
0x6b: {  	_ =	shalt  }
0x6c: {  	_ =	shalt  }
0x6d: {  	_ =	shalt  }
0x6e: {  	_ =	shalt  }
0x6f: {  	_ =	shalt  }
0x70: {  	_ =	shalt  }
0x71: {  	_ =	shalt  }
0x72: {  	_ =	shalt  }
0x73: {  	_ =	shalt  }
0x74: {  	_ =	shalt  }
0x75: {  	_ =	shalt  }
0x76: {  	_ =	shalt  }
0x77: {  	_ =	shalt  }
0x78: {  	_ =	shalt  }
0x79: {  	_ =	shalt  }
0x7a: {  	_ =	shalt  }
0x7b: {  	_ =	shalt  }
0x7c: {  	_ =	shalt  }
0x7d: {  	_ =	shalt  }
0x7e: {  	_ =	shalt  }
0x7f: {  	_ =	shalt  }
0x80: {  	_ =	shalt  }
0x81: {  	_ =	shalt  }
0x82: {  	_ =	shalt  }
0x83: {  	_ =	shalt  }
0x84: {  	_ =	shalt  }
0x85: {  	_ =	shalt  }
0x86: {  	_ =	shalt  }
0x87: {  	_ =	shalt  }
.Lfunc_end0:
.L_simem_size_0:
called_computation.1_lowered:
.L_overlay_start_0:
0x88: {  	s2 =	sld [smem:$0x3FD9]  }
0x89: {  	s3 =	sld [smem:$0x3FFE];
	_ =	sdelay $0x1  }
0x8a: {  	s1 =	srdreg.scid  }
0x8b: {  	s0 =	sand.u32 $0x1, s1  }
0x8c: {  	s17 =	sshll.u32 s0, $0xA;
	s2 =	sadd.s32 s3, s2  }
0x8d: {  	s2 =	sadd.s32 s2, s17  }
0x8e: {  	[smem:$0x3FC2] =	sst s2  }
0x8f: {  	_ = 	snop  }
0x90: {  	s2 =	sld [smem:$0x3FD0];
	(tm) =	ssettm $0x1  }
0x91: {  	s18 =	sld [smem:$0x3FFB];
	_ =	sdelay $0x3  }
0x92: {  	_ =	strace s18  }
0x93: {  	s3 =	sld [smem:$0x3FFC];
	_ =	sdelay $0x3  }
0x94: {  	_ =	strace s3  }
0x95: {  	s3 =	sld [smem:$0x3FFD];
	_ =	sdelay $0x3  }
0x96: {  	_ =	strace s3  }
0x97: {  	_ =	strace $0x8FFFFFFF  }
0x98: {  	s19 =	sld [smem:$0x3FDB];
	_ =	sdelay $0x1  }
0x99: {  	s4 =	simm.s32 $_scs_section_size  }
0x9a: {  	s5 =	simm.s32 $_size__tile_overlayer_lowered;
	s6 =	simm.s32 $_tile_overlayer_lowered  }
0x9b: {  	s22 =	simm.s32 $0x1BFF;
	s21 =	sshll.u32 s6, $0x1;
	s3 =	sadd.s32 s4, s19  }
0x9c: {  	s7 =	simm.s32 $0x0;
	s20 =	sshll.u32 s5, $0x1;
	s5 =	sadd.s32 s21, s3  }
0x9d: {  	[timem:s7], [sflag:s22] =	dma.local [hbm:s5], s20  }
0x9e: {  	_ =	swait.ge [sflag:s22], s20  }
0x9f: {  	s4 =	ssub.s32 $0x0, s20;
	[sflag:s22] =	ssyncset.done $0x0  }
0xa0: {  	[sflag:s22] =	ssyncadd.s32 s4;
	_ =	sdelay $0x1  }
0xa1: {  	s23 =	simm.s32 $0x1B8B  }
0xa2: {  	_ =	swait.ge [sflag:s23], $0x1  }
0xa3: {  	[sflag:s23] =	ssyncset.done $0x0  }
0xa4: {  	s25 =	simm.s32 $0x1B8E;
	s24 =	sld [smem:$0x3FFE];
	[sflag:s23] =	ssyncadd.s32 $0xFFFFFFFF  }
0xa5: {  	s26 =	simm.s32 $execute0_lowered;
	[smem:$0x3FD2] =	sst s25  }
0xa6: {  	s5 =	sshll.u32 s26, $0x1;
	_ =	strace $0x80000049;
	[dreg:$0x1] =	wrdreg $0xFFFFFFFF  }
0xa7: {  	s28 =	simm.s32 $_size_execute0_lowered;
	s3 =	sadd.s32 s3, s5;
	[dreg:$0x0] =	wrdreg $0x0  }
0xa8: {  	s5 =	sshll.u32 s28, $0x1;
	[dreg:$0x2] =	wrdreg s3  }
0xa9: {  	[dreg:$0x3] =	wrdreg s5  }
0xaa: {  	[dreg:$0x4] =	wrdreg $0xC0  }
0xab: {  	_ =	task [dreg:s7], $0x5FFFF  }
0xac: {  	[dreg:$0x1] =	wrdreg $0xFFFFFFFF  }
0xad: {  	[dreg:$0x0] =	wrdreg $0x60  }
0xae: {  	[dreg:$0x2] =	wrdreg s2  }
0xaf: {  	[dreg:$0x3] =	wrdreg s24  }
0xb0: {  	[dreg:$0x4] =	wrdreg $0x18800  }
0xb1: {  	[dreg:$0x5] =	wrdreg $0x0  }
0xb2: {  	[dreg:$0x6] =	wrdreg $0x9  }
0xb3: {  	_ =	task.clear_ibuf [dreg:s7], $0x7FFFF;
	_ =	strace $0x90000049  }
0xb4: {  	s29 =	simm.s32 $0x9;
	_ =	strace $0x8000004B  }
0xb5: {  	_ =	swait.ge [sflag:s29], $0x1  }
0xb6: {  	[sflag:s29] =	ssyncadd.s32 $0xFFFFFFFF  }
0xb7: {  	_ =	strace $0x9000004B  }
0xb8: {  	_ =	sfence  }
0xb9: {  	s30 =	sld [smem:$0x0];
	_ =	sdelay $0x2  }
0xba: {  	s31 =	sshll.u32 s1, $0xD;
	s1 =	sshrl.u32 s1, $0x2  }
0xbb: {  	s3 =	sand.u32 $0x4000, s31;
	s1 =	sadd.s32 s1, s30  }
0xbc: {  	s0 =	sor.u32 s3, s0;
	s1 =	sshll.u32 s1, $0x11  }
0xbd: {  	s0 =	sor.u32 s1, s0  }
0xbe: {  	s0 =	sadd.s32 $0x8F2B, s0  }
0xbf: {  	[sflag:s0] =	ssyncadd.remote.s32 $0x1  }
0xc0: {  	_ =	sfence.sel $0xFFFF  }
0xc1: {  	[dreg:$0x0] =	wrdreg $0xFFFFFFFF;
	(pc) =	sbr.abs _section_cstart, $3  }
0xc2: {  	[dreg:$0x1] =	wrdreg $0xFFFFFFFF  }
0xc3: {  	_ =	task.clear_ibuf [dreg:s7], $0x2FFFF;
	_ =	strace $0x9FFFFFFF  }
0xc4: {  	(tm) =	ssettm $0x7FFFFFFF  }
0xc5: {  	_ =	shalt  }
tec
execute0_lowered:
.L_overlay_start_1:
0x0: {  	(tag) =	ssettag $0x1  }
0x1: {  	s0 =	rddreg [dreg:$0x1]  }
0x2: {  	s1 =	rddreg [dreg:$0x2]  }
0x3: {  	s2 =	srdreg.scid;
	s4 =	stileid.u32  }
0x4: {  	s3 =	rddreg [dreg:$0x3];
	s5 =	simm.s32 $0x0;
	s28 =	simm.s32 $0x1C800  }
0x5: {  	s29 =	simm.s32 $0x1;
	s30 =	simm.s32 $0x3100;
	s31 =	simm.s32 $0x80  }
0x6: {  	s2 =	sand.u32 $0x1, s2;
	s7 =	smul.u32 $0x1880, s4;
	[smem:$0x7FF] =	sst s5  }
0x7: {  	s5 =	sadd.s32 $0x1600, s0;
	p0 =	sne.s32 s4, $0x0;
	s6 =	smul.u32 $0x18800, s2  }
0x8: {  	_ =	strace $0x8000004A;
	s9 =	ssub.s32 $0x2, s2;
	s2 =	sshll.u32 s2, $0x4  }
0x9: {  	s10 =	sshrl.u32 s9, $0x1;
	s2 =	sor.u32 s4, s2;
	s19 =	sadd.s32 s7, s3  }
0xa: {  	s24 =	sadd.s32 $0x800, s7;
	s11 =	sadd.s32 $0x1000, s7;
	s12 =	sadd.s32 $0x1800, s7  }
0xb: {  	s23 =	sadd.s32 s7, s1;
	s4 =	simm.s32 $0x1CB80;
	s8 =	sadd.s32 s7, s6  }
0xc: {  	s6 =	sadd.s32 $0x24B600, s0;
	s9 =	ssub.s32 s9, s10;
	[dreg:$0x5] =	wrdreg s19  }
0xd: {  	s13 =	sadd.s32 s24, s3;
	s25 =	sadd.s32 s11, s3;
	[dreg:$0x9] =	wrdreg s23  }
0xe: {  	s26 =	sadd.s32 s12, s3;
	s14 =	sadd.s32 s11, s1;
	[dreg:$0x6] =	wrdreg s13  }
0xf: {  	s15 =	sadd.s32 s12, s1;
	s16 =	sshll.u32 s2, $0x8;
	[dreg:$0x7] =	wrdreg s25  }
0x10: {  	s21 =	sor.u32 $0x40, s2;
	p1 =	sgt.u32 s2, $0x14;
	[dreg:$0x8] =	wrdreg s26  }
0x11: {  	s11 =	simm.s32 $0x1CB00;
	s10 =	simm.s32 $0x1CC80;
	[dreg:$0xb] =	wrdreg s14  }
0x12: {  	s7 =	simm.s32 $0x1CE80;
	s12 =	simm.s32 $0x2;
	[dreg:$0xc] =	wrdreg s15  }
0x13: {  	s8 =	sshrl.u32 s8, $0x3;
	s13 =	sadd.s32 s24, s1;
	[dreg:$0x10] =	wrdreg s21  }
0x14: {  	s15 =	sadd.s32 $0xC4B00, s0;
	s17 =	sadd.s32 s5, s16;
	[dreg:$0xa] =	wrdreg s13  }
0x15: {  	s20 =	sadd.s32 s6, s16;
	s25 =	smax.u32 s9, $0x1;
	[dreg:$0xd] =	wrdreg s17  }
0x16: {  	s26 =	sor.u32 $0x20, s2;
	s14 =	simm.s32 $0x1CF00;
	[dreg:$0xf] =	wrdreg s20  }
0x17: {  	s2 =	simm.s32 $0x5;
	s21 =	simm.s32 $0x0;
	[dreg:$0x13] =	wrdreg s25  }
0x18: {  	s8 =	sadd.s32 s8, s0;
	s18 =	sadd.s32 s16, s15;
	[dreg:$0x14] =	wrdreg s26  }
.Ltmp0:
0x19: {  	s26 =	simm.s32 $0x1D800;
	s25 =	simm.s32 $0x1CD00;
	(pc) =	sbr.rel .LBB2_1-.Ltmp0, $4  }
0x1a: {  	s16 =	simm.s32 $0x1CE00;
	s20 =	simm.s32 $0x3;
	s0 =	simm.s32 $0x6  }
0x1b: {  	[dreg:$0xe] =	wrdreg s18;
	s22 =	sadd.s32 $0x30EC00, s8;
	s24 =	sadd.s32 $0x314E00, s8  }
0x1c: {  	s18 =	simm.s32 $0x1CC00;
	s8 =	simm.s32 $0x1CD80;
	[dreg:$0x11] =	wrdreg s22  }
0x1d: {  	v0 =	vimm.f32 $0.0e+00;
	v1 =	vimm.f32 $1.000000000e+00;
	[dreg:$0x12] =	wrdreg s24;
	s22 =	simm.s32 $0x1CF80;
	s24 =	simm.s32 $0x4  }
.LBB2_19:
0x1e: {  	[bflag:$0x0] =	sbarrier.arrive $0xFFFF  }
0x1f: {  	s17 =	simm.s32 $0x7;
	s19 =	rddreg [dreg:$0x5]  }
0x20: {  	[tilespmem:s30], [sflag:$0x7] =	stream.linear.gather [spmem:s19], $0x1880, $0x38;
	v63 =	vld [tilespmem:$0x0]  }
0x21: {  	_ =	swait.ge [sflag:s17], $0x1880  }
0x22: {  	[sflag:s17] =	ssyncset.done $0x0  }
0x23: {  	s9 =	simm.s32 $0x0;
	s13 =	rddreg [dreg:$0x11];
	[sflag:s17] =	ssyncadd.s32 $0xFFFFE780  }
0x24: {  	[hbm4b:s13+s9] =	stream.linear.scatter [tilespmem:s30], [sflag:$0x7], $0x1880, $0x38;
	v63 =	vld [tilespmem:$0x0]  }
0x25: {  	_ =	swait.ge [sflag:s17], $0x1880  }
0x26: {  	[sflag:s17] =	ssyncset.done $0x0  }
0x27: {  	s23 =	rddreg [dreg:$0x9];
	[sflag:s17] =	ssyncadd.s32 $0xFFFFE780  }
0x28: {  	[tilespmem:s30], [sflag:$0x7] =	stream.linear.gather [spmem:s23], $0x1880, $0x38;
	v63 =	vld [tilespmem:$0x0]  }
0x29: {  	_ =	swait.ge [sflag:s17], $0x1880  }
0x2a: {  	[sflag:s17] =	ssyncset.done $0x0  }
0x2b: {  	s26 =	rddreg [dreg:$0x12];
	[sflag:s17] =	ssyncadd.s32 $0xFFFFE780  }
0x2c: {  	[hbm4b:s26+s9] =	stream.linear.scatter [tilespmem:s30], [sflag:$0x7], $0x1880, $0x38;
	v63 =	vld [tilespmem:$0x0]  }
0x2d: {  	_ =	swait.ge [sflag:s17], $0x1880  }
0x2e: {  	s21 =	sadd.s32 $0x1, s21;
	s26 =	rddreg [dreg:$0x13]  }
0x2f: {  	p2 =	sne.s32 s21, s26  }
.Ltmp1:
0x30: {  	_ = 	snop;
	(pc) =	sbr.rel @!p2 .LBB2_20-.Ltmp1, $3  }
0x31: {  	_ =	sdelay $0x1  }
0x32: {  	[sflag:s17] =	ssyncset.done $0x0  }
0x33: {  	[sflag:s17] =	ssyncadd.s32 $0xFFFFE780;
	s26 =	simm.s32 $0x1D800  }
.LBB2_1:
0x34: {  	[dreg:$0x15] =	wrdreg s21  }
0x35: {  	s9 =	simm.s32 @p0 $0x3100;
	[bflag:$0x0] =	sbarrier.arrive @p0 $0xFFFF  }
0x36: {  	[tilespmem:s9], [sflag:$0x7] =	stream.linear.gather @p0 [spmem:s1], $0x186A0, $0x38;
	v63 =	vld [tilespmem:$0x0]  }
0x37: {  	s9 =	simm.s32 @p0 $0x7  }
0x38: {  	_ =	swait.ge @p0 [sflag:s9], $0x186A0  }
0x39: {  	[sflag:s9] =	ssyncset.done @p0 $0x0  }
0x3a: {  	[sflag:s9] =	ssyncadd.s32 @p0 $0xFFFE7960  }
0x3b: {  	s13 =	simm.s32 @!p0 $0x3100;
	s9 =	simm.s32 @!p0 $0x0;
	s17 =	rddreg [dreg:$0x0]  }
0x3c: {  	[tilespmem:s13], [sflag:$0x7] =	stream.linear.gather @!p0 [hbm4b:s17+s9], $0x18700, $0x38;
	v63 =	vld [tilespmem:$0x0]  }
0x3d: {  	s9 =	simm.s32 @!p0 $0x7  }
0x3e: {  	_ =	swait.ge @!p0 [sflag:s9], $0x18700  }
0x3f: {  	[sflag:s9] =	ssyncset.done @!p0 $0x0  }
0x40: {  	[sflag:s9] =	ssyncadd.s32 @!p0 $0xFFFE7900  }
0x41: {  	[spmem:s1] =	stream.linear.scatter @!p0 [tilespmem:s13], [sflag:$0x7], $0x186A0, $0x38;
	v63 =	vld [tilespmem:$0x0]  }
0x42: {  	_ =	swait.ge @!p0 [sflag:s9], $0x186A0  }
0x43: {  	[sflag:s9] =	ssyncset.done @!p0 $0x0  }
0x44: {  	[sflag:s9] =	ssyncadd.s32 @!p0 $0xFFFE7960  }
0x45: {  	[bflag:$0x0] =	sbarrier.arrive @!p0 $0xFFFF  }
0x46: {  	s13 =	simm.s32 $0x0;
	s9 =	simm.s32 $0x40;
	[bflag:$0x0] =	sbarrier.arrive $0xFFFF  }
.LBB2_2:
0x47: {  	p2 =	sne.s32 s9, $0x1FC0;
	[tilespmem:s13+$0x1D800] =	vst v0;
	s13 =	smov.u32 s9;
	s9 =	sadd.s32 $0x40, s9  }
.Ltmp2:
0x48: {  	(pc) =	sbr.rel @p2 .LBB2_2-.Ltmp2, $2  }
0x49: {  	_ =	sdelay $0x2  }
0x4a: {  	s13 =	sshra.s32 s13, $0x2  }
0x4b: {  	[tilespmem:s13+$0x1D800] =	vst v0;
	s17 =	simm.s32 $0x7  }
0x4c: {  	[spmem:s19] =	stream.linear.scatter [tilespmem:s26], [sflag:$0x7], $0x800, $0x38;
	v63 =	vld [tilespmem:$0x0]  }
0x4d: {  	_ =	swait.ge [sflag:s17], $0x800  }
0x4e: {  	[sflag:s17] =	ssyncset.done $0x0  }
0x4f: {  	s9 =	rddreg [dreg:$0x6];
	[sflag:s17] =	ssyncadd.s32 $0xFFFFF800  }
0x50: {  	[spmem:s9] =	stream.linear.scatter [tilespmem:s26], [sflag:$0x7], $0x800, $0x38;
	v63 =	vld [tilespmem:$0x0]  }
0x51: {  	_ =	swait.ge [sflag:s17], $0x800  }
0x52: {  	[sflag:s17] =	ssyncset.done $0x0  }
0x53: {  	s19 =	rddreg [dreg:$0x7];
	[sflag:s17] =	ssyncadd.s32 $0xFFFFF800  }
0x54: {  	[spmem:s19] =	stream.linear.scatter [tilespmem:s26], [sflag:$0x7], $0x800, $0x38;
	v63 =	vld [tilespmem:$0x0]  }
0x55: {  	_ =	swait.ge [sflag:s17], $0x800  }
0x56: {  	[sflag:s17] =	ssyncset.done $0x0  }
0x57: {  	s21 =	rddreg [dreg:$0x8];
	[sflag:s17] =	ssyncadd.s32 $0xFFFFF800  }
0x58: {  	[spmem:s21] =	stream.linear.scatter [tilespmem:s26], [sflag:$0x7], $0x80, $0x38;
	v63 =	vld [tilespmem:$0x0]  }
0x59: {  	_ =	swait.ge [sflag:s17], $0x80  }
0x5a: {  	[sflag:s17] =	ssyncset.done $0x0  }
0x5b: {  	[sflag:s17] =	ssyncadd.s32 $0xFFFFFF80  }
0x5c: {  	[spmem:s23] =	stream.linear.scatter [tilespmem:s26], [sflag:$0x7], $0x800, $0x38;
	v63 =	vld [tilespmem:$0x0]  }
0x5d: {  	_ =	swait.ge [sflag:s17], $0x800  }
0x5e: {  	[sflag:s17] =	ssyncset.done $0x0  }
0x5f: {  	s23 =	rddreg [dreg:$0xa];
	[sflag:s17] =	ssyncadd.s32 $0xFFFFF800  }
0x60: {  	[spmem:s23] =	stream.linear.scatter [tilespmem:s26], [sflag:$0x7], $0x800, $0x38;
	v63 =	vld [tilespmem:$0x0]  }
0x61: {  	_ =	swait.ge [sflag:s17], $0x800  }
0x62: {  	[sflag:s17] =	ssyncset.done $0x0  }
0x63: {  	s13 =	rddreg [dreg:$0xb];
	[sflag:s17] =	ssyncadd.s32 $0xFFFFF800  }
0x64: {  	[spmem:s13] =	stream.linear.scatter [tilespmem:s26], [sflag:$0x7], $0x800, $0x38;
	v63 =	vld [tilespmem:$0x0]  }
0x65: {  	_ =	swait.ge [sflag:s17], $0x800  }
0x66: {  	s9 =	simm.s32 $0x0;
	[sflag:s17] =	ssyncset.done $0x0  }
0x67: {  	s21 =	sand.u32 $0x1E00, s9;
	s19 =	rddreg [dreg:$0xc];
	[sflag:s17] =	ssyncadd.s32 $0xFFFFF800  }
0x68: {  	[spmem:s19] =	stream.linear.scatter [tilespmem:s26], [sflag:$0x7], $0x80, $0x38;
	v63 =	vld [tilespmem:$0x0]  }
0x69: {  	s21 =	sshrl.u32 s21, $0x2;
	_ =	swait.ge [sflag:s17], $0x80  }
0x6a: {  	s23 =	sand.u32 $0x70, s9;
	s13 =	simm.s32 $0x40;
	[sflag:s17] =	ssyncset.done $0x0  }
0x6b: {  	s19 =	sor.u32 s23, s21;
	s21 =	simm.s32 $0x1CA80;
	[sflag:s17] =	ssyncadd.s32 $0xFFFFFF80  }
.LBB2_4:
0x6c: {  	p2 =	sne.s32 s13, $0x1FC0  }
0x6d: {  	[tilespmem:s19+$0x1F800] =	vst v1;
	s9 =	sadd.s32 $0x10, s9;
	s19 =	smov.u32 s13;
	s13 =	sadd.s32 $0x40, s13  }
.Ltmp3:
0x6e: {  	(pc) =	sbr.rel @p2 .LBB2_4-.Ltmp3, $4  }
0x6f: {  	_ = 	snop  }
0x70: {  	s19 =	sand.u32 $0x1E00, s19  }
0x71: {  	s23 =	sand.u32 $0x70, s9;
	s19 =	sshrl.u32 s19, $0x2  }
0x72: {  	s19 =	sor.u32 s23, s19  }
0x73: {  	[tilespmem:s19+$0x1F800] =	vst v1;
	s19 =	simm.s32 $0x0;
	s9 =	rddreg [dreg:$0xd];
	s13 =	simm.s32 $0x1B800  }
0x74: {  	[tilespmem:s13], [sflag:$0x1] =	stream.linear.gather [hbm4b:s9+s19], $0x800, $0x38;
	v63 =	vld [tilespmem:$0x0]  }
0x75: {  	s17 =	rddreg [dreg:$0xe]  }
0x76: {  	[tilespmem:s28], [sflag:$0x1] =	stream.linear.gather [hbm4b:s17+s19], $0x800, $0x38;
	v63 =	vld [tilespmem:$0x0]  }
.Ltmp4:
0x77: {  	_ = 	snop;
	(pc) =	sbr.rel .LBB2_6-.Ltmp4, $3  }
0x78: {  	s23 =	rddreg [dreg:$0xf]  }
0x79: {  	[tilespmem:s26], [sflag:$0x1] =	stream.linear.gather [hbm4b:s23+s19], $0x800, $0x38;
	v63 =	vld [tilespmem:$0x0]  }
0x7a: {  	[bflag:$0x0] =	sbarrier.arrive $0xFFFF;
	_ =	sdelay $0x1  }
.LBB2_16:
0x7b: {  	s19 =	sadd.s32 $0x1, s19  }
0x7c: {  	p2 =	sne.s32 s19, $0x31  }
.Ltmp5:
0x7d: {  	_ = 	snop;
	(pc) =	sbr.rel @!p2 .LBB2_17-.Ltmp5, $1  }
0x7e: {  	_ =	sdelay $0x3  }
.LBB2_6:
0x7f: {  	_ =	swait.ge [sflag:s29], $0x800  }
0x80: {  	[sflag:s29] =	ssyncset.done $0x0  }
0x81: {  	[sflag:s29] =	ssyncadd.s32 $0xFFFFF800  }
0x82: {  	_ =	swait.ge [sflag:s29], $0x800  }
0x83: {  	[sflag:s29] =	ssyncset.done $0x0  }
0x84: {  	[sflag:s29] =	ssyncadd.s32 $0xFFFFF800  }
0x85: {  	_ =	swait.ge [sflag:s29], $0x800  }
0x86: {  	[sflag:s29] =	ssyncset.done $0x0  }
0x87: {  	s26 =	simm.s32 $0x0;
	[sflag:s29] =	ssyncadd.s32 $0xFFFFF800  }
0x88: {  	v2 =	vld [tilespmem:s26+$0x1D800]  }
0x89: {  	v3 =	vld [tilespmem:s26+$0x1B800]  }
0x8a: {  	v4 =	vld [tilespmem:s26+$0x1C800];
	_ =	sdelay $0x4  }
0x8b: {  	(erf) = vrcp.f32 v2;
	_ =	sdelay $0x1  }
0x8c: {  	v3 =	vld.idx.msk [tilespmem:v3+s30+$0x0], $0xffff  }
0x8d: {  	v4 =	vld.idx.msk [tilespmem:v4+s30+$0x0], $0xffff  }
0x8e: {  	v6 =	vld [tilespmem:s26+$0x1B810]  }
0x8f: {  	v7 =	vld [tilespmem:s26+$0x1C810]  }
0x90: {  	v2 =	vld [tilespmem:s26+$0x1D810];
	_ =	sdelay $0x1  }
0x91: {  	v3 =	vsub.f32 v4, v3  }
0x92: {  	v10 =	vpop (erf)  }
0x93: {  	v3 =	vmul.f32 v10, v3  }
0x94: {  	(erf) = vrcp.f32 v2  }
0x95: {  	[tilespmem:s26+$0x1E800] =	vst v3  }
0x96: {  	v2 =	vld.idx.msk [tilespmem:v6+s30+$0x0], $0xffff  }
0x97: {  	v3 =	vld.idx.msk [tilespmem:v7+s30+$0x0], $0xffff  }
0x98: {  	v5 =	vld [tilespmem:s26+$0x1D820]  }
0x99: {  	v58 =	vld [tilespmem:s26+$0x1B820]  }
0x9a: {  	v59 =	vld [tilespmem:s26+$0x1C820];
	_ =	sdelay $0x1  }
0x9b: {  	v2 =	vsub.f32 v3, v2  }
0x9c: {  	v3 =	vpop (erf)  }
0x9d: {  	v2 =	vmul.f32 v3, v2  }
0x9e: {  	(erf) = vrcp.f32 v5  }
0x9f: {  	[tilespmem:s26+$0x1E810] =	vst v2  }
0xa0: {  	v2 =	vld.idx.msk [tilespmem:v58+s30+$0x0], $0xffff  }
0xa1: {  	v3 =	vld.idx.msk [tilespmem:v59+s30+$0x0], $0xffff  }
0xa2: {  	v8 =	vld [tilespmem:s26+$0x1D830]  }
0xa3: {  	v5 =	vld [tilespmem:s26+$0x1B830]  }
0xa4: {  	v60 =	vld [tilespmem:s26+$0x1C830];
	_ =	sdelay $0x1  }
0xa5: {  	v2 =	vsub.f32 v3, v2  }
0xa6: {  	v3 =	vpop (erf)  }
0xa7: {  	v2 =	vmul.f32 v3, v2  }
0xa8: {  	(erf) = vrcp.f32 v8  }
0xa9: {  	[tilespmem:s26+$0x1E820] =	vst v2  }
0xaa: {  	v2 =	vld.idx.msk [tilespmem:v5+s30+$0x0], $0xffff  }
0xab: {  	v3 =	vld.idx.msk [tilespmem:v60+s30+$0x0], $0xffff  }
0xac: {  	v9 =	vld [tilespmem:s26+$0x1D840]  }
0xad: {  	v5 =	vld [tilespmem:s26+$0x1B840]  }
0xae: {  	v61 =	vld [tilespmem:s26+$0x1C840];
	_ =	sdelay $0x1  }
0xaf: {  	v2 =	vsub.f32 v3, v2  }
0xb0: {  	v3 =	vpop (erf)  }
0xb1: {  	v2 =	vmul.f32 v3, v2  }
0xb2: {  	(erf) = vrcp.f32 v9  }
0xb3: {  	[tilespmem:s26+$0x1E830] =	vst v2  }
0xb4: {  	v2 =	vld.idx.msk [tilespmem:v5+s30+$0x0], $0xffff  }
0xb5: {  	v3 =	vld.idx.msk [tilespmem:v61+s30+$0x0], $0xffff  }
0xb6: {  	v62 =	vld [tilespmem:s26+$0x1C850]  }
0xb7: {  	v5 =	vld [tilespmem:s26+$0x1B850]  }
0xb8: {  	v4 =	vld [tilespmem:s26+$0x1D850];
	_ =	sdelay $0x1  }
0xb9: {  	v2 =	vsub.f32 v3, v2  }
0xba: {  	v3 =	vpop (erf)  }
0xbb: {  	v2 =	vmul.f32 v3, v2  }
0xbc: {  	(erf) = vrcp.f32 v4  }
0xbd: {  	[tilespmem:s26+$0x1E840] =	vst v2  }
0xbe: {  	v2 =	vld.idx.msk [tilespmem:v5+s30+$0x0], $0xffff  }
0xbf: {  	v3 =	vld.idx.msk [tilespmem:v62+s30+$0x0], $0xffff  }
0xc0: {  	v11 =	vld [tilespmem:s26+$0x1D860]  }
0xc1: {  	v4 =	vld [tilespmem:s26+$0x1B860]  }
0xc2: {  	v5 =	vld [tilespmem:s26+$0x1C860];
	_ =	sdelay $0x1  }
0xc3: {  	v2 =	vsub.f32 v3, v2  }
0xc4: {  	v3 =	vpop (erf)  }
0xc5: {  	v2 =	vmul.f32 v3, v2  }
0xc6: {  	(erf) = vrcp.f32 v11  }
0xc7: {  	[tilespmem:s26+$0x1E850] =	vst v2  }
0xc8: {  	v2 =	vld.idx.msk [tilespmem:v4+s30+$0x0], $0xffff  }
0xc9: {  	v3 =	vld.idx.msk [tilespmem:v5+s30+$0x0], $0xffff;
	_ =	sdelay $0x1  }
0xca: {  	v4 =	vld [tilespmem:s26+$0x1B870]  }
0xcb: {  	v5 =	vld [tilespmem:s26+$0x1C870]  }
0xcc: {  	v57 =	vld [tilespmem:s26+$0x1D870]  }
0xcd: {  	v2 =	vsub.f32 v3, v2  }
0xce: {  	v3 =	vpop (erf)  }
0xcf: {  	v2 =	vmul.f32 v3, v2;
	_ =	sdelay $0x1  }
0xd0: {  	(erf) = vrcp.f32 v57;
	[tilespmem:s26+$0x1E860] =	vst v2  }
0xd1: {  	v2 =	vld.idx.msk [tilespmem:v4+s30+$0x0], $0xffff  }
0xd2: {  	s23 =	sshll.u32 s19, $0x6;
	s9 =	simm.s32 $0x200;
	s13 =	simm.s32 $0x400;
	v3 =	vld.idx.msk [tilespmem:v5+s30+$0x0], $0xffff  }
.LBB2_7:
0xd3: {  	p2 =	sne.s32 s13, $0x1E00  }
0xd4: {  	s17 =	sshra.s32 s9, $0x2;
	s9 =	smov.u32 s13;
	s13 =	sadd.s32 $0x200, s13  }
0xd5: {  	v4 =	vld [tilespmem:s17+$0x1D800]  }
0xd6: {  	v5 =	vld [tilespmem:s17+$0x1B800]  }
0xd7: {  	v6 =	vld [tilespmem:s17+$0x1C800]  }
0xd8: {  	v7 =	vld [tilespmem:s17+$0x1D810]  }
0xd9: {  	v2 =	vsub.f32 v3, v2;
	v8 =	vld [tilespmem:s17+$0x1D820];
	v3 =	vpop (erf)  }
0xda: {  	v9 =	vld [tilespmem:s17+$0x1D830]  }
0xdb: {  	v2 =	vmul.f32 v3, v2;
	v10 =	vld [tilespmem:s17+$0x1D840]  }
0xdc: {  	v11 =	vld [tilespmem:s17+$0x1D850];
	(erf) = vrcp.f32 v4  }
0xdd: {  	v3 =	vld [tilespmem:s17+$0x1D860];
	[tilespmem:s26+$0x1E870] =	vst v2;
	s26 =	smov.u32 s17  }
0xde: {  	v4 =	vld.idx.msk [tilespmem:v5+s30+$0x0], $0xffff  }
0xdf: {  	v5 =	vld.idx.msk [tilespmem:v6+s30+$0x0], $0xffff  }
0xe0: {  	v2 =	vld [tilespmem:s26+$0x1D870];
	_ =	sdelay $0x1  }
0xe1: {  	v6 =	vld [tilespmem:s26+$0x1B810]  }
0xe2: {  	v12 =	vld [tilespmem:s26+$0x1C810];
	_ =	sdelay $0x1  }
0xe3: {  	v4 =	vsub.f32 v5, v4;
	v5 =	vpop (erf);
	_ =	sdelay $0x1  }
0xe4: {  	v4 =	vmul.f32 v5, v4;
	_ =	sdelay $0x1  }
0xe5: {  	[tilespmem:s26+$0x1E800] =	vst v4;
	(erf) = vrcp.f32 v7  }
0xe6: {  	v4 =	vld.idx.msk [tilespmem:v6+s30+$0x0], $0xffff  }
0xe7: {  	v5 =	vld.idx.msk [tilespmem:v12+s30+$0x0], $0xffff;
	_ =	sdelay $0x2  }
0xe8: {  	v6 =	vld [tilespmem:s26+$0x1B820]  }
0xe9: {  	v7 =	vld [tilespmem:s26+$0x1C820];
	_ =	sdelay $0x1  }
0xea: {  	v4 =	vsub.f32 v5, v4  }
0xeb: {  	v5 =	vpop (erf)  }
0xec: {  	v4 =	vmul.f32 v5, v4;
	_ =	sdelay $0x1  }
0xed: {  	[tilespmem:s26+$0x1E810] =	vst v4;
	(erf) = vrcp.f32 v8  }
0xee: {  	v4 =	vld.idx.msk [tilespmem:v6+s30+$0x0], $0xffff  }
0xef: {  	v5 =	vld.idx.msk [tilespmem:v7+s30+$0x0], $0xffff;
	_ =	sdelay $0x2  }
0xf0: {  	v6 =	vld [tilespmem:s26+$0x1B830]  }
0xf1: {  	v7 =	vld [tilespmem:s26+$0x1C830];
	_ =	sdelay $0x1  }
0xf2: {  	v4 =	vsub.f32 v5, v4  }
0xf3: {  	v5 =	vpop (erf)  }
0xf4: {  	v4 =	vmul.f32 v5, v4;
	_ =	sdelay $0x1  }
0xf5: {  	[tilespmem:s26+$0x1E820] =	vst v4;
	(erf) = vrcp.f32 v9  }
0xf6: {  	v4 =	vld.idx.msk [tilespmem:v6+s30+$0x0], $0xffff  }
0xf7: {  	v5 =	vld.idx.msk [tilespmem:v7+s30+$0x0], $0xffff;
	_ =	sdelay $0x2  }
0xf8: {  	v6 =	vld [tilespmem:s26+$0x1B840]  }
0xf9: {  	v7 =	vld [tilespmem:s26+$0x1C840];
	_ =	sdelay $0x1  }
0xfa: {  	v4 =	vsub.f32 v5, v4  }
0xfb: {  	v5 =	vpop (erf)  }
0xfc: {  	v4 =	vmul.f32 v5, v4;
	_ =	sdelay $0x1  }
0xfd: {  	[tilespmem:s26+$0x1E830] =	vst v4;
	(erf) = vrcp.f32 v10  }
0xfe: {  	v4 =	vld.idx.msk [tilespmem:v6+s30+$0x0], $0xffff  }
0xff: {  	v5 =	vld.idx.msk [tilespmem:v7+s30+$0x0], $0xffff;
	_ =	sdelay $0x2  }
0x100: {  	v6 =	vld [tilespmem:s26+$0x1B850]  }
0x101: {  	v7 =	vld [tilespmem:s26+$0x1C850];
	_ =	sdelay $0x1  }
0x102: {  	v4 =	vsub.f32 v5, v4  }
0x103: {  	v5 =	vpop (erf)  }
0x104: {  	v4 =	vmul.f32 v5, v4;
	_ =	sdelay $0x1  }
0x105: {  	[tilespmem:s26+$0x1E840] =	vst v4;
	(erf) = vrcp.f32 v11  }
0x106: {  	v4 =	vld.idx.msk [tilespmem:v6+s30+$0x0], $0xffff  }
0x107: {  	v5 =	vld.idx.msk [tilespmem:v7+s30+$0x0], $0xffff;
	_ =	sdelay $0x2  }
0x108: {  	v6 =	vld [tilespmem:s26+$0x1B860]  }
0x109: {  	v7 =	vld [tilespmem:s26+$0x1C860];
	_ =	sdelay $0x1  }
0x10a: {  	v4 =	vsub.f32 v5, v4  }
0x10b: {  	v5 =	vpop (erf)  }
0x10c: {  	v4 =	vmul.f32 v5, v4;
	_ =	sdelay $0x1  }
0x10d: {  	[tilespmem:s26+$0x1E850] =	vst v4;
	(erf) = vrcp.f32 v3  }
0x10e: {  	v3 =	vld.idx.msk [tilespmem:v6+s30+$0x0], $0xffff  }
0x10f: {  	v4 =	vld.idx.msk [tilespmem:v7+s30+$0x0], $0xffff;
	_ =	sdelay $0x1  }
0x110: {  	v5 =	vld [tilespmem:s26+$0x1C870]  }
0x111: {  	v6 =	vld [tilespmem:s26+$0x1B870];
	_ =	sdelay $0x2  }
0x112: {  	v3 =	vsub.f32 v4, v3  }
0x113: {  	v4 =	vpop (erf)  }
.Ltmp6:
0x114: {  	v3 =	vmul.f32 v4, v3;
	(pc) =	sbr.rel @p2 .LBB2_7-.Ltmp6, $4  }
0x115: {  	(erf) = vrcp.f32 v2  }
0x116: {  	[tilespmem:s26+$0x1E860] =	vst v3  }
0x117: {  	v2 =	vld.idx.msk [tilespmem:v6+s30+$0x0], $0xffff  }
0x118: {  	v3 =	vld.idx.msk [tilespmem:v5+s30+$0x0], $0xffff  }
0x119: {  	s9 =	sshra.s32 s9, $0x2  }
0x11a: {  	v4 =	vld [tilespmem:s9+$0x1D800]  }
0x11b: {  	v5 =	vld [tilespmem:s9+$0x1B800]  }
0x11c: {  	v6 =	vld [tilespmem:s9+$0x1C800]  }
0x11d: {  	v7 =	vld [tilespmem:s9+$0x1D810]  }
0x11e: {  	v8 =	vld [tilespmem:s9+$0x1D820];
	v2 =	vsub.f32 v3, v2  }
0x11f: {  	v10 =	vld [tilespmem:s9+$0x1D840];
	v9 =	vpop (erf)  }
0x120: {  	v41 =	vld [tilespmem:s9+$0x1D850];
	v2 =	vmul.f32 v9, v2  }
0x121: {  	v42 =	vld [tilespmem:s9+$0x1D860];
	(erf) = vrcp.f32 v4  }
0x122: {  	v3 =	vld [tilespmem:s9+$0x1D830];
	[tilespmem:s26+$0x1E870] =	vst v2  }
0x123: {  	v2 =	vld.idx.msk [tilespmem:v5+s30+$0x0], $0xffff  }
0x124: {  	v43 =	vld.idx.msk [tilespmem:v6+s30+$0x0], $0xffff;
	_ =	sdelay $0x1  }
0x125: {  	v44 =	vld [tilespmem:s9+$0x1B810]  }
0x126: {  	v11 =	vld [tilespmem:s9+$0x1C810];
	_ =	sdelay $0x1  }
0x127: {  	v2 =	vsub.f32 v43, v2  }
0x128: {  	v45 =	vpop (erf)  }
0x129: {  	v2 =	vmul.f32 v45, v2  }
0x12a: {  	(erf) = vrcp.f32 v7  }
0x12b: {  	[tilespmem:s9+$0x1E800] =	vst v2  }
0x12c: {  	v2 =	vld.idx.msk [tilespmem:v44+s30+$0x0], $0xffff  }
0x12d: {  	v46 =	vld.idx.msk [tilespmem:v11+s30+$0x0], $0xffff;
	_ =	sdelay $0x1  }
0x12e: {  	v47 =	vld [tilespmem:s9+$0x1B820]  }
0x12f: {  	v48 =	vld [tilespmem:s9+$0x1C820];
	_ =	sdelay $0x1  }
0x130: {  	v2 =	vsub.f32 v46, v2  }
0x131: {  	v49 =	vpop (erf)  }
0x132: {  	v2 =	vmul.f32 v49, v2  }
0x133: {  	(erf) = vrcp.f32 v8  }
0x134: {  	[tilespmem:s9+$0x1E810] =	vst v2  }
0x135: {  	v2 =	vld.idx.msk [tilespmem:v47+s30+$0x0], $0xffff  }
0x136: {  	v50 =	vld.idx.msk [tilespmem:v48+s30+$0x0], $0xffff;
	_ =	sdelay $0x1  }
0x137: {  	v51 =	vld [tilespmem:s9+$0x1B830]  }
0x138: {  	v52 =	vld [tilespmem:s9+$0x1C830];
	_ =	sdelay $0x1  }
0x139: {  	v2 =	vsub.f32 v50, v2  }
0x13a: {  	v53 =	vpop (erf)  }
0x13b: {  	v2 =	vmul.f32 v53, v2  }
0x13c: {  	(erf) = vrcp.f32 v3  }
0x13d: {  	[tilespmem:s9+$0x1E820] =	vst v2  }
0x13e: {  	v2 =	vld.idx.msk [tilespmem:v51+s30+$0x0], $0xffff  }
0x13f: {  	v3 =	vld.idx.msk [tilespmem:v52+s30+$0x0], $0xffff;
	_ =	sdelay $0x1  }
0x140: {  	v54 =	vld [tilespmem:s9+$0x1B840]  }
0x141: {  	v55 =	vld [tilespmem:s9+$0x1C840];
	_ =	sdelay $0x1  }
0x142: {  	v2 =	vsub.f32 v3, v2  }
0x143: {  	v3 =	vpop (erf)  }
0x144: {  	v2 =	vmul.f32 v3, v2  }
0x145: {  	(erf) = vrcp.f32 v10  }
0x146: {  	[tilespmem:s9+$0x1E830] =	vst v2  }
0x147: {  	v2 =	vld.idx.msk [tilespmem:v54+s30+$0x0], $0xffff  }
0x148: {  	v3 =	vld.idx.msk [tilespmem:v55+s30+$0x0], $0xffff;
	_ =	sdelay $0x1  }
0x149: {  	v56 =	vld [tilespmem:s9+$0x1B850]  }
0x14a: {  	v57 =	vld [tilespmem:s9+$0x1C850];
	_ =	sdelay $0x1  }
0x14b: {  	v2 =	vsub.f32 v3, v2  }
0x14c: {  	v3 =	vpop (erf)  }
0x14d: {  	v2 =	vmul.f32 v3, v2  }
0x14e: {  	(erf) = vrcp.f32 v41  }
0x14f: {  	[tilespmem:s9+$0x1E840] =	vst v2  }
0x150: {  	v2 =	vld.idx.msk [tilespmem:v56+s30+$0x0], $0xffff  }
0x151: {  	v3 =	vld.idx.msk [tilespmem:v57+s30+$0x0], $0xffff;
	_ =	sdelay $0x1  }
0x152: {  	v58 =	vld [tilespmem:s9+$0x1B860]  }
0x153: {  	v59 =	vld [tilespmem:s9+$0x1C860];
	_ =	sdelay $0x1  }
0x154: {  	v2 =	vsub.f32 v3, v2  }
0x155: {  	v3 =	vpop (erf)  }
0x156: {  	v2 =	vmul.f32 v3, v2  }
0x157: {  	(erf) = vrcp.f32 v42  }
0x158: {  	[tilespmem:s9+$0x1E850] =	vst v2  }
0x159: {  	v2 =	vld.idx.msk [tilespmem:v58+s30+$0x0], $0xffff  }
0x15a: {  	v3 =	vld.idx.msk [tilespmem:v59+s30+$0x0], $0xffff  }
0x15b: {  	v60 =	vld [tilespmem:s9+$0x1D870]  }
0x15c: {  	v61 =	vld [tilespmem:s9+$0x1B870]  }
0x15d: {  	v62 =	vld [tilespmem:s9+$0x1C870];
	_ =	sdelay $0x1  }
0x15e: {  	v2 =	vsub.f32 v3, v2  }
0x15f: {  	v3 =	vpop (erf)  }
0x160: {  	v2 =	vmul.f32 v3, v2  }
0x161: {  	(erf) = vrcp.f32 v60  }
0x162: {  	[tilespmem:s9+$0x1E860] =	vst v2  }
0x163: {  	v2 =	vld.idx.msk [tilespmem:v61+s30+$0x0], $0xffff  }
0x164: {  	v3 =	vld.idx.msk [tilespmem:v62+s30+$0x0], $0xffff;
	_ =	sdelay $0x3  }
0x165: {  	p2 =	seq.s32 s19, $0x0  }
.Ltmp7:
0x166: {  	v2 =	vsub.f32 v3, v2;
	(pc) =	sbr.rel @p2 .LBB2_10-.Ltmp7, $3  }
0x167: {  	v3 =	vpop (erf)  }
0x168: {  	v2 =	vmul.f32 v3, v2;
	_ =	sdelay $0x1  }
0x169: {  	[tilespmem:s9+$0x1E870] =	vst v2  }
0x16a: {  	_ =	swait.ge [sflag:s24], $0x80  }
0x16b: {  	[sflag:s24] =	ssyncset.done $0x0  }
0x16c: {  	[sflag:s24] =	ssyncadd.s32 $0xFFFFFF80  }
0x16d: {  	_ =	swait.ge [sflag:s0], $0x80  }
0x16e: {  	[sflag:s0] =	ssyncset.done $0x0  }
0x16f: {  	[sflag:s0] =	ssyncadd.s32 $0xFFFFFF80  }
0x170: {  	_ =	swait.ge [sflag:s24], $0x80  }
0x171: {  	[sflag:s24] =	ssyncset.done $0x0  }
0x172: {  	[sflag:s24] =	ssyncadd.s32 $0xFFFFFF80  }
0x173: {  	_ =	swait.ge [sflag:s0], $0x80  }
0x174: {  	[sflag:s0] =	ssyncset.done $0x0  }
0x175: {  	[sflag:s0] =	ssyncadd.s32 $0xFFFFFF80  }
0x176: {  	_ =	swait.ge [sflag:s24], $0x80  }
0x177: {  	[sflag:s24] =	ssyncset.done $0x0  }
0x178: {  	[sflag:s24] =	ssyncadd.s32 $0xFFFFFF80  }
0x179: {  	_ =	swait.ge [sflag:s0], $0x80  }
0x17a: {  	[sflag:s0] =	ssyncset.done $0x0  }
0x17b: {  	[sflag:s0] =	ssyncadd.s32 $0xFFFFFF80  }
0x17c: {  	_ =	swait.ge [sflag:s24], $0x80  }
0x17d: {  	[sflag:s24] =	ssyncset.done $0x0  }
0x17e: {  	[sflag:s24] =	ssyncadd.s32 $0xFFFFFF80  }
0x17f: {  	_ =	swait.ge [sflag:s0], $0x80  }
0x180: {  	[sflag:s0] =	ssyncset.done $0x0  }
0x181: {  	[sflag:s0] =	ssyncadd.s32 $0xFFFFFF80  }
0x182: {  	_ =	swait.ge [sflag:s24], $0x80  }
0x183: {  	[sflag:s24] =	ssyncset.done $0x0  }
0x184: {  	[sflag:s24] =	ssyncadd.s32 $0xFFFFFF80  }
0x185: {  	_ =	swait.ge [sflag:s0], $0x80  }
0x186: {  	[sflag:s0] =	ssyncset.done $0x0  }
0x187: {  	[sflag:s0] =	ssyncadd.s32 $0xFFFFFF80  }
0x188: {  	_ =	swait.ge [sflag:s24], $0x80  }
0x189: {  	[sflag:s24] =	ssyncset.done $0x0  }
0x18a: {  	[sflag:s24] =	ssyncadd.s32 $0xFFFFFF80  }
0x18b: {  	_ =	swait.ge [sflag:s0], $0x80  }
0x18c: {  	[sflag:s0] =	ssyncset.done $0x0  }
0x18d: {  	[sflag:s0] =	ssyncadd.s32 $0xFFFFFF80  }
0x18e: {  	_ =	swait.ge [sflag:s24], $0x80  }
0x18f: {  	[sflag:s24] =	ssyncset.done $0x0  }
0x190: {  	[sflag:s24] =	ssyncadd.s32 $0xFFFFFF80  }
0x191: {  	_ =	swait.ge [sflag:s0], $0x80  }
0x192: {  	[sflag:s0] =	ssyncset.done $0x0  }
0x193: {  	[sflag:s0] =	ssyncadd.s32 $0xFFFFFF80  }
0x194: {  	_ =	swait.ge [sflag:s24], $0x80  }
0x195: {  	[sflag:s24] =	ssyncset.done $0x0  }
0x196: {  	[sflag:s24] =	ssyncadd.s32 $0xFFFFFF80  }
0x197: {  	_ =	swait.ge [sflag:s0], $0x80  }
0x198: {  	[sflag:s0] =	ssyncset.done $0x0  }
0x199: {  	[sflag:s0] =	ssyncadd.s32 $0xFFFFFF80  }
0x19a: {  	_ =	swait.ge [sflag:s24], $0x80  }
0x19b: {  	[sflag:s24] =	ssyncset.done $0x0  }
0x19c: {  	[sflag:s24] =	ssyncadd.s32 $0xFFFFFF80  }
0x19d: {  	_ =	swait.ge [sflag:s0], $0x80  }
0x19e: {  	[sflag:s0] =	ssyncset.done $0x0  }
0x19f: {  	[sflag:s0] =	ssyncadd.s32 $0xFFFFFF80  }
0x1a0: {  	_ =	swait.ge [sflag:s24], $0x80  }
0x1a1: {  	[sflag:s24] =	ssyncset.done $0x0  }
0x1a2: {  	[sflag:s24] =	ssyncadd.s32 $0xFFFFFF80  }
0x1a3: {  	_ =	swait.ge [sflag:s0], $0x80  }
0x1a4: {  	[sflag:s0] =	ssyncset.done $0x0  }
0x1a5: {  	[sflag:s0] =	ssyncadd.s32 $0xFFFFFF80  }
0x1a6: {  	_ =	swait.ge [sflag:s24], $0x80  }
0x1a7: {  	[sflag:s24] =	ssyncset.done $0x0  }
0x1a8: {  	[sflag:s24] =	ssyncadd.s32 $0xFFFFFF80  }
0x1a9: {  	_ =	swait.ge [sflag:s0], $0x80  }
0x1aa: {  	[sflag:s0] =	ssyncset.done $0x0  }
0x1ab: {  	[sflag:s0] =	ssyncadd.s32 $0xFFFFFF80  }
0x1ac: {  	_ =	swait.ge [sflag:s24], $0x80  }
0x1ad: {  	[sflag:s24] =	ssyncset.done $0x0  }
0x1ae: {  	[sflag:s24] =	ssyncadd.s32 $0xFFFFFF80  }
0x1af: {  	_ =	swait.ge [sflag:s0], $0x80  }
0x1b0: {  	[sflag:s0] =	ssyncset.done $0x0  }
0x1b1: {  	[sflag:s0] =	ssyncadd.s32 $0xFFFFFF80  }
0x1b2: {  	_ =	swait.ge [sflag:s24], $0x80  }
0x1b3: {  	[sflag:s24] =	ssyncset.done $0x0  }
0x1b4: {  	[sflag:s24] =	ssyncadd.s32 $0xFFFFFF80  }
0x1b5: {  	_ =	swait.ge [sflag:s0], $0x80  }
0x1b6: {  	[sflag:s0] =	ssyncset.done $0x0  }
0x1b7: {  	[sflag:s0] =	ssyncadd.s32 $0xFFFFFF80  }
0x1b8: {  	_ =	swait.ge [sflag:s24], $0x80  }
0x1b9: {  	[sflag:s24] =	ssyncset.done $0x0  }
0x1ba: {  	[sflag:s24] =	ssyncadd.s32 $0xFFFFFF80  }
0x1bb: {  	_ =	swait.ge [sflag:s0], $0x80  }
0x1bc: {  	[sflag:s0] =	ssyncset.done $0x0  }
0x1bd: {  	[sflag:s0] =	ssyncadd.s32 $0xFFFFFF80  }
0x1be: {  	_ =	swait.ge [sflag:s24], $0x80  }
0x1bf: {  	[sflag:s24] =	ssyncset.done $0x0  }
0x1c0: {  	[sflag:s24] =	ssyncadd.s32 $0xFFFFFF80  }
0x1c1: {  	_ =	swait.ge [sflag:s0], $0x80  }
0x1c2: {  	[sflag:s0] =	ssyncset.done $0x0  }
0x1c3: {  	[sflag:s0] =	ssyncadd.s32 $0xFFFFFF80  }
0x1c4: {  	_ =	swait.ge [sflag:s24], $0x80  }
0x1c5: {  	[sflag:s24] =	ssyncset.done $0x0  }
0x1c6: {  	[sflag:s24] =	ssyncadd.s32 $0xFFFFFF80  }
0x1c7: {  	_ =	swait.ge [sflag:s0], $0x80  }
0x1c8: {  	[sflag:s0] =	ssyncset.done $0x0  }
0x1c9: {  	[sflag:s0] =	ssyncadd.s32 $0xFFFFFF80  }
.LBB2_10:
0x1ca: {  	s9 =	rddreg [dreg:$0x14]  }
0x1cb: {  	s9 =	sor.u32 s9, s23  }
0x1cc: {  	p2 =	sgt.u32 s9, $0xC34  }
0x1cd: {  	s9 =	sshll.u32 @!p2 s9, $0x8  }
0x1ce: {  	s17 =	simm.s32 @!p2 $0x0;
	s26 =	simm.s32 @!p2 $0x1C000;
	s13 =	sadd.s32 @!p2 s5, s9  }
0x1cf: {  	[tilespmem:s26], [sflag:$0x2] =	stream.linear.gather @!p2 [hbm4b:s13+s17], $0x800, $0x38;
	v63 =	vld [tilespmem:$0x0]  }
0x1d0: {  	s13 =	sadd.s32 @!p2 s9, s15;
	s26 =	simm.s32 @!p2 $0x1D000  }
0x1d1: {  	[tilespmem:s26], [sflag:$0x2] =	stream.linear.gather @!p2 [hbm4b:s13+s17], $0x800, $0x38;
	v63 =	vld [tilespmem:$0x0]  }
0x1d2: {  	s9 =	sadd.s32 @!p2 s6, s9;
	s13 =	simm.s32 @!p2 $0x1E000  }
0x1d3: {  	[tilespmem:s13], [sflag:$0x2] =	stream.linear.gather @!p2 [hbm4b:s9+s17], $0x800, $0x38;
	v63 =	vld [tilespmem:$0x0]  }
0x1d4: {  	s13 =	simm.s32 $0x1E800  }
0x1d5: {  	[spmem:s3] =	stream.indirect.scatter.add.f32 [tilespmem:s13], [sflag:$0x3], $0x1, s28, s31, $0xb8;
	v63 =	vld [tilespmem:$0x0]  }
0x1d6: {  	s17 =	simm.s32 $0x1F800  }
0x1d7: {  	[spmem:s1] =	stream.indirect.scatter.add.f32 [tilespmem:s17], [sflag:$0x5], $0x1, s28, s31, $0xb8;
	v63 =	vld [tilespmem:$0x0]  }
0x1d8: {  	s26 =	simm.s32 $0x1E880;
	s9 =	simm.s32 $0x1C880  }
0x1d9: {  	[spmem:s3] =	stream.indirect.scatter.add.f32 [tilespmem:s26], [sflag:$0x3], $0x1, s9, s31, $0xb8;
	v63 =	vld [tilespmem:$0x0]  }
0x1da: {  	s17 =	simm.s32 $0x1F880  }
0x1db: {  	[spmem:s1] =	stream.indirect.scatter.add.f32 [tilespmem:s17], [sflag:$0x5], $0x1, s9, s31, $0xb8;
	v63 =	vld [tilespmem:$0x0]  }
0x1dc: {  	s26 =	simm.s32 $0x1E900;
	s9 =	simm.s32 $0x1C900  }
0x1dd: {  	[spmem:s3] =	stream.indirect.scatter.add.f32 [tilespmem:s26], [sflag:$0x3], $0x1, s9, s31, $0xb8;
	v63 =	vld [tilespmem:$0x0]  }
0x1de: {  	s17 =	simm.s32 $0x1F900  }
0x1df: {  	[spmem:s1] =	stream.indirect.scatter.add.f32 [tilespmem:s17], [sflag:$0x5], $0x1, s9, s31, $0xb8;
	v63 =	vld [tilespmem:$0x0]  }
0x1e0: {  	s26 =	simm.s32 $0x1E980;
	s9 =	simm.s32 $0x1C980  }
0x1e1: {  	[spmem:s3] =	stream.indirect.scatter.add.f32 [tilespmem:s26], [sflag:$0x3], $0x1, s9, s31, $0xb8;
	v63 =	vld [tilespmem:$0x0]  }
0x1e2: {  	s17 =	simm.s32 $0x1F980  }
0x1e3: {  	[spmem:s1] =	stream.indirect.scatter.add.f32 [tilespmem:s17], [sflag:$0x5], $0x1, s9, s31, $0xb8;
	v63 =	vld [tilespmem:$0x0]  }
0x1e4: {  	s26 =	simm.s32 $0x1EA00;
	s9 =	simm.s32 $0x1CA00  }
0x1e5: {  	[spmem:s3] =	stream.indirect.scatter.add.f32 [tilespmem:s26], [sflag:$0x3], $0x1, s9, s31, $0xb8;
	v63 =	vld [tilespmem:$0x0]  }
0x1e6: {  	s17 =	simm.s32 $0x1FA00  }
0x1e7: {  	[spmem:s1] =	stream.indirect.scatter.add.f32 [tilespmem:s17], [sflag:$0x5], $0x1, s9, s31, $0xb8;
	v63 =	vld [tilespmem:$0x0]  }
0x1e8: {  	s26 =	simm.s32 $0x1EA80  }
0x1e9: {  	[spmem:s3] =	stream.indirect.scatter.add.f32 [tilespmem:s26], [sflag:$0x3], $0x1, s21, s31, $0xb8;
	v63 =	vld [tilespmem:$0x0]  }
0x1ea: {  	s13 =	simm.s32 $0x1FA80  }
0x1eb: {  	[spmem:s1] =	stream.indirect.scatter.add.f32 [tilespmem:s13], [sflag:$0x5], $0x1, s21, s31, $0xb8;
	v63 =	vld [tilespmem:$0x0]  }
0x1ec: {  	s17 =	simm.s32 $0x1EB00  }
0x1ed: {  	[spmem:s3] =	stream.indirect.scatter.add.f32 [tilespmem:s17], [sflag:$0x3], $0x1, s11, s31, $0xb8;
	v63 =	vld [tilespmem:$0x0]  }
0x1ee: {  	s26 =	simm.s32 $0x1FB00  }
0x1ef: {  	[spmem:s1] =	stream.indirect.scatter.add.f32 [tilespmem:s26], [sflag:$0x5], $0x1, s11, s31, $0xb8;
	v63 =	vld [tilespmem:$0x0]  }
0x1f0: {  	s13 =	simm.s32 $0x1EB80  }
0x1f1: {  	[spmem:s3] =	stream.indirect.scatter.add.f32 [tilespmem:s13], [sflag:$0x3], $0x1, s4, s31, $0xb8;
	v63 =	vld [tilespmem:$0x0]  }
0x1f2: {  	s17 =	simm.s32 $0x1FB80  }
0x1f3: {  	[spmem:s1] =	stream.indirect.scatter.add.f32 [tilespmem:s17], [sflag:$0x5], $0x1, s4, s31, $0xb8;
	v63 =	vld [tilespmem:$0x0]  }
0x1f4: {  	s26 =	simm.s32 $0x1EC00  }
0x1f5: {  	[spmem:s3] =	stream.indirect.scatter.add.f32 [tilespmem:s26], [sflag:$0x3], $0x1, s18, s31, $0xb8;
	v63 =	vld [tilespmem:$0x0]  }
0x1f6: {  	s13 =	simm.s32 $0x1FC00  }
0x1f7: {  	[spmem:s1] =	stream.indirect.scatter.add.f32 [tilespmem:s13], [sflag:$0x5], $0x1, s18, s31, $0xb8;
	v63 =	vld [tilespmem:$0x0]  }
0x1f8: {  	s17 =	simm.s32 $0x1EC80  }
0x1f9: {  	[spmem:s3] =	stream.indirect.scatter.add.f32 [tilespmem:s17], [sflag:$0x3], $0x1, s10, s31, $0xb8;
	v63 =	vld [tilespmem:$0x0]  }
0x1fa: {  	s26 =	simm.s32 $0x1FC80  }
0x1fb: {  	[spmem:s1] =	stream.indirect.scatter.add.f32 [tilespmem:s26], [sflag:$0x5], $0x1, s10, s31, $0xb8;
	v63 =	vld [tilespmem:$0x0]  }
0x1fc: {  	s13 =	simm.s32 $0x1ED00  }
0x1fd: {  	[spmem:s3] =	stream.indirect.scatter.add.f32 [tilespmem:s13], [sflag:$0x3], $0x1, s25, s31, $0xb8;
	v63 =	vld [tilespmem:$0x0]  }
0x1fe: {  	s17 =	simm.s32 $0x1FD00  }
0x1ff: {  	[spmem:s1] =	stream.indirect.scatter.add.f32 [tilespmem:s17], [sflag:$0x5], $0x1, s25, s31, $0xb8;
	v63 =	vld [tilespmem:$0x0]  }
0x200: {  	s26 =	simm.s32 $0x1ED80  }
0x201: {  	[spmem:s3] =	stream.indirect.scatter.add.f32 [tilespmem:s26], [sflag:$0x3], $0x1, s8, s31, $0xb8;
	v63 =	vld [tilespmem:$0x0]  }
0x202: {  	s13 =	simm.s32 $0x1FD80  }
0x203: {  	[spmem:s1] =	stream.indirect.scatter.add.f32 [tilespmem:s13], [sflag:$0x5], $0x1, s8, s31, $0xb8;
	v63 =	vld [tilespmem:$0x0]  }
0x204: {  	s17 =	simm.s32 $0x1EE00  }
0x205: {  	[spmem:s3] =	stream.indirect.scatter.add.f32 [tilespmem:s17], [sflag:$0x3], $0x1, s16, s31, $0xb8;
	v63 =	vld [tilespmem:$0x0]  }
0x206: {  	s26 =	simm.s32 $0x1FE00  }
0x207: {  	[spmem:s1] =	stream.indirect.scatter.add.f32 [tilespmem:s26], [sflag:$0x5], $0x1, s16, s31, $0xb8;
	v63 =	vld [tilespmem:$0x0]  }
0x208: {  	s13 =	simm.s32 $0x1EE80  }
0x209: {  	[spmem:s3] =	stream.indirect.scatter.add.f32 [tilespmem:s13], [sflag:$0x3], $0x1, s7, s31, $0xb8;
	v63 =	vld [tilespmem:$0x0]  }
0x20a: {  	s17 =	simm.s32 $0x1FE80  }
0x20b: {  	[spmem:s1] =	stream.indirect.scatter.add.f32 [tilespmem:s17], [sflag:$0x5], $0x1, s7, s31, $0xb8;
	v63 =	vld [tilespmem:$0x0]  }
0x20c: {  	s26 =	simm.s32 $0x1EF00  }
0x20d: {  	[spmem:s3] =	stream.indirect.scatter.add.f32 [tilespmem:s26], [sflag:$0x3], $0x1, s14, s31, $0xb8;
	v63 =	vld [tilespmem:$0x0]  }
0x20e: {  	s13 =	simm.s32 $0x1FF00  }
0x20f: {  	[spmem:s1] =	stream.indirect.scatter.add.f32 [tilespmem:s13], [sflag:$0x5], $0x1, s14, s31, $0xb8;
	v63 =	vld [tilespmem:$0x0]  }
.Ltmp8:
0x210: {  	_ = 	snop;
	(pc) =	sbr.rel @p2 .LBB2_14-.Ltmp8, $4  }
0x211: {  	s17 =	simm.s32 $0x1EF80  }
0x212: {  	[spmem:s3] =	stream.indirect.scatter.add.f32 [tilespmem:s17], [sflag:$0x3], $0x1, s22, s31, $0xb8;
	v63 =	vld [tilespmem:$0x0]  }
0x213: {  	s26 =	simm.s32 $0x1FF80  }
0x214: {  	[spmem:s1] =	stream.indirect.scatter.add.f32 [tilespmem:s26], [sflag:$0x5], $0x1, s22, s31, $0xb8;
	v63 =	vld [tilespmem:$0x0]  }
0x215: {  	_ =	swait.ge [sflag:s12], $0x800  }
0x216: {  	[sflag:s12] =	ssyncset.done $0x0  }
0x217: {  	[sflag:s12] =	ssyncadd.s32 $0xFFFFF800  }
0x218: {  	_ =	swait.ge [sflag:s12], $0x800  }
0x219: {  	[sflag:s12] =	ssyncset.done $0x0  }
0x21a: {  	[sflag:s12] =	ssyncadd.s32 $0xFFFFF800  }
0x21b: {  	_ =	swait.ge [sflag:s12], $0x800  }
0x21c: {  	[sflag:s12] =	ssyncset.done $0x0  }
0x21d: {  	s26 =	simm.s32 $0x0;
	[sflag:s12] =	ssyncadd.s32 $0xFFFFF800  }
0x21e: {  	v2 =	vld [tilespmem:s26+$0x1E000]  }
0x21f: {  	v3 =	vld [tilespmem:s26+$0x1C000]  }
0x220: {  	v4 =	vld [tilespmem:s26+$0x1D000];
	_ =	sdelay $0x4  }
0x221: {  	(erf) = vrcp.f32 v2;
	_ =	sdelay $0x1  }
0x222: {  	v3 =	vld.idx.msk [tilespmem:v3+s30+$0x0], $0xffff  }
0x223: {  	v4 =	vld.idx.msk [tilespmem:v4+s30+$0x0], $0xffff  }
0x224: {  	v6 =	vld [tilespmem:s26+$0x1C010]  }
0x225: {  	v7 =	vld [tilespmem:s26+$0x1D010]  }
0x226: {  	v2 =	vld [tilespmem:s26+$0x1E010];
	_ =	sdelay $0x1  }
0x227: {  	v3 =	vsub.f32 v4, v3  }
0x228: {  	v10 =	vpop (erf)  }
0x229: {  	v3 =	vmul.f32 v10, v3  }
0x22a: {  	(erf) = vrcp.f32 v2  }
0x22b: {  	[tilespmem:s26+$0x1F000] =	vst v3  }
0x22c: {  	v2 =	vld.idx.msk [tilespmem:v6+s30+$0x0], $0xffff  }
0x22d: {  	v3 =	vld.idx.msk [tilespmem:v7+s30+$0x0], $0xffff  }
0x22e: {  	v5 =	vld [tilespmem:s26+$0x1E020]  }
0x22f: {  	v58 =	vld [tilespmem:s26+$0x1C020]  }
0x230: {  	v59 =	vld [tilespmem:s26+$0x1D020];
	_ =	sdelay $0x1  }
0x231: {  	v2 =	vsub.f32 v3, v2  }
0x232: {  	v3 =	vpop (erf)  }
0x233: {  	v2 =	vmul.f32 v3, v2  }
0x234: {  	(erf) = vrcp.f32 v5  }
0x235: {  	[tilespmem:s26+$0x1F010] =	vst v2  }
0x236: {  	v2 =	vld.idx.msk [tilespmem:v58+s30+$0x0], $0xffff  }
0x237: {  	v3 =	vld.idx.msk [tilespmem:v59+s30+$0x0], $0xffff  }
0x238: {  	v8 =	vld [tilespmem:s26+$0x1E030]  }
0x239: {  	v5 =	vld [tilespmem:s26+$0x1C030]  }
0x23a: {  	v60 =	vld [tilespmem:s26+$0x1D030];
	_ =	sdelay $0x1  }
0x23b: {  	v2 =	vsub.f32 v3, v2  }
0x23c: {  	v3 =	vpop (erf)  }
0x23d: {  	v2 =	vmul.f32 v3, v2  }
0x23e: {  	(erf) = vrcp.f32 v8  }
0x23f: {  	[tilespmem:s26+$0x1F020] =	vst v2  }
0x240: {  	v2 =	vld.idx.msk [tilespmem:v5+s30+$0x0], $0xffff  }
0x241: {  	v3 =	vld.idx.msk [tilespmem:v60+s30+$0x0], $0xffff  }
0x242: {  	v9 =	vld [tilespmem:s26+$0x1E040]  }
0x243: {  	v5 =	vld [tilespmem:s26+$0x1C040]  }
0x244: {  	v61 =	vld [tilespmem:s26+$0x1D040];
	_ =	sdelay $0x1  }
0x245: {  	v2 =	vsub.f32 v3, v2  }
0x246: {  	v3 =	vpop (erf)  }
0x247: {  	v2 =	vmul.f32 v3, v2  }
0x248: {  	(erf) = vrcp.f32 v9  }
0x249: {  	[tilespmem:s26+$0x1F030] =	vst v2  }
0x24a: {  	v2 =	vld.idx.msk [tilespmem:v5+s30+$0x0], $0xffff  }
0x24b: {  	v3 =	vld.idx.msk [tilespmem:v61+s30+$0x0], $0xffff  }
0x24c: {  	v62 =	vld [tilespmem:s26+$0x1D050]  }
0x24d: {  	v5 =	vld [tilespmem:s26+$0x1C050]  }
0x24e: {  	v4 =	vld [tilespmem:s26+$0x1E050];
	_ =	sdelay $0x1  }
0x24f: {  	v2 =	vsub.f32 v3, v2  }
0x250: {  	v3 =	vpop (erf)  }
0x251: {  	v2 =	vmul.f32 v3, v2  }
0x252: {  	(erf) = vrcp.f32 v4  }
0x253: {  	[tilespmem:s26+$0x1F040] =	vst v2  }
0x254: {  	v2 =	vld.idx.msk [tilespmem:v5+s30+$0x0], $0xffff  }
0x255: {  	v3 =	vld.idx.msk [tilespmem:v62+s30+$0x0], $0xffff  }
0x256: {  	v11 =	vld [tilespmem:s26+$0x1E060]  }
0x257: {  	v4 =	vld [tilespmem:s26+$0x1C060]  }
0x258: {  	v5 =	vld [tilespmem:s26+$0x1D060];
	_ =	sdelay $0x1  }
0x259: {  	v2 =	vsub.f32 v3, v2  }
0x25a: {  	v3 =	vpop (erf)  }
0x25b: {  	v2 =	vmul.f32 v3, v2  }
0x25c: {  	(erf) = vrcp.f32 v11  }
0x25d: {  	[tilespmem:s26+$0x1F050] =	vst v2  }
0x25e: {  	v2 =	vld.idx.msk [tilespmem:v4+s30+$0x0], $0xffff  }
0x25f: {  	v3 =	vld.idx.msk [tilespmem:v5+s30+$0x0], $0xffff;
	_ =	sdelay $0x1  }
0x260: {  	v4 =	vld [tilespmem:s26+$0x1C070]  }
0x261: {  	v5 =	vld [tilespmem:s26+$0x1D070]  }
0x262: {  	v57 =	vld [tilespmem:s26+$0x1E070]  }
0x263: {  	v2 =	vsub.f32 v3, v2  }
0x264: {  	v3 =	vpop (erf)  }
0x265: {  	v2 =	vmul.f32 v3, v2;
	_ =	sdelay $0x1  }
0x266: {  	(erf) = vrcp.f32 v57;
	[tilespmem:s26+$0x1F060] =	vst v2  }
0x267: {  	v2 =	vld.idx.msk [tilespmem:v4+s30+$0x0], $0xffff  }
0x268: {  	s9 =	simm.s32 $0x200;
	s13 =	simm.s32 $0x400;
	v3 =	vld.idx.msk [tilespmem:v5+s30+$0x0], $0xffff  }
.LBB2_12:
0x269: {  	p3 =	sne.s32 s13, $0x1E00  }
0x26a: {  	s17 =	sshra.s32 s9, $0x2;
	s9 =	smov.u32 s13;
	s13 =	sadd.s32 $0x200, s13  }
0x26b: {  	v4 =	vld [tilespmem:s17+$0x1E000]  }
0x26c: {  	v5 =	vld [tilespmem:s17+$0x1C000]  }
0x26d: {  	v6 =	vld [tilespmem:s17+$0x1D000]  }
0x26e: {  	v7 =	vld [tilespmem:s17+$0x1E010]  }
0x26f: {  	v2 =	vsub.f32 v3, v2;
	v8 =	vld [tilespmem:s17+$0x1E020];
	v3 =	vpop (erf)  }
0x270: {  	v9 =	vld [tilespmem:s17+$0x1E030]  }
0x271: {  	v2 =	vmul.f32 v3, v2;
	v10 =	vld [tilespmem:s17+$0x1E040]  }
0x272: {  	v11 =	vld [tilespmem:s17+$0x1E050];
	(erf) = vrcp.f32 v4  }
0x273: {  	v3 =	vld [tilespmem:s17+$0x1E060];
	[tilespmem:s26+$0x1F070] =	vst v2;
	s26 =	smov.u32 s17  }
0x274: {  	v4 =	vld.idx.msk [tilespmem:v5+s30+$0x0], $0xffff  }
0x275: {  	v5 =	vld.idx.msk [tilespmem:v6+s30+$0x0], $0xffff  }
0x276: {  	v2 =	vld [tilespmem:s26+$0x1E070];
	_ =	sdelay $0x1  }
0x277: {  	v6 =	vld [tilespmem:s26+$0x1C010]  }
0x278: {  	v12 =	vld [tilespmem:s26+$0x1D010];
	_ =	sdelay $0x1  }
0x279: {  	v4 =	vsub.f32 v5, v4;
	v5 =	vpop (erf);
	_ =	sdelay $0x1  }
0x27a: {  	v4 =	vmul.f32 v5, v4;
	_ =	sdelay $0x1  }
0x27b: {  	[tilespmem:s26+$0x1F000] =	vst v4;
	(erf) = vrcp.f32 v7  }
0x27c: {  	v4 =	vld.idx.msk [tilespmem:v6+s30+$0x0], $0xffff  }
0x27d: {  	v5 =	vld.idx.msk [tilespmem:v12+s30+$0x0], $0xffff;
	_ =	sdelay $0x2  }
0x27e: {  	v6 =	vld [tilespmem:s26+$0x1C020]  }
0x27f: {  	v7 =	vld [tilespmem:s26+$0x1D020];
	_ =	sdelay $0x1  }
0x280: {  	v4 =	vsub.f32 v5, v4  }
0x281: {  	v5 =	vpop (erf)  }
0x282: {  	v4 =	vmul.f32 v5, v4;
	_ =	sdelay $0x1  }
0x283: {  	[tilespmem:s26+$0x1F010] =	vst v4;
	(erf) = vrcp.f32 v8  }
0x284: {  	v4 =	vld.idx.msk [tilespmem:v6+s30+$0x0], $0xffff  }
0x285: {  	v5 =	vld.idx.msk [tilespmem:v7+s30+$0x0], $0xffff;
	_ =	sdelay $0x2  }
0x286: {  	v6 =	vld [tilespmem:s26+$0x1C030]  }
0x287: {  	v7 =	vld [tilespmem:s26+$0x1D030];
	_ =	sdelay $0x1  }
0x288: {  	v4 =	vsub.f32 v5, v4  }
0x289: {  	v5 =	vpop (erf)  }
0x28a: {  	v4 =	vmul.f32 v5, v4;
	_ =	sdelay $0x1  }
0x28b: {  	[tilespmem:s26+$0x1F020] =	vst v4;
	(erf) = vrcp.f32 v9  }
0x28c: {  	v4 =	vld.idx.msk [tilespmem:v6+s30+$0x0], $0xffff  }
0x28d: {  	v5 =	vld.idx.msk [tilespmem:v7+s30+$0x0], $0xffff;
	_ =	sdelay $0x2  }
0x28e: {  	v6 =	vld [tilespmem:s26+$0x1C040]  }
0x28f: {  	v7 =	vld [tilespmem:s26+$0x1D040];
	_ =	sdelay $0x1  }
0x290: {  	v4 =	vsub.f32 v5, v4  }
0x291: {  	v5 =	vpop (erf)  }
0x292: {  	v4 =	vmul.f32 v5, v4;
	_ =	sdelay $0x1  }
0x293: {  	[tilespmem:s26+$0x1F030] =	vst v4;
	(erf) = vrcp.f32 v10  }
0x294: {  	v4 =	vld.idx.msk [tilespmem:v6+s30+$0x0], $0xffff  }
0x295: {  	v5 =	vld.idx.msk [tilespmem:v7+s30+$0x0], $0xffff;
	_ =	sdelay $0x2  }
0x296: {  	v6 =	vld [tilespmem:s26+$0x1C050]  }
0x297: {  	v7 =	vld [tilespmem:s26+$0x1D050];
	_ =	sdelay $0x1  }
0x298: {  	v4 =	vsub.f32 v5, v4  }
0x299: {  	v5 =	vpop (erf)  }
0x29a: {  	v4 =	vmul.f32 v5, v4;
	_ =	sdelay $0x1  }
0x29b: {  	[tilespmem:s26+$0x1F040] =	vst v4;
	(erf) = vrcp.f32 v11  }
0x29c: {  	v4 =	vld.idx.msk [tilespmem:v6+s30+$0x0], $0xffff  }
0x29d: {  	v5 =	vld.idx.msk [tilespmem:v7+s30+$0x0], $0xffff;
	_ =	sdelay $0x2  }
0x29e: {  	v6 =	vld [tilespmem:s26+$0x1C060]  }
0x29f: {  	v7 =	vld [tilespmem:s26+$0x1D060];
	_ =	sdelay $0x1  }
0x2a0: {  	v4 =	vsub.f32 v5, v4  }
0x2a1: {  	v5 =	vpop (erf)  }
0x2a2: {  	v4 =	vmul.f32 v5, v4;
	_ =	sdelay $0x1  }
0x2a3: {  	[tilespmem:s26+$0x1F050] =	vst v4;
	(erf) = vrcp.f32 v3  }
0x2a4: {  	v3 =	vld.idx.msk [tilespmem:v6+s30+$0x0], $0xffff  }
0x2a5: {  	v4 =	vld.idx.msk [tilespmem:v7+s30+$0x0], $0xffff;
	_ =	sdelay $0x1  }
0x2a6: {  	v5 =	vld [tilespmem:s26+$0x1D070]  }
0x2a7: {  	v6 =	vld [tilespmem:s26+$0x1C070];
	_ =	sdelay $0x2  }
0x2a8: {  	v3 =	vsub.f32 v4, v3  }
0x2a9: {  	v4 =	vpop (erf)  }
.Ltmp9:
0x2aa: {  	v3 =	vmul.f32 v4, v3;
	(pc) =	sbr.rel @p3 .LBB2_12-.Ltmp9, $4  }
0x2ab: {  	(erf) = vrcp.f32 v2  }
0x2ac: {  	[tilespmem:s26+$0x1F060] =	vst v3  }
0x2ad: {  	v2 =	vld.idx.msk [tilespmem:v6+s30+$0x0], $0xffff  }
0x2ae: {  	v3 =	vld.idx.msk [tilespmem:v5+s30+$0x0], $0xffff  }
0x2af: {  	s9 =	sshra.s32 s9, $0x2  }
0x2b0: {  	v4 =	vld [tilespmem:s9+$0x1E000]  }
0x2b1: {  	v5 =	vld [tilespmem:s9+$0x1C000]  }
0x2b2: {  	v6 =	vld [tilespmem:s9+$0x1D000]  }
0x2b3: {  	v7 =	vld [tilespmem:s9+$0x1E010]  }
0x2b4: {  	v8 =	vld [tilespmem:s9+$0x1E020];
	v2 =	vsub.f32 v3, v2  }
0x2b5: {  	v10 =	vld [tilespmem:s9+$0x1E040];
	v9 =	vpop (erf)  }
0x2b6: {  	v41 =	vld [tilespmem:s9+$0x1E050];
	v2 =	vmul.f32 v9, v2  }
0x2b7: {  	v42 =	vld [tilespmem:s9+$0x1E060];
	(erf) = vrcp.f32 v4  }
0x2b8: {  	v3 =	vld [tilespmem:s9+$0x1E030];
	[tilespmem:s26+$0x1F070] =	vst v2  }
0x2b9: {  	v2 =	vld.idx.msk [tilespmem:v5+s30+$0x0], $0xffff  }
0x2ba: {  	v43 =	vld.idx.msk [tilespmem:v6+s30+$0x0], $0xffff;
	_ =	sdelay $0x1  }
0x2bb: {  	v44 =	vld [tilespmem:s9+$0x1C010]  }
0x2bc: {  	v11 =	vld [tilespmem:s9+$0x1D010];
	_ =	sdelay $0x1  }
0x2bd: {  	v2 =	vsub.f32 v43, v2  }
0x2be: {  	v45 =	vpop (erf)  }
0x2bf: {  	v2 =	vmul.f32 v45, v2  }
0x2c0: {  	(erf) = vrcp.f32 v7  }
0x2c1: {  	[tilespmem:s9+$0x1F000] =	vst v2  }
0x2c2: {  	v2 =	vld.idx.msk [tilespmem:v44+s30+$0x0], $0xffff  }
0x2c3: {  	v46 =	vld.idx.msk [tilespmem:v11+s30+$0x0], $0xffff;
	_ =	sdelay $0x1  }
0x2c4: {  	v47 =	vld [tilespmem:s9+$0x1C020]  }
0x2c5: {  	v48 =	vld [tilespmem:s9+$0x1D020];
	_ =	sdelay $0x1  }
0x2c6: {  	v2 =	vsub.f32 v46, v2  }
0x2c7: {  	v49 =	vpop (erf)  }
0x2c8: {  	v2 =	vmul.f32 v49, v2  }
0x2c9: {  	(erf) = vrcp.f32 v8  }
0x2ca: {  	[tilespmem:s9+$0x1F010] =	vst v2  }
0x2cb: {  	v2 =	vld.idx.msk [tilespmem:v47+s30+$0x0], $0xffff  }
0x2cc: {  	v50 =	vld.idx.msk [tilespmem:v48+s30+$0x0], $0xffff;
	_ =	sdelay $0x1  }
0x2cd: {  	v51 =	vld [tilespmem:s9+$0x1C030]  }
0x2ce: {  	v52 =	vld [tilespmem:s9+$0x1D030];
	_ =	sdelay $0x1  }
0x2cf: {  	v2 =	vsub.f32 v50, v2  }
0x2d0: {  	v53 =	vpop (erf)  }
0x2d1: {  	v2 =	vmul.f32 v53, v2  }
0x2d2: {  	(erf) = vrcp.f32 v3  }
0x2d3: {  	[tilespmem:s9+$0x1F020] =	vst v2  }
0x2d4: {  	v2 =	vld.idx.msk [tilespmem:v51+s30+$0x0], $0xffff  }
0x2d5: {  	v3 =	vld.idx.msk [tilespmem:v52+s30+$0x0], $0xffff;
	_ =	sdelay $0x1  }
0x2d6: {  	v54 =	vld [tilespmem:s9+$0x1C040]  }
0x2d7: {  	v55 =	vld [tilespmem:s9+$0x1D040];
	_ =	sdelay $0x1  }
0x2d8: {  	v2 =	vsub.f32 v3, v2  }
0x2d9: {  	v3 =	vpop (erf)  }
0x2da: {  	v2 =	vmul.f32 v3, v2  }
0x2db: {  	(erf) = vrcp.f32 v10  }
0x2dc: {  	[tilespmem:s9+$0x1F030] =	vst v2  }
0x2dd: {  	v2 =	vld.idx.msk [tilespmem:v54+s30+$0x0], $0xffff  }
0x2de: {  	v3 =	vld.idx.msk [tilespmem:v55+s30+$0x0], $0xffff;
	_ =	sdelay $0x1  }
0x2df: {  	v56 =	vld [tilespmem:s9+$0x1C050]  }
0x2e0: {  	v57 =	vld [tilespmem:s9+$0x1D050];
	_ =	sdelay $0x1  }
0x2e1: {  	v2 =	vsub.f32 v3, v2  }
0x2e2: {  	v3 =	vpop (erf)  }
0x2e3: {  	v2 =	vmul.f32 v3, v2  }
0x2e4: {  	(erf) = vrcp.f32 v41  }
0x2e5: {  	[tilespmem:s9+$0x1F040] =	vst v2  }
0x2e6: {  	v2 =	vld.idx.msk [tilespmem:v56+s30+$0x0], $0xffff  }
0x2e7: {  	v3 =	vld.idx.msk [tilespmem:v57+s30+$0x0], $0xffff;
	_ =	sdelay $0x1  }
0x2e8: {  	v58 =	vld [tilespmem:s9+$0x1C060]  }
0x2e9: {  	v59 =	vld [tilespmem:s9+$0x1D060];
	_ =	sdelay $0x1  }
0x2ea: {  	v2 =	vsub.f32 v3, v2  }
0x2eb: {  	v3 =	vpop (erf)  }
0x2ec: {  	v2 =	vmul.f32 v3, v2  }
0x2ed: {  	(erf) = vrcp.f32 v42  }
0x2ee: {  	[tilespmem:s9+$0x1F050] =	vst v2  }
0x2ef: {  	v2 =	vld.idx.msk [tilespmem:v58+s30+$0x0], $0xffff  }
0x2f0: {  	v3 =	vld.idx.msk [tilespmem:v59+s30+$0x0], $0xffff  }
0x2f1: {  	v60 =	vld [tilespmem:s9+$0x1E070]  }
0x2f2: {  	v61 =	vld [tilespmem:s9+$0x1C070]  }
0x2f3: {  	v62 =	vld [tilespmem:s9+$0x1D070];
	_ =	sdelay $0x1  }
0x2f4: {  	v2 =	vsub.f32 v3, v2  }
0x2f5: {  	v3 =	vpop (erf)  }
0x2f6: {  	v2 =	vmul.f32 v3, v2  }
0x2f7: {  	(erf) = vrcp.f32 v60  }
0x2f8: {  	[tilespmem:s9+$0x1F060] =	vst v2  }
0x2f9: {  	v2 =	vld.idx.msk [tilespmem:v61+s30+$0x0], $0xffff  }
0x2fa: {  	v3 =	vld.idx.msk [tilespmem:v62+s30+$0x0], $0xffff;
	_ =	sdelay $0x4  }
0x2fb: {  	v2 =	vsub.f32 v3, v2  }
0x2fc: {  	v3 =	vpop (erf)  }
0x2fd: {  	v2 =	vmul.f32 v3, v2;
	_ =	sdelay $0x1  }
0x2fe: {  	[tilespmem:s9+$0x1F070] =	vst v2  }
.LBB2_14:
0x2ff: {  	_ =	swait.ge [sflag:s20], $0x80  }
0x300: {  	[sflag:s20] =	ssyncset.done $0x0  }
0x301: {  	[sflag:s20] =	ssyncadd.s32 $0xFFFFFF80  }
0x302: {  	_ =	swait.ge [sflag:s2], $0x80  }
0x303: {  	[sflag:s2] =	ssyncset.done $0x0  }
0x304: {  	[sflag:s2] =	ssyncadd.s32 $0xFFFFFF80  }
0x305: {  	_ =	swait.ge [sflag:s20], $0x80  }
0x306: {  	[sflag:s20] =	ssyncset.done $0x0  }
0x307: {  	[sflag:s20] =	ssyncadd.s32 $0xFFFFFF80  }
0x308: {  	_ =	swait.ge [sflag:s2], $0x80  }
0x309: {  	[sflag:s2] =	ssyncset.done $0x0  }
0x30a: {  	[sflag:s2] =	ssyncadd.s32 $0xFFFFFF80  }
0x30b: {  	_ =	swait.ge [sflag:s20], $0x80  }
0x30c: {  	[sflag:s20] =	ssyncset.done $0x0  }
0x30d: {  	[sflag:s20] =	ssyncadd.s32 $0xFFFFFF80  }
0x30e: {  	_ =	swait.ge [sflag:s2], $0x80  }
0x30f: {  	[sflag:s2] =	ssyncset.done $0x0  }
0x310: {  	[sflag:s2] =	ssyncadd.s32 $0xFFFFFF80  }
0x311: {  	_ =	swait.ge [sflag:s20], $0x80  }
0x312: {  	[sflag:s20] =	ssyncset.done $0x0  }
0x313: {  	[sflag:s20] =	ssyncadd.s32 $0xFFFFFF80  }
0x314: {  	_ =	swait.ge [sflag:s2], $0x80  }
0x315: {  	[sflag:s2] =	ssyncset.done $0x0  }
0x316: {  	[sflag:s2] =	ssyncadd.s32 $0xFFFFFF80  }
0x317: {  	_ =	swait.ge [sflag:s20], $0x80  }
0x318: {  	[sflag:s20] =	ssyncset.done $0x0  }
0x319: {  	[sflag:s20] =	ssyncadd.s32 $0xFFFFFF80  }
0x31a: {  	_ =	swait.ge [sflag:s2], $0x80  }
0x31b: {  	[sflag:s2] =	ssyncset.done $0x0  }
0x31c: {  	[sflag:s2] =	ssyncadd.s32 $0xFFFFFF80  }
0x31d: {  	_ =	swait.ge [sflag:s20], $0x80  }
0x31e: {  	[sflag:s20] =	ssyncset.done $0x0  }
0x31f: {  	[sflag:s20] =	ssyncadd.s32 $0xFFFFFF80  }
0x320: {  	_ =	swait.ge [sflag:s2], $0x80  }
0x321: {  	[sflag:s2] =	ssyncset.done $0x0  }
0x322: {  	[sflag:s2] =	ssyncadd.s32 $0xFFFFFF80  }
0x323: {  	_ =	swait.ge [sflag:s20], $0x80  }
0x324: {  	[sflag:s20] =	ssyncset.done $0x0  }
0x325: {  	[sflag:s20] =	ssyncadd.s32 $0xFFFFFF80  }
0x326: {  	_ =	swait.ge [sflag:s2], $0x80  }
0x327: {  	[sflag:s2] =	ssyncset.done $0x0  }
0x328: {  	[sflag:s2] =	ssyncadd.s32 $0xFFFFFF80  }
0x329: {  	_ =	swait.ge [sflag:s20], $0x80  }
0x32a: {  	[sflag:s20] =	ssyncset.done $0x0  }
0x32b: {  	[sflag:s20] =	ssyncadd.s32 $0xFFFFFF80  }
0x32c: {  	_ =	swait.ge [sflag:s2], $0x80  }
0x32d: {  	[sflag:s2] =	ssyncset.done $0x0  }
0x32e: {  	[sflag:s2] =	ssyncadd.s32 $0xFFFFFF80  }
0x32f: {  	_ =	swait.ge [sflag:s20], $0x80  }
0x330: {  	[sflag:s20] =	ssyncset.done $0x0  }
0x331: {  	[sflag:s20] =	ssyncadd.s32 $0xFFFFFF80  }
0x332: {  	_ =	swait.ge [sflag:s2], $0x80  }
0x333: {  	[sflag:s2] =	ssyncset.done $0x0  }
0x334: {  	[sflag:s2] =	ssyncadd.s32 $0xFFFFFF80  }
0x335: {  	_ =	swait.ge [sflag:s20], $0x80  }
0x336: {  	[sflag:s20] =	ssyncset.done $0x0  }
0x337: {  	[sflag:s20] =	ssyncadd.s32 $0xFFFFFF80  }
0x338: {  	_ =	swait.ge [sflag:s2], $0x80  }
0x339: {  	[sflag:s2] =	ssyncset.done $0x0  }
0x33a: {  	[sflag:s2] =	ssyncadd.s32 $0xFFFFFF80  }
0x33b: {  	_ =	swait.ge [sflag:s20], $0x80  }
0x33c: {  	[sflag:s20] =	ssyncset.done $0x0  }
0x33d: {  	[sflag:s20] =	ssyncadd.s32 $0xFFFFFF80  }
0x33e: {  	_ =	swait.ge [sflag:s2], $0x80  }
0x33f: {  	[sflag:s2] =	ssyncset.done $0x0  }
0x340: {  	[sflag:s2] =	ssyncadd.s32 $0xFFFFFF80  }
0x341: {  	_ =	swait.ge [sflag:s20], $0x80  }
0x342: {  	[sflag:s20] =	ssyncset.done $0x0  }
0x343: {  	[sflag:s20] =	ssyncadd.s32 $0xFFFFFF80  }
0x344: {  	_ =	swait.ge [sflag:s2], $0x80  }
0x345: {  	[sflag:s2] =	ssyncset.done $0x0  }
0x346: {  	[sflag:s2] =	ssyncadd.s32 $0xFFFFFF80  }
0x347: {  	_ =	swait.ge [sflag:s20], $0x80  }
0x348: {  	[sflag:s20] =	ssyncset.done $0x0  }
0x349: {  	[sflag:s20] =	ssyncadd.s32 $0xFFFFFF80  }
0x34a: {  	_ =	swait.ge [sflag:s2], $0x80  }
0x34b: {  	[sflag:s2] =	ssyncset.done $0x0  }
0x34c: {  	[sflag:s2] =	ssyncadd.s32 $0xFFFFFF80  }
0x34d: {  	_ =	swait.ge [sflag:s20], $0x80  }
0x34e: {  	[sflag:s20] =	ssyncset.done $0x0  }
0x34f: {  	[sflag:s20] =	ssyncadd.s32 $0xFFFFFF80  }
0x350: {  	_ =	swait.ge [sflag:s2], $0x80  }
0x351: {  	[sflag:s2] =	ssyncset.done $0x0  }
0x352: {  	[sflag:s2] =	ssyncadd.s32 $0xFFFFFF80  }
0x353: {  	_ =	swait.ge [sflag:s20], $0x80  }
0x354: {  	[sflag:s20] =	ssyncset.done $0x0  }
0x355: {  	[sflag:s20] =	ssyncadd.s32 $0xFFFFFF80  }
0x356: {  	_ =	swait.ge [sflag:s2], $0x80  }
0x357: {  	[sflag:s2] =	ssyncset.done $0x0  }
0x358: {  	[sflag:s2] =	ssyncadd.s32 $0xFFFFFF80  }
0x359: {  	_ =	swait.ge [sflag:s20], $0x80  }
0x35a: {  	[sflag:s20] =	ssyncset.done $0x0  }
0x35b: {  	[sflag:s20] =	ssyncadd.s32 $0xFFFFFF80  }
0x35c: {  	_ =	swait.ge [sflag:s2], $0x80  }
0x35d: {  	s9 =	rddreg [dreg:$0x10]  }
0x35e: {  	s9 =	sadd.s32 s9, s23  }
0x35f: {  	[sflag:s2] =	ssyncset.done $0x0;
	p3 =	sgt.u32 s9, $0xC34  }
0x360: {  	[sflag:s2] =	ssyncadd.s32 $0xFFFFFF80;
	s9 =	sshll.u32 @!p3 s9, $0x8  }
0x361: {  	s17 =	simm.s32 @!p3 $0x0;
	s23 =	simm.s32 @!p3 $0x1B800;
	s13 =	sadd.s32 @!p3 s5, s9  }
0x362: {  	[tilespmem:s23], [sflag:$0x1] =	stream.linear.gather @!p3 [hbm4b:s13+s17], $0x800, $0x38;
	v63 =	vld [tilespmem:$0x0]  }
.Ltmp10:
0x363: {  	_ = 	snop;
	(pc) =	sbr.rel @p2 .LBB2_16-.Ltmp10, $4  }
0x364: {  	s13 =	sadd.s32 @!p3 s9, s15;
	s23 =	simm.s32 @!p3 $0x1C800  }
0x365: {  	[tilespmem:s23], [sflag:$0x1] =	stream.linear.gather @!p3 [hbm4b:s13+s17], $0x800, $0x38;
	v63 =	vld [tilespmem:$0x0]  }
0x366: {  	s9 =	sadd.s32 @!p3 s6, s9;
	s13 =	simm.s32 @!p3 $0x1D800  }
0x367: {  	[tilespmem:s13], [sflag:$0x1] =	stream.linear.gather @!p3 [hbm4b:s9+s17], $0x800, $0x38;
	v63 =	vld [tilespmem:$0x0]  }
0x368: {  	s13 =	simm.s32 $0x1D000;
	s9 =	simm.s32 $0x1F000  }
0x369: {  	[spmem:s3] =	stream.indirect.scatter.add.f32 [tilespmem:s9], [sflag:$0x4], $0x1, s13, s31, $0xb8;
	v63 =	vld [tilespmem:$0x0]  }
0x36a: {  	s26 =	simm.s32 $0x1F800  }
0x36b: {  	[spmem:s1] =	stream.indirect.scatter.add.f32 [tilespmem:s26], [sflag:$0x6], $0x1, s13, s31, $0xb8;
	v63 =	vld [tilespmem:$0x0]  }
0x36c: {  	s17 =	simm.s32 $0x1D080;
	s23 =	simm.s32 $0x1F080  }
0x36d: {  	[spmem:s3] =	stream.indirect.scatter.add.f32 [tilespmem:s23], [sflag:$0x4], $0x1, s17, s31, $0xb8;
	v63 =	vld [tilespmem:$0x0]  }
0x36e: {  	s26 =	simm.s32 $0x1F880  }
0x36f: {  	[spmem:s1] =	stream.indirect.scatter.add.f32 [tilespmem:s26], [sflag:$0x6], $0x1, s17, s31, $0xb8;
	v63 =	vld [tilespmem:$0x0]  }
0x370: {  	s23 =	simm.s32 $0x1F100;
	s17 =	simm.s32 $0x1D100  }
0x371: {  	[spmem:s3] =	stream.indirect.scatter.add.f32 [tilespmem:s23], [sflag:$0x4], $0x1, s17, s31, $0xb8;
	v63 =	vld [tilespmem:$0x0]  }
0x372: {  	s26 =	simm.s32 $0x1F900  }
0x373: {  	[spmem:s1] =	stream.indirect.scatter.add.f32 [tilespmem:s26], [sflag:$0x6], $0x1, s17, s31, $0xb8;
	v63 =	vld [tilespmem:$0x0]  }
0x374: {  	s23 =	simm.s32 $0x1F180;
	s17 =	simm.s32 $0x1D180  }
0x375: {  	[spmem:s3] =	stream.indirect.scatter.add.f32 [tilespmem:s23], [sflag:$0x4], $0x1, s17, s31, $0xb8;
	v63 =	vld [tilespmem:$0x0]  }
0x376: {  	s26 =	simm.s32 $0x1F980  }
0x377: {  	[spmem:s1] =	stream.indirect.scatter.add.f32 [tilespmem:s26], [sflag:$0x6], $0x1, s17, s31, $0xb8;
	v63 =	vld [tilespmem:$0x0]  }
0x378: {  	s23 =	simm.s32 $0x1F200;
	s17 =	simm.s32 $0x1D200  }
0x379: {  	[spmem:s3] =	stream.indirect.scatter.add.f32 [tilespmem:s23], [sflag:$0x4], $0x1, s17, s31, $0xb8;
	v63 =	vld [tilespmem:$0x0]  }
0x37a: {  	s26 =	simm.s32 $0x1FA00  }
0x37b: {  	[spmem:s1] =	stream.indirect.scatter.add.f32 [tilespmem:s26], [sflag:$0x6], $0x1, s17, s31, $0xb8;
	v63 =	vld [tilespmem:$0x0]  }
0x37c: {  	s23 =	simm.s32 $0x1F280;
	s17 =	simm.s32 $0x1D280  }
0x37d: {  	[spmem:s3] =	stream.indirect.scatter.add.f32 [tilespmem:s23], [sflag:$0x4], $0x1, s17, s31, $0xb8;
	v63 =	vld [tilespmem:$0x0]  }
0x37e: {  	s26 =	simm.s32 $0x1FA80  }
0x37f: {  	[spmem:s1] =	stream.indirect.scatter.add.f32 [tilespmem:s26], [sflag:$0x6], $0x1, s17, s31, $0xb8;
	v63 =	vld [tilespmem:$0x0]  }
0x380: {  	s23 =	simm.s32 $0x1F300;
	s17 =	simm.s32 $0x1D300  }
0x381: {  	[spmem:s3] =	stream.indirect.scatter.add.f32 [tilespmem:s23], [sflag:$0x4], $0x1, s17, s31, $0xb8;
	v63 =	vld [tilespmem:$0x0]  }
0x382: {  	s26 =	simm.s32 $0x1FB00  }
0x383: {  	[spmem:s1] =	stream.indirect.scatter.add.f32 [tilespmem:s26], [sflag:$0x6], $0x1, s17, s31, $0xb8;
	v63 =	vld [tilespmem:$0x0]  }
0x384: {  	s23 =	simm.s32 $0x1F380;
	s17 =	simm.s32 $0x1D380  }
0x385: {  	[spmem:s3] =	stream.indirect.scatter.add.f32 [tilespmem:s23], [sflag:$0x4], $0x1, s17, s31, $0xb8;
	v63 =	vld [tilespmem:$0x0]  }
0x386: {  	s26 =	simm.s32 $0x1FB80  }
0x387: {  	[spmem:s1] =	stream.indirect.scatter.add.f32 [tilespmem:s26], [sflag:$0x6], $0x1, s17, s31, $0xb8;
	v63 =	vld [tilespmem:$0x0]  }
0x388: {  	s23 =	simm.s32 $0x1F400;
	s17 =	simm.s32 $0x1D400  }
0x389: {  	[spmem:s3] =	stream.indirect.scatter.add.f32 [tilespmem:s23], [sflag:$0x4], $0x1, s17, s31, $0xb8;
	v63 =	vld [tilespmem:$0x0]  }
0x38a: {  	s26 =	simm.s32 $0x1FC00  }
0x38b: {  	[spmem:s1] =	stream.indirect.scatter.add.f32 [tilespmem:s26], [sflag:$0x6], $0x1, s17, s31, $0xb8;
	v63 =	vld [tilespmem:$0x0]  }
0x38c: {  	s23 =	simm.s32 $0x1F480;
	s17 =	simm.s32 $0x1D480  }
0x38d: {  	[spmem:s3] =	stream.indirect.scatter.add.f32 [tilespmem:s23], [sflag:$0x4], $0x1, s17, s31, $0xb8;
	v63 =	vld [tilespmem:$0x0]  }
0x38e: {  	s26 =	simm.s32 $0x1FC80  }
0x38f: {  	[spmem:s1] =	stream.indirect.scatter.add.f32 [tilespmem:s26], [sflag:$0x6], $0x1, s17, s31, $0xb8;
	v63 =	vld [tilespmem:$0x0]  }
0x390: {  	s23 =	simm.s32 $0x1F500;
	s17 =	simm.s32 $0x1D500  }
0x391: {  	[spmem:s3] =	stream.indirect.scatter.add.f32 [tilespmem:s23], [sflag:$0x4], $0x1, s17, s31, $0xb8;
	v63 =	vld [tilespmem:$0x0]  }
0x392: {  	s26 =	simm.s32 $0x1FD00  }
0x393: {  	[spmem:s1] =	stream.indirect.scatter.add.f32 [tilespmem:s26], [sflag:$0x6], $0x1, s17, s31, $0xb8;
	v63 =	vld [tilespmem:$0x0]  }
0x394: {  	s23 =	simm.s32 $0x1F580;
	s17 =	simm.s32 $0x1D580  }
0x395: {  	[spmem:s3] =	stream.indirect.scatter.add.f32 [tilespmem:s23], [sflag:$0x4], $0x1, s17, s31, $0xb8;
	v63 =	vld [tilespmem:$0x0]  }
0x396: {  	s26 =	simm.s32 $0x1FD80  }
0x397: {  	[spmem:s1] =	stream.indirect.scatter.add.f32 [tilespmem:s26], [sflag:$0x6], $0x1, s17, s31, $0xb8;
	v63 =	vld [tilespmem:$0x0]  }
0x398: {  	s23 =	simm.s32 $0x1F600;
	s17 =	simm.s32 $0x1D600  }
0x399: {  	[spmem:s3] =	stream.indirect.scatter.add.f32 [tilespmem:s23], [sflag:$0x4], $0x1, s17, s31, $0xb8;
	v63 =	vld [tilespmem:$0x0]  }
0x39a: {  	s26 =	simm.s32 $0x1FE00  }
0x39b: {  	[spmem:s1] =	stream.indirect.scatter.add.f32 [tilespmem:s26], [sflag:$0x6], $0x1, s17, s31, $0xb8;
	v63 =	vld [tilespmem:$0x0]  }
0x39c: {  	s23 =	simm.s32 $0x1F680;
	s17 =	simm.s32 $0x1D680  }
0x39d: {  	[spmem:s3] =	stream.indirect.scatter.add.f32 [tilespmem:s23], [sflag:$0x4], $0x1, s17, s31, $0xb8;
	v63 =	vld [tilespmem:$0x0]  }
0x39e: {  	s26 =	simm.s32 $0x1FE80  }
0x39f: {  	[spmem:s1] =	stream.indirect.scatter.add.f32 [tilespmem:s26], [sflag:$0x6], $0x1, s17, s31, $0xb8;
	v63 =	vld [tilespmem:$0x0]  }
0x3a0: {  	s23 =	simm.s32 $0x1F700;
	s17 =	simm.s32 $0x1D700  }
0x3a1: {  	[spmem:s3] =	stream.indirect.scatter.add.f32 [tilespmem:s23], [sflag:$0x4], $0x1, s17, s31, $0xb8;
	v63 =	vld [tilespmem:$0x0]  }
0x3a2: {  	s26 =	simm.s32 $0x1FF00  }
0x3a3: {  	[spmem:s1] =	stream.indirect.scatter.add.f32 [tilespmem:s26], [sflag:$0x6], $0x1, s17, s31, $0xb8;
	v63 =	vld [tilespmem:$0x0]  }
.Ltmp11:
0x3a4: {  	_ = 	snop;
	(pc) =	sbr.rel .LBB2_16-.Ltmp11, $4  }
0x3a5: {  	s23 =	simm.s32 $0x1F780;
	s17 =	simm.s32 $0x1D780  }
0x3a6: {  	[spmem:s3] =	stream.indirect.scatter.add.f32 [tilespmem:s23], [sflag:$0x4], $0x1, s17, s31, $0xb8;
	v63 =	vld [tilespmem:$0x0]  }
0x3a7: {  	s26 =	simm.s32 $0x1FF80  }
0x3a8: {  	[spmem:s1] =	stream.indirect.scatter.add.f32 [tilespmem:s26], [sflag:$0x6], $0x1, s17, s31, $0xb8;
	v63 =	vld [tilespmem:$0x0]  }
.LBB2_17:
.Ltmp12:
0x3a9: {  	(pc) =	sbr.rel @p1 .LBB2_19-.Ltmp12, $2  }
0x3aa: {  	_ =	sdelay $0x2  }
0x3ab: {  	s21 =	rddreg [dreg:$0x15]  }
0x3ac: {  	_ =	swait.ge [sflag:s24], $0x80  }
0x3ad: {  	[sflag:s24] =	ssyncset.done $0x0  }
0x3ae: {  	[sflag:s24] =	ssyncadd.s32 $0xFFFFFF80  }
0x3af: {  	_ =	swait.ge [sflag:s0], $0x80  }
0x3b0: {  	[sflag:s0] =	ssyncset.done $0x0  }
0x3b1: {  	[sflag:s0] =	ssyncadd.s32 $0xFFFFFF80  }
0x3b2: {  	_ =	swait.ge [sflag:s24], $0x80  }
0x3b3: {  	[sflag:s24] =	ssyncset.done $0x0  }
0x3b4: {  	[sflag:s24] =	ssyncadd.s32 $0xFFFFFF80  }
0x3b5: {  	_ =	swait.ge [sflag:s0], $0x80  }
0x3b6: {  	[sflag:s0] =	ssyncset.done $0x0  }
0x3b7: {  	[sflag:s0] =	ssyncadd.s32 $0xFFFFFF80  }
0x3b8: {  	_ =	swait.ge [sflag:s24], $0x80  }
0x3b9: {  	[sflag:s24] =	ssyncset.done $0x0  }
0x3ba: {  	[sflag:s24] =	ssyncadd.s32 $0xFFFFFF80  }
0x3bb: {  	_ =	swait.ge [sflag:s0], $0x80  }
0x3bc: {  	[sflag:s0] =	ssyncset.done $0x0  }
0x3bd: {  	[sflag:s0] =	ssyncadd.s32 $0xFFFFFF80  }
0x3be: {  	_ =	swait.ge [sflag:s24], $0x80  }
0x3bf: {  	[sflag:s24] =	ssyncset.done $0x0  }
0x3c0: {  	[sflag:s24] =	ssyncadd.s32 $0xFFFFFF80  }
0x3c1: {  	_ =	swait.ge [sflag:s0], $0x80  }
0x3c2: {  	[sflag:s0] =	ssyncset.done $0x0  }
0x3c3: {  	[sflag:s0] =	ssyncadd.s32 $0xFFFFFF80  }
0x3c4: {  	_ =	swait.ge [sflag:s24], $0x80  }
0x3c5: {  	[sflag:s24] =	ssyncset.done $0x0  }
0x3c6: {  	[sflag:s24] =	ssyncadd.s32 $0xFFFFFF80  }
0x3c7: {  	_ =	swait.ge [sflag:s0], $0x80  }
0x3c8: {  	[sflag:s0] =	ssyncset.done $0x0  }
0x3c9: {  	[sflag:s0] =	ssyncadd.s32 $0xFFFFFF80  }
0x3ca: {  	_ =	swait.ge [sflag:s24], $0x80  }
0x3cb: {  	[sflag:s24] =	ssyncset.done $0x0  }
0x3cc: {  	[sflag:s24] =	ssyncadd.s32 $0xFFFFFF80  }
0x3cd: {  	_ =	swait.ge [sflag:s0], $0x80  }
0x3ce: {  	[sflag:s0] =	ssyncset.done $0x0  }
0x3cf: {  	[sflag:s0] =	ssyncadd.s32 $0xFFFFFF80  }
0x3d0: {  	_ =	swait.ge [sflag:s24], $0x80  }
0x3d1: {  	[sflag:s24] =	ssyncset.done $0x0  }
0x3d2: {  	[sflag:s24] =	ssyncadd.s32 $0xFFFFFF80  }
0x3d3: {  	_ =	swait.ge [sflag:s0], $0x80  }
0x3d4: {  	[sflag:s0] =	ssyncset.done $0x0  }
0x3d5: {  	[sflag:s0] =	ssyncadd.s32 $0xFFFFFF80  }
0x3d6: {  	_ =	swait.ge [sflag:s24], $0x80  }
0x3d7: {  	[sflag:s24] =	ssyncset.done $0x0  }
0x3d8: {  	[sflag:s24] =	ssyncadd.s32 $0xFFFFFF80  }
0x3d9: {  	_ =	swait.ge [sflag:s0], $0x80  }
0x3da: {  	[sflag:s0] =	ssyncset.done $0x0  }
0x3db: {  	[sflag:s0] =	ssyncadd.s32 $0xFFFFFF80  }
0x3dc: {  	_ =	swait.ge [sflag:s24], $0x80  }
0x3dd: {  	[sflag:s24] =	ssyncset.done $0x0  }
0x3de: {  	[sflag:s24] =	ssyncadd.s32 $0xFFFFFF80  }
0x3df: {  	_ =	swait.ge [sflag:s0], $0x80  }
0x3e0: {  	[sflag:s0] =	ssyncset.done $0x0  }
0x3e1: {  	[sflag:s0] =	ssyncadd.s32 $0xFFFFFF80  }
0x3e2: {  	_ =	swait.ge [sflag:s24], $0x80  }
0x3e3: {  	[sflag:s24] =	ssyncset.done $0x0  }
0x3e4: {  	[sflag:s24] =	ssyncadd.s32 $0xFFFFFF80  }
0x3e5: {  	_ =	swait.ge [sflag:s0], $0x80  }
0x3e6: {  	[sflag:s0] =	ssyncset.done $0x0  }
0x3e7: {  	[sflag:s0] =	ssyncadd.s32 $0xFFFFFF80  }
0x3e8: {  	_ =	swait.ge [sflag:s24], $0x80  }
0x3e9: {  	[sflag:s24] =	ssyncset.done $0x0  }
0x3ea: {  	[sflag:s24] =	ssyncadd.s32 $0xFFFFFF80  }
0x3eb: {  	_ =	swait.ge [sflag:s0], $0x80  }
0x3ec: {  	[sflag:s0] =	ssyncset.done $0x0  }
0x3ed: {  	[sflag:s0] =	ssyncadd.s32 $0xFFFFFF80  }
0x3ee: {  	_ =	swait.ge [sflag:s24], $0x80  }
0x3ef: {  	[sflag:s24] =	ssyncset.done $0x0  }
0x3f0: {  	[sflag:s24] =	ssyncadd.s32 $0xFFFFFF80  }
0x3f1: {  	_ =	swait.ge [sflag:s0], $0x80  }
0x3f2: {  	[sflag:s0] =	ssyncset.done $0x0  }
0x3f3: {  	[sflag:s0] =	ssyncadd.s32 $0xFFFFFF80  }
0x3f4: {  	_ =	swait.ge [sflag:s24], $0x80  }
0x3f5: {  	[sflag:s24] =	ssyncset.done $0x0  }
0x3f6: {  	[sflag:s24] =	ssyncadd.s32 $0xFFFFFF80  }
0x3f7: {  	_ =	swait.ge [sflag:s0], $0x80  }
0x3f8: {  	[sflag:s0] =	ssyncset.done $0x0  }
0x3f9: {  	[sflag:s0] =	ssyncadd.s32 $0xFFFFFF80  }
0x3fa: {  	_ =	swait.ge [sflag:s24], $0x80  }
0x3fb: {  	[sflag:s24] =	ssyncset.done $0x0  }
0x3fc: {  	[sflag:s24] =	ssyncadd.s32 $0xFFFFFF80  }
0x3fd: {  	_ =	swait.ge [sflag:s0], $0x80  }
0x3fe: {  	[sflag:s0] =	ssyncset.done $0x0  }
0x3ff: {  	[sflag:s0] =	ssyncadd.s32 $0xFFFFFF80  }
0x400: {  	_ =	swait.ge [sflag:s24], $0x80  }
0x401: {  	[sflag:s24] =	ssyncset.done $0x0  }
0x402: {  	[sflag:s24] =	ssyncadd.s32 $0xFFFFFF80  }
0x403: {  	_ =	swait.ge [sflag:s0], $0x80  }
0x404: {  	[sflag:s0] =	ssyncset.done $0x0  }
0x405: {  	[sflag:s0] =	ssyncadd.s32 $0xFFFFFF80  }
0x406: {  	_ =	swait.ge [sflag:s24], $0x80  }
.Ltmp13:
0x407: {  	[sflag:s24] =	ssyncset.done $0x0;
	(pc) =	sbr.rel .LBB2_19-.Ltmp13, $4  }
0x408: {  	[sflag:s24] =	ssyncadd.s32 $0xFFFFFF80  }
0x409: {  	_ =	swait.ge [sflag:s0], $0x80  }
0x40a: {  	[sflag:s0] =	ssyncset.done $0x0  }
0x40b: {  	[sflag:s0] =	ssyncadd.s32 $0xFFFFFF80  }
.LBB2_20:
0x40c: {  	_ =	sfence.sel $0x180000  }
0x40d: {  	[bflag:$0x0] =	sbarrier.arrive $0xFFFF  }
0x40e: {  	_ =	strace $0x9000004A  }
0x40f: {  	[bflag:$0x2] =	sbarrier.arrive $0xFFFF  }
0x410: {  	s0 =	rddreg [dreg:$0x4]  }
0x411: {  	s0 =	sadd.s32 @!p0 $0x100000, s0  }
0x412: {  	[sflag:s0] =	ssyncadd.tile.s32 @!p0 $0x1;
	_ =	shalt  }
.Lfunc_end2:
_tile_overlayer_lowered:
.L_overlay_start_2:
0x413: {  	(tag) =	ssettag $0x2  }
0x414: {  	s0 =	rddreg [dreg:$0x0];
	s2 =	stileid.u32  }
0x415: {  	s1 =	rddreg [dreg:$0x1];
	p0 =	sne.s32 s2, $0x0  }
0x416: {  	s3 =	rddreg [dreg:$0x2];
	[bflag:$0x3] =	sbarrier.arrive $0xFFFF;
	s2 =	simm.s32 @!p0 $0x1C07  }
0x417: {  	[timem:s3], [sflag:s2] =	dma.local @!p0 [hbm:s0], s1  }
0x418: {  	s0 =	simm.s32 @!p0 $0x7  }
0x419: {  	_ =	swait.ge @!p0 [sflag:s0], s1  }
0x41a: {  	s1 =	ssub.s32 @!p0 $0x0, s1;
	[sflag:s0] =	ssyncset.done @!p0 $0x0  }
0x41b: {  	[sflag:s0] =	ssyncadd.s32 @!p0 s1  }
0x41c: {  	[bflag:$0x3] =	sbarrier.arrive $0xFFFF  }
0x41d: {  	_ =	shalt  }

// kernel: sparse-core-data-format-call.cloned.1.call-start
scs
called_computation_lowered:
.L_overlay_start_0:
0x0: {  	s2 =	sld [smem:$0x3FD9]  }
0x1: {  	s3 =	sld [smem:$0x3FFE];
	_ =	sdelay $0x1  }
0x2: {  	s1 =	srdreg.scid  }
0x3: {  	s0 =	sand.u32 $0x1, s1  }
0x4: {  	s18 =	sshll.u32 s0, $0xA;
	s2 =	sadd.s32 s3, s2  }
0x5: {  	s2 =	sadd.s32 s2, s18  }
0x6: {  	[smem:$0x3FC2] =	sst s2  }
0x7: {  	_ = 	snop  }
0x8: {  	s2 =	sld [smem:$0x3FC7];
	(tm) =	ssettm $0x1  }
0x9: {  	s19 =	sld [smem:$0x3FFB];
	_ =	sdelay $0x3  }
0xa: {  	_ =	strace s19  }
0xb: {  	s3 =	sld [smem:$0x3FFC];
	_ =	sdelay $0x3  }
0xc: {  	_ =	strace s3  }
0xd: {  	s3 =	sld [smem:$0x3FFD];
	_ =	sdelay $0x3  }
0xe: {  	_ =	strace s3  }
0xf: {  	_ =	strace $0x8FFFFFFF  }
0x10: {  	s20 =	sld [smem:$0x3FDB];
	_ =	sdelay $0x1  }
0x11: {  	s4 =	simm.s32 $_scs_section_size  }
0x12: {  	s5 =	simm.s32 $_size__tile_overlayer_lowered;
	s6 =	simm.s32 $_tile_overlayer_lowered  }
0x13: {  	s23 =	simm.s32 $0x1BFF;
	s22 =	sshll.u32 s6, $0x1;
	s3 =	sadd.s32 s4, s20  }
0x14: {  	s7 =	simm.s32 $0x0;
	s21 =	sshll.u32 s5, $0x1;
	s5 =	sadd.s32 s22, s3  }
0x15: {  	[timem:s7], [sflag:s23] =	dma.local [hbm:s5], s21  }
0x16: {  	_ =	swait.ge [sflag:s23], s21  }
0x17: {  	s4 =	ssub.s32 $0x0, s21;
	[sflag:s23] =	ssyncset.done $0x0  }
0x18: {  	[sflag:s23] =	ssyncadd.s32 s4;
	_ =	sdelay $0x1  }
0x19: {  	s24 =	simm.s32 $0x1B8B  }
0x1a: {  	_ =	swait.ge [sflag:s24], $0x1  }
0x1b: {  	[sflag:s24] =	ssyncset.done $0x0  }
0x1c: {  	s26 =	simm.s32 $0x1B8E;
	s25 =	sld [smem:$0x3FFE];
	[sflag:s24] =	ssyncadd.s32 $0xFFFFFFFF  }
0x1d: {  	s27 =	simm.s32 $execute0_lowered;
	[smem:$0x3FD2] =	sst s26  }
0x1e: {  	s5 =	sshll.u32 s27, $0x1;
	_ =	strace $0x80000046;
	[dreg:$0x1] =	wrdreg $0xFFFFFFFF  }
0x1f: {  	s28 =	simm.s32 $_size_execute0_lowered;
	s3 =	sadd.s32 s3, s5;
	[dreg:$0x0] =	wrdreg $0x0  }
0x20: {  	s5 =	sshll.u32 s28, $0x1;
	[dreg:$0x2] =	wrdreg s3  }
0x21: {  	[dreg:$0x3] =	wrdreg s5  }
0x22: {  	[dreg:$0x4] =	wrdreg $0xC0  }
0x23: {  	_ =	task [dreg:s7], $0x5FFFF  }
0x24: {  	[dreg:$0x1] =	wrdreg $0xFFFFFFFF  }
0x25: {  	[dreg:$0x0] =	wrdreg $0x60  }
0x26: {  	[dreg:$0x2] =	wrdreg s2  }
0x27: {  	[dreg:$0x3] =	wrdreg s25  }
0x28: {  	[dreg:$0x4] =	wrdreg $0x9  }
0x29: {  	_ =	task.clear_ibuf [dreg:s7], $0x5FFFF;
	_ =	strace $0x90000046  }
0x2a: {  	s29 =	simm.s32 $0x9;
	_ =	strace $0x80000048  }
0x2b: {  	_ =	swait.ge [sflag:s29], $0x1  }
0x2c: {  	[sflag:s29] =	ssyncadd.s32 $0xFFFFFFFF  }
0x2d: {  	_ =	strace $0x90000048  }
0x2e: {  	_ =	sfence  }
0x2f: {  	s30 =	sld [smem:$0x0];
	_ =	sdelay $0x2  }
0x30: {  	s31 =	sshll.u32 s1, $0xD;
	s1 =	sshrl.u32 s1, $0x2  }
0x31: {  	s3 =	sand.u32 $0x4000, s31;
	s1 =	sadd.s32 s1, s30  }
0x32: {  	s0 =	sor.u32 s3, s0;
	s1 =	sshll.u32 s1, $0x11  }
0x33: {  	s0 =	sor.u32 s1, s0  }
0x34: {  	s0 =	sadd.s32 $0x8F2B, s0  }
0x35: {  	[sflag:s0] =	ssyncadd.remote.s32 $0x1  }
0x36: {  	_ =	sfence.sel $0xFFFF  }
0x37: {  	[dreg:$0x0] =	wrdreg $0xFFFFFFFF;
	(pc) =	sbr.abs _section_cstart, $3  }
0x38: {  	[dreg:$0x1] =	wrdreg $0xFFFFFFFF  }
0x39: {  	_ =	task.clear_ibuf [dreg:s7], $0x2FFFF;
	_ =	strace $0x9FFFFFFF  }
0x3a: {  	(tm) =	ssettm $0x7FFFFFFF  }
0x3b: {  	_ =	shalt  }
tec
execute0_lowered:
.L_overlay_start_1:
0x0: {  	(tag) =	ssettag $0x1  }
0x1: {  	s0 =	stileid.u32;
	s7 =	rddreg [dreg:$0x0]  }
0x2: {  	s1 =	srdreg.scid;
	s4 =	rddreg [dreg:$0x1]  }
0x3: {  	s30 =	simm.s32 $0x2;
	s10 =	simm.s32 $0x0;
	s14 =	simm.s32 $0x0  }
0x4: {  	s15 =	simm.s32 $0x0;
	s11 =	simm.s32 $0x0;
	s13 =	simm.s32 $0x0  }
0x5: {  	s2 =	sand.u32 $0x1, s1;
	s3 =	sshll.u32 s0, $0x7;
	s1 =	rddreg [dreg:$0x2]  }
0x6: {  	_ =	strace $0x80000047;
	s5 =	ssub.s32 $0xC300, s3;
	s6 =	ssub.s32 $0x2, s2  }
.Ltmp0:
0x7: {  	s5 =	sshrl.u32 s5, $0xB;
	s8 =	sshrl.u32 s6, $0x1;
	(pc) =	sbr.rel .LBB1_1-.Ltmp0, $4  }
0x8: {  	s4 =	sadd.s32 $0x1600, s4;
	s9 =	sadd.s32 $0x1, s5;
	s6 =	ssub.s32 s6, s8  }
0x9: {  	s31 =	sshll.u32 s2, $0x4;
	s5 =	simm.s32 $0x1;
	s6 =	smul.u32 s9, s6  }
0xa: {  	s12 =	smov.u32 s3;
	s7 =	sadd.s32 s7, s31;
	[sflag:s5] =	ssyncpa.u1 $0x0  }
0xb: {  	s9 =	simm.s32 $0x0;
	[sflag:s30] =	ssyncpa.u1 $0x0;
	s8 =	sadd.s32 $0x1, s6  }
.LBB1_4:
0xc: {  	s21 =	simm.s32 $0x0  }
.LBB1_8:
0xd: {  	_ =	sdelay $0x3  }
0xe: {  	v6 =	vld [tilespmem:s18+$0xFFFFFFC0];
	[tilespmem:v0+s20+$0x30 ss:$0x1] =	vst.idx.msk @p0 $0xffff, v2  }
0xf: {  	v58 =	vld [tilespmem:s18+$0xFFFFFFD0];
	[tilespmem:v0+s20+$0x40 ss:$0x1] =	vst.idx.msk @p0 $0xffff, v3;
	s21 =	sadd.s32 @p0 $0x80, s21  }
0x10: {  	v59 =	vld [tilespmem:s18+$0xFFFFFFE0];
	[tilespmem:v0+s20+$0x50 ss:$0x1] =	vst.idx.msk @p0 $0xffff, v5;
	s19 =	smov.u32 @p0 s21  }
0x11: {  	v60 =	vld [tilespmem:s18+$0xFFFFFFF0];
	[tilespmem:v0+s20+$0x60 ss:$0x1] =	vst.idx.msk @p0 $0xffff, v4;
	s19 =	sand.u32 $0x3F80, s19  }
0x12: {  	v61 =	vld [tilespmem:s18+$0x0];
	[tilespmem:v0+s19+$0x70 ss:$0x1] =	vst.idx.msk $0xffff, v1  }
0x13: {  	v62 =	vld [tilespmem:s18+$0x10];
	[tilespmem:v0+s19+$0x0 ss:$0x1] =	vst.idx.msk $0xffff, v6  }
0x14: {  	v63 =	vld [tilespmem:s18+$0x20];
	[tilespmem:v0+s19+$0x10 ss:$0x1] =	vst.idx.msk $0xffff, v58  }
0x15: {  	[tilespmem:v0+s19+$0x20 ss:$0x1] =	vst.idx.msk $0xffff, v59  }
0x16: {  	[tilespmem:v0+s19+$0x30 ss:$0x1] =	vst.idx.msk $0xffff, v60  }
0x17: {  	[tilespmem:v0+s19+$0x40 ss:$0x1] =	vst.idx.msk $0xffff, v61  }
0x18: {  	[tilespmem:v0+s19+$0x50 ss:$0x1] =	vst.idx.msk $0xffff, v62  }
0x19: {  	[tilespmem:v0+s19+$0x60 ss:$0x1] =	vst.idx.msk $0xffff, v63  }
.LBB1_9:
0x1a: {  	s18 =	sand.u32 $0x1FFFFFF, s11  }
0x1b: {  	s19 =	smulhi.u32 $0x14F8B59, s18;
	_ =	sdelay $0x1  }
0x1c: {  	s19 =	sshrl.u32 s19, $0x8  }
0x1d: {  	s19 =	smul.u32 $0xC350, s19  }
0x1e: {  	s15 =	smul.u32 $0xC3500, s15  }
0x1f: {  	s18 =	ssub.s32 s18, s19  }
0x20: {  	s15 =	sadd.s32 s4, s15;
	s18 =	sshll.u32 s18, $0x4  }
0x21: {  	s15 =	sadd.s32 s18, s15  }
0x22: {  	[hbm4b:s15+s9] =	stream.linear.scatter [tilespmem:s17], [sflag:$0x2], s16, $0x38;
	[tilespmem:$0x10000] =	vst v63  }
.LBB1_10:
0x23: {  	p0 =	slt.u32 s13, $0x2  }
0x24: {  	p1 =	sgt.s32 @!p0 s14, $0xC2D0  }
0x25: {  	s15 =	smov.u32 s14;
	s16 =	sshra.s32 @!p0 s14, $0x1F;
	p1 =	por !p1, p0  }
0x26: {  	s14 =	sand.u32 @!p0 s16, s14;
	s15 =	simm.s32 @p1 $0xC2D0  }
0x27: {  	s14 =	ssub.s32 @!p0 s15, s14  }
0x28: {  	s14 =	sadd.s32 @!p0 $0xFFFF3D30, s14  }
0x29: {  	s15 =	sshll.u32 @!p0 s14, $0x7  }
0x2a: {  	p1 =	sgt.s32 @!p0 s14, $0x7F;
	s14 =	ssub.s32 @!p0 $0x4000, s15  }
0x2b: {  	s16 =	sadd.s32 $0x800, s12;
	p1 =	por !p1, p0;
	s14 =	sand.u32 @!p0 $0x3FFFFF80, s14  }
0x2c: {  	s14 =	simm.s32 @!p1 $0x0;
	p1 =	sgt.s32 s16, $0xC34F  }
0x2d: {  	s16 =	smov.u32 @p1 s3;
	p1 =	sne.s32 s13, s8  }
.Ltmp1:
0x2e: {  	_ = 	snop;
	(pc) =	sbr.rel @!p1 .LBB1_11-.Ltmp1, $4  }
0x2f: {  	s10 =	sadd.s32 $0x4000, s10;
	s15 =	simm.s32 @!p0 $0x2  }
0x30: {  	_ =	swait.ge @!p0 [sflag:s15], s14;
	s17 =	ssub.s32 @!p0 $0x0, s14;
	s14 =	smov.u32 s11  }
0x31: {  	s13 =	sadd.s32 $0x1, s13;
	s11 =	smov.u32 s12;
	[sflag:s15] =	ssyncset.done @!p0 $0x0  }
0x32: {  	s12 =	smov.u32 s16;
	[sflag:s15] =	ssyncadd.s32 @!p0 s17;
	s15 =	smov.u32 s2  }
.LBB1_1:
0x33: {  	p0 =	sge.u32 s13, s6  }
0x34: {  	p1 =	sgt.s32 @!p0 s12, $0xC2D0  }
0x35: {  	s16 =	smov.u32 s12;
	s17 =	sshra.s32 @!p0 s12, $0x1F;
	p1 =	por !p1, p0  }
0x36: {  	s17 =	sand.u32 @!p0 s17, s12;
	s16 =	simm.s32 @p1 $0xC2D0  }
0x37: {  	s16 =	ssub.s32 @!p0 s16, s17  }
0x38: {  	s31 =	sadd.s32 $0xFFFFFFFF, s13;
	s18 =	sxor.u32 @!p0 $0xFFFFFFFF, s13;
	s16 =	sadd.s32 @!p0 $0xFFFF3D30, s16  }
0x39: {  	s19 =	simm.s32 @!p0 $0x80;
	s20 =	simm.s32 @!p0 $0x100;
	s17 =	sshll.u32 @!p0 s16, $0x7  }
0x3a: {  	p1 =	sgt.s32 @!p0 s16, $0x7F;
	s16 =	ssub.s32 @!p0 $0x4000, s17;
	s17 =	sshll.u32 @!p0 s18, $0xE  }
0x3b: {  	p1 =	por !p1, p0;
	s18 =	sshll.u32 @!p0 s12, $0x5;
	s16 =	sand.u32 @!p0 $0x3FFFFF80, s16  }
0x3c: {  	s17 =	sand.u32 @!p0 $0x4000, s17;
	s18 =	sadd.s32 @!p0 s18, s7;
	s16 =	simm.s32 @!p1 $0x0  }
0x3d: {  	[tilespmem:s17], [sflag:$0x1] =	stream.strided.gather @!p0 [hbm4b:s18+s19], s16, s20, s19, $0x38;
	[tilespmem:$0x10000] =	vst v63  }
0x3e: {  	p0 =	sge.u32 s31, s6  }
.Ltmp2:
0x3f: {  	_ = 	snop;
	(pc) =	sbr.rel @p0 .LBB1_10-.Ltmp2, $1  }
0x40: {  	_ =	sdelay $0x3  }
0x41: {  	p0 =	sgt.s32 s11, $0xC2D0;
	s16 =	smov.u32 s11;
	s17 =	sshra.s32 s11, $0x1F  }
0x42: {  	s16 =	simm.s32 @!p0 $0xC2D0;
	s17 =	sand.u32 s17, s11  }
0x43: {  	s16 =	ssub.s32 s16, s17  }
0x44: {  	s16 =	sadd.s32 $0xFFFF3D30, s16  }
0x45: {  	s30 =	sshll.u32 s16, $0x7  }
0x46: {  	s17 =	ssub.s32 $0x4000, s30  }
0x47: {  	p0 =	sgt.s32 s16, $0x7F;
	s16 =	sand.u32 $0x3FFFFF80, s17;
	s17 =	sadd.s32 $0x80, s11  }
0x48: {  	s16 =	simm.s32 @p0 $0x0;
	p0 =	slt.s32 s17, $0xC350  }
0x49: {  	s17 =	simm.s32 @!p0 $0xC350  }
0x4a: {  	s20 =	ssub.s32 s17, s11  }
0x4b: {  	p0 =	slt.s32 s20, $0x1  }
.Ltmp3:
0x4c: {  	_ = 	snop;
	(pc) =	sbr.rel @p0 .LBB1_9-.Ltmp3, $4  }
0x4d: {  	_ = 	snop  }
0x4e: {  	s19 =	sshll.u32 s13, $0xE;
	_ =	swait.ge [sflag:s5], s16  }
0x4f: {  	s31 =	sand.u32 $0x4000, s19;
	s18 =	ssub.s32 $0x0, s16;
	[sflag:s5] =	ssyncset.done $0x0  }
0x50: {  	s17 =	sor.u32 $0x8000, s31;
	[sflag:s5] =	ssyncadd.s32 s18  }
0x51: {  	p1 =	sne.s32 s20, $0x1  }
.Ltmp4:
0x52: {  	v0 =	vmov s17;
	(pc) =	sbr.rel @!p1 .LBB1_4-.Ltmp4, $4  }
0x53: {  	_ = 	snop  }
0x54: {  	s18 =	sand.u32 $0x4000, s10  }
0x55: {  	s18 =	sor.u32 $0x40, s18  }
0x56: {  	s19 =	simm.s32 $0x0;
	s21 =	sadd.s32 $0xFFFFFFFF, s20;
	p0 =	por $0x0, $0x0;
	v1 =	vld [tilespmem:s18+$0x30]  }
0x57: {  	v4 =	vld [tilespmem:s18+$0xFFFFFFC0]  }
0x58: {  	v6 =	vld [tilespmem:s18+$0xFFFFFFD0]  }
0x59: {  	v7 =	vld [tilespmem:s18+$0xFFFFFFE0];
	p1 =	sne.s32 s21, $0x1  }
.Ltmp5:
0x5a: {  	v2 =	vld [tilespmem:s18+$0xFFFFFFF0];
	s20 =	sand.u32 $0x3F80, s19;
	(pc) =	sbr.rel @!p1 .LBB1_6-.Ltmp5, $4  }
0x5b: {  	v3 =	vld [tilespmem:s18+$0x0];
	[tilespmem:v0+s20+$0x70 ss:$0x1] =	vst.idx.msk $0xffff, v1  }
0x5c: {  	v5 =	vld [tilespmem:s18+$0x10];
	[tilespmem:v0+s20+$0x0 ss:$0x1] =	vst.idx.msk $0xffff, v4  }
0x5d: {  	v4 =	vld [tilespmem:s18+$0x20];
	[tilespmem:v0+s20+$0x10 ss:$0x1] =	vst.idx.msk $0xffff, v6;
	s18 =	sadd.s32 $0x80, s18  }
0x5e: {  	s22 =	sadd.s32 $0xFFFFFFFF, s21;
	p0 =	por $0x1, $0x1;
	s21 =	simm.s32 $0x0;
	[tilespmem:v0+s20+$0x20 ss:$0x1] =	vst.idx.msk $0xffff, v7;
	v1 =	vld [tilespmem:s18+$0x30]  }
.LBB1_7:
0x5f: {  	p1 =	sne.s32 s22, $0x1;
	v6 =	vld [tilespmem:s18+$0xFFFFFFC0];
	[tilespmem:v0+s20+$0x30 ss:$0x1] =	vst.idx.msk $0xffff, v2  }
0x60: {  	v7 =	vld [tilespmem:s18+$0xFFFFFFD0];
	[tilespmem:v0+s20+$0x40 ss:$0x1] =	vst.idx.msk $0xffff, v3  }
0x61: {  	s21 =	sadd.s32 $0x80, s21;
	v8 =	vld [tilespmem:s18+$0xFFFFFFE0];
	[tilespmem:v0+s20+$0x50 ss:$0x1] =	vst.idx.msk $0xffff, v5  }
.Ltmp6:
0x62: {  	v2 =	vld [tilespmem:s18+$0xFFFFFFF0];
	[tilespmem:v0+s20+$0x60 ss:$0x1] =	vst.idx.msk $0xffff, v4;
	s20 =	sand.u32 $0x3F80, s21;
	(pc) =	sbr.rel @p1 .LBB1_7-.Ltmp6, $4  }
0x63: {  	v3 =	vld [tilespmem:s18+$0x0];
	[tilespmem:v0+s20+$0x70 ss:$0x1] =	vst.idx.msk $0xffff, v1  }
0x64: {  	[tilespmem:v0+s20+$0x0 ss:$0x1] =	vst.idx.msk $0xffff, v6;
	v5 =	vld [tilespmem:s18+$0x10]  }
0x65: {  	[tilespmem:v0+s20+$0x10 ss:$0x1] =	vst.idx.msk $0xffff, v7;
	v4 =	vld [tilespmem:s18+$0x20];
	s18 =	sadd.s32 $0x80, s18  }
0x66: {  	s22 =	sadd.s32 $0xFFFFFFFF, s22;
	v1 =	vld [tilespmem:s18+$0x30];
	[tilespmem:v0+s20+$0x20 ss:$0x1] =	vst.idx.msk $0xffff, v8  }
.Ltmp7:
0x67: {  	_ = 	snop;
	(pc) =	sbr.rel .LBB1_8-.Ltmp7, $1  }
0x68: {  	_ =	sdelay $0x3  }
.LBB1_6:
.Ltmp8:
0x69: {  	(pc) =	sbr.rel .LBB1_8-.Ltmp8, $2  }
0x6a: {  	_ =	sdelay $0x2  }
0x6b: {  	s21 =	simm.s32 $0x0  }
.LBB1_11:
0x6c: {  	_ =	sfence.sel $0x180000  }
0x6d: {  	s2 =	simm.s32 $0x1;
	[bflag:$0x0] =	sbarrier.arrive $0xFFFF  }
0x6e: {  	s31 =	simm.s32 $0x2;
	[sflag:s2] =	ssyncpa.u1 $0x1  }
0x6f: {  	[sflag:s31] =	ssyncpa.u1 $0x1  }
0x70: {  	p0 =	sne.s32 s0, $0x0;
	_ =	strace $0x90000047  }
0x71: {  	s0 =	sadd.s32 @!p0 $0x100000, s1;
	[bflag:$0x2] =	sbarrier.arrive $0xFFFF  }
0x72: {  	[sflag:s0] =	ssyncadd.tile.s32 @!p0 $0x1;
	_ =	shalt  }
.Lfunc_end1:
_tile_overlayer_lowered:
.L_overlay_start_2:
0x73: {  	(tag) =	ssettag $0x2  }
0x74: {  	s0 =	rddreg [dreg:$0x0];
	s2 =	stileid.u32  }
0x75: {  	s1 =	rddreg [dreg:$0x1];
	p0 =	sne.s32 s2, $0x0  }
0x76: {  	s3 =	rddreg [dreg:$0x2];
	[bflag:$0x3] =	sbarrier.arrive $0xFFFF;
	s2 =	simm.s32 @!p0 $0x1C01  }
0x77: {  	[timem:s3], [sflag:s2] =	dma.local @!p0 [hbm:s0], s1  }
0x78: {  	s0 =	simm.s32 @!p0 $0x1  }
0x79: {  	_ =	swait.ge @!p0 [sflag:s0], s1  }
0x7a: {  	s1 =	ssub.s32 @!p0 $0x0, s1;
	[sflag:s0] =	ssyncset.done @!p0 $0x0  }
0x7b: {  	[sflag:s0] =	ssyncadd.s32 @!p0 s1  }
0x7c: {  	[bflag:$0x3] =	sbarrier.arrive $0xFFFF  }
0x7d: {  	_ =	shalt  }

</sc_bundles>
